<compile_context>
chip_gen: v7x
topology: tpu7x:2x2x1
jax: 0.10.2.dev20260603
libtpu: 0.0.44.dev20260713+nightly
codegen_flags: <defaults>
</compile_context>

<pallas_src>
import functools

import jax
import jax.numpy as jnp
from jax import lax
from jax.experimental import pallas as pl
from jax.experimental.pallas import tpu as pltpu
from jax.experimental.pallas import tpu_sc as plsc


def _make_sc_gather_t(batch, d, n):
    info = plsc.get_sparse_core_info()
    nc, ns = info.num_cores, info.num_subcores
    nw = nc * ns
    b_per_w = batch // nw
    groups = b_per_w // 16
    rows = 2 * d
    mesh = plsc.VectorSubcoreMesh(core_axis_name="c", subcore_axis_name="s")

    @functools.partial(
        pl.kernel,
        mesh=mesh,
        out_type=jax.ShapeDtypeStruct((nw, rows, b_per_w), jnp.float32),
        scratch_types=[
            pltpu.VMEM((b_per_w,), jnp.int32),
            pltpu.VMEM((2, n, d), jnp.float32),
            pltpu.VMEM((rows, b_per_w), jnp.float32),
            pltpu.SemaphoreType.DMA,
            pltpu.SemaphoreType.DMA,
            pltpu.SemaphoreType.DMA,
        ],
    )
    def gather_k(gamma_hbm, beta_hbm, idx_hbm, out_hbm,
                 idx_v, gb_v, out_v, sem_i, sem_g, sem_b):
        wid = lax.axis_index("s") * nc + lax.axis_index("c")
        base = wid * b_per_w
        cp_i = pltpu.async_copy(idx_hbm.at[pl.ds(base, b_per_w)], idx_v, sem_i)
        cp_g = pltpu.async_copy(gamma_hbm, gb_v.at[0], sem_g)
        cp_b = pltpu.async_copy(beta_hbm, gb_v.at[1], sem_b)
        cp_i.wait()
        cp_g.wait()
        cp_b.wait()
        masks = []
        for g in range(groups):
            idxg = idx_v[pl.ds(g * 16, 16)]
            if n == 4:
                masks.append((idxg == 0, idxg == 2, idxg < 2))
            else:
                masks.append([idxg == j for j in range(n - 1)])

        def body(db, carry):
            for t in range(2):
                vj = [gb_v[t, j, pl.ds(db * 16, 16)] for j in range(n)]
                for i in range(16):
                    vals = [vj[j][i] for j in range(n)]
                    r = db * 16 + i + t * d
                    for g in range(groups):
                        if n == 4:
                            m0, m2, mlow = masks[g]
                            sel = jnp.where(
                                mlow,
                                jnp.where(m0, vals[0], vals[1]),
                                jnp.where(m2, vals[2], vals[3]),
                            )
                        else:
                            sel = jnp.full((16,), vals[n - 1], jnp.float32)
                            for j in range(n - 2, -1, -1):
                                sel = jnp.where(masks[g][j], vals[j], sel)
                        out_v[r, pl.ds(g * 16, 16)] = sel
            return carry

        lax.fori_loop(0, d // 16, body, 0)
        pltpu.sync_copy(out_v, out_hbm.at[wid])

    return gather_k


def _film_body(gb_ref, f_ref, o_ref, *, d):
    g = gb_ref[0, :d, :]
    b = gb_ref[0, d:, :]
    o_ref[...] = f_ref[...] * g[None] + b[None]


def kernel(feat, alt_idx, gamma, beta):
    batch, seq, d = feat.shape
    n = gamma.shape[0]
    idx = alt_idx.astype(jnp.int32)
    rows = 2 * d
    gbt = _make_sc_gather_t(batch, d, n)(gamma, beta, idx)

    nw, _, bb = gbt.shape
    lblk = seq
    feat_t = feat.transpose(1, 2, 0)
    film = pl.pallas_call(
        functools.partial(_film_body, d=d),
        grid=(batch // bb, seq // lblk),
        in_specs=[
            pl.BlockSpec((1, rows, bb), lambda j, l: (j, 0, 0)),
            pl.BlockSpec((lblk, d, bb), lambda j, l: (l, 0, j)),
        ],
        out_specs=pl.BlockSpec((lblk, d, bb), lambda j, l: (l, 0, j)),
        out_shape=jax.ShapeDtypeStruct((seq, d, batch), jnp.float32),
        compiler_params=pltpu.CompilerParams(
            dimension_semantics=("parallel", "parallel"),
        ),
    )
    out_t = film(gbt, feat_t)
    return out_t.transpose(2, 0, 1)

# --- scband reference (transcript-rebuilt; emitter-appended) ---
"""Pipeline reference for scband-altitude-fi-lm-575525617868 (READ-ONLY COPY).

The authoritative reference and input builder live on the scoring server;
editing this copy changes nothing except your own understanding.
"""

import jax, jax.numpy as jnp
import numpy as np

B, L, D, N = 4096, 200, 64, 4

def setup_inputs(seed: int = 0) -> dict:
    key = jax.random.key(seed)
    k1, k2 = jax.random.split(key)
    feat = jax.random.normal(k1, (B, L, D), dtype=jnp.float32)
    alt_idx = jax.random.randint(k2, (B,), 0, N, dtype=jnp.int64 if jax.config.jax_enable_x64 else jnp.int32)
    gamma = jnp.ones((N, D), dtype=jnp.float32)
    beta = jnp.zeros((N, D), dtype=jnp.float32)
    return {"feat": feat, "alt_idx": alt_idx, "gamma": gamma, "beta": beta}

def reference(feat, alt_idx, gamma, beta):
    g = jnp.take(gamma, alt_idx, axis=0)  # [B, D]
    b = jnp.take(beta, alt_idx, axis=0)   # [B, D]
    return feat * g[:, None, :] + b[:, None, :]

if __name__ == "__main__":
    import jax
    _d = setup_inputs()
    print(jax.jit(kernel)(*tuple(_d.values())))

</pallas_src>

<mosaic_0001>
#map = affine_map<(d0, d1) -> (0, 0)>
#map1 = affine_map<(d0, d1) -> (0)>
#map2 = affine_map<(d0, d1) -> (0, 0, 0)>
module attributes {stable_mosaic.version = 14 : i64} {
  func.func @gather_k(%arg0: i32, %arg1: i32, %arg2: memref<4x64xf32, #tpu.memory_space<hbm>>, %arg3: memref<4x64xf32, #tpu.memory_space<hbm>>, %arg4: memref<4096xi32, #tpu.memory_space<hbm>>, %arg5: memref<32x128x128xf32, #tpu.memory_space<hbm>>, %arg6: memref<128xi32, #tpu.memory_space<vmem>>, %arg7: memref<2x4x64xf32, #tpu.memory_space<vmem>>, %arg8: memref<128x128xf32, #tpu.memory_space<vmem>>, %arg9: memref<!tpu.dma_semaphore, #tpu.memory_space<semaphore_mem>>, %arg10: memref<!tpu.dma_semaphore, #tpu.memory_space<semaphore_mem>>, %arg11: memref<!tpu.dma_semaphore, #tpu.memory_space<semaphore_mem>>) attributes {dimension_semantics = [#tpu.dimension_semantics<core_parallel>, #tpu.dimension_semantics<subcore_parallel>], iteration_bounds = array<i64: 2, 16>, scalar_prefetch = 0 : i64, scratch_operands = 6 : i64, tpu.core_type = #tpu.core_type<sc_vector_subcore>, window_params = [{transform_indices = #map}, {transform_indices = #map}, {transform_indices = #map1}, {transform_indices = #map2}]} {
    %mul3A = arith.constant 2 : i32
    %mul3A_0 = arith.muli %arg1, %mul3A : i32
    %add3A = arith.addi %mul3A_0, %arg0 : i32
    %mul3A_1 = arith.constant 128 : i32
    %mul3A_2 = arith.muli %add3A, %mul3A_1 : i32
    %dma_start3A = tpu.memref_slice %arg4[%mul3A_2] : memref<4096xi32, #tpu.memory_space<hbm>> -> memref<128xi32, #tpu.memory_space<hbm>>
    %dma_start3A_3 = tpu.memref_slice %arg4[%mul3A_2] : memref<4096xi32, #tpu.memory_space<hbm>> -> memref<128xi32, #tpu.memory_space<hbm>>
    tpu.enqueue_dma source(%dma_start3A_3 : memref<128xi32, #tpu.memory_space<hbm>>) target(%arg6 : memref<128xi32, #tpu.memory_space<vmem>>) target_semaphore(%arg9 : memref<!tpu.dma_semaphore, #tpu.memory_space<semaphore_mem>>)
    %dma_start3A_4 = arith.constant 0 : i32
    %dma_start3A_5 = arith.constant 0 : i32
    %dma_start3A_6 = arith.constant 0 : i32
    %dma_start3A_7 = tpu.memref_slice %arg7[%dma_start3A_4, %dma_start3A_5, %dma_start3A_6] : memref<2x4x64xf32, #tpu.memory_space<vmem>> -> memref<1x4x64xf32, #tpu.memory_space<vmem>>
    %dma_start3A_8 = tpu.memref_squeeze %dma_start3A_7 : memref<1x4x64xf32, #tpu.memory_space<vmem>> -> memref<4x64xf32, #tpu.memory_space<vmem>>
    %dma_start3A_9 = arith.constant 0 : i32
    %dma_start3A_10 = arith.constant 0 : i32
    %dma_start3A_11 = tpu.memref_slice %arg7[%dma_start3A_4, %dma_start3A_9, %dma_start3A_10] : memref<2x4x64xf32, #tpu.memory_space<vmem>> -> memref<1x4x64xf32, #tpu.memory_space<vmem>>
    %dma_start3A_12 = tpu.memref_squeeze %dma_start3A_11 : memref<1x4x64xf32, #tpu.memory_space<vmem>> -> memref<4x64xf32, #tpu.memory_space<vmem>>
    tpu.enqueue_dma source(%arg2 : memref<4x64xf32, #tpu.memory_space<hbm>>) target(%dma_start3A_12 : memref<4x64xf32, #tpu.memory_space<vmem>>) target_semaphore(%arg10 : memref<!tpu.dma_semaphore, #tpu.memory_space<semaphore_mem>>)
    %dma_start3A_13 = arith.constant 1 : i32
    %dma_start3A_14 = arith.constant 0 : i32
    %dma_start3A_15 = arith.constant 0 : i32
    %dma_start3A_16 = tpu.memref_slice %arg7[%dma_start3A_13, %dma_start3A_14, %dma_start3A_15] : memref<2x4x64xf32, #tpu.memory_space<vmem>> -> memref<1x4x64xf32, #tpu.memory_space<vmem>>
    %dma_start3A_17 = tpu.memref_squeeze %dma_start3A_16 : memref<1x4x64xf32, #tpu.memory_space<vmem>> -> memref<4x64xf32, #tpu.memory_space<vmem>>
    %dma_start3A_18 = arith.constant 0 : i32
    %dma_start3A_19 = arith.constant 0 : i32
    %dma_start3A_20 = tpu.memref_slice %arg7[%dma_start3A_13, %dma_start3A_18, %dma_start3A_19] : memref<2x4x64xf32, #tpu.memory_space<vmem>> -> memref<1x4x64xf32, #tpu.memory_space<vmem>>
    %dma_start3A_21 = tpu.memref_squeeze %dma_start3A_20 : memref<1x4x64xf32, #tpu.memory_space<vmem>> -> memref<4x64xf32, #tpu.memory_space<vmem>>
    tpu.enqueue_dma source(%arg3 : memref<4x64xf32, #tpu.memory_space<hbm>>) target(%dma_start3A_21 : memref<4x64xf32, #tpu.memory_space<vmem>>) target_semaphore(%arg11 : memref<!tpu.dma_semaphore, #tpu.memory_space<semaphore_mem>>)
    %dma_wait3A = tpu.memref_slice %arg4[%mul3A_2] : memref<4096xi32, #tpu.memory_space<hbm>> -> memref<128xi32, #tpu.memory_space<hbm>>
    %dma_wait3A_22 = tpu.memref_slice %arg4[%mul3A_2] : memref<4096xi32, #tpu.memory_space<hbm>> -> memref<128xi32, #tpu.memory_space<hbm>>
    tpu.wait_dma2 semaphore(%arg9 : memref<!tpu.dma_semaphore, #tpu.memory_space<semaphore_mem>>) src(%dma_wait3A_22 : memref<128xi32, #tpu.memory_space<hbm>>) dst(%arg6 : memref<128xi32, #tpu.memory_space<vmem>>)
    %dma_wait3A_23 = arith.constant 0 : i32
    %dma_wait3A_24 = arith.constant 0 : i32
    %dma_wait3A_25 = arith.constant 0 : i32
    %dma_wait3A_26 = tpu.memref_slice %arg7[%dma_wait3A_23, %dma_wait3A_24, %dma_wait3A_25] : memref<2x4x64xf32, #tpu.memory_space<vmem>> -> memref<1x4x64xf32, #tpu.memory_space<vmem>>
    %dma_wait3A_27 = tpu.memref_squeeze %dma_wait3A_26 : memref<1x4x64xf32, #tpu.memory_space<vmem>> -> memref<4x64xf32, #tpu.memory_space<vmem>>
    %dma_wait3A_28 = arith.constant 0 : i32
    %dma_wait3A_29 = arith.constant 0 : i32
    %dma_wait3A_30 = tpu.memref_slice %arg7[%dma_wait3A_23, %dma_wait3A_28, %dma_wait3A_29] : memref<2x4x64xf32, #tpu.memory_space<vmem>> -> memref<1x4x64xf32, #tpu.memory_space<vmem>>
    %dma_wait3A_31 = tpu.memref_squeeze %dma_wait3A_30 : memref<1x4x64xf32, #tpu.memory_space<vmem>> -> memref<4x64xf32, #tpu.memory_space<vmem>>
    tpu.wait_dma2 semaphore(%arg10 : memref<!tpu.dma_semaphore, #tpu.memory_space<semaphore_mem>>) src(%arg2 : memref<4x64xf32, #tpu.memory_space<hbm>>) dst(%dma_wait3A_31 : memref<4x64xf32, #tpu.memory_space<vmem>>)
    %dma_wait3A_32 = arith.constant 1 : i32
    %dma_wait3A_33 = arith.constant 0 : i32
    %dma_wait3A_34 = arith.constant 0 : i32
    %dma_wait3A_35 = tpu.memref_slice %arg7[%dma_wait3A_32, %dma_wait3A_33, %dma_wait3A_34] : memref<2x4x64xf32, #tpu.memory_space<vmem>> -> memref<1x4x64xf32, #tpu.memory_space<vmem>>
    %dma_wait3A_36 = tpu.memref_squeeze %dma_wait3A_35 : memref<1x4x64xf32, #tpu.memory_space<vmem>> -> memref<4x64xf32, #tpu.memory_space<vmem>>
    %dma_wait3A_37 = arith.constant 0 : i32
    %dma_wait3A_38 = arith.constant 0 : i32
    %dma_wait3A_39 = tpu.memref_slice %arg7[%dma_wait3A_32, %dma_wait3A_37, %dma_wait3A_38] : memref<2x4x64xf32, #tpu.memory_space<vmem>> -> memref<1x4x64xf32, #tpu.memory_space<vmem>>
    %dma_wait3A_40 = tpu.memref_squeeze %dma_wait3A_39 : memref<1x4x64xf32, #tpu.memory_space<vmem>> -> memref<4x64xf32, #tpu.memory_space<vmem>>
    tpu.wait_dma2 semaphore(%arg11 : memref<!tpu.dma_semaphore, #tpu.memory_space<semaphore_mem>>) src(%arg3 : memref<4x64xf32, #tpu.memory_space<hbm>>) dst(%dma_wait3A_40 : memref<4x64xf32, #tpu.memory_space<vmem>>)
    %get3A = arith.constant 0 : index
    %get3A_41 = tpu.vector_load %arg6[%get3A] {strides = array<i32>} : memref<128xi32, #tpu.memory_space<vmem>>, vector<16xi32>,
    %get3A_42 = vector.shape_cast %get3A_41 : vector<16xi32> to vector<16xi32>
    %eq3A = arith.constant 0 : i32
    %eq3A_43 = vector.broadcast %eq3A : i32 to vector<16xi32>
    %eq3A_44 = arith.cmpi eq, %get3A_42, %eq3A_43 : vector<16xi32>
    %eq3A_45 = arith.constant 2 : i32
    %eq3A_46 = vector.broadcast %eq3A_45 : i32 to vector<16xi32>
    %eq3A_47 = arith.cmpi eq, %get3A_42, %eq3A_46 : vector<16xi32>
    %lt3A = arith.constant 2 : i32
    %lt3A_48 = vector.broadcast %lt3A : i32 to vector<16xi32>
    %lt3A_49 = arith.cmpi slt, %get3A_42, %lt3A_48 : vector<16xi32>
    %get3A_50 = arith.constant 16 : index
    %get3A_51 = tpu.vector_load %arg6[%get3A_50] {strides = array<i32>} : memref<128xi32, #tpu.memory_space<vmem>>, vector<16xi32>,
    %get3A_52 = vector.shape_cast %get3A_51 : vector<16xi32> to vector<16xi32>
    %eq3A_53 = arith.constant 0 : i32
    %eq3A_54 = vector.broadcast %eq3A_53 : i32 to vector<16xi32>
    %eq3A_55 = arith.cmpi eq, %get3A_52, %eq3A_54 : vector<16xi32>
    %eq3A_56 = arith.constant 2 : i32
    %eq3A_57 = vector.broadcast %eq3A_56 : i32 to vector<16xi32>
    %eq3A_58 = arith.cmpi eq, %get3A_52, %eq3A_57 : vector<16xi32>
    %lt3A_59 = arith.constant 2 : i32
    %lt3A_60 = vector.broadcast %lt3A_59 : i32 to vector<16xi32>
    %lt3A_61 = arith.cmpi slt, %get3A_52, %lt3A_60 : vector<16xi32>
    %get3A_62 = arith.constant 32 : index
    %get3A_63 = tpu.vector_load %arg6[%get3A_62] {strides = array<i32>} : memref<128xi32, #tpu.memory_space<vmem>>, vector<16xi32>,
    %get3A_64 = vector.shape_cast %get3A_63 : vector<16xi32> to vector<16xi32>
    %eq3A_65 = arith.constant 0 : i32
    %eq3A_66 = vector.broadcast %eq3A_65 : i32 to vector<16xi32>
    %eq3A_67 = arith.cmpi eq, %get3A_64, %eq3A_66 : vector<16xi32>
    %eq3A_68 = arith.constant 2 : i32
    %eq3A_69 = vector.broadcast %eq3A_68 : i32 to vector<16xi32>
    %eq3A_70 = arith.cmpi eq, %get3A_64, %eq3A_69 : vector<16xi32>
    %lt3A_71 = arith.constant 2 : i32
    %lt3A_72 = vector.broadcast %lt3A_71 : i32 to vector<16xi32>
    %lt3A_73 = arith.cmpi slt, %get3A_64, %lt3A_72 : vector<16xi32>
    %get3A_74 = arith.constant 48 : index
    %get3A_75 = tpu.vector_load %arg6[%get3A_74] {strides = array<i32>} : memref<128xi32, #tpu.memory_space<vmem>>, vector<16xi32>,
    %get3A_76 = vector.shape_cast %get3A_75 : vector<16xi32> to vector<16xi32>
    %eq3A_77 = arith.constant 0 : i32
    %eq3A_78 = vector.broadcast %eq3A_77 : i32 to vector<16xi32>
    %eq3A_79 = arith.cmpi eq, %get3A_76, %eq3A_78 : vector<16xi32>
    %eq3A_80 = arith.constant 2 : i32
    %eq3A_81 = vector.broadcast %eq3A_80 : i32 to vector<16xi32>
    %eq3A_82 = arith.cmpi eq, %get3A_76, %eq3A_81 : vector<16xi32>
    %lt3A_83 = arith.constant 2 : i32
    %lt3A_84 = vector.broadcast %lt3A_83 : i32 to vector<16xi32>
    %lt3A_85 = arith.cmpi slt, %get3A_76, %lt3A_84 : vector<16xi32>
    %get3A_86 = arith.constant 64 : index
    %get3A_87 = tpu.vector_load %arg6[%get3A_86] {strides = array<i32>} : memref<128xi32, #tpu.memory_space<vmem>>, vector<16xi32>,
    %get3A_88 = vector.shape_cast %get3A_87 : vector<16xi32> to vector<16xi32>
    %eq3A_89 = arith.constant 0 : i32
    %eq3A_90 = vector.broadcast %eq3A_89 : i32 to vector<16xi32>
    %eq3A_91 = arith.cmpi eq, %get3A_88, %eq3A_90 : vector<16xi32>
    %eq3A_92 = arith.constant 2 : i32
    %eq3A_93 = vector.broadcast %eq3A_92 : i32 to vector<16xi32>
    %eq3A_94 = arith.cmpi eq, %get3A_88, %eq3A_93 : vector<16xi32>
    %lt3A_95 = arith.constant 2 : i32
    %lt3A_96 = vector.broadcast %lt3A_95 : i32 to vector<16xi32>
    %lt3A_97 = arith.cmpi slt, %get3A_88, %lt3A_96 : vector<16xi32>
    %get3A_98 = arith.constant 80 : index
    %get3A_99 = tpu.vector_load %arg6[%get3A_98] {strides = array<i32>} : memref<128xi32, #tpu.memory_space<vmem>>, vector<16xi32>,
    %get3A_100 = vector.shape_cast %get3A_99 : vector<16xi32> to vector<16xi32>
    %eq3A_101 = arith.constant 0 : i32
    %eq3A_102 = vector.broadcast %eq3A_101 : i32 to vector<16xi32>
    %eq3A_103 = arith.cmpi eq, %get3A_100, %eq3A_102 : vector<16xi32>
    %eq3A_104 = arith.constant 2 : i32
    %eq3A_105 = vector.broadcast %eq3A_104 : i32 to vector<16xi32>
    %eq3A_106 = arith.cmpi eq, %get3A_100, %eq3A_105 : vector<16xi32>
    %lt3A_107 = arith.constant 2 : i32
    %lt3A_108 = vector.broadcast %lt3A_107 : i32 to vector<16xi32>
    %lt3A_109 = arith.cmpi slt, %get3A_100, %lt3A_108 : vector<16xi32>
    %get3A_110 = arith.constant 96 : index
    %get3A_111 = tpu.vector_load %arg6[%get3A_110] {strides = array<i32>} : memref<128xi32, #tpu.memory_space<vmem>>, vector<16xi32>,
    %get3A_112 = vector.shape_cast %get3A_111 : vector<16xi32> to vector<16xi32>
    %eq3A_113 = arith.constant 0 : i32
    %eq3A_114 = vector.broadcast %eq3A_113 : i32 to vector<16xi32>
    %eq3A_115 = arith.cmpi eq, %get3A_112, %eq3A_114 : vector<16xi32>
    %eq3A_116 = arith.constant 2 : i32
    %eq3A_117 = vector.broadcast %eq3A_116 : i32 to vector<16xi32>
    %eq3A_118 = arith.cmpi eq, %get3A_112, %eq3A_117 : vector<16xi32>
    %lt3A_119 = arith.constant 2 : i32
    %lt3A_120 = vector.broadcast %lt3A_119 : i32 to vector<16xi32>
    %lt3A_121 = arith.cmpi slt, %get3A_112, %lt3A_120 : vector<16xi32>
    %get3A_122 = arith.constant 112 : index
    %get3A_123 = tpu.vector_load %arg6[%get3A_122] {strides = array<i32>} : memref<128xi32, #tpu.memory_space<vmem>>, vector<16xi32>,
    %get3A_124 = vector.shape_cast %get3A_123 : vector<16xi32> to vector<16xi32>
    %eq3A_125 = arith.constant 0 : i32
    %eq3A_126 = vector.broadcast %eq3A_125 : i32 to vector<16xi32>
    %eq3A_127 = arith.cmpi eq, %get3A_124, %eq3A_126 : vector<16xi32>
    %eq3A_128 = arith.constant 2 : i32
    %eq3A_129 = vector.broadcast %eq3A_128 : i32 to vector<16xi32>
    %eq3A_130 = arith.cmpi eq, %get3A_124, %eq3A_129 : vector<16xi32>
    %lt3A_131 = arith.constant 2 : i32
    %lt3A_132 = vector.broadcast %lt3A_131 : i32 to vector<16xi32>
    %lt3A_133 = arith.cmpi slt, %get3A_124, %lt3A_132 : vector<16xi32>
    %scan3A = arith.constant 0 : i32
    %scan3A_134 = arith.constant 0 : i32
    %scan3A_135 = arith.constant 4 : i32
    %scan3A_136 = arith.addi %scan3A_134, %scan3A_135 : i32
    %scan3A_137 = arith.constant 1 : i32
    scf.for %scan3A_139 = %scan3A_134 to %scan3A_136 step %scan3A_137  : i32 {
      %mul3A_140 = arith.constant 16 : i32
      %mul3A_141 = arith.muli %scan3A_139, %mul3A_140 : i32
      %get3A_142 = arith.constant 0 : i32
      %get3A_143 = arith.constant 0 : i32
      %get3A_144 = arith.index_cast %get3A_142 : i32 to index
      %get3A_145 = arith.index_cast %get3A_143 : i32 to index
      %get3A_146 = arith.index_cast %mul3A_141 : i32 to index
      %get3A_147 = tpu.vector_load %arg7[%get3A_144, %get3A_145, %get3A_146] {strides = array<i32>} : memref<2x4x64xf32, #tpu.memory_space<vmem>>, vector<1x1x16xf32>,
      %get3A_148 = vector.shape_cast %get3A_147 : vector<1x1x16xf32> to vector<16xf32>
      %mul3A_149 = arith.constant 16 : i32
      %mul3A_150 = arith.muli %scan3A_139, %mul3A_149 : i32
      %get3A_151 = arith.constant 0 : i32
      %get3A_152 = arith.constant 1 : i32
      %get3A_153 = arith.index_cast %get3A_151 : i32 to index
      %get3A_154 = arith.index_cast %get3A_152 : i32 to index
      %get3A_155 = arith.index_cast %mul3A_150 : i32 to index
      %get3A_156 = tpu.vector_load %arg7[%get3A_153, %get3A_154, %get3A_155] {strides = array<i32>} : memref<2x4x64xf32, #tpu.memory_space<vmem>>, vector<1x1x16xf32>,
      %get3A_157 = vector.shape_cast %get3A_156 : vector<1x1x16xf32> to vector<16xf32>
      %mul3A_158 = arith.constant 16 : i32
      %mul3A_159 = arith.muli %scan3A_139, %mul3A_158 : i32
      %get3A_160 = arith.constant 0 : i32
      %get3A_161 = arith.constant 2 : i32
      %get3A_162 = arith.index_cast %get3A_160 : i32 to index
      %get3A_163 = arith.index_cast %get3A_161 : i32 to index
      %get3A_164 = arith.index_cast %mul3A_159 : i32 to index
      %get3A_165 = tpu.vector_load %arg7[%get3A_162, %get3A_163, %get3A_164] {strides = array<i32>} : memref<2x4x64xf32, #tpu.memory_space<vmem>>, vector<1x1x16xf32>,
      %get3A_166 = vector.shape_cast %get3A_165 : vector<1x1x16xf32> to vector<16xf32>
      %mul3A_167 = arith.constant 16 : i32
      %mul3A_168 = arith.muli %scan3A_139, %mul3A_167 : i32
      %get3A_169 = arith.constant 0 : i32
      %get3A_170 = arith.constant 3 : i32
      %get3A_171 = arith.index_cast %get3A_169 : i32 to index
      %get3A_172 = arith.index_cast %get3A_170 : i32 to index
      %get3A_173 = arith.index_cast %mul3A_168 : i32 to index
      %get3A_174 = tpu.vector_load %arg7[%get3A_171, %get3A_172, %get3A_173] {strides = array<i32>} : memref<2x4x64xf32, #tpu.memory_space<vmem>>, vector<1x1x16xf32>,
      %get3A_175 = vector.shape_cast %get3A_174 : vector<1x1x16xf32> to vector<16xf32>
      %slice3A = vector.extract_strided_slice %get3A_148 {offsets = [0], sizes = [1], strides = [1]} : vector<16xf32> to vector<1xf32>
      %squeeze3A = vector.extract %slice3A[0] : f32 from vector<1xf32>
      %slice3A_176 = vector.extract_strided_slice %get3A_157 {offsets = [0], sizes = [1], strides = [1]} : vector<16xf32> to vector<1xf32>
      %squeeze3A_177 = vector.extract %slice3A_176[0] : f32 from vector<1xf32>
      %slice3A_178 = vector.extract_strided_slice %get3A_166 {offsets = [0], sizes = [1], strides = [1]} : vector<16xf32> to vector<1xf32>
      %squeeze3A_179 = vector.extract %slice3A_178[0] : f32 from vector<1xf32>
      %slice3A_180 = vector.extract_strided_slice %get3A_175 {offsets = [0], sizes = [1], strides = [1]} : vector<16xf32> to vector<1xf32>
      %squeeze3A_181 = vector.extract %slice3A_180[0] : f32 from vector<1xf32>
      %mul3A_182 = arith.constant 16 : i32
      %mul3A_183 = arith.muli %scan3A_139, %mul3A_182 : i32
      %add3A_184 = arith.constant 0 : i32
      %add3A_185 = arith.addi %mul3A_183, %add3A_184 : i32
      %add3A_186 = arith.constant 0 : i32
      %add3A_187 = arith.addi %add3A_185, %add3A_186 : i32
      %broadcast_in_dim3A = vector.broadcast %squeeze3A : f32 to vector<16xf32>
      %broadcast_in_dim3A_188 = vector.broadcast %squeeze3A_177 : f32 to vector<16xf32>
      %select_n3A = arith.select %eq3A_44, %broadcast_in_dim3A, %broadcast_in_dim3A_188 : vector<16xi1>, vector<16xf32>
      %broadcast_in_dim3A_189 = vector.broadcast %squeeze3A_179 : f32 to vector<16xf32>
      %broadcast_in_dim3A_190 = vector.broadcast %squeeze3A_181 : f32 to vector<16xf32>
      %select_n3A_191 = arith.select %eq3A_47, %broadcast_in_dim3A_189, %broadcast_in_dim3A_190 : vector<16xi1>, vector<16xf32>
      %select_n3A_192 = arith.select %lt3A_49, %select_n3A, %select_n3A_191 : vector<16xi1>, vector<16xf32>
      %swap3A = arith.index_cast %add3A_187 : i32 to index
      %swap3A_193 = arith.constant 0 : index
      %swap3A_194 = tpu.vector_load %arg8[%swap3A, %swap3A_193] {strides = array<i32>} : memref<128x128xf32, #tpu.memory_space<vmem>>, vector<1x16xf32>,
      %swap3A_195 = vector.shape_cast %swap3A_194 : vector<1x16xf32> to vector<16xf32>
      %swap3A_196 = vector.shape_cast %select_n3A_192 : vector<16xf32> to vector<1x16xf32>
      tpu.vector_store %arg8[%swap3A, %swap3A_193], %swap3A_196 {strides = array<i32>} : memref<128x128xf32, #tpu.memory_space<vmem>>, vector<1x16xf32>,
      %broadcast_in_dim3A_197 = vector.broadcast %squeeze3A : f32 to vector<16xf32>
      %broadcast_in_dim3A_198 = vector.broadcast %squeeze3A_177 : f32 to vector<16xf32>
      %select_n3A_199 = arith.select %eq3A_55, %broadcast_in_dim3A_197, %broadcast_in_dim3A_198 : vector<16xi1>, vector<16xf32>
      %broadcast_in_dim3A_200 = vector.broadcast %squeeze3A_179 : f32 to vector<16xf32>
      %broadcast_in_dim3A_201 = vector.broadcast %squeeze3A_181 : f32 to vector<16xf32>
      %select_n3A_202 = arith.select %eq3A_58, %broadcast_in_dim3A_200, %broadcast_in_dim3A_201 : vector<16xi1>, vector<16xf32>
      %select_n3A_203 = arith.select %lt3A_61, %select_n3A_199, %select_n3A_202 : vector<16xi1>, vector<16xf32>
      %swap3A_204 = arith.index_cast %add3A_187 : i32 to index
      %swap3A_205 = arith.constant 16 : index
      %swap3A_206 = tpu.vector_load %arg8[%swap3A_204, %swap3A_205] {strides = array<i32>} : memref<128x128xf32, #tpu.memory_space<vmem>>, vector<1x16xf32>,
      %swap3A_207 = vector.shape_cast %swap3A_206 : vector<1x16xf32> to vector<16xf32>
      %swap3A_208 = vector.shape_cast %select_n3A_203 : vector<16xf32> to vector<1x16xf32>
      tpu.vector_store %arg8[%swap3A_204, %swap3A_205], %swap3A_208 {strides = array<i32>} : memref<128x128xf32, #tpu.memory_space<vmem>>, vector<1x16xf32>,
      %broadcast_in_dim3A_209 = vector.broadcast %squeeze3A : f32 to vector<16xf32>
      %broadcast_in_dim3A_210 = vector.broadcast %squeeze3A_177 : f32 to vector<16xf32>
      %select_n3A_211 = arith.select %eq3A_67, %broadcast_in_dim3A_209, %broadcast_in_dim3A_210 : vector<16xi1>, vector<16xf32>
      %broadcast_in_dim3A_212 = vector.broadcast %squeeze3A_179 : f32 to vector<16xf32>
      %broadcast_in_dim3A_213 = vector.broadcast %squeeze3A_181 : f32 to vector<16xf32>
      %select_n3A_214 = arith.select %eq3A_70, %broadcast_in_dim3A_212, %broadcast_in_dim3A_213 : vector<16xi1>, vector<16xf32>
      %select_n3A_215 = arith.select %lt3A_73, %select_n3A_211, %select_n3A_214 : vector<16xi1>, vector<16xf32>
      %swap3A_216 = arith.index_cast %add3A_187 : i32 to index
      %swap3A_217 = arith.constant 32 : index
      %swap3A_218 = tpu.vector_load %arg8[%swap3A_216, %swap3A_217] {strides = array<i32>} : memref<128x128xf32, #tpu.memory_space<vmem>>, vector<1x16xf32>,
      %swap3A_219 = vector.shape_cast %swap3A_218 : vector<1x16xf32> to vector<16xf32>
      %swap3A_220 = vector.shape_cast %select_n3A_215 : vector<16xf32> to vector<1x16xf32>
      tpu.vector_store %arg8[%swap3A_216, %swap3A_217], %swap3A_220 {strides = array<i32>} : memref<128x128xf32, #tpu.memory_space<vmem>>, vector<1x16xf32>,
      %broadcast_in_dim3A_221 = vector.broadcast %squeeze3A : f32 to vector<16xf32>
      %broadcast_in_dim3A_222 = vector.broadcast %squeeze3A_177 : f32 to vector<16xf32>
      %select_n3A_223 = arith.select %eq3A_79, %broadcast_in_dim3A_221, %broadcast_in_dim3A_222 : vector<16xi1>, vector<16xf32>
      %broadcast_in_dim3A_224 = vector.broadcast %squeeze3A_179 : f32 to vector<16xf32>
      %broadcast_in_dim3A_225 = vector.broadcast %squeeze3A_181 : f32 to vector<16xf32>
      %select_n3A_226 = arith.select %eq3A_82, %broadcast_in_dim3A_224, %broadcast_in_dim3A_225 : vector<16xi1>, vector<16xf32>
      %select_n3A_227 = arith.select %lt3A_85, %select_n3A_223, %select_n3A_226 : vector<16xi1>, vector<16xf32>
      %swap3A_228 = arith.index_cast %add3A_187 : i32 to index
      %swap3A_229 = arith.constant 48 : index
      %swap3A_230 = tpu.vector_load %arg8[%swap3A_228, %swap3A_229] {strides = array<i32>} : memref<128x128xf32, #tpu.memory_space<vmem>>, vector<1x16xf32>,
      %swap3A_231 = vector.shape_cast %swap3A_230 : vector<1x16xf32> to vector<16xf32>
      %swap3A_232 = vector.shape_cast %select_n3A_227 : vector<16xf32> to vector<1x16xf32>
      tpu.vector_store %arg8[%swap3A_228, %swap3A_229], %swap3A_232 {strides = array<i32>} : memref<128x128xf32, #tpu.memory_space<vmem>>, vector<1x16xf32>,
      %broadcast_in_dim3A_233 = vector.broadcast %squeeze3A : f32 to vector<16xf32>
      %broadcast_in_dim3A_234 = vector.broadcast %squeeze3A_177 : f32 to vector<16xf32>
      %select_n3A_235 = arith.select %eq3A_91, %broadcast_in_dim3A_233, %broadcast_in_dim3A_234 : vector<16xi1>, vector<16xf32>
      %broadcast_in_dim3A_236 = vector.broadcast %squeeze3A_179 : f32 to vector<16xf32>
      %broadcast_in_dim3A_237 = vector.broadcast %squeeze3A_181 : f32 to vector<16xf32>
      %select_n3A_238 = arith.select %eq3A_94, %broadcast_in_dim3A_236, %broadcast_in_dim3A_237 : vector<16xi1>, vector<16xf32>
      %select_n3A_239 = arith.select %lt3A_97, %select_n3A_235, %select_n3A_238 : vector<16xi1>, vector<16xf32>
      %swap3A_240 = arith.index_cast %add3A_187 : i32 to index
      %swap3A_241 = arith.constant 64 : index
      %swap3A_242 = tpu.vector_load %arg8[%swap3A_240, %swap3A_241] {strides = array<i32>} : memref<128x128xf32, #tpu.memory_space<vmem>>, vector<1x16xf32>,
      %swap3A_243 = vector.shape_cast %swap3A_242 : vector<1x16xf32> to vector<16xf32>
      %swap3A_244 = vector.shape_cast %select_n3A_239 : vector<16xf32> to vector<1x16xf32>
      tpu.vector_store %arg8[%swap3A_240, %swap3A_241], %swap3A_244 {strides = array<i32>} : memref<128x128xf32, #tpu.memory_space<vmem>>, vector<1x16xf32>,
      %broadcast_in_dim3A_245 = vector.broadcast %squeeze3A : f32 to vector<16xf32>
      %broadcast_in_dim3A_246 = vector.broadcast %squeeze3A_177 : f32 to vector<16xf32>
      %select_n3A_247 = arith.select %eq3A_103, %broadcast_in_dim3A_245, %broadcast_in_dim3A_246 : vector<16xi1>, vector<16xf32>
      %broadcast_in_dim3A_248 = vector.broadcast %squeeze3A_179 : f32 to vector<16xf32>
      %broadcast_in_dim3A_249 = vector.broadcast %squeeze3A_181 : f32 to vector<16xf32>
      %select_n3A_250 = arith.select %eq3A_106, %broadcast_in_dim3A_248, %broadcast_in_dim3A_249 : vector<16xi1>, vector<16xf32>
      %select_n3A_251 = arith.select %lt3A_109, %select_n3A_247, %select_n3A_250 : vector<16xi1>, vector<16xf32>
      %swap3A_252 = arith.index_cast %add3A_187 : i32 to index
      %swap3A_253 = arith.constant 80 : index
      %swap3A_254 = tpu.vector_load %arg8[%swap3A_252, %swap3A_253] {strides = array<i32>} : memref<128x128xf32, #tpu.memory_space<vmem>>, vector<1x16xf32>,
      %swap3A_255 = vector.shape_cast %swap3A_254 : vector<1x16xf32> to vector<16xf32>
      %swap3A_256 = vector.shape_cast %select_n3A_251 : vector<16xf32> to vector<1x16xf32>
      tpu.vector_store %arg8[%swap3A_252, %swap3A_253], %swap3A_256 {strides = array<i32>} : memref<128x128xf32, #tpu.memory_space<vmem>>, vector<1x16xf32>,
      %broadcast_in_dim3A_257 = vector.broadcast %squeeze3A : f32 to vector<16xf32>
      %broadcast_in_dim3A_258 = vector.broadcast %squeeze3A_177 : f32 to vector<16xf32>
      %select_n3A_259 = arith.select %eq3A_115, %broadcast_in_dim3A_257, %broadcast_in_dim3A_258 : vector<16xi1>, vector<16xf32>
      %broadcast_in_dim3A_260 = vector.broadcast %squeeze3A_179 : f32 to vector<16xf32>
      %broadcast_in_dim3A_261 = vector.broadcast %squeeze3A_181 : f32 to vector<16xf32>
      %select_n3A_262 = arith.select %eq3A_118, %broadcast_in_dim3A_260, %broadcast_in_dim3A_261 : vector<16xi1>, vector<16xf32>
      %select_n3A_263 = arith.select %lt3A_121, %select_n3A_259, %select_n3A_262 : vector<16xi1>, vector<16xf32>
      %swap3A_264 = arith.index_cast %add3A_187 : i32 to index
      %swap3A_265 = arith.constant 96 : index
      %swap3A_266 = tpu.vector_load %arg8[%swap3A_264, %swap3A_265] {strides = array<i32>} : memref<128x128xf32, #tpu.memory_space<vmem>>, vector<1x16xf32>,
      %swap3A_267 = vector.shape_cast %swap3A_266 : vector<1x16xf32> to vector<16xf32>
      %swap3A_268 = vector.shape_cast %select_n3A_263 : vector<16xf32> to vector<1x16xf32>
      tpu.vector_store %arg8[%swap3A_264, %swap3A_265], %swap3A_268 {strides = array<i32>} : memref<128x128xf32, #tpu.memory_space<vmem>>, vector<1x16xf32>,
      %broadcast_in_dim3A_269 = vector.broadcast %squeeze3A : f32 to vector<16xf32>
      %broadcast_in_dim3A_270 = vector.broadcast %squeeze3A_177 : f32 to vector<16xf32>
      %select_n3A_271 = arith.select %eq3A_127, %broadcast_in_dim3A_269, %broadcast_in_dim3A_270 : vector<16xi1>, vector<16xf32>
      %broadcast_in_dim3A_272 = vector.broadcast %squeeze3A_179 : f32 to vector<16xf32>
      %broadcast_in_dim3A_273 = vector.broadcast %squeeze3A_181 : f32 to vector<16xf32>
      %select_n3A_274 = arith.select %eq3A_130, %broadcast_in_dim3A_272, %broadcast_in_dim3A_273 : vector<16xi1>, vector<16xf32>
      %select_n3A_275 = arith.select %lt3A_133, %select_n3A_271, %select_n3A_274 : vector<16xi1>, vector<16xf32>
      %swap3A_276 = arith.index_cast %add3A_187 : i32 to index
      %swap3A_277 = arith.constant 112 : index
      %swap3A_278 = tpu.vector_load %arg8[%swap3A_276, %swap3A_277] {strides = array<i32>} : memref<128x128xf32, #tpu.memory_space<vmem>>, vector<1x16xf32>,
      %swap3A_279 = vector.shape_cast %swap3A_278 : vector<1x16xf32> to vector<16xf32>
      %swap3A_280 = vector.shape_cast %select_n3A_275 : vector<16xf32> to vector<1x16xf32>
      tpu.vector_store %arg8[%swap3A_276, %swap3A_277], %swap3A_280 {strides = array<i32>} : memref<128x128xf32, #tpu.memory_space<vmem>>, vector<1x16xf32>,
      %slice3A_281 = vector.extract_strided_slice %get3A_148 {offsets = [1], sizes = [1], strides = [1]} : vector<16xf32> to vector<1xf32>
      %squeeze3A_282 = vector.extract %slice3A_281[0] : f32 from vector<1xf32>
      %slice3A_283 = vector.extract_strided_slice %get3A_157 {offsets = [1], sizes = [1], strides = [1]} : vector<16xf32> to vector<1xf32>
      %squeeze3A_284 = vector.extract %slice3A_283[0] : f32 from vector<1xf32>
      %slice3A_285 = vector.extract_strided_slice %get3A_166 {offsets = [1], sizes = [1], strides = [1]} : vector<16xf32> to vector<1xf32>
      %squeeze3A_286 = vector.extract %slice3A_285[0] : f32 from vector<1xf32>
      %slice3A_287 = vector.extract_strided_slice %get3A_175 {offsets = [1], sizes = [1], strides = [1]} : vector<16xf32> to vector<1xf32>
      %squeeze3A_288 = vector.extract %slice3A_287[0] : f32 from vector<1xf32>
      %mul3A_289 = arith.constant 16 : i32
      %mul3A_290 = arith.muli %scan3A_139, %mul3A_289 : i32
      %add3A_291 = arith.constant 1 : i32
      %add3A_292 = arith.addi %mul3A_290, %add3A_291 : i32
      %add3A_293 = arith.constant 0 : i32
      %add3A_294 = arith.addi %add3A_292, %add3A_293 : i32
      %broadcast_in_dim3A_295 = vector.broadcast %squeeze3A_282 : f32 to vector<16xf32>
      %broadcast_in_dim3A_296 = vector.broadcast %squeeze3A_284 : f32 to vector<16xf32>
      %select_n3A_297 = arith.select %eq3A_44, %broadcast_in_dim3A_295, %broadcast_in_dim3A_296 : vector<16xi1>, vector<16xf32>
      %broadcast_in_dim3A_298 = vector.broadcast %squeeze3A_286 : f32 to vector<16xf32>
      %broadcast_in_dim3A_299 = vector.broadcast %squeeze3A_288 : f32 to vector<16xf32>
      %select_n3A_300 = arith.select %eq3A_47, %broadcast_in_dim3A_298, %broadcast_in_dim3A_299 : vector<16xi1>, vector<16xf32>
      %select_n3A_301 = arith.select %lt3A_49, %select_n3A_297, %select_n3A_300 : vector<16xi1>, vector<16xf32>
      %swap3A_302 = arith.index_cast %add3A_294 : i32 to index
      %swap3A_303 = arith.constant 0 : index
      %swap3A_304 = tpu.vector_load %arg8[%swap3A_302, %swap3A_303] {strides = array<i32>} : memref<128x128xf32, #tpu.memory_space<vmem>>, vector<1x16xf32>,
      %swap3A_305 = vector.shape_cast %swap3A_304 : vector<1x16xf32> to vector<16xf32>
      %swap3A_306 = vector.shape_cast %select_n3A_301 : vector<16xf32> to vector<1x16xf32>
      tpu.vector_store %arg8[%swap3A_302, %swap3A_303], %swap3A_306 {strides = array<i32>} : memref<128x128xf32, #tpu.memory_space<vmem>>, vector<1x16xf32>,
      %broadcast_in_dim3A_307 = vector.broadcast %squeeze3A_282 : f32 to vector<16xf32>
      %broadcast_in_dim3A_308 = vector.broadcast %squeeze3A_284 : f32 to vector<16xf32>
      %select_n3A_309 = arith.select %eq3A_55, %broadcast_in_dim3A_307, %broadcast_in_dim3A_308 : vector<16xi1>, vector<16xf32>
      %broadcast_in_dim3A_310 = vector.broadcast %squeeze3A_286 : f32 to vector<16xf32>
      %broadcast_in_dim3A_311 = vector.broadcast %squeeze3A_288 : f32 to vector<16xf32>
      %select_n3A_312 = arith.select %eq3A_58, %broadcast_in_dim3A_310, %broadcast_in_dim3A_311 : vector<16xi1>, vector<16xf32>
      %select_n3A_313 = arith.select %lt3A_61, %select_n3A_309, %select_n3A_312 : vector<16xi1>, vector<16xf32>
      %swap3A_314 = arith.index_cast %add3A_294 : i32 to index
      %swap3A_315 = arith.constant 16 : index
      %swap3A_316 = tpu.vector_load %arg8[%swap3A_314, %swap3A_315] {strides = array<i32>} : memref<128x128xf32, #tpu.memory_space<vmem>>, vector<1x16xf32>,
      %swap3A_317 = vector.shape_cast %swap3A_316 : vector<1x16xf32> to vector<16xf32>
      %swap3A_318 = vector.shape_cast %select_n3A_313 : vector<16xf32> to vector<1x16xf32>
      tpu.vector_store %arg8[%swap3A_314, %swap3A_315], %swap3A_318 {strides = array<i32>} : memref<128x128xf32, #tpu.memory_space<vmem>>, vector<1x16xf32>,
      %broadcast_in_dim3A_319 = vector.broadcast %squeeze3A_282 : f32 to vector<16xf32>
      %broadcast_in_dim3A_320 = vector.broadcast %squeeze3A_284 : f32 to vector<16xf32>
      %select_n3A_321 = arith.select %eq3A_67, %broadcast_in_dim3A_319, %broadcast_in_dim3A_320 : vector<16xi1>, vector<16xf32>
      %broadcast_in_dim3A_322 = vector.broadcast %squeeze3A_286 : f32 to vector<16xf32>
      %broadcast_in_dim3A_323 = vector.broadcast %squeeze3A_288 : f32 to vector<16xf32>
      %select_n3A_324 = arith.select %eq3A_70, %broadcast_in_dim3A_322, %broadcast_in_dim3A_323 : vector<16xi1>, vector<16xf32>
      %select_n3A_325 = arith.select %lt3A_73, %select_n3A_321, %select_n3A_324 : vector<16xi1>, vector<16xf32>
      %swap3A_326 = arith.index_cast %add3A_294 : i32 to index
      %swap3A_327 = arith.constant 32 : index
      %swap3A_328 = tpu.vector_load %arg8[%swap3A_326, %swap3A_327] {strides = array<i32>} : memref<128x128xf32, #tpu.memory_space<vmem>>, vector<1x16xf32>,
      %swap3A_329 = vector.shape_cast %swap3A_328 : vector<1x16xf32> to vector<16xf32>
      %swap3A_330 = vector.shape_cast %select_n3A_325 : vector<16xf32> to vector<1x16xf32>
      tpu.vector_store %arg8[%swap3A_326, %swap3A_327], %swap3A_330 {strides = array<i32>} : memref<128x128xf32, #tpu.memory_space<vmem>>, vector<1x16xf32>,
      %broadcast_in_dim3A_331 = vector.broadcast %squeeze3A_282 : f32 to vector<16xf32>
      %broadcast_in_dim3A_332 = vector.broadcast %squeeze3A_284 : f32 to vector<16xf32>
      %select_n3A_333 = arith.select %eq3A_79, %broadcast_in_dim3A_331, %broadcast_in_dim3A_332 : vector<16xi1>, vector<16xf32>
      %broadcast_in_dim3A_334 = vector.broadcast %squeeze3A_286 : f32 to vector<16xf32>
      %broadcast_in_dim3A_335 = vector.broadcast %squeeze3A_288 : f32 to vector<16xf32>
      %select_n3A_336 = arith.select %eq3A_82, %broadcast_in_dim3A_334, %broadcast_in_dim3A_335 : vector<16xi1>, vector<16xf32>
      %select_n3A_337 = arith.select %lt3A_85, %select_n3A_333, %select_n3A_336 : vector<16xi1>, vector<16xf32>
      %swap3A_338 = arith.index_cast %add3A_294 : i32 to index
      %swap3A_339 = arith.constant 48 : index
      %swap3A_340 = tpu.vector_load %arg8[%swap3A_338, %swap3A_339] {strides = array<i32>} : memref<128x128xf32, #tpu.memory_space<vmem>>, vector<1x16xf32>,
      %swap3A_341 = vector.shape_cast %swap3A_340 : vector<1x16xf32> to vector<16xf32>
      %swap3A_342 = vector.shape_cast %select_n3A_337 : vector<16xf32> to vector<1x16xf32>
      tpu.vector_store %arg8[%swap3A_338, %swap3A_339], %swap3A_342 {strides = array<i32>} : memref<128x128xf32, #tpu.memory_space<vmem>>, vector<1x16xf32>,
      %broadcast_in_dim3A_343 = vector.broadcast %squeeze3A_282 : f32 to vector<16xf32>
      %broadcast_in_dim3A_344 = vector.broadcast %squeeze3A_284 : f32 to vector<16xf32>
      %select_n3A_345 = arith.select %eq3A_91, %broadcast_in_dim3A_343, %broadcast_in_dim3A_344 : vector<16xi1>, vector<16xf32>
      %broadcast_in_dim3A_346 = vector.broadcast %squeeze3A_286 : f32 to vector<16xf32>
      %broadcast_in_dim3A_347 = vector.broadcast %squeeze3A_288 : f32 to vector<16xf32>
      %select_n3A_348 = arith.select %eq3A_94, %broadcast_in_dim3A_346, %broadcast_in_dim3A_347 : vector<16xi1>, vector<16xf32>
      %select_n3A_349 = arith.select %lt3A_97, %select_n3A_345, %select_n3A_348 : vector<16xi1>, vector<16xf32>
      %swap3A_350 = arith.index_cast %add3A_294 : i32 to index
      %swap3A_351 = arith.constant 64 : index
      %swap3A_352 = tpu.vector_load %arg8[%swap3A_350, %swap3A_351] {strides = array<i32>} : memref<128x128xf32, #tpu.memory_space<vmem>>, vector<1x16xf32>,
      %swap3A_353 = vector.shape_cast %swap3A_352 : vector<1x16xf32> to vector<16xf32>
      %swap3A_354 = vector.shape_cast %select_n3A_349 : vector<16xf32> to vector<1x16xf32>
      tpu.vector_store %arg8[%swap3A_350, %swap3A_351], %swap3A_354 {strides = array<i32>} : memref<128x128xf32, #tpu.memory_space<vmem>>, vector<1x16xf32>,
      %broadcast_in_dim3A_355 = vector.broadcast %squeeze3A_282 : f32 to vector<16xf32>
      %broadcast_in_dim3A_356 = vector.broadcast %squeeze3A_284 : f32 to vector<16xf32>
      %select_n3A_357 = arith.select %eq3A_103, %broadcast_in_dim3A_355, %broadcast_in_dim3A_356 : vector<16xi1>, vector<16xf32>
      %broadcast_in_dim3A_358 = vector.broadcast %squeeze3A_286 : f32 to vector<16xf32>
      %broadcast_in_dim3A_359 = vector.broadcast %squeeze3A_288 : f32 to vector<16xf32>
      %select_n3A_360 = arith.select %eq3A_106, %broadcast_in_dim3A_358, %broadcast_in_dim3A_359 : vector<16xi1>, vector<16xf32>
      %select_n3A_361 = arith.select %lt3A_109, %select_n3A_357, %select_n3A_360 : vector<16xi1>, vector<16xf32>
      %swap3A_362 = arith.index_cast %add3A_294 : i32 to index
      %swap3A_363 = arith.constant 80 : index
      %swap3A_364 = tpu.vector_load %arg8[%swap3A_362, %swap3A_363] {strides = array<i32>} : memref<128x128xf32, #tpu.memory_space<vmem>>, vector<1x16xf32>,
      %swap3A_365 = vector.shape_cast %swap3A_364 : vector<1x16xf32> to vector<16xf32>
      %swap3A_366 = vector.shape_cast %select_n3A_361 : vector<16xf32> to vector<1x16xf32>
      tpu.vector_store %arg8[%swap3A_362, %swap3A_363], %swap3A_366 {strides = array<i32>} : memref<128x128xf32, #tpu.memory_space<vmem>>, vector<1x16xf32>,
      %broadcast_in_dim3A_367 = vector.broadcast %squeeze3A_282 : f32 to vector<16xf32>
      %broadcast_in_dim3A_368 = vector.broadcast %squeeze3A_284 : f32 to vector<16xf32>
      %select_n3A_369 = arith.select %eq3A_115, %broadcast_in_dim3A_367, %broadcast_in_dim3A_368 : vector<16xi1>, vector<16xf32>
      %broadcast_in_dim3A_370 = vector.broadcast %squeeze3A_286 : f32 to vector<16xf32>
      %broadcast_in_dim3A_371 = vector.broadcast %squeeze3A_288 : f32 to vector<16xf32>
      %select_n3A_372 = arith.select %eq3A_118, %broadcast_in_dim3A_370, %broadcast_in_dim3A_371 : vector<16xi1>, vector<16xf32>
      %select_n3A_373 = arith.select %lt3A_121, %select_n3A_369, %select_n3A_372 : vector<16xi1>, vector<16xf32>
      %swap3A_374 = arith.index_cast %add3A_294 : i32 to index
      %swap3A_375 = arith.constant 96 : index
      %swap3A_376 = tpu.vector_load %arg8[%swap3A_374, %swap3A_375] {strides = array<i32>} : memref<128x128xf32, #tpu.memory_space<vmem>>, vector<1x16xf32>,
      %swap3A_377 = vector.shape_cast %swap3A_376 : vector<1x16xf32> to vector<16xf32>
      %swap3A_378 = vector.shape_cast %select_n3A_373 : vector<16xf32> to vector<1x16xf32>
      tpu.vector_store %arg8[%swap3A_374, %swap3A_375], %swap3A_378 {strides = array<i32>} : memref<128x128xf32, #tpu.memory_space<vmem>>, vector<1x16xf32>,
      %broadcast_in_dim3A_379 = vector.broadcast %squeeze3A_282 : f32 to vector<16xf32>
      %broadcast_in_dim3A_380 = vector.broadcast %squeeze3A_284 : f32 to vector<16xf32>
      %select_n3A_381 = arith.select %eq3A_127, %broadcast_in_dim3A_379, %broadcast_in_dim3A_380 : vector<16xi1>, vector<16xf32>
      %broadcast_in_dim3A_382 = vector.broadcast %squeeze3A_286 : f32 to vector<16xf32>
      %broadcast_in_dim3A_383 = vector.broadcast %squeeze3A_288 : f32 to vector<16xf32>
      %select_n3A_384 = arith.select %eq3A_130, %broadcast_in_dim3A_382, %broadcast_in_dim3A_383 : vector<16xi1>, vector<16xf32>
      %select_n3A_385 = arith.select %lt3A_133, %select_n3A_381, %select_n3A_384 : vector<16xi1>, vector<16xf32>
      %swap3A_386 = arith.index_cast %add3A_294 : i32 to index
      %swap3A_387 = arith.constant 112 : index
      %swap3A_388 = tpu.vector_load %arg8[%swap3A_386, %swap3A_387] {strides = array<i32>} : memref<128x128xf32, #tpu.memory_space<vmem>>, vector<1x16xf32>,
      %swap3A_389 = vector.shape_cast %swap3A_388 : vector<1x16xf32> to vector<16xf32>
      %swap3A_390 = vector.shape_cast %select_n3A_385 : vector<16xf32> to vector<1x16xf32>
      tpu.vector_store %arg8[%swap3A_386, %swap3A_387], %swap3A_390 {strides = array<i32>} : memref<128x128xf32, #tpu.memory_space<vmem>>, vector<1x16xf32>,
      %slice3A_391 = vector.extract_strided_slice %get3A_148 {offsets = [2], sizes = [1], strides = [1]} : vector<16xf32> to vector<1xf32>
      %squeeze3A_392 = vector.extract %slice3A_391[0] : f32 from vector<1xf32>
      %slice3A_393 = vector.extract_strided_slice %get3A_157 {offsets = [2], sizes = [1], strides = [1]} : vector<16xf32> to vector<1xf32>
      %squeeze3A_394 = vector.extract %slice3A_393[0] : f32 from vector<1xf32>
      %slice3A_395 = vector.extract_strided_slice %get3A_166 {offsets = [2], sizes = [1], strides = [1]} : vector<16xf32> to vector<1xf32>
      %squeeze3A_396 = vector.extract %slice3A_395[0] : f32 from vector<1xf32>
      %slice3A_397 = vector.extract_strided_slice %get3A_175 {offsets = [2], sizes = [1], strides = [1]} : vector<16xf32> to vector<1xf32>
      %squeeze3A_398 = vector.extract %slice3A_397[0] : f32 from vector<1xf32>
      %mul3A_399 = arith.constant 16 : i32
      %mul3A_400 = arith.muli %scan3A_139, %mul3A_399 : i32
      %add3A_401 = arith.constant 2 : i32
      %add3A_402 = arith.addi %mul3A_400, %add3A_401 : i32
      %add3A_403 = arith.constant 0 : i32
      %add3A_404 = arith.addi %add3A_402, %add3A_403 : i32
      %broadcast_in_dim3A_405 = vector.broadcast %squeeze3A_392 : f32 to vector<16xf32>
      %broadcast_in_dim3A_406 = vector.broadcast %squeeze3A_394 : f32 to vector<16xf32>
      %select_n3A_407 = arith.select %eq3A_44, %broadcast_in_dim3A_405, %broadcast_in_dim3A_406 : vector<16xi1>, vector<16xf32>
      %broadcast_in_dim3A_408 = vector.broadcast %squeeze3A_396 : f32 to vector<16xf32>
      %broadcast_in_dim3A_409 = vector.broadcast %squeeze3A_398 : f32 to vector<16xf32>
      %select_n3A_410 = arith.select %eq3A_47, %broadcast_in_dim3A_408, %broadcast_in_dim3A_409 : vector<16xi1>, vector<16xf32>
      %select_n3A_411 = arith.select %lt3A_49, %select_n3A_407, %select_n3A_410 : vector<16xi1>, vector<16xf32>
      %swap3A_412 = arith.index_cast %add3A_404 : i32 to index
      %swap3A_413 = arith.constant 0 : index
      %swap3A_414 = tpu.vector_load %arg8[%swap3A_412, %swap3A_413] {strides = array<i32>} : memref<128x128xf32, #tpu.memory_space<vmem>>, vector<1x16xf32>,
      %swap3A_415 = vector.shape_cast %swap3A_414 : vector<1x16xf32> to vector<16xf32>
      %swap3A_416 = vector.shape_cast %select_n3A_411 : vector<16xf32> to vector<1x16xf32>
      tpu.vector_store %arg8[%swap3A_412, %swap3A_413], %swap3A_416 {strides = array<i32>} : memref<128x128xf32, #tpu.memory_space<vmem>>, vector<1x16xf32>,
      %broadcast_in_dim3A_417 = vector.broadcast %squeeze3A_392 : f32 to vector<16xf32>
      %broadcast_in_dim3A_418 = vector.broadcast %squeeze3A_394 : f32 to vector<16xf32>
      %select_n3A_419 = arith.select %eq3A_55, %broadcast_in_dim3A_417, %broadcast_in_dim3A_418 : vector<16xi1>, vector<16xf32>
      %broadcast_in_dim3A_420 = vector.broadcast %squeeze3A_396 : f32 to vector<16xf32>
      %broadcast_in_dim3A_421 = vector.broadcast %squeeze3A_398 : f32 to vector<16xf32>
      %select_n3A_422 = arith.select %eq3A_58, %broadcast_in_dim3A_420, %broadcast_in_dim3A_421 : vector<16xi1>, vector<16xf32>
      %select_n3A_423 = arith.select %lt3A_61, %select_n3A_419, %select_n3A_422 : vector<16xi1>, vector<16xf32>
      %swap3A_424 = arith.index_cast %add3A_404 : i32 to index
      %swap3A_425 = arith.constant 16 : index
      %swap3A_426 = tpu.vector_load %arg8[%swap3A_424, %swap3A_425] {strides = array<i32>} : memref<128x128xf32, #tpu.memory_space<vmem>>, vector<1x16xf32>,
      %swap3A_427 = vector.shape_cast %swap3A_426 : vector<1x16xf32> to vector<16xf32>
      %swap3A_428 = vector.shape_cast %select_n3A_423 : vector<16xf32> to vector<1x16xf32>
      tpu.vector_store %arg8[%swap3A_424, %swap3A_425], %swap3A_428 {strides = array<i32>} : memref<128x128xf32, #tpu.memory_space<vmem>>, vector<1x16xf32>,
      %broadcast_in_dim3A_429 = vector.broadcast %squeeze3A_392 : f32 to vector<16xf32>
      %broadcast_in_dim3A_430 = vector.broadcast %squeeze3A_394 : f32 to vector<16xf32>
      %select_n3A_431 = arith.select %eq3A_67, %broadcast_in_dim3A_429, %broadcast_in_dim3A_430 : vector<16xi1>, vector<16xf32>
      %broadcast_in_dim3A_432 = vector.broadcast %squeeze3A_396 : f32 to vector<16xf32>
      %broadcast_in_dim3A_433 = vector.broadcast %squeeze3A_398 : f32 to vector<16xf32>
      %select_n3A_434 = arith.select %eq3A_70, %broadcast_in_dim3A_432, %broadcast_in_dim3A_433 : vector<16xi1>, vector<16xf32>
      %select_n3A_435 = arith.select %lt3A_73, %select_n3A_431, %select_n3A_434 : vector<16xi1>, vector<16xf32>
      %swap3A_436 = arith.index_cast %add3A_404 : i32 to index
      %swap3A_437 = arith.constant 32 : index
      %swap3A_438 = tpu.vector_load %arg8[%swap3A_436, %swap3A_437] {strides = array<i32>} : memref<128x128xf32, #tpu.memory_space<vmem>>, vector<1x16xf32>,
      %swap3A_439 = vector.shape_cast %swap3A_438 : vector<1x16xf32> to vector<16xf32>
      %swap3A_440 = vector.shape_cast %select_n3A_435 : vector<16xf32> to vector<1x16xf32>
      tpu.vector_store %arg8[%swap3A_436, %swap3A_437], %swap3A_440 {strides = array<i32>} : memref<128x128xf32, #tpu.memory_space<vmem>>, vector<1x16xf32>,
      %broadcast_in_dim3A_441 = vector.broadcast %squeeze3A_392 : f32 to vector<16xf32>
      %broadcast_in_dim3A_442 = vector.broadcast %squeeze3A_394 : f32 to vector<16xf32>
      %select_n3A_443 = arith.select %eq3A_79, %broadcast_in_dim3A_441, %broadcast_in_dim3A_442 : vector<16xi1>, vector<16xf32>
      %broadcast_in_dim3A_444 = vector.broadcast %squeeze3A_396 : f32 to vector<16xf32>
      %broadcast_in_dim3A_445 = vector.broadcast %squeeze3A_398 : f32 to vector<16xf32>
      %select_n3A_446 = arith.select %eq3A_82, %broadcast_in_dim3A_444, %broadcast_in_dim3A_445 : vector<16xi1>, vector<16xf32>
      %select_n3A_447 = arith.select %lt3A_85, %select_n3A_443, %select_n3A_446 : vector<16xi1>, vector<16xf32>
      %swap3A_448 = arith.index_cast %add3A_404 : i32 to index
      %swap3A_449 = arith.constant 48 : index
      %swap3A_450 = tpu.vector_load %arg8[%swap3A_448, %swap3A_449] {strides = array<i32>} : memref<128x128xf32, #tpu.memory_space<vmem>>, vector<1x16xf32>,
      %swap3A_451 = vector.shape_cast %swap3A_450 : vector<1x16xf32> to vector<16xf32>
      %swap3A_452 = vector.shape_cast %select_n3A_447 : vector<16xf32> to vector<1x16xf32>
      tpu.vector_store %arg8[%swap3A_448, %swap3A_449], %swap3A_452 {strides = array<i32>} : memref<128x128xf32, #tpu.memory_space<vmem>>, vector<1x16xf32>,
      %broadcast_in_dim3A_453 = vector.broadcast %squeeze3A_392 : f32 to vector<16xf32>
      %broadcast_in_dim3A_454 = vector.broadcast %squeeze3A_394 : f32 to vector<16xf32>
      %select_n3A_455 = arith.select %eq3A_91, %broadcast_in_dim3A_453, %broadcast_in_dim3A_454 : vector<16xi1>, vector<16xf32>
      %broadcast_in_dim3A_456 = vector.broadcast %squeeze3A_396 : f32 to vector<16xf32>
      %broadcast_in_dim3A_457 = vector.broadcast %squeeze3A_398 : f32 to vector<16xf32>
      %select_n3A_458 = arith.select %eq3A_94, %broadcast_in_dim3A_456, %broadcast_in_dim3A_457 : vector<16xi1>, vector<16xf32>
      %select_n3A_459 = arith.select %lt3A_97, %select_n3A_455, %select_n3A_458 : vector<16xi1>, vector<16xf32>
      %swap3A_460 = arith.index_cast %add3A_404 : i32 to index
      %swap3A_461 = arith.constant 64 : index
      %swap3A_462 = tpu.vector_load %arg8[%swap3A_460, %swap3A_461] {strides = array<i32>} : memref<128x128xf32, #tpu.memory_space<vmem>>, vector<1x16xf32>,
      %swap3A_463 = vector.shape_cast %swap3A_462 : vector<1x16xf32> to vector<16xf32>
      %swap3A_464 = vector.shape_cast %select_n3A_459 : vector<16xf32> to vector<1x16xf32>
      tpu.vector_store %arg8[%swap3A_460, %swap3A_461], %swap3A_464 {strides = array<i32>} : memref<128x128xf32, #tpu.memory_space<vmem>>, vector<1x16xf32>,
      %broadcast_in_dim3A_465 = vector.broadcast %squeeze3A_392 : f32 to vector<16xf32>
      %broadcast_in_dim3A_466 = vector.broadcast %squeeze3A_394 : f32 to vector<16xf32>
      %select_n3A_467 = arith.select %eq3A_103, %broadcast_in_dim3A_465, %broadcast_in_dim3A_466 : vector<16xi1>, vector<16xf32>
      %broadcast_in_dim3A_468 = vector.broadcast %squeeze3A_396 : f32 to vector<16xf32>
      %broadcast_in_dim3A_469 = vector.broadcast %squeeze3A_398 : f32 to vector<16xf32>
      %select_n3A_470 = arith.select %eq3A_106, %broadcast_in_dim3A_468, %broadcast_in_dim3A_469 : vector<16xi1>, vector<16xf32>
      %select_n3A_471 = arith.select %lt3A_109, %select_n3A_467, %select_n3A_470 : vector<16xi1>, vector<16xf32>
      %swap3A_472 = arith.index_cast %add3A_404 : i32 to index
      %swap3A_473 = arith.constant 80 : index
      %swap3A_474 = tpu.vector_load %arg8[%swap3A_472, %swap3A_473] {strides = array<i32>} : memref<128x128xf32, #tpu.memory_space<vmem>>, vector<1x16xf32>,
      %swap3A_475 = vector.shape_cast %swap3A_474 : vector<1x16xf32> to vector<16xf32>
      %swap3A_476 = vector.shape_cast %select_n3A_471 : vector<16xf32> to vector<1x16xf32>
      tpu.vector_store %arg8[%swap3A_472, %swap3A_473], %swap3A_476 {strides = array<i32>} : memref<128x128xf32, #tpu.memory_space<vmem>>, vector<1x16xf32>,
      %broadcast_in_dim3A_477 = vector.broadcast %squeeze3A_392 : f32 to vector<16xf32>
      %broadcast_in_dim3A_478 = vector.broadcast %squeeze3A_394 : f32 to vector<16xf32>
      %select_n3A_479 = arith.select %eq3A_115, %broadcast_in_dim3A_477, %broadcast_in_dim3A_478 : vector<16xi1>, vector<16xf32>
      %broadcast_in_dim3A_480 = vector.broadcast %squeeze3A_396 : f32 to vector<16xf32>
      %broadcast_in_dim3A_481 = vector.broadcast %squeeze3A_398 : f32 to vector<16xf32>
      %select_n3A_482 = arith.select %eq3A_118, %broadcast_in_dim3A_480, %broadcast_in_dim3A_481 : vector<16xi1>, vector<16xf32>
      %select_n3A_483 = arith.select %lt3A_121, %select_n3A_479, %select_n3A_482 : vector<16xi1>, vector<16xf32>
      %swap3A_484 = arith.index_cast %add3A_404 : i32 to index
      %swap3A_485 = arith.constant 96 : index
      %swap3A_486 = tpu.vector_load %arg8[%swap3A_484, %swap3A_485] {strides = array<i32>} : memref<128x128xf32, #tpu.memory_space<vmem>>, vector<1x16xf32>,
      %swap3A_487 = vector.shape_cast %swap3A_486 : vector<1x16xf32> to vector<16xf32>
      %swap3A_488 = vector.shape_cast %select_n3A_483 : vector<16xf32> to vector<1x16xf32>
      tpu.vector_store %arg8[%swap3A_484, %swap3A_485], %swap3A_488 {strides = array<i32>} : memref<128x128xf32, #tpu.memory_space<vmem>>, vector<1x16xf32>,
      %broadcast_in_dim3A_489 = vector.broadcast %squeeze3A_392 : f32 to vector<16xf32>
      %broadcast_in_dim3A_490 = vector.broadcast %squeeze3A_394 : f32 to vector<16xf32>
      %select_n3A_491 = arith.select %eq3A_127, %broadcast_in_dim3A_489, %broadcast_in_dim3A_490 : vector<16xi1>, vector<16xf32>
      %broadcast_in_dim3A_492 = vector.broadcast %squeeze3A_396 : f32 to vector<16xf32>
      %broadcast_in_dim3A_493 = vector.broadcast %squeeze3A_398 : f32 to vector<16xf32>
      %select_n3A_494 = arith.select %eq3A_130, %broadcast_in_dim3A_492, %broadcast_in_dim3A_493 : vector<16xi1>, vector<16xf32>
      %select_n3A_495 = arith.select %lt3A_133, %select_n3A_491, %select_n3A_494 : vector<16xi1>, vector<16xf32>
      %swap3A_496 = arith.index_cast %add3A_404 : i32 to index
      %swap3A_497 = arith.constant 112 : index
      %swap3A_498 = tpu.vector_load %arg8[%swap3A_496, %swap3A_497] {strides = array<i32>} : memref<128x128xf32, #tpu.memory_space<vmem>>, vector<1x16xf32>,
      %swap3A_499 = vector.shape_cast %swap3A_498 : vector<1x16xf32> to vector<16xf32>
      %swap3A_500 = vector.shape_cast %select_n3A_495 : vector<16xf32> to vector<1x16xf32>
      tpu.vector_store %arg8[%swap3A_496, %swap3A_497], %swap3A_500 {strides = array<i32>} : memref<128x128xf32, #tpu.memory_space<vmem>>, vector<1x16xf32>,
      %slice3A_501 = vector.extract_strided_slice %get3A_148 {offsets = [3], sizes = [1], strides = [1]} : vector<16xf32> to vector<1xf32>
      %squeeze3A_502 = vector.extract %slice3A_501[0] : f32 from vector<1xf32>
      %slice3A_503 = vector.extract_strided_slice %get3A_157 {offsets = [3], sizes = [1], strides = [1]} : vector<16xf32> to vector<1xf32>
      %squeeze3A_504 = vector.extract %slice3A_503[0] : f32 from vector<1xf32>
      %slice3A_505 = vector.extract_strided_slice %get3A_166 {offsets = [3], sizes = [1], strides = [1]} : vector<16xf32> to vector<1xf32>
      %squeeze3A_506 = vector.extract %slice3A_505[0] : f32 from vector<1xf32>
      %slice3A_507 = vector.extract_strided_slice %get3A_175 {offsets = [3], sizes = [1], strides = [1]} : vector<16xf32> to vector<1xf32>
      %squeeze3A_508 = vector.extract %slice3A_507[0] : f32 from vector<1xf32>
      %mul3A_509 = arith.constant 16 : i32
      %mul3A_510 = arith.muli %scan3A_139, %mul3A_509 : i32
      %add3A_511 = arith.constant 3 : i32
      %add3A_512 = arith.addi %mul3A_510, %add3A_511 : i32
      %add3A_513 = arith.constant 0 : i32
      %add3A_514 = arith.addi %add3A_512, %add3A_513 : i32
      %broadcast_in_dim3A_515 = vector.broadcast %squeeze3A_502 : f32 to vector<16xf32>
      %broadcast_in_dim3A_516 = vector.broadcast %squeeze3A_504 : f32 to vector<16xf32>
      %select_n3A_517 = arith.select %eq3A_44, %broadcast_in_dim3A_515, %broadcast_in_dim3A_516 : vector<16xi1>, vector<16xf32>
      %broadcast_in_dim3A_518 = vector.broadcast %squeeze3A_506 : f32 to vector<16xf32>
      %broadcast_in_dim3A_519 = vector.broadcast %squeeze3A_508 : f32 to vector<16xf32>
      %select_n3A_520 = arith.select %eq3A_47, %broadcast_in_dim3A_518, %broadcast_in_dim3A_519 : vector<16xi1>, vector<16xf32>
      %select_n3A_521 = arith.select %lt3A_49, %select_n3A_517, %select_n3A_520 : vector<16xi1>, vector<16xf32>
      %swap3A_522 = arith.index_cast %add3A_514 : i32 to index
      %swap3A_523 = arith.constant 0 : index
      %swap3A_524 = tpu.vector_load %arg8[%swap3A_522, %swap3A_523] {strides = array<i32>} : memref<128x128xf32, #tpu.memory_space<vmem>>, vector<1x16xf32>,
      %swap3A_525 = vector.shape_cast %swap3A_524 : vector<1x16xf32> to vector<16xf32>
      %swap3A_526 = vector.shape_cast %select_n3A_521 : vector<16xf32> to vector<1x16xf32>
      tpu.vector_store %arg8[%swap3A_522, %swap3A_523], %swap3A_526 {strides = array<i32>} : memref<128x128xf32, #tpu.memory_space<vmem>>, vector<1x16xf32>,
      %broadcast_in_dim3A_527 = vector.broadcast %squeeze3A_502 : f32 to vector<16xf32>
      %broadcast_in_dim3A_528 = vector.broadcast %squeeze3A_504 : f32 to vector<16xf32>
      %select_n3A_529 = arith.select %eq3A_55, %broadcast_in_dim3A_527, %broadcast_in_dim3A_528 : vector<16xi1>, vector<16xf32>
      %broadcast_in_dim3A_530 = vector.broadcast %squeeze3A_506 : f32 to vector<16xf32>
      %broadcast_in_dim3A_531 = vector.broadcast %squeeze3A_508 : f32 to vector<16xf32>
      %select_n3A_532 = arith.select %eq3A_58, %broadcast_in_dim3A_530, %broadcast_in_dim3A_531 : vector<16xi1>, vector<16xf32>
      %select_n3A_533 = arith.select %lt3A_61, %select_n3A_529, %select_n3A_532 : vector<16xi1>, vector<16xf32>
      %swap3A_534 = arith.index_cast %add3A_514 : i32 to index
      %swap3A_535 = arith.constant 16 : index
      %swap3A_536 = tpu.vector_load %arg8[%swap3A_534, %swap3A_535] {strides = array<i32>} : memref<128x128xf32, #tpu.memory_space<vmem>>, vector<1x16xf32>,
      %swap3A_537 = vector.shape_cast %swap3A_536 : vector<1x16xf32> to vector<16xf32>
      %swap3A_538 = vector.shape_cast %select_n3A_533 : vector<16xf32> to vector<1x16xf32>
      tpu.vector_store %arg8[%swap3A_534, %swap3A_535], %swap3A_538 {strides = array<i32>} : memref<128x128xf32, #tpu.memory_space<vmem>>, vector<1x16xf32>,
      %broadcast_in_dim3A_539 = vector.broadcast %squeeze3A_502 : f32 to vector<16xf32>
      %broadcast_in_dim3A_540 = vector.broadcast %squeeze3A_504 : f32 to vector<16xf32>
      %select_n3A_541 = arith.select %eq3A_67, %broadcast_in_dim3A_539, %broadcast_in_dim3A_540 : vector<16xi1>, vector<16xf32>
      %broadcast_in_dim3A_542 = vector.broadcast %squeeze3A_506 : f32 to vector<16xf32>
      %broadcast_in_dim3A_543 = vector.broadcast %squeeze3A_508 : f32 to vector<16xf32>
      %select_n3A_544 = arith.select %eq3A_70, %broadcast_in_dim3A_542, %broadcast_in_dim3A_543 : vector<16xi1>, vector<16xf32>
      %select_n3A_545 = arith.select %lt3A_73, %select_n3A_541, %select_n3A_544 : vector<16xi1>, vector<16xf32>
      %swap3A_546 = arith.index_cast %add3A_514 : i32 to index
      %swap3A_547 = arith.constant 32 : index
      %swap3A_548 = tpu.vector_load %arg8[%swap3A_546, %swap3A_547] {strides = array<i32>} : memref<128x128xf32, #tpu.memory_space<vmem>>, vector<1x16xf32>,
      %swap3A_549 = vector.shape_cast %swap3A_548 : vector<1x16xf32> to vector<16xf32>
      %swap3A_550 = vector.shape_cast %select_n3A_545 : vector<16xf32> to vector<1x16xf32>
      tpu.vector_store %arg8[%swap3A_546, %swap3A_547], %swap3A_550 {strides = array<i32>} : memref<128x128xf32, #tpu.memory_space<vmem>>, vector<1x16xf32>,
      %broadcast_in_dim3A_551 = vector.broadcast %squeeze3A_502 : f32 to vector<16xf32>
      %broadcast_in_dim3A_552 = vector.broadcast %squeeze3A_504 : f32 to vector<16xf32>
      %select_n3A_553 = arith.select %eq3A_79, %broadcast_in_dim3A_551, %broadcast_in_dim3A_552 : vector<16xi1>, vector<16xf32>
      %broadcast_in_dim3A_554 = vector.broadcast %squeeze3A_506 : f32 to vector<16xf32>
      %broadcast_in_dim3A_555 = vector.broadcast %squeeze3A_508 : f32 to vector<16xf32>
      %select_n3A_556 = arith.select %eq3A_82, %broadcast_in_dim3A_554, %broadcast_in_dim3A_555 : vector<16xi1>, vector<16xf32>
      %select_n3A_557 = arith.select %lt3A_85, %select_n3A_553, %select_n3A_556 : vector<16xi1>, vector<16xf32>
      %swap3A_558 = arith.index_cast %add3A_514 : i32 to index
      %swap3A_559 = arith.constant 48 : index
      %swap3A_560 = tpu.vector_load %arg8[%swap3A_558, %swap3A_559] {strides = array<i32>} : memref<128x128xf32, #tpu.memory_space<vmem>>, vector<1x16xf32>,
      %swap3A_561 = vector.shape_cast %swap3A_560 : vector<1x16xf32> to vector<16xf32>
      %swap3A_562 = vector.shape_cast %select_n3A_557 : vector<16xf32> to vector<1x16xf32>
      tpu.vector_store %arg8[%swap3A_558, %swap3A_559], %swap3A_562 {strides = array<i32>} : memref<128x128xf32, #tpu.memory_space<vmem>>, vector<1x16xf32>,
      %broadcast_in_dim3A_563 = vector.broadcast %squeeze3A_502 : f32 to vector<16xf32>
      %broadcast_in_dim3A_564 = vector.broadcast %squeeze3A_504 : f32 to vector<16xf32>
      %select_n3A_565 = arith.select %eq3A_91, %broadcast_in_dim3A_563, %broadcast_in_dim3A_564 : vector<16xi1>, vector<16xf32>
      %broadcast_in_dim3A_566 = vector.broadcast %squeeze3A_506 : f32 to vector<16xf32>
      %broadcast_in_dim3A_567 = vector.broadcast %squeeze3A_508 : f32 to vector<16xf32>
      %select_n3A_568 = arith.select %eq3A_94, %broadcast_in_dim3A_566, %broadcast_in_dim3A_567 : vector<16xi1>, vector<16xf32>
      %select_n3A_569 = arith.select %lt3A_97, %select_n3A_565, %select_n3A_568 : vector<16xi1>, vector<16xf32>
      %swap3A_570 = arith.index_cast %add3A_514 : i32 to index
      %swap3A_571 = arith.constant 64 : index
      %swap3A_572 = tpu.vector_load %arg8[%swap3A_570, %swap3A_571] {strides = array<i32>} : memref<128x128xf32, #tpu.memory_space<vmem>>, vector<1x16xf32>,
      %swap3A_573 = vector.shape_cast %swap3A_572 : vector<1x16xf32> to vector<16xf32>
      %swap3A_574 = vector.shape_cast %select_n3A_569 : vector<16xf32> to vector<1x16xf32>
      tpu.vector_store %arg8[%swap3A_570, %swap3A_571], %swap3A_574 {strides = array<i32>} : memref<128x128xf32, #tpu.memory_space<vmem>>, vector<1x16xf32>,
      %broadcast_in_dim3A_575 = vector.broadcast %squeeze3A_502 : f32 to vector<16xf32>
      %broadcast_in_dim3A_576 = vector.broadcast %squeeze3A_504 : f32 to vector<16xf32>
      %select_n3A_577 = arith.select %eq3A_103, %broadcast_in_dim3A_575, %broadcast_in_dim3A_576 : vector<16xi1>, vector<16xf32>
      %broadcast_in_dim3A_578 = vector.broadcast %squeeze3A_506 : f32 to vector<16xf32>
      %broadcast_in_dim3A_579 = vector.broadcast %squeeze3A_508 : f32 to vector<16xf32>
      %select_n3A_580 = arith.select %eq3A_106, %broadcast_in_dim3A_578, %broadcast_in_dim3A_579 : vector<16xi1>, vector<16xf32>
      %select_n3A_581 = arith.select %lt3A_109, %select_n3A_577, %select_n3A_580 : vector<16xi1>, vector<16xf32>
      %swap3A_582 = arith.index_cast %add3A_514 : i32 to index
      %swap3A_583 = arith.constant 80 : index
      %swap3A_584 = tpu.vector_load %arg8[%swap3A_582, %swap3A_583] {strides = array<i32>} : memref<128x128xf32, #tpu.memory_space<vmem>>, vector<1x16xf32>,
      %swap3A_585 = vector.shape_cast %swap3A_584 : vector<1x16xf32> to vector<16xf32>
      %swap3A_586 = vector.shape_cast %select_n3A_581 : vector<16xf32> to vector<1x16xf32>
      tpu.vector_store %arg8[%swap3A_582, %swap3A_583], %swap3A_586 {strides = array<i32>} : memref<128x128xf32, #tpu.memory_space<vmem>>, vector<1x16xf32>,
      %broadcast_in_dim3A_587 = vector.broadcast %squeeze3A_502 : f32 to vector<16xf32>
      %broadcast_in_dim3A_588 = vector.broadcast %squeeze3A_504 : f32 to vector<16xf32>
      %select_n3A_589 = arith.select %eq3A_115, %broadcast_in_dim3A_587, %broadcast_in_dim3A_588 : vector<16xi1>, vector<16xf32>
      %broadcast_in_dim3A_590 = vector.broadcast %squeeze3A_506 : f32 to vector<16xf32>
      %broadcast_in_dim3A_591 = vector.broadcast %squeeze3A_508 : f32 to vector<16xf32>
      %select_n3A_592 = arith.select %eq3A_118, %broadcast_in_dim3A_590, %broadcast_in_dim3A_591 : vector<16xi1>, vector<16xf32>
      %select_n3A_593 = arith.select %lt3A_121, %select_n3A_589, %select_n3A_592 : vector<16xi1>, vector<16xf32>
      %swap3A_594 = arith.index_cast %add3A_514 : i32 to index
      %swap3A_595 = arith.constant 96 : index
      %swap3A_596 = tpu.vector_load %arg8[%swap3A_594, %swap3A_595] {strides = array<i32>} : memref<128x128xf32, #tpu.memory_space<vmem>>, vector<1x16xf32>,
      %swap3A_597 = vector.shape_cast %swap3A_596 : vector<1x16xf32> to vector<16xf32>
      %swap3A_598 = vector.shape_cast %select_n3A_593 : vector<16xf32> to vector<1x16xf32>
      tpu.vector_store %arg8[%swap3A_594, %swap3A_595], %swap3A_598 {strides = array<i32>} : memref<128x128xf32, #tpu.memory_space<vmem>>, vector<1x16xf32>,
      %broadcast_in_dim3A_599 = vector.broadcast %squeeze3A_502 : f32 to vector<16xf32>
      %broadcast_in_dim3A_600 = vector.broadcast %squeeze3A_504 : f32 to vector<16xf32>
      %select_n3A_601 = arith.select %eq3A_127, %broadcast_in_dim3A_599, %broadcast_in_dim3A_600 : vector<16xi1>, vector<16xf32>
      %broadcast_in_dim3A_602 = vector.broadcast %squeeze3A_506 : f32 to vector<16xf32>
      %broadcast_in_dim3A_603 = vector.broadcast %squeeze3A_508 : f32 to vector<16xf32>
      %select_n3A_604 = arith.select %eq3A_130, %broadcast_in_dim3A_602, %broadcast_in_dim3A_603 : vector<16xi1>, vector<16xf32>
      %select_n3A_605 = arith.select %lt3A_133, %select_n3A_601, %select_n3A_604 : vector<16xi1>, vector<16xf32>
      %swap3A_606 = arith.index_cast %add3A_514 : i32 to index
      %swap3A_607 = arith.constant 112 : index
      %swap3A_608 = tpu.vector_load %arg8[%swap3A_606, %swap3A_607] {strides = array<i32>} : memref<128x128xf32, #tpu.memory_space<vmem>>, vector<1x16xf32>,
      %swap3A_609 = vector.shape_cast %swap3A_608 : vector<1x16xf32> to vector<16xf32>
      %swap3A_610 = vector.shape_cast %select_n3A_605 : vector<16xf32> to vector<1x16xf32>
      tpu.vector_store %arg8[%swap3A_606, %swap3A_607], %swap3A_610 {strides = array<i32>} : memref<128x128xf32, #tpu.memory_space<vmem>>, vector<1x16xf32>,
      %slice3A_611 = vector.extract_strided_slice %get3A_148 {offsets = [4], sizes = [1], strides = [1]} : vector<16xf32> to vector<1xf32>
      %squeeze3A_612 = vector.extract %slice3A_611[0] : f32 from vector<1xf32>
      %slice3A_613 = vector.extract_strided_slice %get3A_157 {offsets = [4], sizes = [1], strides = [1]} : vector<16xf32> to vector<1xf32>
      %squeeze3A_614 = vector.extract %slice3A_613[0] : f32 from vector<1xf32>
      %slice3A_615 = vector.extract_strided_slice %get3A_166 {offsets = [4], sizes = [1], strides = [1]} : vector<16xf32> to vector<1xf32>
      %squeeze3A_616 = vector.extract %slice3A_615[0] : f32 from vector<1xf32>
      %slice3A_617 = vector.extract_strided_slice %get3A_175 {offsets = [4], sizes = [1], strides = [1]} : vector<16xf32> to vector<1xf32>
      %squeeze3A_618 = vector.extract %slice3A_617[0] : f32 from vector<1xf32>
      %mul3A_619 = arith.constant 16 : i32
      %mul3A_620 = arith.muli %scan3A_139, %mul3A_619 : i32
      %add3A_621 = arith.constant 4 : i32
      %add3A_622 = arith.addi %mul3A_620, %add3A_621 : i32
      %add3A_623 = arith.constant 0 : i32
      %add3A_624 = arith.addi %add3A_622, %add3A_623 : i32
      %broadcast_in_dim3A_625 = vector.broadcast %squeeze3A_612 : f32 to vector<16xf32>
      %broadcast_in_dim3A_626 = vector.broadcast %squeeze3A_614 : f32 to vector<16xf32>
      %select_n3A_627 = arith.select %eq3A_44, %broadcast_in_dim3A_625, %broadcast_in_dim3A_626 : vector<16xi1>, vector<16xf32>
      %broadcast_in_dim3A_628 = vector.broadcast %squeeze3A_616 : f32 to vector<16xf32>
      %broadcast_in_dim3A_629 = vector.broadcast %squeeze3A_618 : f32 to vector<16xf32>
      %select_n3A_630 = arith.select %eq3A_47, %broadcast_in_dim3A_628, %broadcast_in_dim3A_629 : vector<16xi1>, vector<16xf32>
      %select_n3A_631 = arith.select %lt3A_49, %select_n3A_627, %select_n3A_630 : vector<16xi1>, vector<16xf32>
      %swap3A_632 = arith.index_cast %add3A_624 : i32 to index
      %swap3A_633 = arith.constant 0 : index
      %swap3A_634 = tpu.vector_load %arg8[%swap3A_632, %swap3A_633] {strides = array<i32>} : memref<128x128xf32, #tpu.memory_space<vmem>>, vector<1x16xf32>,
      %swap3A_635 = vector.shape_cast %swap3A_634 : vector<1x16xf32> to vector<16xf32>
      %swap3A_636 = vector.shape_cast %select_n3A_631 : vector<16xf32> to vector<1x16xf32>
      tpu.vector_store %arg8[%swap3A_632, %swap3A_633], %swap3A_636 {strides = array<i32>} : memref<128x128xf32, #tpu.memory_space<vmem>>, vector<1x16xf32>,
      %broadcast_in_dim3A_637 = vector.broadcast %squeeze3A_612 : f32 to vector<16xf32>
      %broadcast_in_dim3A_638 = vector.broadcast %squeeze3A_614 : f32 to vector<16xf32>
      %select_n3A_639 = arith.select %eq3A_55, %broadcast_in_dim3A_637, %broadcast_in_dim3A_638 : vector<16xi1>, vector<16xf32>
      %broadcast_in_dim3A_640 = vector.broadcast %squeeze3A_616 : f32 to vector<16xf32>
      %broadcast_in_dim3A_641 = vector.broadcast %squeeze3A_618 : f32 to vector<16xf32>
      %select_n3A_642 = arith.select %eq3A_58, %broadcast_in_dim3A_640, %broadcast_in_dim3A_641 : vector<16xi1>, vector<16xf32>
      %select_n3A_643 = arith.select %lt3A_61, %select_n3A_639, %select_n3A_642 : vector<16xi1>, vector<16xf32>
      %swap3A_644 = arith.index_cast %add3A_624 : i32 to index
      %swap3A_645 = arith.constant 16 : index
      %swap3A_646 = tpu.vector_load %arg8[%swap3A_644, %swap3A_645] {strides = array<i32>} : memref<128x128xf32, #tpu.memory_space<vmem>>, vector<1x16xf32>,
      %swap3A_647 = vector.shape_cast %swap3A_646 : vector<1x16xf32> to vector<16xf32>
      %swap3A_648 = vector.shape_cast %select_n3A_643 : vector<16xf32> to vector<1x16xf32>
      tpu.vector_store %arg8[%swap3A_644, %swap3A_645], %swap3A_648 {strides = array<i32>} : memref<128x128xf32, #tpu.memory_space<vmem>>, vector<1x16xf32>,
      %broadcast_in_dim3A_649 = vector.broadcast %squeeze3A_612 : f32 to vector<16xf32>
      %broadcast_in_dim3A_650 = vector.broadcast %squeeze3A_614 : f32 to vector<16xf32>
      %select_n3A_651 = arith.select %eq3A_67, %broadcast_in_dim3A_649, %broadcast_in_dim3A_650 : vector<16xi1>, vector<16xf32>
      %broadcast_in_dim3A_652 = vector.broadcast %squeeze3A_616 : f32 to vector<16xf32>
      %broadcast_in_dim3A_653 = vector.broadcast %squeeze3A_618 : f32 to vector<16xf32>
      %select_n3A_654 = arith.select %eq3A_70, %broadcast_in_dim3A_652, %broadcast_in_dim3A_653 : vector<16xi1>, vector<16xf32>
      %select_n3A_655 = arith.select %lt3A_73, %select_n3A_651, %select_n3A_654 : vector<16xi1>, vector<16xf32>
      %swap3A_656 = arith.index_cast %add3A_624 : i32 to index
      %swap3A_657 = arith.constant 32 : index
      %swap3A_658 = tpu.vector_load %arg8[%swap3A_656, %swap3A_657] {strides = array<i32>} : memref<128x128xf32, #tpu.memory_space<vmem>>, vector<1x16xf32>,
      %swap3A_659 = vector.shape_cast %swap3A_658 : vector<1x16xf32> to vector<16xf32>
      %swap3A_660 = vector.shape_cast %select_n3A_655 : vector<16xf32> to vector<1x16xf32>
      tpu.vector_store %arg8[%swap3A_656, %swap3A_657], %swap3A_660 {strides = array<i32>} : memref<128x128xf32, #tpu.memory_space<vmem>>, vector<1x16xf32>,
      %broadcast_in_dim3A_661 = vector.broadcast %squeeze3A_612 : f32 to vector<16xf32>
      %broadcast_in_dim3A_662 = vector.broadcast %squeeze3A_614 : f32 to vector<16xf32>
      %select_n3A_663 = arith.select %eq3A_79, %broadcast_in_dim3A_661, %broadcast_in_dim3A_662 : vector<16xi1>, vector<16xf32>
      %broadcast_in_dim3A_664 = vector.broadcast %squeeze3A_616 : f32 to vector<16xf32>
      %broadcast_in_dim3A_665 = vector.broadcast %squeeze3A_618 : f32 to vector<16xf32>
      %select_n3A_666 = arith.select %eq3A_82, %broadcast_in_dim3A_664, %broadcast_in_dim3A_665 : vector<16xi1>, vector<16xf32>
      %select_n3A_667 = arith.select %lt3A_85, %select_n3A_663, %select_n3A_666 : vector<16xi1>, vector<16xf32>
      %swap3A_668 = arith.index_cast %add3A_624 : i32 to index
      %swap3A_669 = arith.constant 48 : index
      %swap3A_670 = tpu.vector_load %arg8[%swap3A_668, %swap3A_669] {strides = array<i32>} : memref<128x128xf32, #tpu.memory_space<vmem>>, vector<1x16xf32>,
      %swap3A_671 = vector.shape_cast %swap3A_670 : vector<1x16xf32> to vector<16xf32>
      %swap3A_672 = vector.shape_cast %select_n3A_667 : vector<16xf32> to vector<1x16xf32>
      tpu.vector_store %arg8[%swap3A_668, %swap3A_669], %swap3A_672 {strides = array<i32>} : memref<128x128xf32, #tpu.memory_space<vmem>>, vector<1x16xf32>,
      %broadcast_in_dim3A_673 = vector.broadcast %squeeze3A_612 : f32 to vector<16xf32>
      %broadcast_in_dim3A_674 = vector.broadcast %squeeze3A_614 : f32 to vector<16xf32>
      %select_n3A_675 = arith.select %eq3A_91, %broadcast_in_dim3A_673, %broadcast_in_dim3A_674 : vector<16xi1>, vector<16xf32>
      %broadcast_in_dim3A_676 = vector.broadcast %squeeze3A_616 : f32 to vector<16xf32>
      %broadcast_in_dim3A_677 = vector.broadcast %squeeze3A_618 : f32 to vector<16xf32>
      %select_n3A_678 = arith.select %eq3A_94, %broadcast_in_dim3A_676, %broadcast_in_dim3A_677 : vector<16xi1>, vector<16xf32>
      %select_n3A_679 = arith.select %lt3A_97, %select_n3A_675, %select_n3A_678 : vector<16xi1>, vector<16xf32>
      %swap3A_680 = arith.index_cast %add3A_624 : i32 to index
      %swap3A_681 = arith.constant 64 : index
      %swap3A_682 = tpu.vector_load %arg8[%swap3A_680, %swap3A_681] {strides = array<i32>} : memref<128x128xf32, #tpu.memory_space<vmem>>, vector<1x16xf32>,
      %swap3A_683 = vector.shape_cast %swap3A_682 : vector<1x16xf32> to vector<16xf32>
      %swap3A_684 = vector.shape_cast %select_n3A_679 : vector<16xf32> to vector<1x16xf32>
      tpu.vector_store %arg8[%swap3A_680, %swap3A_681], %swap3A_684 {strides = array<i32>} : memref<128x128xf32, #tpu.memory_space<vmem>>, vector<1x16xf32>,
      %broadcast_in_dim3A_685 = vector.broadcast %squeeze3A_612 : f32 to vector<16xf32>
      %broadcast_in_dim3A_686 = vector.broadcast %squeeze3A_614 : f32 to vector<16xf32>
      %select_n3A_687 = arith.select %eq3A_103, %broadcast_in_dim3A_685, %broadcast_in_dim3A_686 : vector<16xi1>, vector<16xf32>
      %broadcast_in_dim3A_688 = vector.broadcast %squeeze3A_616 : f32 to vector<16xf32>
      %broadcast_in_dim3A_689 = vector.broadcast %squeeze3A_618 : f32 to vector<16xf32>
      %select_n3A_690 = arith.select %eq3A_106, %broadcast_in_dim3A_688, %broadcast_in_dim3A_689 : vector<16xi1>, vector<16xf32>
      %select_n3A_691 = arith.select %lt3A_109, %select_n3A_687, %select_n3A_690 : vector<16xi1>, vector<16xf32>
      %swap3A_692 = arith.index_cast %add3A_624 : i32 to index
      %swap3A_693 = arith.constant 80 : index
      %swap3A_694 = tpu.vector_load %arg8[%swap3A_692, %swap3A_693] {strides = array<i32>} : memref<128x128xf32, #tpu.memory_space<vmem>>, vector<1x16xf32>,
      %swap3A_695 = vector.shape_cast %swap3A_694 : vector<1x16xf32> to vector<16xf32>
      %swap3A_696 = vector.shape_cast %select_n3A_691 : vector<16xf32> to vector<1x16xf32>
      tpu.vector_store %arg8[%swap3A_692, %swap3A_693], %swap3A_696 {strides = array<i32>} : memref<128x128xf32, #tpu.memory_space<vmem>>, vector<1x16xf32>,
      %broadcast_in_dim3A_697 = vector.broadcast %squeeze3A_612 : f32 to vector<16xf32>
      %broadcast_in_dim3A_698 = vector.broadcast %squeeze3A_614 : f32 to vector<16xf32>
      %select_n3A_699 = arith.select %eq3A_115, %broadcast_in_dim3A_697, %broadcast_in_dim3A_698 : vector<16xi1>, vector<16xf32>
      %broadcast_in_dim3A_700 = vector.broadcast %squeeze3A_616 : f32 to vector<16xf32>
      %broadcast_in_dim3A_701 = vector.broadcast %squeeze3A_618 : f32 to vector<16xf32>
      %select_n3A_702 = arith.select %eq3A_118, %broadcast_in_dim3A_700, %broadcast_in_dim3A_701 : vector<16xi1>, vector<16xf32>
      %select_n3A_703 = arith.select %lt3A_121, %select_n3A_699, %select_n3A_702 : vector<16xi1>, vector<16xf32>
      %swap3A_704 = arith.index_cast %add3A_624 : i32 to index
      %swap3A_705 = arith.constant 96 : index
      %swap3A_706 = tpu.vector_load %arg8[%swap3A_704, %swap3A_705] {strides = array<i32>} : memref<128x128xf32, #tpu.memory_space<vmem>>, vector<1x16xf32>,
      %swap3A_707 = vector.shape_cast %swap3A_706 : vector<1x16xf32> to vector<16xf32>
      %swap3A_708 = vector.shape_cast %select_n3A_703 : vector<16xf32> to vector<1x16xf32>
      tpu.vector_store %arg8[%swap3A_704, %swap3A_705], %swap3A_708 {strides = array<i32>} : memref<128x128xf32, #tpu.memory_space<vmem>>, vector<1x16xf32>,
      %broadcast_in_dim3A_709 = vector.broadcast %squeeze3A_612 : f32 to vector<16xf32>
      %broadcast_in_dim3A_710 = vector.broadcast %squeeze3A_614 : f32 to vector<16xf32>
      %select_n3A_711 = arith.select %eq3A_127, %broadcast_in_dim3A_709, %broadcast_in_dim3A_710 : vector<16xi1>, vector<16xf32>
      %broadcast_in_dim3A_712 = vector.broadcast %squeeze3A_616 : f32 to vector<16xf32>
      %broadcast_in_dim3A_713 = vector.broadcast %squeeze3A_618 : f32 to vector<16xf32>
      %select_n3A_714 = arith.select %eq3A_130, %broadcast_in_dim3A_712, %broadcast_in_dim3A_713 : vector<16xi1>, vector<16xf32>
      %select_n3A_715 = arith.select %lt3A_133, %select_n3A_711, %select_n3A_714 : vector<16xi1>, vector<16xf32>
      %swap3A_716 = arith.index_cast %add3A_624 : i32 to index
      %swap3A_717 = arith.constant 112 : index
      %swap3A_718 = tpu.vector_load %arg8[%swap3A_716, %swap3A_717] {strides = array<i32>} : memref<128x128xf32, #tpu.memory_space<vmem>>, vector<1x16xf32>,
      %swap3A_719 = vector.shape_cast %swap3A_718 : vector<1x16xf32> to vector<16xf32>
      %swap3A_720 = vector.shape_cast %select_n3A_715 : vector<16xf32> to vector<1x16xf32>
      tpu.vector_store %arg8[%swap3A_716, %swap3A_717], %swap3A_720 {strides = array<i32>} : memref<128x128xf32, #tpu.memory_space<vmem>>, vector<1x16xf32>,
      %slice3A_721 = vector.extract_strided_slice %get3A_148 {offsets = [5], sizes = [1], strides = [1]} : vector<16xf32> to vector<1xf32>
      %squeeze3A_722 = vector.extract %slice3A_721[0] : f32 from vector<1xf32>
      %slice3A_723 = vector.extract_strided_slice %get3A_157 {offsets = [5], sizes = [1], strides = [1]} : vector<16xf32> to vector<1xf32>
      %squeeze3A_724 = vector.extract %slice3A_723[0] : f32 from vector<1xf32>
      %slice3A_725 = vector.extract_strided_slice %get3A_166 {offsets = [5], sizes = [1], strides = [1]} : vector<16xf32> to vector<1xf32>
      %squeeze3A_726 = vector.extract %slice3A_725[0] : f32 from vector<1xf32>
      %slice3A_727 = vector.extract_strided_slice %get3A_175 {offsets = [5], sizes = [1], strides = [1]} : vector<16xf32> to vector<1xf32>
      %squeeze3A_728 = vector.extract %slice3A_727[0] : f32 from vector<1xf32>
      %mul3A_729 = arith.constant 16 : i32
      %mul3A_730 = arith.muli %scan3A_139, %mul3A_729 : i32
      %add3A_731 = arith.constant 5 : i32
      %add3A_732 = arith.addi %mul3A_730, %add3A_731 : i32
      %add3A_733 = arith.constant 0 : i32
      %add3A_734 = arith.addi %add3A_732, %add3A_733 : i32
      %broadcast_in_dim3A_735 = vector.broadcast %squeeze3A_722 : f32 to vector<16xf32>
      %broadcast_in_dim3A_736 = vector.broadcast %squeeze3A_724 : f32 to vector<16xf32>
      %select_n3A_737 = arith.select %eq3A_44, %broadcast_in_dim3A_735, %broadcast_in_dim3A_736 : vector<16xi1>, vector<16xf32>
      %broadcast_in_dim3A_738 = vector.broadcast %squeeze3A_726 : f32 to vector<16xf32>
      %broadcast_in_dim3A_739 = vector.broadcast %squeeze3A_728 : f32 to vector<16xf32>
      %select_n3A_740 = arith.select %eq3A_47, %broadcast_in_dim3A_738, %broadcast_in_dim3A_739 : vector<16xi1>, vector<16xf32>
      %select_n3A_741 = arith.select %lt3A_49, %select_n3A_737, %select_n3A_740 : vector<16xi1>, vector<16xf32>
      %swap3A_742 = arith.index_cast %add3A_734 : i32 to index
      %swap3A_743 = arith.constant 0 : index
      %swap3A_744 = tpu.vector_load %arg8[%swap3A_742, %swap3A_743] {strides = array<i32>} : memref<128x128xf32, #tpu.memory_space<vmem>>, vector<1x16xf32>,
      %swap3A_745 = vector.shape_cast %swap3A_744 : vector<1x16xf32> to vector<16xf32>
      %swap3A_746 = vector.shape_cast %select_n3A_741 : vector<16xf32> to vector<1x16xf32>
      tpu.vector_store %arg8[%swap3A_742, %swap3A_743], %swap3A_746 {strides = array<i32>} : memref<128x128xf32, #tpu.memory_space<vmem>>, vector<1x16xf32>,
      %broadcast_in_dim3A_747 = vector.broadcast %squeeze3A_722 : f32 to vector<16xf32>
      %broadcast_in_dim3A_748 = vector.broadcast %squeeze3A_724 : f32 to vector<16xf32>
      %select_n3A_749 = arith.select %eq3A_55, %broadcast_in_dim3A_747, %broadcast_in_dim3A_748 : vector<16xi1>, vector<16xf32>
      %broadcast_in_dim3A_750 = vector.broadcast %squeeze3A_726 : f32 to vector<16xf32>
      %broadcast_in_dim3A_751 = vector.broadcast %squeeze3A_728 : f32 to vector<16xf32>
      %select_n3A_752 = arith.select %eq3A_58, %broadcast_in_dim3A_750, %broadcast_in_dim3A_751 : vector<16xi1>, vector<16xf32>
      %select_n3A_753 = arith.select %lt3A_61, %select_n3A_749, %select_n3A_752 : vector<16xi1>, vector<16xf32>
      %swap3A_754 = arith.index_cast %add3A_734 : i32 to index
      %swap3A_755 = arith.constant 16 : index
      %swap3A_756 = tpu.vector_load %arg8[%swap3A_754, %swap3A_755] {strides = array<i32>} : memref<128x128xf32, #tpu.memory_space<vmem>>, vector<1x16xf32>,
      %swap3A_757 = vector.shape_cast %swap3A_756 : vector<1x16xf32> to vector<16xf32>
      %swap3A_758 = vector.shape_cast %select_n3A_753 : vector<16xf32> to vector<1x16xf32>
      tpu.vector_store %arg8[%swap3A_754, %swap3A_755], %swap3A_758 {strides = array<i32>} : memref<128x128xf32, #tpu.memory_space<vmem>>, vector<1x16xf32>,
      %broadcast_in_dim3A_759 = vector.broadcast %squeeze3A_722 : f32 to vector<16xf32>
      %broadcast_in_dim3A_760 = vector.broadcast %squeeze3A_724 : f32 to vector<16xf32>
      %select_n3A_761 = arith.select %eq3A_67, %broadcast_in_dim3A_759, %broadcast_in_dim3A_760 : vector<16xi1>, vector<16xf32>
      %broadcast_in_dim3A_762 = vector.broadcast %squeeze3A_726 : f32 to vector<16xf32>
      %broadcast_in_dim3A_763 = vector.broadcast %squeeze3A_728 : f32 to vector<16xf32>
      %select_n3A_764 = arith.select %eq3A_70, %broadcast_in_dim3A_762, %broadcast_in_dim3A_763 : vector<16xi1>, vector<16xf32>
      %select_n3A_765 = arith.select %lt3A_73, %select_n3A_761, %select_n3A_764 : vector<16xi1>, vector<16xf32>
      %swap3A_766 = arith.index_cast %add3A_734 : i32 to index
      %swap3A_767 = arith.constant 32 : index
      %swap3A_768 = tpu.vector_load %arg8[%swap3A_766, %swap3A_767] {strides = array<i32>} : memref<128x128xf32, #tpu.memory_space<vmem>>, vector<1x16xf32>,
      %swap3A_769 = vector.shape_cast %swap3A_768 : vector<1x16xf32> to vector<16xf32>
      %swap3A_770 = vector.shape_cast %select_n3A_765 : vector<16xf32> to vector<1x16xf32>
      tpu.vector_store %arg8[%swap3A_766, %swap3A_767], %swap3A_770 {strides = array<i32>} : memref<128x128xf32, #tpu.memory_space<vmem>>, vector<1x16xf32>,
      %broadcast_in_dim3A_771 = vector.broadcast %squeeze3A_722 : f32 to vector<16xf32>
      %broadcast_in_dim3A_772 = vector.broadcast %squeeze3A_724 : f32 to vector<16xf32>
      %select_n3A_773 = arith.select %eq3A_79, %broadcast_in_dim3A_771, %broadcast_in_dim3A_772 : vector<16xi1>, vector<16xf32>
      %broadcast_in_dim3A_774 = vector.broadcast %squeeze3A_726 : f32 to vector<16xf32>
      %broadcast_in_dim3A_775 = vector.broadcast %squeeze3A_728 : f32 to vector<16xf32>
      %select_n3A_776 = arith.select %eq3A_82, %broadcast_in_dim3A_774, %broadcast_in_dim3A_775 : vector<16xi1>, vector<16xf32>
      %select_n3A_777 = arith.select %lt3A_85, %select_n3A_773, %select_n3A_776 : vector<16xi1>, vector<16xf32>
      %swap3A_778 = arith.index_cast %add3A_734 : i32 to index
      %swap3A_779 = arith.constant 48 : index
      %swap3A_780 = tpu.vector_load %arg8[%swap3A_778, %swap3A_779] {strides = array<i32>} : memref<128x128xf32, #tpu.memory_space<vmem>>, vector<1x16xf32>,
      %swap3A_781 = vector.shape_cast %swap3A_780 : vector<1x16xf32> to vector<16xf32>
      %swap3A_782 = vector.shape_cast %select_n3A_777 : vector<16xf32> to vector<1x16xf32>
      tpu.vector_store %arg8[%swap3A_778, %swap3A_779], %swap3A_782 {strides = array<i32>} : memref<128x128xf32, #tpu.memory_space<vmem>>, vector<1x16xf32>,
      %broadcast_in_dim3A_783 = vector.broadcast %squeeze3A_722 : f32 to vector<16xf32>
      %broadcast_in_dim3A_784 = vector.broadcast %squeeze3A_724 : f32 to vector<16xf32>
      %select_n3A_785 = arith.select %eq3A_91, %broadcast_in_dim3A_783, %broadcast_in_dim3A_784 : vector<16xi1>, vector<16xf32>
      %broadcast_in_dim3A_786 = vector.broadcast %squeeze3A_726 : f32 to vector<16xf32>
      %broadcast_in_dim3A_787 = vector.broadcast %squeeze3A_728 : f32 to vector<16xf32>
      %select_n3A_788 = arith.select %eq3A_94, %broadcast_in_dim3A_786, %broadcast_in_dim3A_787 : vector<16xi1>, vector<16xf32>
      %select_n3A_789 = arith.select %lt3A_97, %select_n3A_785, %select_n3A_788 : vector<16xi1>, vector<16xf32>
      %swap3A_790 = arith.index_cast %add3A_734 : i32 to index
      %swap3A_791 = arith.constant 64 : index
      %swap3A_792 = tpu.vector_load %arg8[%swap3A_790, %swap3A_791] {strides = array<i32>} : memref<128x128xf32, #tpu.memory_space<vmem>>, vector<1x16xf32>,
      %swap3A_793 = vector.shape_cast %swap3A_792 : vector<1x16xf32> to vector<16xf32>
      %swap3A_794 = vector.shape_cast %select_n3A_789 : vector<16xf32> to vector<1x16xf32>
      tpu.vector_store %arg8[%swap3A_790, %swap3A_791], %swap3A_794 {strides = array<i32>} : memref<128x128xf32, #tpu.memory_space<vmem>>, vector<1x16xf32>,
      %broadcast_in_dim3A_795 = vector.broadcast %squeeze3A_722 : f32 to vector<16xf32>
      %broadcast_in_dim3A_796 = vector.broadcast %squeeze3A_724 : f32 to vector<16xf32>
      %select_n3A_797 = arith.select %eq3A_103, %broadcast_in_dim3A_795, %broadcast_in_dim3A_796 : vector<16xi1>, vector<16xf32>
      %broadcast_in_dim3A_798 = vector.broadcast %squeeze3A_726 : f32 to vector<16xf32>
      %broadcast_in_dim3A_799 = vector.broadcast %squeeze3A_728 : f32 to vector<16xf32>
      %select_n3A_800 = arith.select %eq3A_106, %broadcast_in_dim3A_798, %broadcast_in_dim3A_799 : vector<16xi1>, vector<16xf32>
      %select_n3A_801 = arith.select %lt3A_109, %select_n3A_797, %select_n3A_800 : vector<16xi1>, vector<16xf32>
      %swap3A_802 = arith.index_cast %add3A_734 : i32 to index
      %swap3A_803 = arith.constant 80 : index
      %swap3A_804 = tpu.vector_load %arg8[%swap3A_802, %swap3A_803] {strides = array<i32>} : memref<128x128xf32, #tpu.memory_space<vmem>>, vector<1x16xf32>,
      %swap3A_805 = vector.shape_cast %swap3A_804 : vector<1x16xf32> to vector<16xf32>
      %swap3A_806 = vector.shape_cast %select_n3A_801 : vector<16xf32> to vector<1x16xf32>
      tpu.vector_store %arg8[%swap3A_802, %swap3A_803], %swap3A_806 {strides = array<i32>} : memref<128x128xf32, #tpu.memory_space<vmem>>, vector<1x16xf32>,
      %broadcast_in_dim3A_807 = vector.broadcast %squeeze3A_722 : f32 to vector<16xf32>
      %broadcast_in_dim3A_808 = vector.broadcast %squeeze3A_724 : f32 to vector<16xf32>
      %select_n3A_809 = arith.select %eq3A_115, %broadcast_in_dim3A_807, %broadcast_in_dim3A_808 : vector<16xi1>, vector<16xf32>
      %broadcast_in_dim3A_810 = vector.broadcast %squeeze3A_726 : f32 to vector<16xf32>
      %broadcast_in_dim3A_811 = vector.broadcast %squeeze3A_728 : f32 to vector<16xf32>
      %select_n3A_812 = arith.select %eq3A_118, %broadcast_in_dim3A_810, %broadcast_in_dim3A_811 : vector<16xi1>, vector<16xf32>
      %select_n3A_813 = arith.select %lt3A_121, %select_n3A_809, %select_n3A_812 : vector<16xi1>, vector<16xf32>
      %swap3A_814 = arith.index_cast %add3A_734 : i32 to index
      %swap3A_815 = arith.constant 96 : index
      %swap3A_816 = tpu.vector_load %arg8[%swap3A_814, %swap3A_815] {strides = array<i32>} : memref<128x128xf32, #tpu.memory_space<vmem>>, vector<1x16xf32>,
      %swap3A_817 = vector.shape_cast %swap3A_816 : vector<1x16xf32> to vector<16xf32>
      %swap3A_818 = vector.shape_cast %select_n3A_813 : vector<16xf32> to vector<1x16xf32>
      tpu.vector_store %arg8[%swap3A_814, %swap3A_815], %swap3A_818 {strides = array<i32>} : memref<128x128xf32, #tpu.memory_space<vmem>>, vector<1x16xf32>,
      %broadcast_in_dim3A_819 = vector.broadcast %squeeze3A_722 : f32 to vector<16xf32>
      %broadcast_in_dim3A_820 = vector.broadcast %squeeze3A_724 : f32 to vector<16xf32>
      %select_n3A_821 = arith.select %eq3A_127, %broadcast_in_dim3A_819, %broadcast_in_dim3A_820 : vector<16xi1>, vector<16xf32>
      %broadcast_in_dim3A_822 = vector.broadcast %squeeze3A_726 : f32 to vector<16xf32>
      %broadcast_in_dim3A_823 = vector.broadcast %squeeze3A_728 : f32 to vector<16xf32>
      %select_n3A_824 = arith.select %eq3A_130, %broadcast_in_dim3A_822, %broadcast_in_dim3A_823 : vector<16xi1>, vector<16xf32>
      %select_n3A_825 = arith.select %lt3A_133, %select_n3A_821, %select_n3A_824 : vector<16xi1>, vector<16xf32>
      %swap3A_826 = arith.index_cast %add3A_734 : i32 to index
      %swap3A_827 = arith.constant 112 : index
      %swap3A_828 = tpu.vector_load %arg8[%swap3A_826, %swap3A_827] {strides = array<i32>} : memref<128x128xf32, #tpu.memory_space<vmem>>, vector<1x16xf32>,
      %swap3A_829 = vector.shape_cast %swap3A_828 : vector<1x16xf32> to vector<16xf32>
      %swap3A_830 = vector.shape_cast %select_n3A_825 : vector<16xf32> to vector<1x16xf32>
      tpu.vector_store %arg8[%swap3A_826, %swap3A_827], %swap3A_830 {strides = array<i32>} : memref<128x128xf32, #tpu.memory_space<vmem>>, vector<1x16xf32>,
      %slice3A_831 = vector.extract_strided_slice %get3A_148 {offsets = [6], sizes = [1], strides = [1]} : vector<16xf32> to vector<1xf32>
      %squeeze3A_832 = vector.extract %slice3A_831[0] : f32 from vector<1xf32>
      %slice3A_833 = vector.extract_strided_slice %get3A_157 {offsets = [6], sizes = [1], strides = [1]} : vector<16xf32> to vector<1xf32>
      %squeeze3A_834 = vector.extract %slice3A_833[0] : f32 from vector<1xf32>
      %slice3A_835 = vector.extract_strided_slice %get3A_166 {offsets = [6], sizes = [1], strides = [1]} : vector<16xf32> to vector<1xf32>
      %squeeze3A_836 = vector.extract %slice3A_835[0] : f32 from vector<1xf32>
      %slice3A_837 = vector.extract_strided_slice %get3A_175 {offsets = [6], sizes = [1], strides = [1]} : vector<16xf32> to vector<1xf32>
      %squeeze3A_838 = vector.extract %slice3A_837[0] : f32 from vector<1xf32>
      %mul3A_839 = arith.constant 16 : i32
      %mul3A_840 = arith.muli %scan3A_139, %mul3A_839 : i32
      %add3A_841 = arith.constant 6 : i32
      %add3A_842 = arith.addi %mul3A_840, %add3A_841 : i32
      %add3A_843 = arith.constant 0 : i32
      %add3A_844 = arith.addi %add3A_842, %add3A_843 : i32
      %broadcast_in_dim3A_845 = vector.broadcast %squeeze3A_832 : f32 to vector<16xf32>
      %broadcast_in_dim3A_846 = vector.broadcast %squeeze3A_834 : f32 to vector<16xf32>
      %select_n3A_847 = arith.select %eq3A_44, %broadcast_in_dim3A_845, %broadcast_in_dim3A_846 : vector<16xi1>, vector<16xf32>
      %broadcast_in_dim3A_848 = vector.broadcast %squeeze3A_836 : f32 to vector<16xf32>
      %broadcast_in_dim3A_849 = vector.broadcast %squeeze3A_838 : f32 to vector<16xf32>
      %select_n3A_850 = arith.select %eq3A_47, %broadcast_in_dim3A_848, %broadcast_in_dim3A_849 : vector<16xi1>, vector<16xf32>
      %select_n3A_851 = arith.select %lt3A_49, %select_n3A_847, %select_n3A_850 : vector<16xi1>, vector<16xf32>
      %swap3A_852 = arith.index_cast %add3A_844 : i32 to index
      %swap3A_853 = arith.constant 0 : index
      %swap3A_854 = tpu.vector_load %arg8[%swap3A_852, %swap3A_853] {strides = array<i32>} : memref<128x128xf32, #tpu.memory_space<vmem>>, vector<1x16xf32>,
      %swap3A_855 = vector.shape_cast %swap3A_854 : vector<1x16xf32> to vector<16xf32>
      %swap3A_856 = vector.shape_cast %select_n3A_851 : vector<16xf32> to vector<1x16xf32>
      tpu.vector_store %arg8[%swap3A_852, %swap3A_853], %swap3A_856 {strides = array<i32>} : memref<128x128xf32, #tpu.memory_space<vmem>>, vector<1x16xf32>,
      %broadcast_in_dim3A_857 = vector.broadcast %squeeze3A_832 : f32 to vector<16xf32>
      %broadcast_in_dim3A_858 = vector.broadcast %squeeze3A_834 : f32 to vector<16xf32>
      %select_n3A_859 = arith.select %eq3A_55, %broadcast_in_dim3A_857, %broadcast_in_dim3A_858 : vector<16xi1>, vector<16xf32>
      %broadcast_in_dim3A_860 = vector.broadcast %squeeze3A_836 : f32 to vector<16xf32>
      %broadcast_in_dim3A_861 = vector.broadcast %squeeze3A_838 : f32 to vector<16xf32>
      %select_n3A_862 = arith.select %eq3A_58, %broadcast_in_dim3A_860, %broadcast_in_dim3A_861 : vector<16xi1>, vector<16xf32>
      %select_n3A_863 = arith.select %lt3A_61, %select_n3A_859, %select_n3A_862 : vector<16xi1>, vector<16xf32>
      %swap3A_864 = arith.index_cast %add3A_844 : i32 to index
      %swap3A_865 = arith.constant 16 : index
      %swap3A_866 = tpu.vector_load %arg8[%swap3A_864, %swap3A_865] {strides = array<i32>} : memref<128x128xf32, #tpu.memory_space<vmem>>, vector<1x16xf32>,
      %swap3A_867 = vector.shape_cast %swap3A_866 : vector<1x16xf32> to vector<16xf32>
      %swap3A_868 = vector.shape_cast %select_n3A_863 : vector<16xf32> to vector<1x16xf32>
      tpu.vector_store %arg8[%swap3A_864, %swap3A_865], %swap3A_868 {strides = array<i32>} : memref<128x128xf32, #tpu.memory_space<vmem>>, vector<1x16xf32>,
      %broadcast_in_dim3A_869 = vector.broadcast %squeeze3A_832 : f32 to vector<16xf32>
      %broadcast_in_dim3A_870 = vector.broadcast %squeeze3A_834 : f32 to vector<16xf32>
      %select_n3A_871 = arith.select %eq3A_67, %broadcast_in_dim3A_869, %broadcast_in_dim3A_870 : vector<16xi1>, vector<16xf32>
      %broadcast_in_dim3A_872 = vector.broadcast %squeeze3A_836 : f32 to vector<16xf32>
      %broadcast_in_dim3A_873 = vector.broadcast %squeeze3A_838 : f32 to vector<16xf32>
      %select_n3A_874 = arith.select %eq3A_70, %broadcast_in_dim3A_872, %broadcast_in_dim3A_873 : vector<16xi1>, vector<16xf32>
      %select_n3A_875 = arith.select %lt3A_73, %select_n3A_871, %select_n3A_874 : vector<16xi1>, vector<16xf32>
      %swap3A_876 = arith.index_cast %add3A_844 : i32 to index
      %swap3A_877 = arith.constant 32 : index
      %swap3A_878 = tpu.vector_load %arg8[%swap3A_876, %swap3A_877] {strides = array<i32>} : memref<128x128xf32, #tpu.memory_space<vmem>>, vector<1x16xf32>,
      %swap3A_879 = vector.shape_cast %swap3A_878 : vector<1x16xf32> to vector<16xf32>
      %swap3A_880 = vector.shape_cast %select_n3A_875 : vector<16xf32> to vector<1x16xf32>
      tpu.vector_store %arg8[%swap3A_876, %swap3A_877], %swap3A_880 {strides = array<i32>} : memref<128x128xf32, #tpu.memory_space<vmem>>, vector<1x16xf32>,
      %broadcast_in_dim3A_881 = vector.broadcast %squeeze3A_832 : f32 to vector<16xf32>
      %broadcast_in_dim3A_882 = vector.broadcast %squeeze3A_834 : f32 to vector<16xf32>
      %select_n3A_883 = arith.select %eq3A_79, %broadcast_in_dim3A_881, %broadcast_in_dim3A_882 : vector<16xi1>, vector<16xf32>
      %broadcast_in_dim3A_884 = vector.broadcast %squeeze3A_836 : f32 to vector<16xf32>
      %broadcast_in_dim3A_885 = vector.broadcast %squeeze3A_838 : f32 to vector<16xf32>
      %select_n3A_886 = arith.select %eq3A_82, %broadcast_in_dim3A_884, %broadcast_in_dim3A_885 : vector<16xi1>, vector<16xf32>
      %select_n3A_887 = arith.select %lt3A_85, %select_n3A_883, %select_n3A_886 : vector<16xi1>, vector<16xf32>
      %swap3A_888 = arith.index_cast %add3A_844 : i32 to index
      %swap3A_889 = arith.constant 48 : index
      %swap3A_890 = tpu.vector_load %arg8[%swap3A_888, %swap3A_889] {strides = array<i32>} : memref<128x128xf32, #tpu.memory_space<vmem>>, vector<1x16xf32>,
      %swap3A_891 = vector.shape_cast %swap3A_890 : vector<1x16xf32> to vector<16xf32>
      %swap3A_892 = vector.shape_cast %select_n3A_887 : vector<16xf32> to vector<1x16xf32>
      tpu.vector_store %arg8[%swap3A_888, %swap3A_889], %swap3A_892 {strides = array<i32>} : memref<128x128xf32, #tpu.memory_space<vmem>>, vector<1x16xf32>,
      %broadcast_in_dim3A_893 = vector.broadcast %squeeze3A_832 : f32 to vector<16xf32>
      %broadcast_in_dim3A_894 = vector.broadcast %squeeze3A_834 : f32 to vector<16xf32>
      %select_n3A_895 = arith.select %eq3A_91, %broadcast_in_dim3A_893, %broadcast_in_dim3A_894 : vector<16xi1>, vector<16xf32>
      %broadcast_in_dim3A_896 = vector.broadcast %squeeze3A_836 : f32 to vector<16xf32>
      %broadcast_in_dim3A_897 = vector.broadcast %squeeze3A_838 : f32 to vector<16xf32>
      %select_n3A_898 = arith.select %eq3A_94, %broadcast_in_dim3A_896, %broadcast_in_dim3A_897 : vector<16xi1>, vector<16xf32>
      %select_n3A_899 = arith.select %lt3A_97, %select_n3A_895, %select_n3A_898 : vector<16xi1>, vector<16xf32>
      %swap3A_900 = arith.index_cast %add3A_844 : i32 to index
      %swap3A_901 = arith.constant 64 : index
      %swap3A_902 = tpu.vector_load %arg8[%swap3A_900, %swap3A_901] {strides = array<i32>} : memref<128x128xf32, #tpu.memory_space<vmem>>, vector<1x16xf32>,
      %swap3A_903 = vector.shape_cast %swap3A_902 : vector<1x16xf32> to vector<16xf32>
      %swap3A_904 = vector.shape_cast %select_n3A_899 : vector<16xf32> to vector<1x16xf32>
      tpu.vector_store %arg8[%swap3A_900, %swap3A_901], %swap3A_904 {strides = array<i32>} : memref<128x128xf32, #tpu.memory_space<vmem>>, vector<1x16xf32>,
      %broadcast_in_dim3A_905 = vector.broadcast %squeeze3A_832 : f32 to vector<16xf32>
      %broadcast_in_dim3A_906 = vector.broadcast %squeeze3A_834 : f32 to vector<16xf32>
      %select_n3A_907 = arith.select %eq3A_103, %broadcast_in_dim3A_905, %broadcast_in_dim3A_906 : vector<16xi1>, vector<16xf32>
      %broadcast_in_dim3A_908 = vector.broadcast %squeeze3A_836 : f32 to vector<16xf32>
      %broadcast_in_dim3A_909 = vector.broadcast %squeeze3A_838 : f32 to vector<16xf32>
      %select_n3A_910 = arith.select %eq3A_106, %broadcast_in_dim3A_908, %broadcast_in_dim3A_909 : vector<16xi1>, vector<16xf32>
      %select_n3A_911 = arith.select %lt3A_109, %select_n3A_907, %select_n3A_910 : vector<16xi1>, vector<16xf32>
      %swap3A_912 = arith.index_cast %add3A_844 : i32 to index
      %swap3A_913 = arith.constant 80 : index
      %swap3A_914 = tpu.vector_load %arg8[%swap3A_912, %swap3A_913] {strides = array<i32>} : memref<128x128xf32, #tpu.memory_space<vmem>>, vector<1x16xf32>,
      %swap3A_915 = vector.shape_cast %swap3A_914 : vector<1x16xf32> to vector<16xf32>
      %swap3A_916 = vector.shape_cast %select_n3A_911 : vector<16xf32> to vector<1x16xf32>
      tpu.vector_store %arg8[%swap3A_912, %swap3A_913], %swap3A_916 {strides = array<i32>} : memref<128x128xf32, #tpu.memory_space<vmem>>, vector<1x16xf32>,
      %broadcast_in_dim3A_917 = vector.broadcast %squeeze3A_832 : f32 to vector<16xf32>
      %broadcast_in_dim3A_918 = vector.broadcast %squeeze3A_834 : f32 to vector<16xf32>
      %select_n3A_919 = arith.select %eq3A_115, %broadcast_in_dim3A_917, %broadcast_in_dim3A_918 : vector<16xi1>, vector<16xf32>
      %broadcast_in_dim3A_920 = vector.broadcast %squeeze3A_836 : f32 to vector<16xf32>
      %broadcast_in_dim3A_921 = vector.broadcast %squeeze3A_838 : f32 to vector<16xf32>
      %select_n3A_922 = arith.select %eq3A_118, %broadcast_in_dim3A_920, %broadcast_in_dim3A_921 : vector<16xi1>, vector<16xf32>
      %select_n3A_923 = arith.select %lt3A_121, %select_n3A_919, %select_n3A_922 : vector<16xi1>, vector<16xf32>
      %swap3A_924 = arith.index_cast %add3A_844 : i32 to index
      %swap3A_925 = arith.constant 96 : index
      %swap3A_926 = tpu.vector_load %arg8[%swap3A_924, %swap3A_925] {strides = array<i32>} : memref<128x128xf32, #tpu.memory_space<vmem>>, vector<1x16xf32>,
      %swap3A_927 = vector.shape_cast %swap3A_926 : vector<1x16xf32> to vector<16xf32>
      %swap3A_928 = vector.shape_cast %select_n3A_923 : vector<16xf32> to vector<1x16xf32>
      tpu.vector_store %arg8[%swap3A_924, %swap3A_925], %swap3A_928 {strides = array<i32>} : memref<128x128xf32, #tpu.memory_space<vmem>>, vector<1x16xf32>,
      %broadcast_in_dim3A_929 = vector.broadcast %squeeze3A_832 : f32 to vector<16xf32>
      %broadcast_in_dim3A_930 = vector.broadcast %squeeze3A_834 : f32 to vector<16xf32>
      %select_n3A_931 = arith.select %eq3A_127, %broadcast_in_dim3A_929, %broadcast_in_dim3A_930 : vector<16xi1>, vector<16xf32>
      %broadcast_in_dim3A_932 = vector.broadcast %squeeze3A_836 : f32 to vector<16xf32>
      %broadcast_in_dim3A_933 = vector.broadcast %squeeze3A_838 : f32 to vector<16xf32>
      %select_n3A_934 = arith.select %eq3A_130, %broadcast_in_dim3A_932, %broadcast_in_dim3A_933 : vector<16xi1>, vector<16xf32>
      %select_n3A_935 = arith.select %lt3A_133, %select_n3A_931, %select_n3A_934 : vector<16xi1>, vector<16xf32>
      %swap3A_936 = arith.index_cast %add3A_844 : i32 to index
      %swap3A_937 = arith.constant 112 : index
      %swap3A_938 = tpu.vector_load %arg8[%swap3A_936, %swap3A_937] {strides = array<i32>} : memref<128x128xf32, #tpu.memory_space<vmem>>, vector<1x16xf32>,
      %swap3A_939 = vector.shape_cast %swap3A_938 : vector<1x16xf32> to vector<16xf32>
      %swap3A_940 = vector.shape_cast %select_n3A_935 : vector<16xf32> to vector<1x16xf32>
      tpu.vector_store %arg8[%swap3A_936, %swap3A_937], %swap3A_940 {strides = array<i32>} : memref<128x128xf32, #tpu.memory_space<vmem>>, vector<1x16xf32>,
      %slice3A_941 = vector.extract_strided_slice %get3A_148 {offsets = [7], sizes = [1], strides = [1]} : vector<16xf32> to vector<1xf32>
      %squeeze3A_942 = vector.extract %slice3A_941[0] : f32 from vector<1xf32>
      %slice3A_943 = vector.extract_strided_slice %get3A_157 {offsets = [7], sizes = [1], strides = [1]} : vector<16xf32> to vector<1xf32>
      %squeeze3A_944 = vector.extract %slice3A_943[0] : f32 from vector<1xf32>
      %slice3A_945 = vector.extract_strided_slice %get3A_166 {offsets = [7], sizes = [1], strides = [1]} : vector<16xf32> to vector<1xf32>
      %squeeze3A_946 = vector.extract %slice3A_945[0] : f32 from vector<1xf32>
      %slice3A_947 = vector.extract_strided_slice %get3A_175 {offsets = [7], sizes = [1], strides = [1]} : vector<16xf32> to vector<1xf32>
      %squeeze3A_948 = vector.extract %slice3A_947[0] : f32 from vector<1xf32>
      %mul3A_949 = arith.constant 16 : i32
      %mul3A_950 = arith.muli %scan3A_139, %mul3A_949 : i32
      %add3A_951 = arith.constant 7 : i32
      %add3A_952 = arith.addi %mul3A_950, %add3A_951 : i32
      %add3A_953 = arith.constant 0 : i32
      %add3A_954 = arith.addi %add3A_952, %add3A_953 : i32
      %broadcast_in_dim3A_955 = vector.broadcast %squeeze3A_942 : f32 to vector<16xf32>
      %broadcast_in_dim3A_956 = vector.broadcast %squeeze3A_944 : f32 to vector<16xf32>
      %select_n3A_957 = arith.select %eq3A_44, %broadcast_in_dim3A_955, %broadcast_in_dim3A_956 : vector<16xi1>, vector<16xf32>
      %broadcast_in_dim3A_958 = vector.broadcast %squeeze3A_946 : f32 to vector<16xf32>
      %broadcast_in_dim3A_959 = vector.broadcast %squeeze3A_948 : f32 to vector<16xf32>
      %select_n3A_960 = arith.select %eq3A_47, %broadcast_in_dim3A_958, %broadcast_in_dim3A_959 : vector<16xi1>, vector<16xf32>
      %select_n3A_961 = arith.select %lt3A_49, %select_n3A_957, %select_n3A_960 : vector<16xi1>, vector<16xf32>
      %swap3A_962 = arith.index_cast %add3A_954 : i32 to index
      %swap3A_963 = arith.constant 0 : index
      %swap3A_964 = tpu.vector_load %arg8[%swap3A_962, %swap3A_963] {strides = array<i32>} : memref<128x128xf32, #tpu.memory_space<vmem>>, vector<1x16xf32>,
      %swap3A_965 = vector.shape_cast %swap3A_964 : vector<1x16xf32> to vector<16xf32>
      %swap3A_966 = vector.shape_cast %select_n3A_961 : vector<16xf32> to vector<1x16xf32>
      tpu.vector_store %arg8[%swap3A_962, %swap3A_963], %swap3A_966 {strides = array<i32>} : memref<128x128xf32, #tpu.memory_space<vmem>>, vector<1x16xf32>,
      %broadcast_in_dim3A_967 = vector.broadcast %squeeze3A_942 : f32 to vector<16xf32>
      %broadcast_in_dim3A_968 = vector.broadcast %squeeze3A_944 : f32 to vector<16xf32>
      %select_n3A_969 = arith.select %eq3A_55, %broadcast_in_dim3A_967, %broadcast_in_dim3A_968 : vector<16xi1>, vector<16xf32>
      %broadcast_in_dim3A_970 = vector.broadcast %squeeze3A_946 : f32 to vector<16xf32>
      %broadcast_in_dim3A_971 = vector.broadcast %squeeze3A_948 : f32 to vector<16xf32>
      %select_n3A_972 = arith.select %eq3A_58, %broadcast_in_dim3A_970, %broadcast_in_dim3A_971 : vector<16xi1>, vector<16xf32>
      %select_n3A_973 = arith.select %lt3A_61, %select_n3A_969, %select_n3A_972 : vector<16xi1>, vector<16xf32>
      %swap3A_974 = arith.index_cast %add3A_954 : i32 to index
      %swap3A_975 = arith.constant 16 : index
      %swap3A_976 = tpu.vector_load %arg8[%swap3A_974, %swap3A_975] {strides = array<i32>} : memref<128x128xf32, #tpu.memory_space<vmem>>, vector<1x16xf32>,
      %swap3A_977 = vector.shape_cast %swap3A_976 : vector<1x16xf32> to vector<16xf32>
      %swap3A_978 = vector.shape_cast %select_n3A_973 : vector<16xf32> to vector<1x16xf32>
      tpu.vector_store %arg8[%swap3A_974, %swap3A_975], %swap3A_978 {strides = array<i32>} : memref<128x128xf32, #tpu.memory_space<vmem>>, vector<1x16xf32>,
      %broadcast_in_dim3A_979 = vector.broadcast %squeeze3A_942 : f32 to vector<16xf32>
      %broadcast_in_dim3A_980 = vector.broadcast %squeeze3A_944 : f32 to vector<16xf32>
      %select_n3A_981 = arith.select %eq3A_67, %broadcast_in_dim3A_979, %broadcast_in_dim3A_980 : vector<16xi1>, vector<16xf32>
      %broadcast_in_dim3A_982 = vector.broadcast %squeeze3A_946 : f32 to vector<16xf32>
      %broadcast_in_dim3A_983 = vector.broadcast %squeeze3A_948 : f32 to vector<16xf32>
      %select_n3A_984 = arith.select %eq3A_70, %broadcast_in_dim3A_982, %broadcast_in_dim3A_983 : vector<16xi1>, vector<16xf32>
      %select_n3A_985 = arith.select %lt3A_73, %select_n3A_981, %select_n3A_984 : vector<16xi1>, vector<16xf32>
      %swap3A_986 = arith.index_cast %add3A_954 : i32 to index
      %swap3A_987 = arith.constant 32 : index
      %swap3A_988 = tpu.vector_load %arg8[%swap3A_986, %swap3A_987] {strides = array<i32>} : memref<128x128xf32, #tpu.memory_space<vmem>>, vector<1x16xf32>,
      %swap3A_989 = vector.shape_cast %swap3A_988 : vector<1x16xf32> to vector<16xf32>
      %swap3A_990 = vector.shape_cast %select_n3A_985 : vector<16xf32> to vector<1x16xf32>
      tpu.vector_store %arg8[%swap3A_986, %swap3A_987], %swap3A_990 {strides = array<i32>} : memref<128x128xf32, #tpu.memory_space<vmem>>, vector<1x16xf32>,
      %broadcast_in_dim3A_991 = vector.broadcast %squeeze3A_942 : f32 to vector<16xf32>
      %broadcast_in_dim3A_992 = vector.broadcast %squeeze3A_944 : f32 to vector<16xf32>
      %select_n3A_993 = arith.select %eq3A_79, %broadcast_in_dim3A_991, %broadcast_in_dim3A_992 : vector<16xi1>, vector<16xf32>
      %broadcast_in_dim3A_994 = vector.broadcast %squeeze3A_946 : f32 to vector<16xf32>
      %broadcast_in_dim3A_995 = vector.broadcast %squeeze3A_948 : f32 to vector<16xf32>
      %select_n3A_996 = arith.select %eq3A_82, %broadcast_in_dim3A_994, %broadcast_in_dim3A_995 : vector<16xi1>, vector<16xf32>
      %select_n3A_997 = arith.select %lt3A_85, %select_n3A_993, %select_n3A_996 : vector<16xi1>, vector<16xf32>
      %swap3A_998 = arith.index_cast %add3A_954 : i32 to index
      %swap3A_999 = arith.constant 48 : index
      %swap3A_1000 = tpu.vector_load %arg8[%swap3A_998, %swap3A_999] {strides = array<i32>} : memref<128x128xf32, #tpu.memory_space<vmem>>, vector<1x16xf32>,
      %swap3A_1001 = vector.shape_cast %swap3A_1000 : vector<1x16xf32> to vector<16xf32>
      %swap3A_1002 = vector.shape_cast %select_n3A_997 : vector<16xf32> to vector<1x16xf32>
      tpu.vector_store %arg8[%swap3A_998, %swap3A_999], %swap3A_1002 {strides = array<i32>} : memref<128x128xf32, #tpu.memory_space<vmem>>, vector<1x16xf32>,
      %broadcast_in_dim3A_1003 = vector.broadcast %squeeze3A_942 : f32 to vector<16xf32>
      %broadcast_in_dim3A_1004 = vector.broadcast %squeeze3A_944 : f32 to vector<16xf32>
      %select_n3A_1005 = arith.select %eq3A_91, %broadcast_in_dim3A_1003, %broadcast_in_dim3A_1004 : vector<16xi1>, vector<16xf32>
      %broadcast_in_dim3A_1006 = vector.broadcast %squeeze3A_946 : f32 to vector<16xf32>
      %broadcast_in_dim3A_1007 = vector.broadcast %squeeze3A_948 : f32 to vector<16xf32>
      %select_n3A_1008 = arith.select %eq3A_94, %broadcast_in_dim3A_1006, %broadcast_in_dim3A_1007 : vector<16xi1>, vector<16xf32>
      %select_n3A_1009 = arith.select %lt3A_97, %select_n3A_1005, %select_n3A_1008 : vector<16xi1>, vector<16xf32>
      %swap3A_1010 = arith.index_cast %add3A_954 : i32 to index
      %swap3A_1011 = arith.constant 64 : index
      %swap3A_1012 = tpu.vector_load %arg8[%swap3A_1010, %swap3A_1011] {strides = array<i32>} : memref<128x128xf32, #tpu.memory_space<vmem>>, vector<1x16xf32>,
      %swap3A_1013 = vector.shape_cast %swap3A_1012 : vector<1x16xf32> to vector<16xf32>
      %swap3A_1014 = vector.shape_cast %select_n3A_1009 : vector<16xf32> to vector<1x16xf32>
      tpu.vector_store %arg8[%swap3A_1010, %swap3A_1011], %swap3A_1014 {strides = array<i32>} : memref<128x128xf32, #tpu.memory_space<vmem>>, vector<1x16xf32>,
      %broadcast_in_dim3A_1015 = vector.broadcast %squeeze3A_942 : f32 to vector<16xf32>
      %broadcast_in_dim3A_1016 = vector.broadcast %squeeze3A_944 : f32 to vector<16xf32>
      %select_n3A_1017 = arith.select %eq3A_103, %broadcast_in_dim3A_1015, %broadcast_in_dim3A_1016 : vector<16xi1>, vector<16xf32>
      %broadcast_in_dim3A_1018 = vector.broadcast %squeeze3A_946 : f32 to vector<16xf32>
      %broadcast_in_dim3A_1019 = vector.broadcast %squeeze3A_948 : f32 to vector<16xf32>
      %select_n3A_1020 = arith.select %eq3A_106, %broadcast_in_dim3A_1018, %broadcast_in_dim3A_1019 : vector<16xi1>, vector<16xf32>
      %select_n3A_1021 = arith.select %lt3A_109, %select_n3A_1017, %select_n3A_1020 : vector<16xi1>, vector<16xf32>
      %swap3A_1022 = arith.index_cast %add3A_954 : i32 to index
      %swap3A_1023 = arith.constant 80 : index
      %swap3A_1024 = tpu.vector_load %arg8[%swap3A_1022, %swap3A_1023] {strides = array<i32>} : memref<128x128xf32, #tpu.memory_space<vmem>>, vector<1x16xf32>,
      %swap3A_1025 = vector.shape_cast %swap3A_1024 : vector<1x16xf32> to vector<16xf32>
      %swap3A_1026 = vector.shape_cast %select_n3A_1021 : vector<16xf32> to vector<1x16xf32>
      tpu.vector_store %arg8[%swap3A_1022, %swap3A_1023], %swap3A_1026 {strides = array<i32>} : memref<128x128xf32, #tpu.memory_space<vmem>>, vector<1x16xf32>,
      %broadcast_in_dim3A_1027 = vector.broadcast %squeeze3A_942 : f32 to vector<16xf32>
      %broadcast_in_dim3A_1028 = vector.broadcast %squeeze3A_944 : f32 to vector<16xf32>
      %select_n3A_1029 = arith.select %eq3A_115, %broadcast_in_dim3A_1027, %broadcast_in_dim3A_1028 : vector<16xi1>, vector<16xf32>
      %broadcast_in_dim3A_1030 = vector.broadcast %squeeze3A_946 : f32 to vector<16xf32>
      %broadcast_in_dim3A_1031 = vector.broadcast %squeeze3A_948 : f32 to vector<16xf32>
      %select_n3A_1032 = arith.select %eq3A_118, %broadcast_in_dim3A_1030, %broadcast_in_dim3A_1031 : vector<16xi1>, vector<16xf32>
      %select_n3A_1033 = arith.select %lt3A_121, %select_n3A_1029, %select_n3A_1032 : vector<16xi1>, vector<16xf32>
      %swap3A_1034 = arith.index_cast %add3A_954 : i32 to index
      %swap3A_1035 = arith.constant 96 : index
      %swap3A_1036 = tpu.vector_load %arg8[%swap3A_1034, %swap3A_1035] {strides = array<i32>} : memref<128x128xf32, #tpu.memory_space<vmem>>, vector<1x16xf32>,
      %swap3A_1037 = vector.shape_cast %swap3A_1036 : vector<1x16xf32> to vector<16xf32>
      %swap3A_1038 = vector.shape_cast %select_n3A_1033 : vector<16xf32> to vector<1x16xf32>
      tpu.vector_store %arg8[%swap3A_1034, %swap3A_1035], %swap3A_1038 {strides = array<i32>} : memref<128x128xf32, #tpu.memory_space<vmem>>, vector<1x16xf32>,
      %broadcast_in_dim3A_1039 = vector.broadcast %squeeze3A_942 : f32 to vector<16xf32>
      %broadcast_in_dim3A_1040 = vector.broadcast %squeeze3A_944 : f32 to vector<16xf32>
      %select_n3A_1041 = arith.select %eq3A_127, %broadcast_in_dim3A_1039, %broadcast_in_dim3A_1040 : vector<16xi1>, vector<16xf32>
      %broadcast_in_dim3A_1042 = vector.broadcast %squeeze3A_946 : f32 to vector<16xf32>
      %broadcast_in_dim3A_1043 = vector.broadcast %squeeze3A_948 : f32 to vector<16xf32>
      %select_n3A_1044 = arith.select %eq3A_130, %broadcast_in_dim3A_1042, %broadcast_in_dim3A_1043 : vector<16xi1>, vector<16xf32>
      %select_n3A_1045 = arith.select %lt3A_133, %select_n3A_1041, %select_n3A_1044 : vector<16xi1>, vector<16xf32>
      %swap3A_1046 = arith.index_cast %add3A_954 : i32 to index
      %swap3A_1047 = arith.constant 112 : index
      %swap3A_1048 = tpu.vector_load %arg8[%swap3A_1046, %swap3A_1047] {strides = array<i32>} : memref<128x128xf32, #tpu.memory_space<vmem>>, vector<1x16xf32>,
      %swap3A_1049 = vector.shape_cast %swap3A_1048 : vector<1x16xf32> to vector<16xf32>
      %swap3A_1050 = vector.shape_cast %select_n3A_1045 : vector<16xf32> to vector<1x16xf32>
      tpu.vector_store %arg8[%swap3A_1046, %swap3A_1047], %swap3A_1050 {strides = array<i32>} : memref<128x128xf32, #tpu.memory_space<vmem>>, vector<1x16xf32>,
      %slice3A_1051 = vector.extract_strided_slice %get3A_148 {offsets = [8], sizes = [1], strides = [1]} : vector<16xf32> to vector<1xf32>
      %squeeze3A_1052 = vector.extract %slice3A_1051[0] : f32 from vector<1xf32>
      %slice3A_1053 = vector.extract_strided_slice %get3A_157 {offsets = [8], sizes = [1], strides = [1]} : vector<16xf32> to vector<1xf32>
      %squeeze3A_1054 = vector.extract %slice3A_1053[0] : f32 from vector<1xf32>
      %slice3A_1055 = vector.extract_strided_slice %get3A_166 {offsets = [8], sizes = [1], strides = [1]} : vector<16xf32> to vector<1xf32>
      %squeeze3A_1056 = vector.extract %slice3A_1055[0] : f32 from vector<1xf32>
      %slice3A_1057 = vector.extract_strided_slice %get3A_175 {offsets = [8], sizes = [1], strides = [1]} : vector<16xf32> to vector<1xf32>
      %squeeze3A_1058 = vector.extract %slice3A_1057[0] : f32 from vector<1xf32>
      %mul3A_1059 = arith.constant 16 : i32
      %mul3A_1060 = arith.muli %scan3A_139, %mul3A_1059 : i32
      %add3A_1061 = arith.constant 8 : i32
      %add3A_1062 = arith.addi %mul3A_1060, %add3A_1061 : i32
      %add3A_1063 = arith.constant 0 : i32
      %add3A_1064 = arith.addi %add3A_1062, %add3A_1063 : i32
      %broadcast_in_dim3A_1065 = vector.broadcast %squeeze3A_1052 : f32 to vector<16xf32>
      %broadcast_in_dim3A_1066 = vector.broadcast %squeeze3A_1054 : f32 to vector<16xf32>
      %select_n3A_1067 = arith.select %eq3A_44, %broadcast_in_dim3A_1065, %broadcast_in_dim3A_1066 : vector<16xi1>, vector<16xf32>
      %broadcast_in_dim3A_1068 = vector.broadcast %squeeze3A_1056 : f32 to vector<16xf32>
      %broadcast_in_dim3A_1069 = vector.broadcast %squeeze3A_1058 : f32 to vector<16xf32>
      %select_n3A_1070 = arith.select %eq3A_47, %broadcast_in_dim3A_1068, %broadcast_in_dim3A_1069 : vector<16xi1>, vector<16xf32>
      %select_n3A_1071 = arith.select %lt3A_49, %select_n3A_1067, %select_n3A_1070 : vector<16xi1>, vector<16xf32>
      %swap3A_1072 = arith.index_cast %add3A_1064 : i32 to index
      %swap3A_1073 = arith.constant 0 : index
      %swap3A_1074 = tpu.vector_load %arg8[%swap3A_1072, %swap3A_1073] {strides = array<i32>} : memref<128x128xf32, #tpu.memory_space<vmem>>, vector<1x16xf32>,
      %swap3A_1075 = vector.shape_cast %swap3A_1074 : vector<1x16xf32> to vector<16xf32>
      %swap3A_1076 = vector.shape_cast %select_n3A_1071 : vector<16xf32> to vector<1x16xf32>
      tpu.vector_store %arg8[%swap3A_1072, %swap3A_1073], %swap3A_1076 {strides = array<i32>} : memref<128x128xf32, #tpu.memory_space<vmem>>, vector<1x16xf32>,
      %broadcast_in_dim3A_1077 = vector.broadcast %squeeze3A_1052 : f32 to vector<16xf32>
      %broadcast_in_dim3A_1078 = vector.broadcast %squeeze3A_1054 : f32 to vector<16xf32>
      %select_n3A_1079 = arith.select %eq3A_55, %broadcast_in_dim3A_1077, %broadcast_in_dim3A_1078 : vector<16xi1>, vector<16xf32>
      %broadcast_in_dim3A_1080 = vector.broadcast %squeeze3A_1056 : f32 to vector<16xf32>
      %broadcast_in_dim3A_1081 = vector.broadcast %squeeze3A_1058 : f32 to vector<16xf32>
      %select_n3A_1082 = arith.select %eq3A_58, %broadcast_in_dim3A_1080, %broadcast_in_dim3A_1081 : vector<16xi1>, vector<16xf32>
      %select_n3A_1083 = arith.select %lt3A_61, %select_n3A_1079, %select_n3A_1082 : vector<16xi1>, vector<16xf32>
      %swap3A_1084 = arith.index_cast %add3A_1064 : i32 to index
      %swap3A_1085 = arith.constant 16 : index
      %swap3A_1086 = tpu.vector_load %arg8[%swap3A_1084, %swap3A_1085] {strides = array<i32>} : memref<128x128xf32, #tpu.memory_space<vmem>>, vector<1x16xf32>,
      %swap3A_1087 = vector.shape_cast %swap3A_1086 : vector<1x16xf32> to vector<16xf32>
      %swap3A_1088 = vector.shape_cast %select_n3A_1083 : vector<16xf32> to vector<1x16xf32>
      tpu.vector_store %arg8[%swap3A_1084, %swap3A_1085], %swap3A_1088 {strides = array<i32>} : memref<128x128xf32, #tpu.memory_space<vmem>>, vector<1x16xf32>,
      %broadcast_in_dim3A_1089 = vector.broadcast %squeeze3A_1052 : f32 to vector<16xf32>
      %broadcast_in_dim3A_1090 = vector.broadcast %squeeze3A_1054 : f32 to vector<16xf32>
      %select_n3A_1091 = arith.select %eq3A_67, %broadcast_in_dim3A_1089, %broadcast_in_dim3A_1090 : vector<16xi1>, vector<16xf32>
      %broadcast_in_dim3A_1092 = vector.broadcast %squeeze3A_1056 : f32 to vector<16xf32>
      %broadcast_in_dim3A_1093 = vector.broadcast %squeeze3A_1058 : f32 to vector<16xf32>
      %select_n3A_1094 = arith.select %eq3A_70, %broadcast_in_dim3A_1092, %broadcast_in_dim3A_1093 : vector<16xi1>, vector<16xf32>
      %select_n3A_1095 = arith.select %lt3A_73, %select_n3A_1091, %select_n3A_1094 : vector<16xi1>, vector<16xf32>
      %swap3A_1096 = arith.index_cast %add3A_1064 : i32 to index
      %swap3A_1097 = arith.constant 32 : index
      %swap3A_1098 = tpu.vector_load %arg8[%swap3A_1096, %swap3A_1097] {strides = array<i32>} : memref<128x128xf32, #tpu.memory_space<vmem>>, vector<1x16xf32>,
      %swap3A_1099 = vector.shape_cast %swap3A_1098 : vector<1x16xf32> to vector<16xf32>
      %swap3A_1100 = vector.shape_cast %select_n3A_1095 : vector<16xf32> to vector<1x16xf32>
      tpu.vector_store %arg8[%swap3A_1096, %swap3A_1097], %swap3A_1100 {strides = array<i32>} : memref<128x128xf32, #tpu.memory_space<vmem>>, vector<1x16xf32>,
      %broadcast_in_dim3A_1101 = vector.broadcast %squeeze3A_1052 : f32 to vector<16xf32>
      %broadcast_in_dim3A_1102 = vector.broadcast %squeeze3A_1054 : f32 to vector<16xf32>
      %select_n3A_1103 = arith.select %eq3A_79, %broadcast_in_dim3A_1101, %broadcast_in_dim3A_1102 : vector<16xi1>, vector<16xf32>
      %broadcast_in_dim3A_1104 = vector.broadcast %squeeze3A_1056 : f32 to vector<16xf32>
      %broadcast_in_dim3A_1105 = vector.broadcast %squeeze3A_1058 : f32 to vector<16xf32>
      %select_n3A_1106 = arith.select %eq3A_82, %broadcast_in_dim3A_1104, %broadcast_in_dim3A_1105 : vector<16xi1>, vector<16xf32>
      %select_n3A_1107 = arith.select %lt3A_85, %select_n3A_1103, %select_n3A_1106 : vector<16xi1>, vector<16xf32>
      %swap3A_1108 = arith.index_cast %add3A_1064 : i32 to index
      %swap3A_1109 = arith.constant 48 : index
      %swap3A_1110 = tpu.vector_load %arg8[%swap3A_1108, %swap3A_1109] {strides = array<i32>} : memref<128x128xf32, #tpu.memory_space<vmem>>, vector<1x16xf32>,
      %swap3A_1111 = vector.shape_cast %swap3A_1110 : vector<1x16xf32> to vector<16xf32>
      %swap3A_1112 = vector.shape_cast %select_n3A_1107 : vector<16xf32> to vector<1x16xf32>
      tpu.vector_store %arg8[%swap3A_1108, %swap3A_1109], %swap3A_1112 {strides = array<i32>} : memref<128x128xf32, #tpu.memory_space<vmem>>, vector<1x16xf32>,
      %broadcast_in_dim3A_1113 = vector.broadcast %squeeze3A_1052 : f32 to vector<16xf32>
      %broadcast_in_dim3A_1114 = vector.broadcast %squeeze3A_1054 : f32 to vector<16xf32>
      %select_n3A_1115 = arith.select %eq3A_91, %broadcast_in_dim3A_1113, %broadcast_in_dim3A_1114 : vector<16xi1>, vector<16xf32>
      %broadcast_in_dim3A_1116 = vector.broadcast %squeeze3A_1056 : f32 to vector<16xf32>
      %broadcast_in_dim3A_1117 = vector.broadcast %squeeze3A_1058 : f32 to vector<16xf32>
      %select_n3A_1118 = arith.select %eq3A_94, %broadcast_in_dim3A_1116, %broadcast_in_dim3A_1117 : vector<16xi1>, vector<16xf32>
      %select_n3A_1119 = arith.select %lt3A_97, %select_n3A_1115, %select_n3A_1118 : vector<16xi1>, vector<16xf32>
      %swap3A_1120 = arith.index_cast %add3A_1064 : i32 to index
      %swap3A_1121 = arith.constant 64 : index
      %swap3A_1122 = tpu.vector_load %arg8[%swap3A_1120, %swap3A_1121] {strides = array<i32>} : memref<128x128xf32, #tpu.memory_space<vmem>>, vector<1x16xf32>,
      %swap3A_1123 = vector.shape_cast %swap3A_1122 : vector<1x16xf32> to vector<16xf32>
      %swap3A_1124 = vector.shape_cast %select_n3A_1119 : vector<16xf32> to vector<1x16xf32>
      tpu.vector_store %arg8[%swap3A_1120, %swap3A_1121], %swap3A_1124 {strides = array<i32>} : memref<128x128xf32, #tpu.memory_space<vmem>>, vector<1x16xf32>,
      %broadcast_in_dim3A_1125 = vector.broadcast %squeeze3A_1052 : f32 to vector<16xf32>
      %broadcast_in_dim3A_1126 = vector.broadcast %squeeze3A_1054 : f32 to vector<16xf32>
      %select_n3A_1127 = arith.select %eq3A_103, %broadcast_in_dim3A_1125, %broadcast_in_dim3A_1126 : vector<16xi1>, vector<16xf32>
      %broadcast_in_dim3A_1128 = vector.broadcast %squeeze3A_1056 : f32 to vector<16xf32>
      %broadcast_in_dim3A_1129 = vector.broadcast %squeeze3A_1058 : f32 to vector<16xf32>
      %select_n3A_1130 = arith.select %eq3A_106, %broadcast_in_dim3A_1128, %broadcast_in_dim3A_1129 : vector<16xi1>, vector<16xf32>
      %select_n3A_1131 = arith.select %lt3A_109, %select_n3A_1127, %select_n3A_1130 : vector<16xi1>, vector<16xf32>
      %swap3A_1132 = arith.index_cast %add3A_1064 : i32 to index
      %swap3A_1133 = arith.constant 80 : index
      %swap3A_1134 = tpu.vector_load %arg8[%swap3A_1132, %swap3A_1133] {strides = array<i32>} : memref<128x128xf32, #tpu.memory_space<vmem>>, vector<1x16xf32>,
      %swap3A_1135 = vector.shape_cast %swap3A_1134 : vector<1x16xf32> to vector<16xf32>
      %swap3A_1136 = vector.shape_cast %select_n3A_1131 : vector<16xf32> to vector<1x16xf32>
      tpu.vector_store %arg8[%swap3A_1132, %swap3A_1133], %swap3A_1136 {strides = array<i32>} : memref<128x128xf32, #tpu.memory_space<vmem>>, vector<1x16xf32>,
      %broadcast_in_dim3A_1137 = vector.broadcast %squeeze3A_1052 : f32 to vector<16xf32>
      %broadcast_in_dim3A_1138 = vector.broadcast %squeeze3A_1054 : f32 to vector<16xf32>
      %select_n3A_1139 = arith.select %eq3A_115, %broadcast_in_dim3A_1137, %broadcast_in_dim3A_1138 : vector<16xi1>, vector<16xf32>
      %broadcast_in_dim3A_1140 = vector.broadcast %squeeze3A_1056 : f32 to vector<16xf32>
      %broadcast_in_dim3A_1141 = vector.broadcast %squeeze3A_1058 : f32 to vector<16xf32>
      %select_n3A_1142 = arith.select %eq3A_118, %broadcast_in_dim3A_1140, %broadcast_in_dim3A_1141 : vector<16xi1>, vector<16xf32>
      %select_n3A_1143 = arith.select %lt3A_121, %select_n3A_1139, %select_n3A_1142 : vector<16xi1>, vector<16xf32>
      %swap3A_1144 = arith.index_cast %add3A_1064 : i32 to index
      %swap3A_1145 = arith.constant 96 : index
      %swap3A_1146 = tpu.vector_load %arg8[%swap3A_1144, %swap3A_1145] {strides = array<i32>} : memref<128x128xf32, #tpu.memory_space<vmem>>, vector<1x16xf32>,
      %swap3A_1147 = vector.shape_cast %swap3A_1146 : vector<1x16xf32> to vector<16xf32>
      %swap3A_1148 = vector.shape_cast %select_n3A_1143 : vector<16xf32> to vector<1x16xf32>
      tpu.vector_store %arg8[%swap3A_1144, %swap3A_1145], %swap3A_1148 {strides = array<i32>} : memref<128x128xf32, #tpu.memory_space<vmem>>, vector<1x16xf32>,
      %broadcast_in_dim3A_1149 = vector.broadcast %squeeze3A_1052 : f32 to vector<16xf32>
      %broadcast_in_dim3A_1150 = vector.broadcast %squeeze3A_1054 : f32 to vector<16xf32>
      %select_n3A_1151 = arith.select %eq3A_127, %broadcast_in_dim3A_1149, %broadcast_in_dim3A_1150 : vector<16xi1>, vector<16xf32>
      %broadcast_in_dim3A_1152 = vector.broadcast %squeeze3A_1056 : f32 to vector<16xf32>
      %broadcast_in_dim3A_1153 = vector.broadcast %squeeze3A_1058 : f32 to vector<16xf32>
      %select_n3A_1154 = arith.select %eq3A_130, %broadcast_in_dim3A_1152, %broadcast_in_dim3A_1153 : vector<16xi1>, vector<16xf32>
      %select_n3A_1155 = arith.select %lt3A_133, %select_n3A_1151, %select_n3A_1154 : vector<16xi1>, vector<16xf32>
      %swap3A_1156 = arith.index_cast %add3A_1064 : i32 to index
      %swap3A_1157 = arith.constant 112 : index
      %swap3A_1158 = tpu.vector_load %arg8[%swap3A_1156, %swap3A_1157] {strides = array<i32>} : memref<128x128xf32, #tpu.memory_space<vmem>>, vector<1x16xf32>,
      %swap3A_1159 = vector.shape_cast %swap3A_1158 : vector<1x16xf32> to vector<16xf32>
      %swap3A_1160 = vector.shape_cast %select_n3A_1155 : vector<16xf32> to vector<1x16xf32>
      tpu.vector_store %arg8[%swap3A_1156, %swap3A_1157], %swap3A_1160 {strides = array<i32>} : memref<128x128xf32, #tpu.memory_space<vmem>>, vector<1x16xf32>,
      %slice3A_1161 = vector.extract_strided_slice %get3A_148 {offsets = [9], sizes = [1], strides = [1]} : vector<16xf32> to vector<1xf32>
      %squeeze3A_1162 = vector.extract %slice3A_1161[0] : f32 from vector<1xf32>
      %slice3A_1163 = vector.extract_strided_slice %get3A_157 {offsets = [9], sizes = [1], strides = [1]} : vector<16xf32> to vector<1xf32>
      %squeeze3A_1164 = vector.extract %slice3A_1163[0] : f32 from vector<1xf32>
      %slice3A_1165 = vector.extract_strided_slice %get3A_166 {offsets = [9], sizes = [1], strides = [1]} : vector<16xf32> to vector<1xf32>
      %squeeze3A_1166 = vector.extract %slice3A_1165[0] : f32 from vector<1xf32>
      %slice3A_1167 = vector.extract_strided_slice %get3A_175 {offsets = [9], sizes = [1], strides = [1]} : vector<16xf32> to vector<1xf32>
      %squeeze3A_1168 = vector.extract %slice3A_1167[0] : f32 from vector<1xf32>
      %mul3A_1169 = arith.constant 16 : i32
      %mul3A_1170 = arith.muli %scan3A_139, %mul3A_1169 : i32
      %add3A_1171 = arith.constant 9 : i32
      %add3A_1172 = arith.addi %mul3A_1170, %add3A_1171 : i32
      %add3A_1173 = arith.constant 0 : i32
      %add3A_1174 = arith.addi %add3A_1172, %add3A_1173 : i32
      %broadcast_in_dim3A_1175 = vector.broadcast %squeeze3A_1162 : f32 to vector<16xf32>
      %broadcast_in_dim3A_1176 = vector.broadcast %squeeze3A_1164 : f32 to vector<16xf32>
      %select_n3A_1177 = arith.select %eq3A_44, %broadcast_in_dim3A_1175, %broadcast_in_dim3A_1176 : vector<16xi1>, vector<16xf32>
      %broadcast_in_dim3A_1178 = vector.broadcast %squeeze3A_1166 : f32 to vector<16xf32>
      %broadcast_in_dim3A_1179 = vector.broadcast %squeeze3A_1168 : f32 to vector<16xf32>
      %select_n3A_1180 = arith.select %eq3A_47, %broadcast_in_dim3A_1178, %broadcast_in_dim3A_1179 : vector<16xi1>, vector<16xf32>
      %select_n3A_1181 = arith.select %lt3A_49, %select_n3A_1177, %select_n3A_1180 : vector<16xi1>, vector<16xf32>
      %swap3A_1182 = arith.index_cast %add3A_1174 : i32 to index
      %swap3A_1183 = arith.constant 0 : index
      %swap3A_1184 = tpu.vector_load %arg8[%swap3A_1182, %swap3A_1183] {strides = array<i32>} : memref<128x128xf32, #tpu.memory_space<vmem>>, vector<1x16xf32>,
      %swap3A_1185 = vector.shape_cast %swap3A_1184 : vector<1x16xf32> to vector<16xf32>
      %swap3A_1186 = vector.shape_cast %select_n3A_1181 : vector<16xf32> to vector<1x16xf32>
      tpu.vector_store %arg8[%swap3A_1182, %swap3A_1183], %swap3A_1186 {strides = array<i32>} : memref<128x128xf32, #tpu.memory_space<vmem>>, vector<1x16xf32>,
      %broadcast_in_dim3A_1187 = vector.broadcast %squeeze3A_1162 : f32 to vector<16xf32>
      %broadcast_in_dim3A_1188 = vector.broadcast %squeeze3A_1164 : f32 to vector<16xf32>
      %select_n3A_1189 = arith.select %eq3A_55, %broadcast_in_dim3A_1187, %broadcast_in_dim3A_1188 : vector<16xi1>, vector<16xf32>
      %broadcast_in_dim3A_1190 = vector.broadcast %squeeze3A_1166 : f32 to vector<16xf32>
      %broadcast_in_dim3A_1191 = vector.broadcast %squeeze3A_1168 : f32 to vector<16xf32>
      %select_n3A_1192 = arith.select %eq3A_58, %broadcast_in_dim3A_1190, %broadcast_in_dim3A_1191 : vector<16xi1>, vector<16xf32>
      %select_n3A_1193 = arith.select %lt3A_61, %select_n3A_1189, %select_n3A_1192 : vector<16xi1>, vector<16xf32>
      %swap3A_1194 = arith.index_cast %add3A_1174 : i32 to index
      %swap3A_1195 = arith.constant 16 : index
      %swap3A_1196 = tpu.vector_load %arg8[%swap3A_1194, %swap3A_1195] {strides = array<i32>} : memref<128x128xf32, #tpu.memory_space<vmem>>, vector<1x16xf32>,
      %swap3A_1197 = vector.shape_cast %swap3A_1196 : vector<1x16xf32> to vector<16xf32>
      %swap3A_1198 = vector.shape_cast %select_n3A_1193 : vector<16xf32> to vector<1x16xf32>
      tpu.vector_store %arg8[%swap3A_1194, %swap3A_1195], %swap3A_1198 {strides = array<i32>} : memref<128x128xf32, #tpu.memory_space<vmem>>, vector<1x16xf32>,
      %broadcast_in_dim3A_1199 = vector.broadcast %squeeze3A_1162 : f32 to vector<16xf32>
      %broadcast_in_dim3A_1200 = vector.broadcast %squeeze3A_1164 : f32 to vector<16xf32>
      %select_n3A_1201 = arith.select %eq3A_67, %broadcast_in_dim3A_1199, %broadcast_in_dim3A_1200 : vector<16xi1>, vector<16xf32>
      %broadcast_in_dim3A_1202 = vector.broadcast %squeeze3A_1166 : f32 to vector<16xf32>
      %broadcast_in_dim3A_1203 = vector.broadcast %squeeze3A_1168 : f32 to vector<16xf32>
      %select_n3A_1204 = arith.select %eq3A_70, %broadcast_in_dim3A_1202, %broadcast_in_dim3A_1203 : vector<16xi1>, vector<16xf32>
      %select_n3A_1205 = arith.select %lt3A_73, %select_n3A_1201, %select_n3A_1204 : vector<16xi1>, vector<16xf32>
      %swap3A_1206 = arith.index_cast %add3A_1174 : i32 to index
      %swap3A_1207 = arith.constant 32 : index
      %swap3A_1208 = tpu.vector_load %arg8[%swap3A_1206, %swap3A_1207] {strides = array<i32>} : memref<128x128xf32, #tpu.memory_space<vmem>>, vector<1x16xf32>,
      %swap3A_1209 = vector.shape_cast %swap3A_1208 : vector<1x16xf32> to vector<16xf32>
      %swap3A_1210 = vector.shape_cast %select_n3A_1205 : vector<16xf32> to vector<1x16xf32>
      tpu.vector_store %arg8[%swap3A_1206, %swap3A_1207], %swap3A_1210 {strides = array<i32>} : memref<128x128xf32, #tpu.memory_space<vmem>>, vector<1x16xf32>,
      %broadcast_in_dim3A_1211 = vector.broadcast %squeeze3A_1162 : f32 to vector<16xf32>
      %broadcast_in_dim3A_1212 = vector.broadcast %squeeze3A_1164 : f32 to vector<16xf32>
      %select_n3A_1213 = arith.select %eq3A_79, %broadcast_in_dim3A_1211, %broadcast_in_dim3A_1212 : vector<16xi1>, vector<16xf32>
      %broadcast_in_dim3A_1214 = vector.broadcast %squeeze3A_1166 : f32 to vector<16xf32>
      %broadcast_in_dim3A_1215 = vector.broadcast %squeeze3A_1168 : f32 to vector<16xf32>
      %select_n3A_1216 = arith.select %eq3A_82, %broadcast_in_dim3A_1214, %broadcast_in_dim3A_1215 : vector<16xi1>, vector<16xf32>
      %select_n3A_1217 = arith.select %lt3A_85, %select_n3A_1213, %select_n3A_1216 : vector<16xi1>, vector<16xf32>
      %swap3A_1218 = arith.index_cast %add3A_1174 : i32 to index
      %swap3A_1219 = arith.constant 48 : index
      %swap3A_1220 = tpu.vector_load %arg8[%swap3A_1218, %swap3A_1219] {strides = array<i32>} : memref<128x128xf32, #tpu.memory_space<vmem>>, vector<1x16xf32>,
      %swap3A_1221 = vector.shape_cast %swap3A_1220 : vector<1x16xf32> to vector<16xf32>
      %swap3A_1222 = vector.shape_cast %select_n3A_1217 : vector<16xf32> to vector<1x16xf32>
      tpu.vector_store %arg8[%swap3A_1218, %swap3A_1219], %swap3A_1222 {strides = array<i32>} : memref<128x128xf32, #tpu.memory_space<vmem>>, vector<1x16xf32>,
      %broadcast_in_dim3A_1223 = vector.broadcast %squeeze3A_1162 : f32 to vector<16xf32>
      %broadcast_in_dim3A_1224 = vector.broadcast %squeeze3A_1164 : f32 to vector<16xf32>
      %select_n3A_1225 = arith.select %eq3A_91, %broadcast_in_dim3A_1223, %broadcast_in_dim3A_1224 : vector<16xi1>, vector<16xf32>
      %broadcast_in_dim3A_1226 = vector.broadcast %squeeze3A_1166 : f32 to vector<16xf32>
      %broadcast_in_dim3A_1227 = vector.broadcast %squeeze3A_1168 : f32 to vector<16xf32>
      %select_n3A_1228 = arith.select %eq3A_94, %broadcast_in_dim3A_1226, %broadcast_in_dim3A_1227 : vector<16xi1>, vector<16xf32>
      %select_n3A_1229 = arith.select %lt3A_97, %select_n3A_1225, %select_n3A_1228 : vector<16xi1>, vector<16xf32>
      %swap3A_1230 = arith.index_cast %add3A_1174 : i32 to index
      %swap3A_1231 = arith.constant 64 : index
      %swap3A_1232 = tpu.vector_load %arg8[%swap3A_1230, %swap3A_1231] {strides = array<i32>} : memref<128x128xf32, #tpu.memory_space<vmem>>, vector<1x16xf32>,
      %swap3A_1233 = vector.shape_cast %swap3A_1232 : vector<1x16xf32> to vector<16xf32>
      %swap3A_1234 = vector.shape_cast %select_n3A_1229 : vector<16xf32> to vector<1x16xf32>
      tpu.vector_store %arg8[%swap3A_1230, %swap3A_1231], %swap3A_1234 {strides = array<i32>} : memref<128x128xf32, #tpu.memory_space<vmem>>, vector<1x16xf32>,
      %broadcast_in_dim3A_1235 = vector.broadcast %squeeze3A_1162 : f32 to vector<16xf32>
      %broadcast_in_dim3A_1236 = vector.broadcast %squeeze3A_1164 : f32 to vector<16xf32>
      %select_n3A_1237 = arith.select %eq3A_103, %broadcast_in_dim3A_1235, %broadcast_in_dim3A_1236 : vector<16xi1>, vector<16xf32>
      %broadcast_in_dim3A_1238 = vector.broadcast %squeeze3A_1166 : f32 to vector<16xf32>
      %broadcast_in_dim3A_1239 = vector.broadcast %squeeze3A_1168 : f32 to vector<16xf32>
      %select_n3A_1240 = arith.select %eq3A_106, %broadcast_in_dim3A_1238, %broadcast_in_dim3A_1239 : vector<16xi1>, vector<16xf32>
      %select_n3A_1241 = arith.select %lt3A_109, %select_n3A_1237, %select_n3A_1240 : vector<16xi1>, vector<16xf32>
      %swap3A_1242 = arith.index_cast %add3A_1174 : i32 to index
      %swap3A_1243 = arith.constant 80 : index
      %swap3A_1244 = tpu.vector_load %arg8[%swap3A_1242, %swap3A_1243] {strides = array<i32>} : memref<128x128xf32, #tpu.memory_space<vmem>>, vector<1x16xf32>,
      %swap3A_1245 = vector.shape_cast %swap3A_1244 : vector<1x16xf32> to vector<16xf32>
      %swap3A_1246 = vector.shape_cast %select_n3A_1241 : vector<16xf32> to vector<1x16xf32>
      tpu.vector_store %arg8[%swap3A_1242, %swap3A_1243], %swap3A_1246 {strides = array<i32>} : memref<128x128xf32, #tpu.memory_space<vmem>>, vector<1x16xf32>,
      %broadcast_in_dim3A_1247 = vector.broadcast %squeeze3A_1162 : f32 to vector<16xf32>
      %broadcast_in_dim3A_1248 = vector.broadcast %squeeze3A_1164 : f32 to vector<16xf32>
      %select_n3A_1249 = arith.select %eq3A_115, %broadcast_in_dim3A_1247, %broadcast_in_dim3A_1248 : vector<16xi1>, vector<16xf32>
      %broadcast_in_dim3A_1250 = vector.broadcast %squeeze3A_1166 : f32 to vector<16xf32>
      %broadcast_in_dim3A_1251 = vector.broadcast %squeeze3A_1168 : f32 to vector<16xf32>
      %select_n3A_1252 = arith.select %eq3A_118, %broadcast_in_dim3A_1250, %broadcast_in_dim3A_1251 : vector<16xi1>, vector<16xf32>
      %select_n3A_1253 = arith.select %lt3A_121, %select_n3A_1249, %select_n3A_1252 : vector<16xi1>, vector<16xf32>
      %swap3A_1254 = arith.index_cast %add3A_1174 : i32 to index
      %swap3A_1255 = arith.constant 96 : index
      %swap3A_1256 = tpu.vector_load %arg8[%swap3A_1254, %swap3A_1255] {strides = array<i32>} : memref<128x128xf32, #tpu.memory_space<vmem>>, vector<1x16xf32>,
      %swap3A_1257 = vector.shape_cast %swap3A_1256 : vector<1x16xf32> to vector<16xf32>
      %swap3A_1258 = vector.shape_cast %select_n3A_1253 : vector<16xf32> to vector<1x16xf32>
      tpu.vector_store %arg8[%swap3A_1254, %swap3A_1255], %swap3A_1258 {strides = array<i32>} : memref<128x128xf32, #tpu.memory_space<vmem>>, vector<1x16xf32>,
      %broadcast_in_dim3A_1259 = vector.broadcast %squeeze3A_1162 : f32 to vector<16xf32>
      %broadcast_in_dim3A_1260 = vector.broadcast %squeeze3A_1164 : f32 to vector<16xf32>
      %select_n3A_1261 = arith.select %eq3A_127, %broadcast_in_dim3A_1259, %broadcast_in_dim3A_1260 : vector<16xi1>, vector<16xf32>
      %broadcast_in_dim3A_1262 = vector.broadcast %squeeze3A_1166 : f32 to vector<16xf32>
      %broadcast_in_dim3A_1263 = vector.broadcast %squeeze3A_1168 : f32 to vector<16xf32>
      %select_n3A_1264 = arith.select %eq3A_130, %broadcast_in_dim3A_1262, %broadcast_in_dim3A_1263 : vector<16xi1>, vector<16xf32>
      %select_n3A_1265 = arith.select %lt3A_133, %select_n3A_1261, %select_n3A_1264 : vector<16xi1>, vector<16xf32>
      %swap3A_1266 = arith.index_cast %add3A_1174 : i32 to index
      %swap3A_1267 = arith.constant 112 : index
      %swap3A_1268 = tpu.vector_load %arg8[%swap3A_1266, %swap3A_1267] {strides = array<i32>} : memref<128x128xf32, #tpu.memory_space<vmem>>, vector<1x16xf32>,
      %swap3A_1269 = vector.shape_cast %swap3A_1268 : vector<1x16xf32> to vector<16xf32>
      %swap3A_1270 = vector.shape_cast %select_n3A_1265 : vector<16xf32> to vector<1x16xf32>
      tpu.vector_store %arg8[%swap3A_1266, %swap3A_1267], %swap3A_1270 {strides = array<i32>} : memref<128x128xf32, #tpu.memory_space<vmem>>, vector<1x16xf32>,
      %slice3A_1271 = vector.extract_strided_slice %get3A_148 {offsets = [10], sizes = [1], strides = [1]} : vector<16xf32> to vector<1xf32>
      %squeeze3A_1272 = vector.extract %slice3A_1271[0] : f32 from vector<1xf32>
      %slice3A_1273 = vector.extract_strided_slice %get3A_157 {offsets = [10], sizes = [1], strides = [1]} : vector<16xf32> to vector<1xf32>
      %squeeze3A_1274 = vector.extract %slice3A_1273[0] : f32 from vector<1xf32>
      %slice3A_1275 = vector.extract_strided_slice %get3A_166 {offsets = [10], sizes = [1], strides = [1]} : vector<16xf32> to vector<1xf32>
      %squeeze3A_1276 = vector.extract %slice3A_1275[0] : f32 from vector<1xf32>
      %slice3A_1277 = vector.extract_strided_slice %get3A_175 {offsets = [10], sizes = [1], strides = [1]} : vector<16xf32> to vector<1xf32>
      %squeeze3A_1278 = vector.extract %slice3A_1277[0] : f32 from vector<1xf32>
      %mul3A_1279 = arith.constant 16 : i32
      %mul3A_1280 = arith.muli %scan3A_139, %mul3A_1279 : i32
      %add3A_1281 = arith.constant 10 : i32
      %add3A_1282 = arith.addi %mul3A_1280, %add3A_1281 : i32
      %add3A_1283 = arith.constant 0 : i32
      %add3A_1284 = arith.addi %add3A_1282, %add3A_1283 : i32
      %broadcast_in_dim3A_1285 = vector.broadcast %squeeze3A_1272 : f32 to vector<16xf32>
      %broadcast_in_dim3A_1286 = vector.broadcast %squeeze3A_1274 : f32 to vector<16xf32>
      %select_n3A_1287 = arith.select %eq3A_44, %broadcast_in_dim3A_1285, %broadcast_in_dim3A_1286 : vector<16xi1>, vector<16xf32>
      %broadcast_in_dim3A_1288 = vector.broadcast %squeeze3A_1276 : f32 to vector<16xf32>
      %broadcast_in_dim3A_1289 = vector.broadcast %squeeze3A_1278 : f32 to vector<16xf32>
      %select_n3A_1290 = arith.select %eq3A_47, %broadcast_in_dim3A_1288, %broadcast_in_dim3A_1289 : vector<16xi1>, vector<16xf32>
      %select_n3A_1291 = arith.select %lt3A_49, %select_n3A_1287, %select_n3A_1290 : vector<16xi1>, vector<16xf32>
      %swap3A_1292 = arith.index_cast %add3A_1284 : i32 to index
      %swap3A_1293 = arith.constant 0 : index
      %swap3A_1294 = tpu.vector_load %arg8[%swap3A_1292, %swap3A_1293] {strides = array<i32>} : memref<128x128xf32, #tpu.memory_space<vmem>>, vector<1x16xf32>,
      %swap3A_1295 = vector.shape_cast %swap3A_1294 : vector<1x16xf32> to vector<16xf32>
      %swap3A_1296 = vector.shape_cast %select_n3A_1291 : vector<16xf32> to vector<1x16xf32>
      tpu.vector_store %arg8[%swap3A_1292, %swap3A_1293], %swap3A_1296 {strides = array<i32>} : memref<128x128xf32, #tpu.memory_space<vmem>>, vector<1x16xf32>,
      %broadcast_in_dim3A_1297 = vector.broadcast %squeeze3A_1272 : f32 to vector<16xf32>
      %broadcast_in_dim3A_1298 = vector.broadcast %squeeze3A_1274 : f32 to vector<16xf32>
      %select_n3A_1299 = arith.select %eq3A_55, %broadcast_in_dim3A_1297, %broadcast_in_dim3A_1298 : vector<16xi1>, vector<16xf32>
      %broadcast_in_dim3A_1300 = vector.broadcast %squeeze3A_1276 : f32 to vector<16xf32>
      %broadcast_in_dim3A_1301 = vector.broadcast %squeeze3A_1278 : f32 to vector<16xf32>
      %select_n3A_1302 = arith.select %eq3A_58, %broadcast_in_dim3A_1300, %broadcast_in_dim3A_1301 : vector<16xi1>, vector<16xf32>
      %select_n3A_1303 = arith.select %lt3A_61, %select_n3A_1299, %select_n3A_1302 : vector<16xi1>, vector<16xf32>
      %swap3A_1304 = arith.index_cast %add3A_1284 : i32 to index
      %swap3A_1305 = arith.constant 16 : index
      %swap3A_1306 = tpu.vector_load %arg8[%swap3A_1304, %swap3A_1305] {strides = array<i32>} : memref<128x128xf32, #tpu.memory_space<vmem>>, vector<1x16xf32>,
      %swap3A_1307 = vector.shape_cast %swap3A_1306 : vector<1x16xf32> to vector<16xf32>
      %swap3A_1308 = vector.shape_cast %select_n3A_1303 : vector<16xf32> to vector<1x16xf32>
      tpu.vector_store %arg8[%swap3A_1304, %swap3A_1305], %swap3A_1308 {strides = array<i32>} : memref<128x128xf32, #tpu.memory_space<vmem>>, vector<1x16xf32>,
      %broadcast_in_dim3A_1309 = vector.broadcast %squeeze3A_1272 : f32 to vector<16xf32>
      %broadcast_in_dim3A_1310 = vector.broadcast %squeeze3A_1274 : f32 to vector<16xf32>
      %select_n3A_1311 = arith.select %eq3A_67, %broadcast_in_dim3A_1309, %broadcast_in_dim3A_1310 : vector<16xi1>, vector<16xf32>
      %broadcast_in_dim3A_1312 = vector.broadcast %squeeze3A_1276 : f32 to vector<16xf32>
      %broadcast_in_dim3A_1313 = vector.broadcast %squeeze3A_1278 : f32 to vector<16xf32>
      %select_n3A_1314 = arith.select %eq3A_70, %broadcast_in_dim3A_1312, %broadcast_in_dim3A_1313 : vector<16xi1>, vector<16xf32>
      %select_n3A_1315 = arith.select %lt3A_73, %select_n3A_1311, %select_n3A_1314 : vector<16xi1>, vector<16xf32>
      %swap3A_1316 = arith.index_cast %add3A_1284 : i32 to index
      %swap3A_1317 = arith.constant 32 : index
      %swap3A_1318 = tpu.vector_load %arg8[%swap3A_1316, %swap3A_1317] {strides = array<i32>} : memref<128x128xf32, #tpu.memory_space<vmem>>, vector<1x16xf32>,
      %swap3A_1319 = vector.shape_cast %swap3A_1318 : vector<1x16xf32> to vector<16xf32>
      %swap3A_1320 = vector.shape_cast %select_n3A_1315 : vector<16xf32> to vector<1x16xf32>
      tpu.vector_store %arg8[%swap3A_1316, %swap3A_1317], %swap3A_1320 {strides = array<i32>} : memref<128x128xf32, #tpu.memory_space<vmem>>, vector<1x16xf32>,
      %broadcast_in_dim3A_1321 = vector.broadcast %squeeze3A_1272 : f32 to vector<16xf32>
      %broadcast_in_dim3A_1322 = vector.broadcast %squeeze3A_1274 : f32 to vector<16xf32>
      %select_n3A_1323 = arith.select %eq3A_79, %broadcast_in_dim3A_1321, %broadcast_in_dim3A_1322 : vector<16xi1>, vector<16xf32>
      %broadcast_in_dim3A_1324 = vector.broadcast %squeeze3A_1276 : f32 to vector<16xf32>
      %broadcast_in_dim3A_1325 = vector.broadcast %squeeze3A_1278 : f32 to vector<16xf32>
      %select_n3A_1326 = arith.select %eq3A_82, %broadcast_in_dim3A_1324, %broadcast_in_dim3A_1325 : vector<16xi1>, vector<16xf32>
      %select_n3A_1327 = arith.select %lt3A_85, %select_n3A_1323, %select_n3A_1326 : vector<16xi1>, vector<16xf32>
      %swap3A_1328 = arith.index_cast %add3A_1284 : i32 to index
      %swap3A_1329 = arith.constant 48 : index
      %swap3A_1330 = tpu.vector_load %arg8[%swap3A_1328, %swap3A_1329] {strides = array<i32>} : memref<128x128xf32, #tpu.memory_space<vmem>>, vector<1x16xf32>,
      %swap3A_1331 = vector.shape_cast %swap3A_1330 : vector<1x16xf32> to vector<16xf32>
      %swap3A_1332 = vector.shape_cast %select_n3A_1327 : vector<16xf32> to vector<1x16xf32>
      tpu.vector_store %arg8[%swap3A_1328, %swap3A_1329], %swap3A_1332 {strides = array<i32>} : memref<128x128xf32, #tpu.memory_space<vmem>>, vector<1x16xf32>,
      %broadcast_in_dim3A_1333 = vector.broadcast %squeeze3A_1272 : f32 to vector<16xf32>
      %broadcast_in_dim3A_1334 = vector.broadcast %squeeze3A_1274 : f32 to vector<16xf32>
      %select_n3A_1335 = arith.select %eq3A_91, %broadcast_in_dim3A_1333, %broadcast_in_dim3A_1334 : vector<16xi1>, vector<16xf32>
      %broadcast_in_dim3A_1336 = vector.broadcast %squeeze3A_1276 : f32 to vector<16xf32>
      %broadcast_in_dim3A_1337 = vector.broadcast %squeeze3A_1278 : f32 to vector<16xf32>
      %select_n3A_1338 = arith.select %eq3A_94, %broadcast_in_dim3A_1336, %broadcast_in_dim3A_1337 : vector<16xi1>, vector<16xf32>
      %select_n3A_1339 = arith.select %lt3A_97, %select_n3A_1335, %select_n3A_1338 : vector<16xi1>, vector<16xf32>
      %swap3A_1340 = arith.index_cast %add3A_1284 : i32 to index
      %swap3A_1341 = arith.constant 64 : index
      %swap3A_1342 = tpu.vector_load %arg8[%swap3A_1340, %swap3A_1341] {strides = array<i32>} : memref<128x128xf32, #tpu.memory_space<vmem>>, vector<1x16xf32>,
      %swap3A_1343 = vector.shape_cast %swap3A_1342 : vector<1x16xf32> to vector<16xf32>
      %swap3A_1344 = vector.shape_cast %select_n3A_1339 : vector<16xf32> to vector<1x16xf32>
      tpu.vector_store %arg8[%swap3A_1340, %swap3A_1341], %swap3A_1344 {strides = array<i32>} : memref<128x128xf32, #tpu.memory_space<vmem>>, vector<1x16xf32>,
      %broadcast_in_dim3A_1345 = vector.broadcast %squeeze3A_1272 : f32 to vector<16xf32>
      %broadcast_in_dim3A_1346 = vector.broadcast %squeeze3A_1274 : f32 to vector<16xf32>
      %select_n3A_1347 = arith.select %eq3A_103, %broadcast_in_dim3A_1345, %broadcast_in_dim3A_1346 : vector<16xi1>, vector<16xf32>
      %broadcast_in_dim3A_1348 = vector.broadcast %squeeze3A_1276 : f32 to vector<16xf32>
      %broadcast_in_dim3A_1349 = vector.broadcast %squeeze3A_1278 : f32 to vector<16xf32>
      %select_n3A_1350 = arith.select %eq3A_106, %broadcast_in_dim3A_1348, %broadcast_in_dim3A_1349 : vector<16xi1>, vector<16xf32>
      %select_n3A_1351 = arith.select %lt3A_109, %select_n3A_1347, %select_n3A_1350 : vector<16xi1>, vector<16xf32>
      %swap3A_1352 = arith.index_cast %add3A_1284 : i32 to index
      %swap3A_1353 = arith.constant 80 : index
      %swap3A_1354 = tpu.vector_load %arg8[%swap3A_1352, %swap3A_1353] {strides = array<i32>} : memref<128x128xf32, #tpu.memory_space<vmem>>, vector<1x16xf32>,
      %swap3A_1355 = vector.shape_cast %swap3A_1354 : vector<1x16xf32> to vector<16xf32>
      %swap3A_1356 = vector.shape_cast %select_n3A_1351 : vector<16xf32> to vector<1x16xf32>
      tpu.vector_store %arg8[%swap3A_1352, %swap3A_1353], %swap3A_1356 {strides = array<i32>} : memref<128x128xf32, #tpu.memory_space<vmem>>, vector<1x16xf32>,
      %broadcast_in_dim3A_1357 = vector.broadcast %squeeze3A_1272 : f32 to vector<16xf32>
      %broadcast_in_dim3A_1358 = vector.broadcast %squeeze3A_1274 : f32 to vector<16xf32>
      %select_n3A_1359 = arith.select %eq3A_115, %broadcast_in_dim3A_1357, %broadcast_in_dim3A_1358 : vector<16xi1>, vector<16xf32>
      %broadcast_in_dim3A_1360 = vector.broadcast %squeeze3A_1276 : f32 to vector<16xf32>
      %broadcast_in_dim3A_1361 = vector.broadcast %squeeze3A_1278 : f32 to vector<16xf32>
      %select_n3A_1362 = arith.select %eq3A_118, %broadcast_in_dim3A_1360, %broadcast_in_dim3A_1361 : vector<16xi1>, vector<16xf32>
      %select_n3A_1363 = arith.select %lt3A_121, %select_n3A_1359, %select_n3A_1362 : vector<16xi1>, vector<16xf32>
      %swap3A_1364 = arith.index_cast %add3A_1284 : i32 to index
      %swap3A_1365 = arith.constant 96 : index
      %swap3A_1366 = tpu.vector_load %arg8[%swap3A_1364, %swap3A_1365] {strides = array<i32>} : memref<128x128xf32, #tpu.memory_space<vmem>>, vector<1x16xf32>,
      %swap3A_1367 = vector.shape_cast %swap3A_1366 : vector<1x16xf32> to vector<16xf32>
      %swap3A_1368 = vector.shape_cast %select_n3A_1363 : vector<16xf32> to vector<1x16xf32>
      tpu.vector_store %arg8[%swap3A_1364, %swap3A_1365], %swap3A_1368 {strides = array<i32>} : memref<128x128xf32, #tpu.memory_space<vmem>>, vector<1x16xf32>,
      %broadcast_in_dim3A_1369 = vector.broadcast %squeeze3A_1272 : f32 to vector<16xf32>
      %broadcast_in_dim3A_1370 = vector.broadcast %squeeze3A_1274 : f32 to vector<16xf32>
      %select_n3A_1371 = arith.select %eq3A_127, %broadcast_in_dim3A_1369, %broadcast_in_dim3A_1370 : vector<16xi1>, vector<16xf32>
      %broadcast_in_dim3A_1372 = vector.broadcast %squeeze3A_1276 : f32 to vector<16xf32>
      %broadcast_in_dim3A_1373 = vector.broadcast %squeeze3A_1278 : f32 to vector<16xf32>
      %select_n3A_1374 = arith.select %eq3A_130, %broadcast_in_dim3A_1372, %broadcast_in_dim3A_1373 : vector<16xi1>, vector<16xf32>
      %select_n3A_1375 = arith.select %lt3A_133, %select_n3A_1371, %select_n3A_1374 : vector<16xi1>, vector<16xf32>
      %swap3A_1376 = arith.index_cast %add3A_1284 : i32 to index
      %swap3A_1377 = arith.constant 112 : index
      %swap3A_1378 = tpu.vector_load %arg8[%swap3A_1376, %swap3A_1377] {strides = array<i32>} : memref<128x128xf32, #tpu.memory_space<vmem>>, vector<1x16xf32>,
      %swap3A_1379 = vector.shape_cast %swap3A_1378 : vector<1x16xf32> to vector<16xf32>
      %swap3A_1380 = vector.shape_cast %select_n3A_1375 : vector<16xf32> to vector<1x16xf32>
      tpu.vector_store %arg8[%swap3A_1376, %swap3A_1377], %swap3A_1380 {strides = array<i32>} : memref<128x128xf32, #tpu.memory_space<vmem>>, vector<1x16xf32>,
      %slice3A_1381 = vector.extract_strided_slice %get3A_148 {offsets = [11], sizes = [1], strides = [1]} : vector<16xf32> to vector<1xf32>
      %squeeze3A_1382 = vector.extract %slice3A_1381[0] : f32 from vector<1xf32>
      %slice3A_1383 = vector.extract_strided_slice %get3A_157 {offsets = [11], sizes = [1], strides = [1]} : vector<16xf32> to vector<1xf32>
      %squeeze3A_1384 = vector.extract %slice3A_1383[0] : f32 from vector<1xf32>
      %slice3A_1385 = vector.extract_strided_slice %get3A_166 {offsets = [11], sizes = [1], strides = [1]} : vector<16xf32> to vector<1xf32>
      %squeeze3A_1386 = vector.extract %slice3A_1385[0] : f32 from vector<1xf32>
      %slice3A_1387 = vector.extract_strided_slice %get3A_175 {offsets = [11], sizes = [1], strides = [1]} : vector<16xf32> to vector<1xf32>
      %squeeze3A_1388 = vector.extract %slice3A_1387[0] : f32 from vector<1xf32>
      %mul3A_1389 = arith.constant 16 : i32
      %mul3A_1390 = arith.muli %scan3A_139, %mul3A_1389 : i32
      %add3A_1391 = arith.constant 11 : i32
      %add3A_1392 = arith.addi %mul3A_1390, %add3A_1391 : i32
      %add3A_1393 = arith.constant 0 : i32
      %add3A_1394 = arith.addi %add3A_1392, %add3A_1393 : i32
      %broadcast_in_dim3A_1395 = vector.broadcast %squeeze3A_1382 : f32 to vector<16xf32>
      %broadcast_in_dim3A_1396 = vector.broadcast %squeeze3A_1384 : f32 to vector<16xf32>
      %select_n3A_1397 = arith.select %eq3A_44, %broadcast_in_dim3A_1395, %broadcast_in_dim3A_1396 : vector<16xi1>, vector<16xf32>
      %broadcast_in_dim3A_1398 = vector.broadcast %squeeze3A_1386 : f32 to vector<16xf32>
      %broadcast_in_dim3A_1399 = vector.broadcast %squeeze3A_1388 : f32 to vector<16xf32>
      %select_n3A_1400 = arith.select %eq3A_47, %broadcast_in_dim3A_1398, %broadcast_in_dim3A_1399 : vector<16xi1>, vector<16xf32>
      %select_n3A_1401 = arith.select %lt3A_49, %select_n3A_1397, %select_n3A_1400 : vector<16xi1>, vector<16xf32>
      %swap3A_1402 = arith.index_cast %add3A_1394 : i32 to index
      %swap3A_1403 = arith.constant 0 : index
      %swap3A_1404 = tpu.vector_load %arg8[%swap3A_1402, %swap3A_1403] {strides = array<i32>} : memref<128x128xf32, #tpu.memory_space<vmem>>, vector<1x16xf32>,
      %swap3A_1405 = vector.shape_cast %swap3A_1404 : vector<1x16xf32> to vector<16xf32>
      %swap3A_1406 = vector.shape_cast %select_n3A_1401 : vector<16xf32> to vector<1x16xf32>
      tpu.vector_store %arg8[%swap3A_1402, %swap3A_1403], %swap3A_1406 {strides = array<i32>} : memref<128x128xf32, #tpu.memory_space<vmem>>, vector<1x16xf32>,
      %broadcast_in_dim3A_1407 = vector.broadcast %squeeze3A_1382 : f32 to vector<16xf32>
      %broadcast_in_dim3A_1408 = vector.broadcast %squeeze3A_1384 : f32 to vector<16xf32>
      %select_n3A_1409 = arith.select %eq3A_55, %broadcast_in_dim3A_1407, %broadcast_in_dim3A_1408 : vector<16xi1>, vector<16xf32>
      %broadcast_in_dim3A_1410 = vector.broadcast %squeeze3A_1386 : f32 to vector<16xf32>
      %broadcast_in_dim3A_1411 = vector.broadcast %squeeze3A_1388 : f32 to vector<16xf32>
      %select_n3A_1412 = arith.select %eq3A_58, %broadcast_in_dim3A_1410, %broadcast_in_dim3A_1411 : vector<16xi1>, vector<16xf32>
      %select_n3A_1413 = arith.select %lt3A_61, %select_n3A_1409, %select_n3A_1412 : vector<16xi1>, vector<16xf32>
      %swap3A_1414 = arith.index_cast %add3A_1394 : i32 to index
      %swap3A_1415 = arith.constant 16 : index
      %swap3A_1416 = tpu.vector_load %arg8[%swap3A_1414, %swap3A_1415] {strides = array<i32>} : memref<128x128xf32, #tpu.memory_space<vmem>>, vector<1x16xf32>,
      %swap3A_1417 = vector.shape_cast %swap3A_1416 : vector<1x16xf32> to vector<16xf32>
      %swap3A_1418 = vector.shape_cast %select_n3A_1413 : vector<16xf32> to vector<1x16xf32>
      tpu.vector_store %arg8[%swap3A_1414, %swap3A_1415], %swap3A_1418 {strides = array<i32>} : memref<128x128xf32, #tpu.memory_space<vmem>>, vector<1x16xf32>,
      %broadcast_in_dim3A_1419 = vector.broadcast %squeeze3A_1382 : f32 to vector<16xf32>
      %broadcast_in_dim3A_1420 = vector.broadcast %squeeze3A_1384 : f32 to vector<16xf32>
      %select_n3A_1421 = arith.select %eq3A_67, %broadcast_in_dim3A_1419, %broadcast_in_dim3A_1420 : vector<16xi1>, vector<16xf32>
      %broadcast_in_dim3A_1422 = vector.broadcast %squeeze3A_1386 : f32 to vector<16xf32>
      %broadcast_in_dim3A_1423 = vector.broadcast %squeeze3A_1388 : f32 to vector<16xf32>
      %select_n3A_1424 = arith.select %eq3A_70, %broadcast_in_dim3A_1422, %broadcast_in_dim3A_1423 : vector<16xi1>, vector<16xf32>
      %select_n3A_1425 = arith.select %lt3A_73, %select_n3A_1421, %select_n3A_1424 : vector<16xi1>, vector<16xf32>
      %swap3A_1426 = arith.index_cast %add3A_1394 : i32 to index
      %swap3A_1427 = arith.constant 32 : index
      %swap3A_1428 = tpu.vector_load %arg8[%swap3A_1426, %swap3A_1427] {strides = array<i32>} : memref<128x128xf32, #tpu.memory_space<vmem>>, vector<1x16xf32>,
      %swap3A_1429 = vector.shape_cast %swap3A_1428 : vector<1x16xf32> to vector<16xf32>
      %swap3A_1430 = vector.shape_cast %select_n3A_1425 : vector<16xf32> to vector<1x16xf32>
      tpu.vector_store %arg8[%swap3A_1426, %swap3A_1427], %swap3A_1430 {strides = array<i32>} : memref<128x128xf32, #tpu.memory_space<vmem>>, vector<1x16xf32>,
      %broadcast_in_dim3A_1431 = vector.broadcast %squeeze3A_1382 : f32 to vector<16xf32>
      %broadcast_in_dim3A_1432 = vector.broadcast %squeeze3A_1384 : f32 to vector<16xf32>
      %select_n3A_1433 = arith.select %eq3A_79, %broadcast_in_dim3A_1431, %broadcast_in_dim3A_1432 : vector<16xi1>, vector<16xf32>
      %broadcast_in_dim3A_1434 = vector.broadcast %squeeze3A_1386 : f32 to vector<16xf32>
      %broadcast_in_dim3A_1435 = vector.broadcast %squeeze3A_1388 : f32 to vector<16xf32>
      %select_n3A_1436 = arith.select %eq3A_82, %broadcast_in_dim3A_1434, %broadcast_in_dim3A_1435 : vector<16xi1>, vector<16xf32>
      %select_n3A_1437 = arith.select %lt3A_85, %select_n3A_1433, %select_n3A_1436 : vector<16xi1>, vector<16xf32>
      %swap3A_1438 = arith.index_cast %add3A_1394 : i32 to index
      %swap3A_1439 = arith.constant 48 : index
      %swap3A_1440 = tpu.vector_load %arg8[%swap3A_1438, %swap3A_1439] {strides = array<i32>} : memref<128x128xf32, #tpu.memory_space<vmem>>, vector<1x16xf32>,
      %swap3A_1441 = vector.shape_cast %swap3A_1440 : vector<1x16xf32> to vector<16xf32>
      %swap3A_1442 = vector.shape_cast %select_n3A_1437 : vector<16xf32> to vector<1x16xf32>
      tpu.vector_store %arg8[%swap3A_1438, %swap3A_1439], %swap3A_1442 {strides = array<i32>} : memref<128x128xf32, #tpu.memory_space<vmem>>, vector<1x16xf32>,
      %broadcast_in_dim3A_1443 = vector.broadcast %squeeze3A_1382 : f32 to vector<16xf32>
      %broadcast_in_dim3A_1444 = vector.broadcast %squeeze3A_1384 : f32 to vector<16xf32>
      %select_n3A_1445 = arith.select %eq3A_91, %broadcast_in_dim3A_1443, %broadcast_in_dim3A_1444 : vector<16xi1>, vector<16xf32>
      %broadcast_in_dim3A_1446 = vector.broadcast %squeeze3A_1386 : f32 to vector<16xf32>
      %broadcast_in_dim3A_1447 = vector.broadcast %squeeze3A_1388 : f32 to vector<16xf32>
      %select_n3A_1448 = arith.select %eq3A_94, %broadcast_in_dim3A_1446, %broadcast_in_dim3A_1447 : vector<16xi1>, vector<16xf32>
      %select_n3A_1449 = arith.select %lt3A_97, %select_n3A_1445, %select_n3A_1448 : vector<16xi1>, vector<16xf32>
      %swap3A_1450 = arith.index_cast %add3A_1394 : i32 to index
      %swap3A_1451 = arith.constant 64 : index
      %swap3A_1452 = tpu.vector_load %arg8[%swap3A_1450, %swap3A_1451] {strides = array<i32>} : memref<128x128xf32, #tpu.memory_space<vmem>>, vector<1x16xf32>,
      %swap3A_1453 = vector.shape_cast %swap3A_1452 : vector<1x16xf32> to vector<16xf32>
      %swap3A_1454 = vector.shape_cast %select_n3A_1449 : vector<16xf32> to vector<1x16xf32>
      tpu.vector_store %arg8[%swap3A_1450, %swap3A_1451], %swap3A_1454 {strides = array<i32>} : memref<128x128xf32, #tpu.memory_space<vmem>>, vector<1x16xf32>,
      %broadcast_in_dim3A_1455 = vector.broadcast %squeeze3A_1382 : f32 to vector<16xf32>
      %broadcast_in_dim3A_1456 = vector.broadcast %squeeze3A_1384 : f32 to vector<16xf32>
      %select_n3A_1457 = arith.select %eq3A_103, %broadcast_in_dim3A_1455, %broadcast_in_dim3A_1456 : vector<16xi1>, vector<16xf32>
      %broadcast_in_dim3A_1458 = vector.broadcast %squeeze3A_1386 : f32 to vector<16xf32>
      %broadcast_in_dim3A_1459 = vector.broadcast %squeeze3A_1388 : f32 to vector<16xf32>
      %select_n3A_1460 = arith.select %eq3A_106, %broadcast_in_dim3A_1458, %broadcast_in_dim3A_1459 : vector<16xi1>, vector<16xf32>
      %select_n3A_1461 = arith.select %lt3A_109, %select_n3A_1457, %select_n3A_1460 : vector<16xi1>, vector<16xf32>
      %swap3A_1462 = arith.index_cast %add3A_1394 : i32 to index
      %swap3A_1463 = arith.constant 80 : index
      %swap3A_1464 = tpu.vector_load %arg8[%swap3A_1462, %swap3A_1463] {strides = array<i32>} : memref<128x128xf32, #tpu.memory_space<vmem>>, vector<1x16xf32>,
      %swap3A_1465 = vector.shape_cast %swap3A_1464 : vector<1x16xf32> to vector<16xf32>
      %swap3A_1466 = vector.shape_cast %select_n3A_1461 : vector<16xf32> to vector<1x16xf32>
      tpu.vector_store %arg8[%swap3A_1462, %swap3A_1463], %swap3A_1466 {strides = array<i32>} : memref<128x128xf32, #tpu.memory_space<vmem>>, vector<1x16xf32>,
      %broadcast_in_dim3A_1467 = vector.broadcast %squeeze3A_1382 : f32 to vector<16xf32>
      %broadcast_in_dim3A_1468 = vector.broadcast %squeeze3A_1384 : f32 to vector<16xf32>
      %select_n3A_1469 = arith.select %eq3A_115, %broadcast_in_dim3A_1467, %broadcast_in_dim3A_1468 : vector<16xi1>, vector<16xf32>
      %broadcast_in_dim3A_1470 = vector.broadcast %squeeze3A_1386 : f32 to vector<16xf32>
      %broadcast_in_dim3A_1471 = vector.broadcast %squeeze3A_1388 : f32 to vector<16xf32>
      %select_n3A_1472 = arith.select %eq3A_118, %broadcast_in_dim3A_1470, %broadcast_in_dim3A_1471 : vector<16xi1>, vector<16xf32>
      %select_n3A_1473 = arith.select %lt3A_121, %select_n3A_1469, %select_n3A_1472 : vector<16xi1>, vector<16xf32>
      %swap3A_1474 = arith.index_cast %add3A_1394 : i32 to index
      %swap3A_1475 = arith.constant 96 : index
      %swap3A_1476 = tpu.vector_load %arg8[%swap3A_1474, %swap3A_1475] {strides = array<i32>} : memref<128x128xf32, #tpu.memory_space<vmem>>, vector<1x16xf32>,
      %swap3A_1477 = vector.shape_cast %swap3A_1476 : vector<1x16xf32> to vector<16xf32>
      %swap3A_1478 = vector.shape_cast %select_n3A_1473 : vector<16xf32> to vector<1x16xf32>
      tpu.vector_store %arg8[%swap3A_1474, %swap3A_1475], %swap3A_1478 {strides = array<i32>} : memref<128x128xf32, #tpu.memory_space<vmem>>, vector<1x16xf32>,
      %broadcast_in_dim3A_1479 = vector.broadcast %squeeze3A_1382 : f32 to vector<16xf32>
      %broadcast_in_dim3A_1480 = vector.broadcast %squeeze3A_1384 : f32 to vector<16xf32>
      %select_n3A_1481 = arith.select %eq3A_127, %broadcast_in_dim3A_1479, %broadcast_in_dim3A_1480 : vector<16xi1>, vector<16xf32>
      %broadcast_in_dim3A_1482 = vector.broadcast %squeeze3A_1386 : f32 to vector<16xf32>
      %broadcast_in_dim3A_1483 = vector.broadcast %squeeze3A_1388 : f32 to vector<16xf32>
      %select_n3A_1484 = arith.select %eq3A_130, %broadcast_in_dim3A_1482, %broadcast_in_dim3A_1483 : vector<16xi1>, vector<16xf32>
      %select_n3A_1485 = arith.select %lt3A_133, %select_n3A_1481, %select_n3A_1484 : vector<16xi1>, vector<16xf32>
      %swap3A_1486 = arith.index_cast %add3A_1394 : i32 to index
      %swap3A_1487 = arith.constant 112 : index
      %swap3A_1488 = tpu.vector_load %arg8[%swap3A_1486, %swap3A_1487] {strides = array<i32>} : memref<128x128xf32, #tpu.memory_space<vmem>>, vector<1x16xf32>,
      %swap3A_1489 = vector.shape_cast %swap3A_1488 : vector<1x16xf32> to vector<16xf32>
      %swap3A_1490 = vector.shape_cast %select_n3A_1485 : vector<16xf32> to vector<1x16xf32>
      tpu.vector_store %arg8[%swap3A_1486, %swap3A_1487], %swap3A_1490 {strides = array<i32>} : memref<128x128xf32, #tpu.memory_space<vmem>>, vector<1x16xf32>,
      %slice3A_1491 = vector.extract_strided_slice %get3A_148 {offsets = [12], sizes = [1], strides = [1]} : vector<16xf32> to vector<1xf32>
      %squeeze3A_1492 = vector.extract %slice3A_1491[0] : f32 from vector<1xf32>
      %slice3A_1493 = vector.extract_strided_slice %get3A_157 {offsets = [12], sizes = [1], strides = [1]} : vector<16xf32> to vector<1xf32>
      %squeeze3A_1494 = vector.extract %slice3A_1493[0] : f32 from vector<1xf32>
      %slice3A_1495 = vector.extract_strided_slice %get3A_166 {offsets = [12], sizes = [1], strides = [1]} : vector<16xf32> to vector<1xf32>
      %squeeze3A_1496 = vector.extract %slice3A_1495[0] : f32 from vector<1xf32>
      %slice3A_1497 = vector.extract_strided_slice %get3A_175 {offsets = [12], sizes = [1], strides = [1]} : vector<16xf32> to vector<1xf32>
      %squeeze3A_1498 = vector.extract %slice3A_1497[0] : f32 from vector<1xf32>
      %mul3A_1499 = arith.constant 16 : i32
      %mul3A_1500 = arith.muli %scan3A_139, %mul3A_1499 : i32
      %add3A_1501 = arith.constant 12 : i32
      %add3A_1502 = arith.addi %mul3A_1500, %add3A_1501 : i32
      %add3A_1503 = arith.constant 0 : i32
      %add3A_1504 = arith.addi %add3A_1502, %add3A_1503 : i32
      %broadcast_in_dim3A_1505 = vector.broadcast %squeeze3A_1492 : f32 to vector<16xf32>
      %broadcast_in_dim3A_1506 = vector.broadcast %squeeze3A_1494 : f32 to vector<16xf32>
      %select_n3A_1507 = arith.select %eq3A_44, %broadcast_in_dim3A_1505, %broadcast_in_dim3A_1506 : vector<16xi1>, vector<16xf32>
      %broadcast_in_dim3A_1508 = vector.broadcast %squeeze3A_1496 : f32 to vector<16xf32>
      %broadcast_in_dim3A_1509 = vector.broadcast %squeeze3A_1498 : f32 to vector<16xf32>
      %select_n3A_1510 = arith.select %eq3A_47, %broadcast_in_dim3A_1508, %broadcast_in_dim3A_1509 : vector<16xi1>, vector<16xf32>
      %select_n3A_1511 = arith.select %lt3A_49, %select_n3A_1507, %select_n3A_1510 : vector<16xi1>, vector<16xf32>
      %swap3A_1512 = arith.index_cast %add3A_1504 : i32 to index
      %swap3A_1513 = arith.constant 0 : index
      %swap3A_1514 = tpu.vector_load %arg8[%swap3A_1512, %swap3A_1513] {strides = array<i32>} : memref<128x128xf32, #tpu.memory_space<vmem>>, vector<1x16xf32>,
      %swap3A_1515 = vector.shape_cast %swap3A_1514 : vector<1x16xf32> to vector<16xf32>
      %swap3A_1516 = vector.shape_cast %select_n3A_1511 : vector<16xf32> to vector<1x16xf32>
      tpu.vector_store %arg8[%swap3A_1512, %swap3A_1513], %swap3A_1516 {strides = array<i32>} : memref<128x128xf32, #tpu.memory_space<vmem>>, vector<1x16xf32>,
      %broadcast_in_dim3A_1517 = vector.broadcast %squeeze3A_1492 : f32 to vector<16xf32>
      %broadcast_in_dim3A_1518 = vector.broadcast %squeeze3A_1494 : f32 to vector<16xf32>
      %select_n3A_1519 = arith.select %eq3A_55, %broadcast_in_dim3A_1517, %broadcast_in_dim3A_1518 : vector<16xi1>, vector<16xf32>
      %broadcast_in_dim3A_1520 = vector.broadcast %squeeze3A_1496 : f32 to vector<16xf32>
      %broadcast_in_dim3A_1521 = vector.broadcast %squeeze3A_1498 : f32 to vector<16xf32>
      %select_n3A_1522 = arith.select %eq3A_58, %broadcast_in_dim3A_1520, %broadcast_in_dim3A_1521 : vector<16xi1>, vector<16xf32>
      %select_n3A_1523 = arith.select %lt3A_61, %select_n3A_1519, %select_n3A_1522 : vector<16xi1>, vector<16xf32>
      %swap3A_1524 = arith.index_cast %add3A_1504 : i32 to index
      %swap3A_1525 = arith.constant 16 : index
      %swap3A_1526 = tpu.vector_load %arg8[%swap3A_1524, %swap3A_1525] {strides = array<i32>} : memref<128x128xf32, #tpu.memory_space<vmem>>, vector<1x16xf32>,
      %swap3A_1527 = vector.shape_cast %swap3A_1526 : vector<1x16xf32> to vector<16xf32>
      %swap3A_1528 = vector.shape_cast %select_n3A_1523 : vector<16xf32> to vector<1x16xf32>
      tpu.vector_store %arg8[%swap3A_1524, %swap3A_1525], %swap3A_1528 {strides = array<i32>} : memref<128x128xf32, #tpu.memory_space<vmem>>, vector<1x16xf32>,
      %broadcast_in_dim3A_1529 = vector.broadcast %squeeze3A_1492 : f32 to vector<16xf32>
      %broadcast_in_dim3A_1530 = vector.broadcast %squeeze3A_1494 : f32 to vector<16xf32>
      %select_n3A_1531 = arith.select %eq3A_67, %broadcast_in_dim3A_1529, %broadcast_in_dim3A_1530 : vector<16xi1>, vector<16xf32>
      %broadcast_in_dim3A_1532 = vector.broadcast %squeeze3A_1496 : f32 to vector<16xf32>
      %broadcast_in_dim3A_1533 = vector.broadcast %squeeze3A_1498 : f32 to vector<16xf32>
      %select_n3A_1534 = arith.select %eq3A_70, %broadcast_in_dim3A_1532, %broadcast_in_dim3A_1533 : vector<16xi1>, vector<16xf32>
      %select_n3A_1535 = arith.select %lt3A_73, %select_n3A_1531, %select_n3A_1534 : vector<16xi1>, vector<16xf32>
      %swap3A_1536 = arith.index_cast %add3A_1504 : i32 to index
      %swap3A_1537 = arith.constant 32 : index
      %swap3A_1538 = tpu.vector_load %arg8[%swap3A_1536, %swap3A_1537] {strides = array<i32>} : memref<128x128xf32, #tpu.memory_space<vmem>>, vector<1x16xf32>,
      %swap3A_1539 = vector.shape_cast %swap3A_1538 : vector<1x16xf32> to vector<16xf32>
      %swap3A_1540 = vector.shape_cast %select_n3A_1535 : vector<16xf32> to vector<1x16xf32>
      tpu.vector_store %arg8[%swap3A_1536, %swap3A_1537], %swap3A_1540 {strides = array<i32>} : memref<128x128xf32, #tpu.memory_space<vmem>>, vector<1x16xf32>,
      %broadcast_in_dim3A_1541 = vector.broadcast %squeeze3A_1492 : f32 to vector<16xf32>
      %broadcast_in_dim3A_1542 = vector.broadcast %squeeze3A_1494 : f32 to vector<16xf32>
      %select_n3A_1543 = arith.select %eq3A_79, %broadcast_in_dim3A_1541, %broadcast_in_dim3A_1542 : vector<16xi1>, vector<16xf32>
      %broadcast_in_dim3A_1544 = vector.broadcast %squeeze3A_1496 : f32 to vector<16xf32>
      %broadcast_in_dim3A_1545 = vector.broadcast %squeeze3A_1498 : f32 to vector<16xf32>
      %select_n3A_1546 = arith.select %eq3A_82, %broadcast_in_dim3A_1544, %broadcast_in_dim3A_1545 : vector<16xi1>, vector<16xf32>
      %select_n3A_1547 = arith.select %lt3A_85, %select_n3A_1543, %select_n3A_1546 : vector<16xi1>, vector<16xf32>
      %swap3A_1548 = arith.index_cast %add3A_1504 : i32 to index
      %swap3A_1549 = arith.constant 48 : index
      %swap3A_1550 = tpu.vector_load %arg8[%swap3A_1548, %swap3A_1549] {strides = array<i32>} : memref<128x128xf32, #tpu.memory_space<vmem>>, vector<1x16xf32>,
      %swap3A_1551 = vector.shape_cast %swap3A_1550 : vector<1x16xf32> to vector<16xf32>
      %swap3A_1552 = vector.shape_cast %select_n3A_1547 : vector<16xf32> to vector<1x16xf32>
      tpu.vector_store %arg8[%swap3A_1548, %swap3A_1549], %swap3A_1552 {strides = array<i32>} : memref<128x128xf32, #tpu.memory_space<vmem>>, vector<1x16xf32>,
      %broadcast_in_dim3A_1553 = vector.broadcast %squeeze3A_1492 : f32 to vector<16xf32>
      %broadcast_in_dim3A_1554 = vector.broadcast %squeeze3A_1494 : f32 to vector<16xf32>
      %select_n3A_1555 = arith.select %eq3A_91, %broadcast_in_dim3A_1553, %broadcast_in_dim3A_1554 : vector<16xi1>, vector<16xf32>
      %broadcast_in_dim3A_1556 = vector.broadcast %squeeze3A_1496 : f32 to vector<16xf32>
      %broadcast_in_dim3A_1557 = vector.broadcast %squeeze3A_1498 : f32 to vector<16xf32>
      %select_n3A_1558 = arith.select %eq3A_94, %broadcast_in_dim3A_1556, %broadcast_in_dim3A_1557 : vector<16xi1>, vector<16xf32>
      %select_n3A_1559 = arith.select %lt3A_97, %select_n3A_1555, %select_n3A_1558 : vector<16xi1>, vector<16xf32>
      %swap3A_1560 = arith.index_cast %add3A_1504 : i32 to index
      %swap3A_1561 = arith.constant 64 : index
      %swap3A_1562 = tpu.vector_load %arg8[%swap3A_1560, %swap3A_1561] {strides = array<i32>} : memref<128x128xf32, #tpu.memory_space<vmem>>, vector<1x16xf32>,
      %swap3A_1563 = vector.shape_cast %swap3A_1562 : vector<1x16xf32> to vector<16xf32>
      %swap3A_1564 = vector.shape_cast %select_n3A_1559 : vector<16xf32> to vector<1x16xf32>
      tpu.vector_store %arg8[%swap3A_1560, %swap3A_1561], %swap3A_1564 {strides = array<i32>} : memref<128x128xf32, #tpu.memory_space<vmem>>, vector<1x16xf32>,
      %broadcast_in_dim3A_1565 = vector.broadcast %squeeze3A_1492 : f32 to vector<16xf32>
      %broadcast_in_dim3A_1566 = vector.broadcast %squeeze3A_1494 : f32 to vector<16xf32>
      %select_n3A_1567 = arith.select %eq3A_103, %broadcast_in_dim3A_1565, %broadcast_in_dim3A_1566 : vector<16xi1>, vector<16xf32>
      %broadcast_in_dim3A_1568 = vector.broadcast %squeeze3A_1496 : f32 to vector<16xf32>
      %broadcast_in_dim3A_1569 = vector.broadcast %squeeze3A_1498 : f32 to vector<16xf32>
      %select_n3A_1570 = arith.select %eq3A_106, %broadcast_in_dim3A_1568, %broadcast_in_dim3A_1569 : vector<16xi1>, vector<16xf32>
      %select_n3A_1571 = arith.select %lt3A_109, %select_n3A_1567, %select_n3A_1570 : vector<16xi1>, vector<16xf32>
      %swap3A_1572 = arith.index_cast %add3A_1504 : i32 to index
      %swap3A_1573 = arith.constant 80 : index
      %swap3A_1574 = tpu.vector_load %arg8[%swap3A_1572, %swap3A_1573] {strides = array<i32>} : memref<128x128xf32, #tpu.memory_space<vmem>>, vector<1x16xf32>,
      %swap3A_1575 = vector.shape_cast %swap3A_1574 : vector<1x16xf32> to vector<16xf32>
      %swap3A_1576 = vector.shape_cast %select_n3A_1571 : vector<16xf32> to vector<1x16xf32>
      tpu.vector_store %arg8[%swap3A_1572, %swap3A_1573], %swap3A_1576 {strides = array<i32>} : memref<128x128xf32, #tpu.memory_space<vmem>>, vector<1x16xf32>,
      %broadcast_in_dim3A_1577 = vector.broadcast %squeeze3A_1492 : f32 to vector<16xf32>
      %broadcast_in_dim3A_1578 = vector.broadcast %squeeze3A_1494 : f32 to vector<16xf32>
      %select_n3A_1579 = arith.select %eq3A_115, %broadcast_in_dim3A_1577, %broadcast_in_dim3A_1578 : vector<16xi1>, vector<16xf32>
      %broadcast_in_dim3A_1580 = vector.broadcast %squeeze3A_1496 : f32 to vector<16xf32>
      %broadcast_in_dim3A_1581 = vector.broadcast %squeeze3A_1498 : f32 to vector<16xf32>
      %select_n3A_1582 = arith.select %eq3A_118, %broadcast_in_dim3A_1580, %broadcast_in_dim3A_1581 : vector<16xi1>, vector<16xf32>
      %select_n3A_1583 = arith.select %lt3A_121, %select_n3A_1579, %select_n3A_1582 : vector<16xi1>, vector<16xf32>
      %swap3A_1584 = arith.index_cast %add3A_1504 : i32 to index
      %swap3A_1585 = arith.constant 96 : index
      %swap3A_1586 = tpu.vector_load %arg8[%swap3A_1584, %swap3A_1585] {strides = array<i32>} : memref<128x128xf32, #tpu.memory_space<vmem>>, vector<1x16xf32>,
      %swap3A_1587 = vector.shape_cast %swap3A_1586 : vector<1x16xf32> to vector<16xf32>
      %swap3A_1588 = vector.shape_cast %select_n3A_1583 : vector<16xf32> to vector<1x16xf32>
      tpu.vector_store %arg8[%swap3A_1584, %swap3A_1585], %swap3A_1588 {strides = array<i32>} : memref<128x128xf32, #tpu.memory_space<vmem>>, vector<1x16xf32>,
      %broadcast_in_dim3A_1589 = vector.broadcast %squeeze3A_1492 : f32 to vector<16xf32>
      %broadcast_in_dim3A_1590 = vector.broadcast %squeeze3A_1494 : f32 to vector<16xf32>
      %select_n3A_1591 = arith.select %eq3A_127, %broadcast_in_dim3A_1589, %broadcast_in_dim3A_1590 : vector<16xi1>, vector<16xf32>
      %broadcast_in_dim3A_1592 = vector.broadcast %squeeze3A_1496 : f32 to vector<16xf32>
      %broadcast_in_dim3A_1593 = vector.broadcast %squeeze3A_1498 : f32 to vector<16xf32>
      %select_n3A_1594 = arith.select %eq3A_130, %broadcast_in_dim3A_1592, %broadcast_in_dim3A_1593 : vector<16xi1>, vector<16xf32>
      %select_n3A_1595 = arith.select %lt3A_133, %select_n3A_1591, %select_n3A_1594 : vector<16xi1>, vector<16xf32>
      %swap3A_1596 = arith.index_cast %add3A_1504 : i32 to index
      %swap3A_1597 = arith.constant 112 : index
      %swap3A_1598 = tpu.vector_load %arg8[%swap3A_1596, %swap3A_1597] {strides = array<i32>} : memref<128x128xf32, #tpu.memory_space<vmem>>, vector<1x16xf32>,
      %swap3A_1599 = vector.shape_cast %swap3A_1598 : vector<1x16xf32> to vector<16xf32>
      %swap3A_1600 = vector.shape_cast %select_n3A_1595 : vector<16xf32> to vector<1x16xf32>
      tpu.vector_store %arg8[%swap3A_1596, %swap3A_1597], %swap3A_1600 {strides = array<i32>} : memref<128x128xf32, #tpu.memory_space<vmem>>, vector<1x16xf32>,
      %slice3A_1601 = vector.extract_strided_slice %get3A_148 {offsets = [13], sizes = [1], strides = [1]} : vector<16xf32> to vector<1xf32>
      %squeeze3A_1602 = vector.extract %slice3A_1601[0] : f32 from vector<1xf32>
      %slice3A_1603 = vector.extract_strided_slice %get3A_157 {offsets = [13], sizes = [1], strides = [1]} : vector<16xf32> to vector<1xf32>
      %squeeze3A_1604 = vector.extract %slice3A_1603[0] : f32 from vector<1xf32>
      %slice3A_1605 = vector.extract_strided_slice %get3A_166 {offsets = [13], sizes = [1], strides = [1]} : vector<16xf32> to vector<1xf32>
      %squeeze3A_1606 = vector.extract %slice3A_1605[0] : f32 from vector<1xf32>
      %slice3A_1607 = vector.extract_strided_slice %get3A_175 {offsets = [13], sizes = [1], strides = [1]} : vector<16xf32> to vector<1xf32>
      %squeeze3A_1608 = vector.extract %slice3A_1607[0] : f32 from vector<1xf32>
      %mul3A_1609 = arith.constant 16 : i32
      %mul3A_1610 = arith.muli %scan3A_139, %mul3A_1609 : i32
      %add3A_1611 = arith.constant 13 : i32
      %add3A_1612 = arith.addi %mul3A_1610, %add3A_1611 : i32
      %add3A_1613 = arith.constant 0 : i32
      %add3A_1614 = arith.addi %add3A_1612, %add3A_1613 : i32
      %broadcast_in_dim3A_1615 = vector.broadcast %squeeze3A_1602 : f32 to vector<16xf32>
      %broadcast_in_dim3A_1616 = vector.broadcast %squeeze3A_1604 : f32 to vector<16xf32>
      %select_n3A_1617 = arith.select %eq3A_44, %broadcast_in_dim3A_1615, %broadcast_in_dim3A_1616 : vector<16xi1>, vector<16xf32>
      %broadcast_in_dim3A_1618 = vector.broadcast %squeeze3A_1606 : f32 to vector<16xf32>
      %broadcast_in_dim3A_1619 = vector.broadcast %squeeze3A_1608 : f32 to vector<16xf32>
      %select_n3A_1620 = arith.select %eq3A_47, %broadcast_in_dim3A_1618, %broadcast_in_dim3A_1619 : vector<16xi1>, vector<16xf32>
      %select_n3A_1621 = arith.select %lt3A_49, %select_n3A_1617, %select_n3A_1620 : vector<16xi1>, vector<16xf32>
      %swap3A_1622 = arith.index_cast %add3A_1614 : i32 to index
      %swap3A_1623 = arith.constant 0 : index
      %swap3A_1624 = tpu.vector_load %arg8[%swap3A_1622, %swap3A_1623] {strides = array<i32>} : memref<128x128xf32, #tpu.memory_space<vmem>>, vector<1x16xf32>,
      %swap3A_1625 = vector.shape_cast %swap3A_1624 : vector<1x16xf32> to vector<16xf32>
      %swap3A_1626 = vector.shape_cast %select_n3A_1621 : vector<16xf32> to vector<1x16xf32>
      tpu.vector_store %arg8[%swap3A_1622, %swap3A_1623], %swap3A_1626 {strides = array<i32>} : memref<128x128xf32, #tpu.memory_space<vmem>>, vector<1x16xf32>,
      %broadcast_in_dim3A_1627 = vector.broadcast %squeeze3A_1602 : f32 to vector<16xf32>
      %broadcast_in_dim3A_1628 = vector.broadcast %squeeze3A_1604 : f32 to vector<16xf32>
      %select_n3A_1629 = arith.select %eq3A_55, %broadcast_in_dim3A_1627, %broadcast_in_dim3A_1628 : vector<16xi1>, vector<16xf32>
      %broadcast_in_dim3A_1630 = vector.broadcast %squeeze3A_1606 : f32 to vector<16xf32>
      %broadcast_in_dim3A_1631 = vector.broadcast %squeeze3A_1608 : f32 to vector<16xf32>
      %select_n3A_1632 = arith.select %eq3A_58, %broadcast_in_dim3A_1630, %broadcast_in_dim3A_1631 : vector<16xi1>, vector<16xf32>
      %select_n3A_1633 = arith.select %lt3A_61, %select_n3A_1629, %select_n3A_1632 : vector<16xi1>, vector<16xf32>
      %swap3A_1634 = arith.index_cast %add3A_1614 : i32 to index
      %swap3A_1635 = arith.constant 16 : index
      %swap3A_1636 = tpu.vector_load %arg8[%swap3A_1634, %swap3A_1635] {strides = array<i32>} : memref<128x128xf32, #tpu.memory_space<vmem>>, vector<1x16xf32>,
      %swap3A_1637 = vector.shape_cast %swap3A_1636 : vector<1x16xf32> to vector<16xf32>
      %swap3A_1638 = vector.shape_cast %select_n3A_1633 : vector<16xf32> to vector<1x16xf32>
      tpu.vector_store %arg8[%swap3A_1634, %swap3A_1635], %swap3A_1638 {strides = array<i32>} : memref<128x128xf32, #tpu.memory_space<vmem>>, vector<1x16xf32>,
      %broadcast_in_dim3A_1639 = vector.broadcast %squeeze3A_1602 : f32 to vector<16xf32>
      %broadcast_in_dim3A_1640 = vector.broadcast %squeeze3A_1604 : f32 to vector<16xf32>
      %select_n3A_1641 = arith.select %eq3A_67, %broadcast_in_dim3A_1639, %broadcast_in_dim3A_1640 : vector<16xi1>, vector<16xf32>
      %broadcast_in_dim3A_1642 = vector.broadcast %squeeze3A_1606 : f32 to vector<16xf32>
      %broadcast_in_dim3A_1643 = vector.broadcast %squeeze3A_1608 : f32 to vector<16xf32>
      %select_n3A_1644 = arith.select %eq3A_70, %broadcast_in_dim3A_1642, %broadcast_in_dim3A_1643 : vector<16xi1>, vector<16xf32>
      %select_n3A_1645 = arith.select %lt3A_73, %select_n3A_1641, %select_n3A_1644 : vector<16xi1>, vector<16xf32>
      %swap3A_1646 = arith.index_cast %add3A_1614 : i32 to index
      %swap3A_1647 = arith.constant 32 : index
      %swap3A_1648 = tpu.vector_load %arg8[%swap3A_1646, %swap3A_1647] {strides = array<i32>} : memref<128x128xf32, #tpu.memory_space<vmem>>, vector<1x16xf32>,
      %swap3A_1649 = vector.shape_cast %swap3A_1648 : vector<1x16xf32> to vector<16xf32>
      %swap3A_1650 = vector.shape_cast %select_n3A_1645 : vector<16xf32> to vector<1x16xf32>
      tpu.vector_store %arg8[%swap3A_1646, %swap3A_1647], %swap3A_1650 {strides = array<i32>} : memref<128x128xf32, #tpu.memory_space<vmem>>, vector<1x16xf32>,
      %broadcast_in_dim3A_1651 = vector.broadcast %squeeze3A_1602 : f32 to vector<16xf32>
      %broadcast_in_dim3A_1652 = vector.broadcast %squeeze3A_1604 : f32 to vector<16xf32>
      %select_n3A_1653 = arith.select %eq3A_79, %broadcast_in_dim3A_1651, %broadcast_in_dim3A_1652 : vector<16xi1>, vector<16xf32>
      %broadcast_in_dim3A_1654 = vector.broadcast %squeeze3A_1606 : f32 to vector<16xf32>
      %broadcast_in_dim3A_1655 = vector.broadcast %squeeze3A_1608 : f32 to vector<16xf32>
      %select_n3A_1656 = arith.select %eq3A_82, %broadcast_in_dim3A_1654, %broadcast_in_dim3A_1655 : vector<16xi1>, vector<16xf32>
      %select_n3A_1657 = arith.select %lt3A_85, %select_n3A_1653, %select_n3A_1656 : vector<16xi1>, vector<16xf32>
      %swap3A_1658 = arith.index_cast %add3A_1614 : i32 to index
      %swap3A_1659 = arith.constant 48 : index
      %swap3A_1660 = tpu.vector_load %arg8[%swap3A_1658, %swap3A_1659] {strides = array<i32>} : memref<128x128xf32, #tpu.memory_space<vmem>>, vector<1x16xf32>,
      %swap3A_1661 = vector.shape_cast %swap3A_1660 : vector<1x16xf32> to vector<16xf32>
      %swap3A_1662 = vector.shape_cast %select_n3A_1657 : vector<16xf32> to vector<1x16xf32>
      tpu.vector_store %arg8[%swap3A_1658, %swap3A_1659], %swap3A_1662 {strides = array<i32>} : memref<128x128xf32, #tpu.memory_space<vmem>>, vector<1x16xf32>,
      %broadcast_in_dim3A_1663 = vector.broadcast %squeeze3A_1602 : f32 to vector<16xf32>
      %broadcast_in_dim3A_1664 = vector.broadcast %squeeze3A_1604 : f32 to vector<16xf32>
      %select_n3A_1665 = arith.select %eq3A_91, %broadcast_in_dim3A_1663, %broadcast_in_dim3A_1664 : vector<16xi1>, vector<16xf32>
      %broadcast_in_dim3A_1666 = vector.broadcast %squeeze3A_1606 : f32 to vector<16xf32>
      %broadcast_in_dim3A_1667 = vector.broadcast %squeeze3A_1608 : f32 to vector<16xf32>
      %select_n3A_1668 = arith.select %eq3A_94, %broadcast_in_dim3A_1666, %broadcast_in_dim3A_1667 : vector<16xi1>, vector<16xf32>
      %select_n3A_1669 = arith.select %lt3A_97, %select_n3A_1665, %select_n3A_1668 : vector<16xi1>, vector<16xf32>
      %swap3A_1670 = arith.index_cast %add3A_1614 : i32 to index
      %swap3A_1671 = arith.constant 64 : index
      %swap3A_1672 = tpu.vector_load %arg8[%swap3A_1670, %swap3A_1671] {strides = array<i32>} : memref<128x128xf32, #tpu.memory_space<vmem>>, vector<1x16xf32>,
      %swap3A_1673 = vector.shape_cast %swap3A_1672 : vector<1x16xf32> to vector<16xf32>
      %swap3A_1674 = vector.shape_cast %select_n3A_1669 : vector<16xf32> to vector<1x16xf32>
      tpu.vector_store %arg8[%swap3A_1670, %swap3A_1671], %swap3A_1674 {strides = array<i32>} : memref<128x128xf32, #tpu.memory_space<vmem>>, vector<1x16xf32>,
      %broadcast_in_dim3A_1675 = vector.broadcast %squeeze3A_1602 : f32 to vector<16xf32>
      %broadcast_in_dim3A_1676 = vector.broadcast %squeeze3A_1604 : f32 to vector<16xf32>
      %select_n3A_1677 = arith.select %eq3A_103, %broadcast_in_dim3A_1675, %broadcast_in_dim3A_1676 : vector<16xi1>, vector<16xf32>
      %broadcast_in_dim3A_1678 = vector.broadcast %squeeze3A_1606 : f32 to vector<16xf32>
      %broadcast_in_dim3A_1679 = vector.broadcast %squeeze3A_1608 : f32 to vector<16xf32>
      %select_n3A_1680 = arith.select %eq3A_106, %broadcast_in_dim3A_1678, %broadcast_in_dim3A_1679 : vector<16xi1>, vector<16xf32>
      %select_n3A_1681 = arith.select %lt3A_109, %select_n3A_1677, %select_n3A_1680 : vector<16xi1>, vector<16xf32>
      %swap3A_1682 = arith.index_cast %add3A_1614 : i32 to index
      %swap3A_1683 = arith.constant 80 : index
      %swap3A_1684 = tpu.vector_load %arg8[%swap3A_1682, %swap3A_1683] {strides = array<i32>} : memref<128x128xf32, #tpu.memory_space<vmem>>, vector<1x16xf32>,
      %swap3A_1685 = vector.shape_cast %swap3A_1684 : vector<1x16xf32> to vector<16xf32>
      %swap3A_1686 = vector.shape_cast %select_n3A_1681 : vector<16xf32> to vector<1x16xf32>
      tpu.vector_store %arg8[%swap3A_1682, %swap3A_1683], %swap3A_1686 {strides = array<i32>} : memref<128x128xf32, #tpu.memory_space<vmem>>, vector<1x16xf32>,
      %broadcast_in_dim3A_1687 = vector.broadcast %squeeze3A_1602 : f32 to vector<16xf32>
      %broadcast_in_dim3A_1688 = vector.broadcast %squeeze3A_1604 : f32 to vector<16xf32>
      %select_n3A_1689 = arith.select %eq3A_115, %broadcast_in_dim3A_1687, %broadcast_in_dim3A_1688 : vector<16xi1>, vector<16xf32>
      %broadcast_in_dim3A_1690 = vector.broadcast %squeeze3A_1606 : f32 to vector<16xf32>
      %broadcast_in_dim3A_1691 = vector.broadcast %squeeze3A_1608 : f32 to vector<16xf32>
      %select_n3A_1692 = arith.select %eq3A_118, %broadcast_in_dim3A_1690, %broadcast_in_dim3A_1691 : vector<16xi1>, vector<16xf32>
      %select_n3A_1693 = arith.select %lt3A_121, %select_n3A_1689, %select_n3A_1692 : vector<16xi1>, vector<16xf32>
      %swap3A_1694 = arith.index_cast %add3A_1614 : i32 to index
      %swap3A_1695 = arith.constant 96 : index
      %swap3A_1696 = tpu.vector_load %arg8[%swap3A_1694, %swap3A_1695] {strides = array<i32>} : memref<128x128xf32, #tpu.memory_space<vmem>>, vector<1x16xf32>,
      %swap3A_1697 = vector.shape_cast %swap3A_1696 : vector<1x16xf32> to vector<16xf32>
      %swap3A_1698 = vector.shape_cast %select_n3A_1693 : vector<16xf32> to vector<1x16xf32>
      tpu.vector_store %arg8[%swap3A_1694, %swap3A_1695], %swap3A_1698 {strides = array<i32>} : memref<128x128xf32, #tpu.memory_space<vmem>>, vector<1x16xf32>,
      %broadcast_in_dim3A_1699 = vector.broadcast %squeeze3A_1602 : f32 to vector<16xf32>
      %broadcast_in_dim3A_1700 = vector.broadcast %squeeze3A_1604 : f32 to vector<16xf32>
      %select_n3A_1701 = arith.select %eq3A_127, %broadcast_in_dim3A_1699, %broadcast_in_dim3A_1700 : vector<16xi1>, vector<16xf32>
      %broadcast_in_dim3A_1702 = vector.broadcast %squeeze3A_1606 : f32 to vector<16xf32>
      %broadcast_in_dim3A_1703 = vector.broadcast %squeeze3A_1608 : f32 to vector<16xf32>
      %select_n3A_1704 = arith.select %eq3A_130, %broadcast_in_dim3A_1702, %broadcast_in_dim3A_1703 : vector<16xi1>, vector<16xf32>
      %select_n3A_1705 = arith.select %lt3A_133, %select_n3A_1701, %select_n3A_1704 : vector<16xi1>, vector<16xf32>
      %swap3A_1706 = arith.index_cast %add3A_1614 : i32 to index
      %swap3A_1707 = arith.constant 112 : index
      %swap3A_1708 = tpu.vector_load %arg8[%swap3A_1706, %swap3A_1707] {strides = array<i32>} : memref<128x128xf32, #tpu.memory_space<vmem>>, vector<1x16xf32>,
      %swap3A_1709 = vector.shape_cast %swap3A_1708 : vector<1x16xf32> to vector<16xf32>
      %swap3A_1710 = vector.shape_cast %select_n3A_1705 : vector<16xf32> to vector<1x16xf32>
      tpu.vector_store %arg8[%swap3A_1706, %swap3A_1707], %swap3A_1710 {strides = array<i32>} : memref<128x128xf32, #tpu.memory_space<vmem>>, vector<1x16xf32>,
      %slice3A_1711 = vector.extract_strided_slice %get3A_148 {offsets = [14], sizes = [1], strides = [1]} : vector<16xf32> to vector<1xf32>
      %squeeze3A_1712 = vector.extract %slice3A_1711[0] : f32 from vector<1xf32>
      %slice3A_1713 = vector.extract_strided_slice %get3A_157 {offsets = [14], sizes = [1], strides = [1]} : vector<16xf32> to vector<1xf32>
      %squeeze3A_1714 = vector.extract %slice3A_1713[0] : f32 from vector<1xf32>
      %slice3A_1715 = vector.extract_strided_slice %get3A_166 {offsets = [14], sizes = [1], strides = [1]} : vector<16xf32> to vector<1xf32>
      %squeeze3A_1716 = vector.extract %slice3A_1715[0] : f32 from vector<1xf32>
      %slice3A_1717 = vector.extract_strided_slice %get3A_175 {offsets = [14], sizes = [1], strides = [1]} : vector<16xf32> to vector<1xf32>
      %squeeze3A_1718 = vector.extract %slice3A_1717[0] : f32 from vector<1xf32>
      %mul3A_1719 = arith.constant 16 : i32
      %mul3A_1720 = arith.muli %scan3A_139, %mul3A_1719 : i32
      %add3A_1721 = arith.constant 14 : i32
      %add3A_1722 = arith.addi %mul3A_1720, %add3A_1721 : i32
      %add3A_1723 = arith.constant 0 : i32
      %add3A_1724 = arith.addi %add3A_1722, %add3A_1723 : i32
      %broadcast_in_dim3A_1725 = vector.broadcast %squeeze3A_1712 : f32 to vector<16xf32>
      %broadcast_in_dim3A_1726 = vector.broadcast %squeeze3A_1714 : f32 to vector<16xf32>
      %select_n3A_1727 = arith.select %eq3A_44, %broadcast_in_dim3A_1725, %broadcast_in_dim3A_1726 : vector<16xi1>, vector<16xf32>
      %broadcast_in_dim3A_1728 = vector.broadcast %squeeze3A_1716 : f32 to vector<16xf32>
      %broadcast_in_dim3A_1729 = vector.broadcast %squeeze3A_1718 : f32 to vector<16xf32>
      %select_n3A_1730 = arith.select %eq3A_47, %broadcast_in_dim3A_1728, %broadcast_in_dim3A_1729 : vector<16xi1>, vector<16xf32>
      %select_n3A_1731 = arith.select %lt3A_49, %select_n3A_1727, %select_n3A_1730 : vector<16xi1>, vector<16xf32>
      %swap3A_1732 = arith.index_cast %add3A_1724 : i32 to index
      %swap3A_1733 = arith.constant 0 : index
      %swap3A_1734 = tpu.vector_load %arg8[%swap3A_1732, %swap3A_1733] {strides = array<i32>} : memref<128x128xf32, #tpu.memory_space<vmem>>, vector<1x16xf32>,
      %swap3A_1735 = vector.shape_cast %swap3A_1734 : vector<1x16xf32> to vector<16xf32>
      %swap3A_1736 = vector.shape_cast %select_n3A_1731 : vector<16xf32> to vector<1x16xf32>
      tpu.vector_store %arg8[%swap3A_1732, %swap3A_1733], %swap3A_1736 {strides = array<i32>} : memref<128x128xf32, #tpu.memory_space<vmem>>, vector<1x16xf32>,
      %broadcast_in_dim3A_1737 = vector.broadcast %squeeze3A_1712 : f32 to vector<16xf32>
      %broadcast_in_dim3A_1738 = vector.broadcast %squeeze3A_1714 : f32 to vector<16xf32>
      %select_n3A_1739 = arith.select %eq3A_55, %broadcast_in_dim3A_1737, %broadcast_in_dim3A_1738 : vector<16xi1>, vector<16xf32>
      %broadcast_in_dim3A_1740 = vector.broadcast %squeeze3A_1716 : f32 to vector<16xf32>
      %broadcast_in_dim3A_1741 = vector.broadcast %squeeze3A_1718 : f32 to vector<16xf32>
      %select_n3A_1742 = arith.select %eq3A_58, %broadcast_in_dim3A_1740, %broadcast_in_dim3A_1741 : vector<16xi1>, vector<16xf32>
      %select_n3A_1743 = arith.select %lt3A_61, %select_n3A_1739, %select_n3A_1742 : vector<16xi1>, vector<16xf32>
      %swap3A_1744 = arith.index_cast %add3A_1724 : i32 to index
      %swap3A_1745 = arith.constant 16 : index
      %swap3A_1746 = tpu.vector_load %arg8[%swap3A_1744, %swap3A_1745] {strides = array<i32>} : memref<128x128xf32, #tpu.memory_space<vmem>>, vector<1x16xf32>,
      %swap3A_1747 = vector.shape_cast %swap3A_1746 : vector<1x16xf32> to vector<16xf32>
      %swap3A_1748 = vector.shape_cast %select_n3A_1743 : vector<16xf32> to vector<1x16xf32>
      tpu.vector_store %arg8[%swap3A_1744, %swap3A_1745], %swap3A_1748 {strides = array<i32>} : memref<128x128xf32, #tpu.memory_space<vmem>>, vector<1x16xf32>,
      %broadcast_in_dim3A_1749 = vector.broadcast %squeeze3A_1712 : f32 to vector<16xf32>
      %broadcast_in_dim3A_1750 = vector.broadcast %squeeze3A_1714 : f32 to vector<16xf32>
      %select_n3A_1751 = arith.select %eq3A_67, %broadcast_in_dim3A_1749, %broadcast_in_dim3A_1750 : vector<16xi1>, vector<16xf32>
      %broadcast_in_dim3A_1752 = vector.broadcast %squeeze3A_1716 : f32 to vector<16xf32>
      %broadcast_in_dim3A_1753 = vector.broadcast %squeeze3A_1718 : f32 to vector<16xf32>
      %select_n3A_1754 = arith.select %eq3A_70, %broadcast_in_dim3A_1752, %broadcast_in_dim3A_1753 : vector<16xi1>, vector<16xf32>
      %select_n3A_1755 = arith.select %lt3A_73, %select_n3A_1751, %select_n3A_1754 : vector<16xi1>, vector<16xf32>
      %swap3A_1756 = arith.index_cast %add3A_1724 : i32 to index
      %swap3A_1757 = arith.constant 32 : index
      %swap3A_1758 = tpu.vector_load %arg8[%swap3A_1756, %swap3A_1757] {strides = array<i32>} : memref<128x128xf32, #tpu.memory_space<vmem>>, vector<1x16xf32>,
      %swap3A_1759 = vector.shape_cast %swap3A_1758 : vector<1x16xf32> to vector<16xf32>
      %swap3A_1760 = vector.shape_cast %select_n3A_1755 : vector<16xf32> to vector<1x16xf32>
      tpu.vector_store %arg8[%swap3A_1756, %swap3A_1757], %swap3A_1760 {strides = array<i32>} : memref<128x128xf32, #tpu.memory_space<vmem>>, vector<1x16xf32>,
      %broadcast_in_dim3A_1761 = vector.broadcast %squeeze3A_1712 : f32 to vector<16xf32>
      %broadcast_in_dim3A_1762 = vector.broadcast %squeeze3A_1714 : f32 to vector<16xf32>
      %select_n3A_1763 = arith.select %eq3A_79, %broadcast_in_dim3A_1761, %broadcast_in_dim3A_1762 : vector<16xi1>, vector<16xf32>
      %broadcast_in_dim3A_1764 = vector.broadcast %squeeze3A_1716 : f32 to vector<16xf32>
      %broadcast_in_dim3A_1765 = vector.broadcast %squeeze3A_1718 : f32 to vector<16xf32>
      %select_n3A_1766 = arith.select %eq3A_82, %broadcast_in_dim3A_1764, %broadcast_in_dim3A_1765 : vector<16xi1>, vector<16xf32>
      %select_n3A_1767 = arith.select %lt3A_85, %select_n3A_1763, %select_n3A_1766 : vector<16xi1>, vector<16xf32>
      %swap3A_1768 = arith.index_cast %add3A_1724 : i32 to index
      %swap3A_1769 = arith.constant 48 : index
      %swap3A_1770 = tpu.vector_load %arg8[%swap3A_1768, %swap3A_1769] {strides = array<i32>} : memref<128x128xf32, #tpu.memory_space<vmem>>, vector<1x16xf32>,
      %swap3A_1771 = vector.shape_cast %swap3A_1770 : vector<1x16xf32> to vector<16xf32>
      %swap3A_1772 = vector.shape_cast %select_n3A_1767 : vector<16xf32> to vector<1x16xf32>
      tpu.vector_store %arg8[%swap3A_1768, %swap3A_1769], %swap3A_1772 {strides = array<i32>} : memref<128x128xf32, #tpu.memory_space<vmem>>, vector<1x16xf32>,
      %broadcast_in_dim3A_1773 = vector.broadcast %squeeze3A_1712 : f32 to vector<16xf32>
      %broadcast_in_dim3A_1774 = vector.broadcast %squeeze3A_1714 : f32 to vector<16xf32>
      %select_n3A_1775 = arith.select %eq3A_91, %broadcast_in_dim3A_1773, %broadcast_in_dim3A_1774 : vector<16xi1>, vector<16xf32>
      %broadcast_in_dim3A_1776 = vector.broadcast %squeeze3A_1716 : f32 to vector<16xf32>
      %broadcast_in_dim3A_1777 = vector.broadcast %squeeze3A_1718 : f32 to vector<16xf32>
      %select_n3A_1778 = arith.select %eq3A_94, %broadcast_in_dim3A_1776, %broadcast_in_dim3A_1777 : vector<16xi1>, vector<16xf32>
      %select_n3A_1779 = arith.select %lt3A_97, %select_n3A_1775, %select_n3A_1778 : vector<16xi1>, vector<16xf32>
      %swap3A_1780 = arith.index_cast %add3A_1724 : i32 to index
      %swap3A_1781 = arith.constant 64 : index
      %swap3A_1782 = tpu.vector_load %arg8[%swap3A_1780, %swap3A_1781] {strides = array<i32>} : memref<128x128xf32, #tpu.memory_space<vmem>>, vector<1x16xf32>,
      %swap3A_1783 = vector.shape_cast %swap3A_1782 : vector<1x16xf32> to vector<16xf32>
      %swap3A_1784 = vector.shape_cast %select_n3A_1779 : vector<16xf32> to vector<1x16xf32>
      tpu.vector_store %arg8[%swap3A_1780, %swap3A_1781], %swap3A_1784 {strides = array<i32>} : memref<128x128xf32, #tpu.memory_space<vmem>>, vector<1x16xf32>,
      %broadcast_in_dim3A_1785 = vector.broadcast %squeeze3A_1712 : f32 to vector<16xf32>
      %broadcast_in_dim3A_1786 = vector.broadcast %squeeze3A_1714 : f32 to vector<16xf32>
      %select_n3A_1787 = arith.select %eq3A_103, %broadcast_in_dim3A_1785, %broadcast_in_dim3A_1786 : vector<16xi1>, vector<16xf32>
      %broadcast_in_dim3A_1788 = vector.broadcast %squeeze3A_1716 : f32 to vector<16xf32>
      %broadcast_in_dim3A_1789 = vector.broadcast %squeeze3A_1718 : f32 to vector<16xf32>
      %select_n3A_1790 = arith.select %eq3A_106, %broadcast_in_dim3A_1788, %broadcast_in_dim3A_1789 : vector<16xi1>, vector<16xf32>
      %select_n3A_1791 = arith.select %lt3A_109, %select_n3A_1787, %select_n3A_1790 : vector<16xi1>, vector<16xf32>
      %swap3A_1792 = arith.index_cast %add3A_1724 : i32 to index
      %swap3A_1793 = arith.constant 80 : index
      %swap3A_1794 = tpu.vector_load %arg8[%swap3A_1792, %swap3A_1793] {strides = array<i32>} : memref<128x128xf32, #tpu.memory_space<vmem>>, vector<1x16xf32>,
      %swap3A_1795 = vector.shape_cast %swap3A_1794 : vector<1x16xf32> to vector<16xf32>
      %swap3A_1796 = vector.shape_cast %select_n3A_1791 : vector<16xf32> to vector<1x16xf32>
      tpu.vector_store %arg8[%swap3A_1792, %swap3A_1793], %swap3A_1796 {strides = array<i32>} : memref<128x128xf32, #tpu.memory_space<vmem>>, vector<1x16xf32>,
      %broadcast_in_dim3A_1797 = vector.broadcast %squeeze3A_1712 : f32 to vector<16xf32>
      %broadcast_in_dim3A_1798 = vector.broadcast %squeeze3A_1714 : f32 to vector<16xf32>
      %select_n3A_1799 = arith.select %eq3A_115, %broadcast_in_dim3A_1797, %broadcast_in_dim3A_1798 : vector<16xi1>, vector<16xf32>
      %broadcast_in_dim3A_1800 = vector.broadcast %squeeze3A_1716 : f32 to vector<16xf32>
      %broadcast_in_dim3A_1801 = vector.broadcast %squeeze3A_1718 : f32 to vector<16xf32>
      %select_n3A_1802 = arith.select %eq3A_118, %broadcast_in_dim3A_1800, %broadcast_in_dim3A_1801 : vector<16xi1>, vector<16xf32>
      %select_n3A_1803 = arith.select %lt3A_121, %select_n3A_1799, %select_n3A_1802 : vector<16xi1>, vector<16xf32>
      %swap3A_1804 = arith.index_cast %add3A_1724 : i32 to index
      %swap3A_1805 = arith.constant 96 : index
      %swap3A_1806 = tpu.vector_load %arg8[%swap3A_1804, %swap3A_1805] {strides = array<i32>} : memref<128x128xf32, #tpu.memory_space<vmem>>, vector<1x16xf32>,
      %swap3A_1807 = vector.shape_cast %swap3A_1806 : vector<1x16xf32> to vector<16xf32>
      %swap3A_1808 = vector.shape_cast %select_n3A_1803 : vector<16xf32> to vector<1x16xf32>
      tpu.vector_store %arg8[%swap3A_1804, %swap3A_1805], %swap3A_1808 {strides = array<i32>} : memref<128x128xf32, #tpu.memory_space<vmem>>, vector<1x16xf32>,
      %broadcast_in_dim3A_1809 = vector.broadcast %squeeze3A_1712 : f32 to vector<16xf32>
      %broadcast_in_dim3A_1810 = vector.broadcast %squeeze3A_1714 : f32 to vector<16xf32>
      %select_n3A_1811 = arith.select %eq3A_127, %broadcast_in_dim3A_1809, %broadcast_in_dim3A_1810 : vector<16xi1>, vector<16xf32>
      %broadcast_in_dim3A_1812 = vector.broadcast %squeeze3A_1716 : f32 to vector<16xf32>
      %broadcast_in_dim3A_1813 = vector.broadcast %squeeze3A_1718 : f32 to vector<16xf32>
      %select_n3A_1814 = arith.select %eq3A_130, %broadcast_in_dim3A_1812, %broadcast_in_dim3A_1813 : vector<16xi1>, vector<16xf32>
      %select_n3A_1815 = arith.select %lt3A_133, %select_n3A_1811, %select_n3A_1814 : vector<16xi1>, vector<16xf32>
      %swap3A_1816 = arith.index_cast %add3A_1724 : i32 to index
      %swap3A_1817 = arith.constant 112 : index
      %swap3A_1818 = tpu.vector_load %arg8[%swap3A_1816, %swap3A_1817] {strides = array<i32>} : memref<128x128xf32, #tpu.memory_space<vmem>>, vector<1x16xf32>,
      %swap3A_1819 = vector.shape_cast %swap3A_1818 : vector<1x16xf32> to vector<16xf32>
      %swap3A_1820 = vector.shape_cast %select_n3A_1815 : vector<16xf32> to vector<1x16xf32>
      tpu.vector_store %arg8[%swap3A_1816, %swap3A_1817], %swap3A_1820 {strides = array<i32>} : memref<128x128xf32, #tpu.memory_space<vmem>>, vector<1x16xf32>,
      %slice3A_1821 = vector.extract_strided_slice %get3A_148 {offsets = [15], sizes = [1], strides = [1]} : vector<16xf32> to vector<1xf32>
      %squeeze3A_1822 = vector.extract %slice3A_1821[0] : f32 from vector<1xf32>
      %slice3A_1823 = vector.extract_strided_slice %get3A_157 {offsets = [15], sizes = [1], strides = [1]} : vector<16xf32> to vector<1xf32>
      %squeeze3A_1824 = vector.extract %slice3A_1823[0] : f32 from vector<1xf32>
      %slice3A_1825 = vector.extract_strided_slice %get3A_166 {offsets = [15], sizes = [1], strides = [1]} : vector<16xf32> to vector<1xf32>
      %squeeze3A_1826 = vector.extract %slice3A_1825[0] : f32 from vector<1xf32>
      %slice3A_1827 = vector.extract_strided_slice %get3A_175 {offsets = [15], sizes = [1], strides = [1]} : vector<16xf32> to vector<1xf32>
      %squeeze3A_1828 = vector.extract %slice3A_1827[0] : f32 from vector<1xf32>
      %mul3A_1829 = arith.constant 16 : i32
      %mul3A_1830 = arith.muli %scan3A_139, %mul3A_1829 : i32
      %add3A_1831 = arith.constant 15 : i32
      %add3A_1832 = arith.addi %mul3A_1830, %add3A_1831 : i32
      %add3A_1833 = arith.constant 0 : i32
      %add3A_1834 = arith.addi %add3A_1832, %add3A_1833 : i32
      %broadcast_in_dim3A_1835 = vector.broadcast %squeeze3A_1822 : f32 to vector<16xf32>
      %broadcast_in_dim3A_1836 = vector.broadcast %squeeze3A_1824 : f32 to vector<16xf32>
      %select_n3A_1837 = arith.select %eq3A_44, %broadcast_in_dim3A_1835, %broadcast_in_dim3A_1836 : vector<16xi1>, vector<16xf32>
      %broadcast_in_dim3A_1838 = vector.broadcast %squeeze3A_1826 : f32 to vector<16xf32>
      %broadcast_in_dim3A_1839 = vector.broadcast %squeeze3A_1828 : f32 to vector<16xf32>
      %select_n3A_1840 = arith.select %eq3A_47, %broadcast_in_dim3A_1838, %broadcast_in_dim3A_1839 : vector<16xi1>, vector<16xf32>
      %select_n3A_1841 = arith.select %lt3A_49, %select_n3A_1837, %select_n3A_1840 : vector<16xi1>, vector<16xf32>
      %swap3A_1842 = arith.index_cast %add3A_1834 : i32 to index
      %swap3A_1843 = arith.constant 0 : index
      %swap3A_1844 = tpu.vector_load %arg8[%swap3A_1842, %swap3A_1843] {strides = array<i32>} : memref<128x128xf32, #tpu.memory_space<vmem>>, vector<1x16xf32>,
      %swap3A_1845 = vector.shape_cast %swap3A_1844 : vector<1x16xf32> to vector<16xf32>
      %swap3A_1846 = vector.shape_cast %select_n3A_1841 : vector<16xf32> to vector<1x16xf32>
      tpu.vector_store %arg8[%swap3A_1842, %swap3A_1843], %swap3A_1846 {strides = array<i32>} : memref<128x128xf32, #tpu.memory_space<vmem>>, vector<1x16xf32>,
      %broadcast_in_dim3A_1847 = vector.broadcast %squeeze3A_1822 : f32 to vector<16xf32>
      %broadcast_in_dim3A_1848 = vector.broadcast %squeeze3A_1824 : f32 to vector<16xf32>
      %select_n3A_1849 = arith.select %eq3A_55, %broadcast_in_dim3A_1847, %broadcast_in_dim3A_1848 : vector<16xi1>, vector<16xf32>
      %broadcast_in_dim3A_1850 = vector.broadcast %squeeze3A_1826 : f32 to vector<16xf32>
      %broadcast_in_dim3A_1851 = vector.broadcast %squeeze3A_1828 : f32 to vector<16xf32>
      %select_n3A_1852 = arith.select %eq3A_58, %broadcast_in_dim3A_1850, %broadcast_in_dim3A_1851 : vector<16xi1>, vector<16xf32>
      %select_n3A_1853 = arith.select %lt3A_61, %select_n3A_1849, %select_n3A_1852 : vector<16xi1>, vector<16xf32>
      %swap3A_1854 = arith.index_cast %add3A_1834 : i32 to index
      %swap3A_1855 = arith.constant 16 : index
      %swap3A_1856 = tpu.vector_load %arg8[%swap3A_1854, %swap3A_1855] {strides = array<i32>} : memref<128x128xf32, #tpu.memory_space<vmem>>, vector<1x16xf32>,
      %swap3A_1857 = vector.shape_cast %swap3A_1856 : vector<1x16xf32> to vector<16xf32>
      %swap3A_1858 = vector.shape_cast %select_n3A_1853 : vector<16xf32> to vector<1x16xf32>
      tpu.vector_store %arg8[%swap3A_1854, %swap3A_1855], %swap3A_1858 {strides = array<i32>} : memref<128x128xf32, #tpu.memory_space<vmem>>, vector<1x16xf32>,
      %broadcast_in_dim3A_1859 = vector.broadcast %squeeze3A_1822 : f32 to vector<16xf32>
      %broadcast_in_dim3A_1860 = vector.broadcast %squeeze3A_1824 : f32 to vector<16xf32>
      %select_n3A_1861 = arith.select %eq3A_67, %broadcast_in_dim3A_1859, %broadcast_in_dim3A_1860 : vector<16xi1>, vector<16xf32>
      %broadcast_in_dim3A_1862 = vector.broadcast %squeeze3A_1826 : f32 to vector<16xf32>
      %broadcast_in_dim3A_1863 = vector.broadcast %squeeze3A_1828 : f32 to vector<16xf32>
      %select_n3A_1864 = arith.select %eq3A_70, %broadcast_in_dim3A_1862, %broadcast_in_dim3A_1863 : vector<16xi1>, vector<16xf32>
      %select_n3A_1865 = arith.select %lt3A_73, %select_n3A_1861, %select_n3A_1864 : vector<16xi1>, vector<16xf32>
      %swap3A_1866 = arith.index_cast %add3A_1834 : i32 to index
      %swap3A_1867 = arith.constant 32 : index
      %swap3A_1868 = tpu.vector_load %arg8[%swap3A_1866, %swap3A_1867] {strides = array<i32>} : memref<128x128xf32, #tpu.memory_space<vmem>>, vector<1x16xf32>,
      %swap3A_1869 = vector.shape_cast %swap3A_1868 : vector<1x16xf32> to vector<16xf32>
      %swap3A_1870 = vector.shape_cast %select_n3A_1865 : vector<16xf32> to vector<1x16xf32>
      tpu.vector_store %arg8[%swap3A_1866, %swap3A_1867], %swap3A_1870 {strides = array<i32>} : memref<128x128xf32, #tpu.memory_space<vmem>>, vector<1x16xf32>,
      %broadcast_in_dim3A_1871 = vector.broadcast %squeeze3A_1822 : f32 to vector<16xf32>
      %broadcast_in_dim3A_1872 = vector.broadcast %squeeze3A_1824 : f32 to vector<16xf32>
      %select_n3A_1873 = arith.select %eq3A_79, %broadcast_in_dim3A_1871, %broadcast_in_dim3A_1872 : vector<16xi1>, vector<16xf32>
      %broadcast_in_dim3A_1874 = vector.broadcast %squeeze3A_1826 : f32 to vector<16xf32>
      %broadcast_in_dim3A_1875 = vector.broadcast %squeeze3A_1828 : f32 to vector<16xf32>
      %select_n3A_1876 = arith.select %eq3A_82, %broadcast_in_dim3A_1874, %broadcast_in_dim3A_1875 : vector<16xi1>, vector<16xf32>
      %select_n3A_1877 = arith.select %lt3A_85, %select_n3A_1873, %select_n3A_1876 : vector<16xi1>, vector<16xf32>
      %swap3A_1878 = arith.index_cast %add3A_1834 : i32 to index
      %swap3A_1879 = arith.constant 48 : index
      %swap3A_1880 = tpu.vector_load %arg8[%swap3A_1878, %swap3A_1879] {strides = array<i32>} : memref<128x128xf32, #tpu.memory_space<vmem>>, vector<1x16xf32>,
      %swap3A_1881 = vector.shape_cast %swap3A_1880 : vector<1x16xf32> to vector<16xf32>
      %swap3A_1882 = vector.shape_cast %select_n3A_1877 : vector<16xf32> to vector<1x16xf32>
      tpu.vector_store %arg8[%swap3A_1878, %swap3A_1879], %swap3A_1882 {strides = array<i32>} : memref<128x128xf32, #tpu.memory_space<vmem>>, vector<1x16xf32>,
      %broadcast_in_dim3A_1883 = vector.broadcast %squeeze3A_1822 : f32 to vector<16xf32>
      %broadcast_in_dim3A_1884 = vector.broadcast %squeeze3A_1824 : f32 to vector<16xf32>
      %select_n3A_1885 = arith.select %eq3A_91, %broadcast_in_dim3A_1883, %broadcast_in_dim3A_1884 : vector<16xi1>, vector<16xf32>
      %broadcast_in_dim3A_1886 = vector.broadcast %squeeze3A_1826 : f32 to vector<16xf32>
      %broadcast_in_dim3A_1887 = vector.broadcast %squeeze3A_1828 : f32 to vector<16xf32>
      %select_n3A_1888 = arith.select %eq3A_94, %broadcast_in_dim3A_1886, %broadcast_in_dim3A_1887 : vector<16xi1>, vector<16xf32>
      %select_n3A_1889 = arith.select %lt3A_97, %select_n3A_1885, %select_n3A_1888 : vector<16xi1>, vector<16xf32>
      %swap3A_1890 = arith.index_cast %add3A_1834 : i32 to index
      %swap3A_1891 = arith.constant 64 : index
      %swap3A_1892 = tpu.vector_load %arg8[%swap3A_1890, %swap3A_1891] {strides = array<i32>} : memref<128x128xf32, #tpu.memory_space<vmem>>, vector<1x16xf32>,
      %swap3A_1893 = vector.shape_cast %swap3A_1892 : vector<1x16xf32> to vector<16xf32>
      %swap3A_1894 = vector.shape_cast %select_n3A_1889 : vector<16xf32> to vector<1x16xf32>
      tpu.vector_store %arg8[%swap3A_1890, %swap3A_1891], %swap3A_1894 {strides = array<i32>} : memref<128x128xf32, #tpu.memory_space<vmem>>, vector<1x16xf32>,
      %broadcast_in_dim3A_1895 = vector.broadcast %squeeze3A_1822 : f32 to vector<16xf32>
      %broadcast_in_dim3A_1896 = vector.broadcast %squeeze3A_1824 : f32 to vector<16xf32>
      %select_n3A_1897 = arith.select %eq3A_103, %broadcast_in_dim3A_1895, %broadcast_in_dim3A_1896 : vector<16xi1>, vector<16xf32>
      %broadcast_in_dim3A_1898 = vector.broadcast %squeeze3A_1826 : f32 to vector<16xf32>
      %broadcast_in_dim3A_1899 = vector.broadcast %squeeze3A_1828 : f32 to vector<16xf32>
      %select_n3A_1900 = arith.select %eq3A_106, %broadcast_in_dim3A_1898, %broadcast_in_dim3A_1899 : vector<16xi1>, vector<16xf32>
      %select_n3A_1901 = arith.select %lt3A_109, %select_n3A_1897, %select_n3A_1900 : vector<16xi1>, vector<16xf32>
      %swap3A_1902 = arith.index_cast %add3A_1834 : i32 to index
      %swap3A_1903 = arith.constant 80 : index
      %swap3A_1904 = tpu.vector_load %arg8[%swap3A_1902, %swap3A_1903] {strides = array<i32>} : memref<128x128xf32, #tpu.memory_space<vmem>>, vector<1x16xf32>,
      %swap3A_1905 = vector.shape_cast %swap3A_1904 : vector<1x16xf32> to vector<16xf32>
      %swap3A_1906 = vector.shape_cast %select_n3A_1901 : vector<16xf32> to vector<1x16xf32>
      tpu.vector_store %arg8[%swap3A_1902, %swap3A_1903], %swap3A_1906 {strides = array<i32>} : memref<128x128xf32, #tpu.memory_space<vmem>>, vector<1x16xf32>,
      %broadcast_in_dim3A_1907 = vector.broadcast %squeeze3A_1822 : f32 to vector<16xf32>
      %broadcast_in_dim3A_1908 = vector.broadcast %squeeze3A_1824 : f32 to vector<16xf32>
      %select_n3A_1909 = arith.select %eq3A_115, %broadcast_in_dim3A_1907, %broadcast_in_dim3A_1908 : vector<16xi1>, vector<16xf32>
      %broadcast_in_dim3A_1910 = vector.broadcast %squeeze3A_1826 : f32 to vector<16xf32>
      %broadcast_in_dim3A_1911 = vector.broadcast %squeeze3A_1828 : f32 to vector<16xf32>
      %select_n3A_1912 = arith.select %eq3A_118, %broadcast_in_dim3A_1910, %broadcast_in_dim3A_1911 : vector<16xi1>, vector<16xf32>
      %select_n3A_1913 = arith.select %lt3A_121, %select_n3A_1909, %select_n3A_1912 : vector<16xi1>, vector<16xf32>
      %swap3A_1914 = arith.index_cast %add3A_1834 : i32 to index
      %swap3A_1915 = arith.constant 96 : index
      %swap3A_1916 = tpu.vector_load %arg8[%swap3A_1914, %swap3A_1915] {strides = array<i32>} : memref<128x128xf32, #tpu.memory_space<vmem>>, vector<1x16xf32>,
      %swap3A_1917 = vector.shape_cast %swap3A_1916 : vector<1x16xf32> to vector<16xf32>
      %swap3A_1918 = vector.shape_cast %select_n3A_1913 : vector<16xf32> to vector<1x16xf32>
      tpu.vector_store %arg8[%swap3A_1914, %swap3A_1915], %swap3A_1918 {strides = array<i32>} : memref<128x128xf32, #tpu.memory_space<vmem>>, vector<1x16xf32>,
      %broadcast_in_dim3A_1919 = vector.broadcast %squeeze3A_1822 : f32 to vector<16xf32>
      %broadcast_in_dim3A_1920 = vector.broadcast %squeeze3A_1824 : f32 to vector<16xf32>
      %select_n3A_1921 = arith.select %eq3A_127, %broadcast_in_dim3A_1919, %broadcast_in_dim3A_1920 : vector<16xi1>, vector<16xf32>
      %broadcast_in_dim3A_1922 = vector.broadcast %squeeze3A_1826 : f32 to vector<16xf32>
      %broadcast_in_dim3A_1923 = vector.broadcast %squeeze3A_1828 : f32 to vector<16xf32>
      %select_n3A_1924 = arith.select %eq3A_130, %broadcast_in_dim3A_1922, %broadcast_in_dim3A_1923 : vector<16xi1>, vector<16xf32>
      %select_n3A_1925 = arith.select %lt3A_133, %select_n3A_1921, %select_n3A_1924 : vector<16xi1>, vector<16xf32>
      %swap3A_1926 = arith.index_cast %add3A_1834 : i32 to index
      %swap3A_1927 = arith.constant 112 : index
      %swap3A_1928 = tpu.vector_load %arg8[%swap3A_1926, %swap3A_1927] {strides = array<i32>} : memref<128x128xf32, #tpu.memory_space<vmem>>, vector<1x16xf32>,
      %swap3A_1929 = vector.shape_cast %swap3A_1928 : vector<1x16xf32> to vector<16xf32>
      %swap3A_1930 = vector.shape_cast %select_n3A_1925 : vector<16xf32> to vector<1x16xf32>
      tpu.vector_store %arg8[%swap3A_1926, %swap3A_1927], %swap3A_1930 {strides = array<i32>} : memref<128x128xf32, #tpu.memory_space<vmem>>, vector<1x16xf32>,
      %mul3A_1931 = arith.constant 16 : i32
      %mul3A_1932 = arith.muli %scan3A_139, %mul3A_1931 : i32
      %get3A_1933 = arith.constant 1 : i32
      %get3A_1934 = arith.constant 0 : i32
      %get3A_1935 = arith.index_cast %get3A_1933 : i32 to index
      %get3A_1936 = arith.index_cast %get3A_1934 : i32 to index
      %get3A_1937 = arith.index_cast %mul3A_1932 : i32 to index
      %get3A_1938 = tpu.vector_load %arg7[%get3A_1935, %get3A_1936, %get3A_1937] {strides = array<i32>} : memref<2x4x64xf32, #tpu.memory_space<vmem>>, vector<1x1x16xf32>,
      %get3A_1939 = vector.shape_cast %get3A_1938 : vector<1x1x16xf32> to vector<16xf32>
      %mul3A_1940 = arith.constant 16 : i32
      %mul3A_1941 = arith.muli %scan3A_139, %mul3A_1940 : i32
      %get3A_1942 = arith.constant 1 : i32
      %get3A_1943 = arith.constant 1 : i32
      %get3A_1944 = arith.index_cast %get3A_1942 : i32 to index
      %get3A_1945 = arith.index_cast %get3A_1943 : i32 to index
      %get3A_1946 = arith.index_cast %mul3A_1941 : i32 to index
      %get3A_1947 = tpu.vector_load %arg7[%get3A_1944, %get3A_1945, %get3A_1946] {strides = array<i32>} : memref<2x4x64xf32, #tpu.memory_space<vmem>>, vector<1x1x16xf32>,
      %get3A_1948 = vector.shape_cast %get3A_1947 : vector<1x1x16xf32> to vector<16xf32>
      %mul3A_1949 = arith.constant 16 : i32
      %mul3A_1950 = arith.muli %scan3A_139, %mul3A_1949 : i32
      %get3A_1951 = arith.constant 1 : i32
      %get3A_1952 = arith.constant 2 : i32
      %get3A_1953 = arith.index_cast %get3A_1951 : i32 to index
      %get3A_1954 = arith.index_cast %get3A_1952 : i32 to index
      %get3A_1955 = arith.index_cast %mul3A_1950 : i32 to index
      %get3A_1956 = tpu.vector_load %arg7[%get3A_1953, %get3A_1954, %get3A_1955] {strides = array<i32>} : memref<2x4x64xf32, #tpu.memory_space<vmem>>, vector<1x1x16xf32>,
      %get3A_1957 = vector.shape_cast %get3A_1956 : vector<1x1x16xf32> to vector<16xf32>
      %mul3A_1958 = arith.constant 16 : i32
      %mul3A_1959 = arith.muli %scan3A_139, %mul3A_1958 : i32
      %get3A_1960 = arith.constant 1 : i32
      %get3A_1961 = arith.constant 3 : i32
      %get3A_1962 = arith.index_cast %get3A_1960 : i32 to index
      %get3A_1963 = arith.index_cast %get3A_1961 : i32 to index
      %get3A_1964 = arith.index_cast %mul3A_1959 : i32 to index
      %get3A_1965 = tpu.vector_load %arg7[%get3A_1962, %get3A_1963, %get3A_1964] {strides = array<i32>} : memref<2x4x64xf32, #tpu.memory_space<vmem>>, vector<1x1x16xf32>,
      %get3A_1966 = vector.shape_cast %get3A_1965 : vector<1x1x16xf32> to vector<16xf32>
      %slice3A_1967 = vector.extract_strided_slice %get3A_1939 {offsets = [0], sizes = [1], strides = [1]} : vector<16xf32> to vector<1xf32>
      %squeeze3A_1968 = vector.extract %slice3A_1967[0] : f32 from vector<1xf32>
      %slice3A_1969 = vector.extract_strided_slice %get3A_1948 {offsets = [0], sizes = [1], strides = [1]} : vector<16xf32> to vector<1xf32>
      %squeeze3A_1970 = vector.extract %slice3A_1969[0] : f32 from vector<1xf32>
      %slice3A_1971 = vector.extract_strided_slice %get3A_1957 {offsets = [0], sizes = [1], strides = [1]} : vector<16xf32> to vector<1xf32>
      %squeeze3A_1972 = vector.extract %slice3A_1971[0] : f32 from vector<1xf32>
      %slice3A_1973 = vector.extract_strided_slice %get3A_1966 {offsets = [0], sizes = [1], strides = [1]} : vector<16xf32> to vector<1xf32>
      %squeeze3A_1974 = vector.extract %slice3A_1973[0] : f32 from vector<1xf32>
      %mul3A_1975 = arith.constant 16 : i32
      %mul3A_1976 = arith.muli %scan3A_139, %mul3A_1975 : i32
      %add3A_1977 = arith.constant 0 : i32
      %add3A_1978 = arith.addi %mul3A_1976, %add3A_1977 : i32
      %add3A_1979 = arith.constant 64 : i32
      %add3A_1980 = arith.addi %add3A_1978, %add3A_1979 : i32
      %broadcast_in_dim3A_1981 = vector.broadcast %squeeze3A_1968 : f32 to vector<16xf32>
      %broadcast_in_dim3A_1982 = vector.broadcast %squeeze3A_1970 : f32 to vector<16xf32>
      %select_n3A_1983 = arith.select %eq3A_44, %broadcast_in_dim3A_1981, %broadcast_in_dim3A_1982 : vector<16xi1>, vector<16xf32>
      %broadcast_in_dim3A_1984 = vector.broadcast %squeeze3A_1972 : f32 to vector<16xf32>
      %broadcast_in_dim3A_1985 = vector.broadcast %squeeze3A_1974 : f32 to vector<16xf32>
      %select_n3A_1986 = arith.select %eq3A_47, %broadcast_in_dim3A_1984, %broadcast_in_dim3A_1985 : vector<16xi1>, vector<16xf32>
      %select_n3A_1987 = arith.select %lt3A_49, %select_n3A_1983, %select_n3A_1986 : vector<16xi1>, vector<16xf32>
      %swap3A_1988 = arith.index_cast %add3A_1980 : i32 to index
      %swap3A_1989 = arith.constant 0 : index
      %swap3A_1990 = tpu.vector_load %arg8[%swap3A_1988, %swap3A_1989] {strides = array<i32>} : memref<128x128xf32, #tpu.memory_space<vmem>>, vector<1x16xf32>,
      %swap3A_1991 = vector.shape_cast %swap3A_1990 : vector<1x16xf32> to vector<16xf32>
      %swap3A_1992 = vector.shape_cast %select_n3A_1987 : vector<16xf32> to vector<1x16xf32>
      tpu.vector_store %arg8[%swap3A_1988, %swap3A_1989], %swap3A_1992 {strides = array<i32>} : memref<128x128xf32, #tpu.memory_space<vmem>>, vector<1x16xf32>,
      %broadcast_in_dim3A_1993 = vector.broadcast %squeeze3A_1968 : f32 to vector<16xf32>
      %broadcast_in_dim3A_1994 = vector.broadcast %squeeze3A_1970 : f32 to vector<16xf32>
      %select_n3A_1995 = arith.select %eq3A_55, %broadcast_in_dim3A_1993, %broadcast_in_dim3A_1994 : vector<16xi1>, vector<16xf32>
      %broadcast_in_dim3A_1996 = vector.broadcast %squeeze3A_1972 : f32 to vector<16xf32>
      %broadcast_in_dim3A_1997 = vector.broadcast %squeeze3A_1974 : f32 to vector<16xf32>
      %select_n3A_1998 = arith.select %eq3A_58, %broadcast_in_dim3A_1996, %broadcast_in_dim3A_1997 : vector<16xi1>, vector<16xf32>
      %select_n3A_1999 = arith.select %lt3A_61, %select_n3A_1995, %select_n3A_1998 : vector<16xi1>, vector<16xf32>
      %swap3A_2000 = arith.index_cast %add3A_1980 : i32 to index
      %swap3A_2001 = arith.constant 16 : index
      %swap3A_2002 = tpu.vector_load %arg8[%swap3A_2000, %swap3A_2001] {strides = array<i32>} : memref<128x128xf32, #tpu.memory_space<vmem>>, vector<1x16xf32>,
      %swap3A_2003 = vector.shape_cast %swap3A_2002 : vector<1x16xf32> to vector<16xf32>
      %swap3A_2004 = vector.shape_cast %select_n3A_1999 : vector<16xf32> to vector<1x16xf32>
      tpu.vector_store %arg8[%swap3A_2000, %swap3A_2001], %swap3A_2004 {strides = array<i32>} : memref<128x128xf32, #tpu.memory_space<vmem>>, vector<1x16xf32>,
      %broadcast_in_dim3A_2005 = vector.broadcast %squeeze3A_1968 : f32 to vector<16xf32>
      %broadcast_in_dim3A_2006 = vector.broadcast %squeeze3A_1970 : f32 to vector<16xf32>
      %select_n3A_2007 = arith.select %eq3A_67, %broadcast_in_dim3A_2005, %broadcast_in_dim3A_2006 : vector<16xi1>, vector<16xf32>
      %broadcast_in_dim3A_2008 = vector.broadcast %squeeze3A_1972 : f32 to vector<16xf32>
      %broadcast_in_dim3A_2009 = vector.broadcast %squeeze3A_1974 : f32 to vector<16xf32>
      %select_n3A_2010 = arith.select %eq3A_70, %broadcast_in_dim3A_2008, %broadcast_in_dim3A_2009 : vector<16xi1>, vector<16xf32>
      %select_n3A_2011 = arith.select %lt3A_73, %select_n3A_2007, %select_n3A_2010 : vector<16xi1>, vector<16xf32>
      %swap3A_2012 = arith.index_cast %add3A_1980 : i32 to index
      %swap3A_2013 = arith.constant 32 : index
      %swap3A_2014 = tpu.vector_load %arg8[%swap3A_2012, %swap3A_2013] {strides = array<i32>} : memref<128x128xf32, #tpu.memory_space<vmem>>, vector<1x16xf32>,
      %swap3A_2015 = vector.shape_cast %swap3A_2014 : vector<1x16xf32> to vector<16xf32>
      %swap3A_2016 = vector.shape_cast %select_n3A_2011 : vector<16xf32> to vector<1x16xf32>
      tpu.vector_store %arg8[%swap3A_2012, %swap3A_2013], %swap3A_2016 {strides = array<i32>} : memref<128x128xf32, #tpu.memory_space<vmem>>, vector<1x16xf32>,
      %broadcast_in_dim3A_2017 = vector.broadcast %squeeze3A_1968 : f32 to vector<16xf32>
      %broadcast_in_dim3A_2018 = vector.broadcast %squeeze3A_1970 : f32 to vector<16xf32>
      %select_n3A_2019 = arith.select %eq3A_79, %broadcast_in_dim3A_2017, %broadcast_in_dim3A_2018 : vector<16xi1>, vector<16xf32>
      %broadcast_in_dim3A_2020 = vector.broadcast %squeeze3A_1972 : f32 to vector<16xf32>
      %broadcast_in_dim3A_2021 = vector.broadcast %squeeze3A_1974 : f32 to vector<16xf32>
      %select_n3A_2022 = arith.select %eq3A_82, %broadcast_in_dim3A_2020, %broadcast_in_dim3A_2021 : vector<16xi1>, vector<16xf32>
      %select_n3A_2023 = arith.select %lt3A_85, %select_n3A_2019, %select_n3A_2022 : vector<16xi1>, vector<16xf32>
      %swap3A_2024 = arith.index_cast %add3A_1980 : i32 to index
      %swap3A_2025 = arith.constant 48 : index
      %swap3A_2026 = tpu.vector_load %arg8[%swap3A_2024, %swap3A_2025] {strides = array<i32>} : memref<128x128xf32, #tpu.memory_space<vmem>>, vector<1x16xf32>,
      %swap3A_2027 = vector.shape_cast %swap3A_2026 : vector<1x16xf32> to vector<16xf32>
      %swap3A_2028 = vector.shape_cast %select_n3A_2023 : vector<16xf32> to vector<1x16xf32>
      tpu.vector_store %arg8[%swap3A_2024, %swap3A_2025], %swap3A_2028 {strides = array<i32>} : memref<128x128xf32, #tpu.memory_space<vmem>>, vector<1x16xf32>,
      %broadcast_in_dim3A_2029 = vector.broadcast %squeeze3A_1968 : f32 to vector<16xf32>
      %broadcast_in_dim3A_2030 = vector.broadcast %squeeze3A_1970 : f32 to vector<16xf32>
      %select_n3A_2031 = arith.select %eq3A_91, %broadcast_in_dim3A_2029, %broadcast_in_dim3A_2030 : vector<16xi1>, vector<16xf32>
      %broadcast_in_dim3A_2032 = vector.broadcast %squeeze3A_1972 : f32 to vector<16xf32>
      %broadcast_in_dim3A_2033 = vector.broadcast %squeeze3A_1974 : f32 to vector<16xf32>
      %select_n3A_2034 = arith.select %eq3A_94, %broadcast_in_dim3A_2032, %broadcast_in_dim3A_2033 : vector<16xi1>, vector<16xf32>
      %select_n3A_2035 = arith.select %lt3A_97, %select_n3A_2031, %select_n3A_2034 : vector<16xi1>, vector<16xf32>
      %swap3A_2036 = arith.index_cast %add3A_1980 : i32 to index
      %swap3A_2037 = arith.constant 64 : index
      %swap3A_2038 = tpu.vector_load %arg8[%swap3A_2036, %swap3A_2037] {strides = array<i32>} : memref<128x128xf32, #tpu.memory_space<vmem>>, vector<1x16xf32>,
      %swap3A_2039 = vector.shape_cast %swap3A_2038 : vector<1x16xf32> to vector<16xf32>
      %swap3A_2040 = vector.shape_cast %select_n3A_2035 : vector<16xf32> to vector<1x16xf32>
      tpu.vector_store %arg8[%swap3A_2036, %swap3A_2037], %swap3A_2040 {strides = array<i32>} : memref<128x128xf32, #tpu.memory_space<vmem>>, vector<1x16xf32>,
      %broadcast_in_dim3A_2041 = vector.broadcast %squeeze3A_1968 : f32 to vector<16xf32>
      %broadcast_in_dim3A_2042 = vector.broadcast %squeeze3A_1970 : f32 to vector<16xf32>
      %select_n3A_2043 = arith.select %eq3A_103, %broadcast_in_dim3A_2041, %broadcast_in_dim3A_2042 : vector<16xi1>, vector<16xf32>
      %broadcast_in_dim3A_2044 = vector.broadcast %squeeze3A_1972 : f32 to vector<16xf32>
      %broadcast_in_dim3A_2045 = vector.broadcast %squeeze3A_1974 : f32 to vector<16xf32>
      %select_n3A_2046 = arith.select %eq3A_106, %broadcast_in_dim3A_2044, %broadcast_in_dim3A_2045 : vector<16xi1>, vector<16xf32>
      %select_n3A_2047 = arith.select %lt3A_109, %select_n3A_2043, %select_n3A_2046 : vector<16xi1>, vector<16xf32>
      %swap3A_2048 = arith.index_cast %add3A_1980 : i32 to index
      %swap3A_2049 = arith.constant 80 : index
      %swap3A_2050 = tpu.vector_load %arg8[%swap3A_2048, %swap3A_2049] {strides = array<i32>} : memref<128x128xf32, #tpu.memory_space<vmem>>, vector<1x16xf32>,
      %swap3A_2051 = vector.shape_cast %swap3A_2050 : vector<1x16xf32> to vector<16xf32>
      %swap3A_2052 = vector.shape_cast %select_n3A_2047 : vector<16xf32> to vector<1x16xf32>
      tpu.vector_store %arg8[%swap3A_2048, %swap3A_2049], %swap3A_2052 {strides = array<i32>} : memref<128x128xf32, #tpu.memory_space<vmem>>, vector<1x16xf32>,
      %broadcast_in_dim3A_2053 = vector.broadcast %squeeze3A_1968 : f32 to vector<16xf32>
      %broadcast_in_dim3A_2054 = vector.broadcast %squeeze3A_1970 : f32 to vector<16xf32>
      %select_n3A_2055 = arith.select %eq3A_115, %broadcast_in_dim3A_2053, %broadcast_in_dim3A_2054 : vector<16xi1>, vector<16xf32>
      %broadcast_in_dim3A_2056 = vector.broadcast %squeeze3A_1972 : f32 to vector<16xf32>
      %broadcast_in_dim3A_2057 = vector.broadcast %squeeze3A_1974 : f32 to vector<16xf32>
      %select_n3A_2058 = arith.select %eq3A_118, %broadcast_in_dim3A_2056, %broadcast_in_dim3A_2057 : vector<16xi1>, vector<16xf32>
      %select_n3A_2059 = arith.select %lt3A_121, %select_n3A_2055, %select_n3A_2058 : vector<16xi1>, vector<16xf32>
      %swap3A_2060 = arith.index_cast %add3A_1980 : i32 to index
      %swap3A_2061 = arith.constant 96 : index
      %swap3A_2062 = tpu.vector_load %arg8[%swap3A_2060, %swap3A_2061] {strides = array<i32>} : memref<128x128xf32, #tpu.memory_space<vmem>>, vector<1x16xf32>,
      %swap3A_2063 = vector.shape_cast %swap3A_2062 : vector<1x16xf32> to vector<16xf32>
      %swap3A_2064 = vector.shape_cast %select_n3A_2059 : vector<16xf32> to vector<1x16xf32>
      tpu.vector_store %arg8[%swap3A_2060, %swap3A_2061], %swap3A_2064 {strides = array<i32>} : memref<128x128xf32, #tpu.memory_space<vmem>>, vector<1x16xf32>,
      %broadcast_in_dim3A_2065 = vector.broadcast %squeeze3A_1968 : f32 to vector<16xf32>
      %broadcast_in_dim3A_2066 = vector.broadcast %squeeze3A_1970 : f32 to vector<16xf32>
      %select_n3A_2067 = arith.select %eq3A_127, %broadcast_in_dim3A_2065, %broadcast_in_dim3A_2066 : vector<16xi1>, vector<16xf32>
      %broadcast_in_dim3A_2068 = vector.broadcast %squeeze3A_1972 : f32 to vector<16xf32>
      %broadcast_in_dim3A_2069 = vector.broadcast %squeeze3A_1974 : f32 to vector<16xf32>
      %select_n3A_2070 = arith.select %eq3A_130, %broadcast_in_dim3A_2068, %broadcast_in_dim3A_2069 : vector<16xi1>, vector<16xf32>
      %select_n3A_2071 = arith.select %lt3A_133, %select_n3A_2067, %select_n3A_2070 : vector<16xi1>, vector<16xf32>
      %swap3A_2072 = arith.index_cast %add3A_1980 : i32 to index
      %swap3A_2073 = arith.constant 112 : index
      %swap3A_2074 = tpu.vector_load %arg8[%swap3A_2072, %swap3A_2073] {strides = array<i32>} : memref<128x128xf32, #tpu.memory_space<vmem>>, vector<1x16xf32>,
      %swap3A_2075 = vector.shape_cast %swap3A_2074 : vector<1x16xf32> to vector<16xf32>
      %swap3A_2076 = vector.shape_cast %select_n3A_2071 : vector<16xf32> to vector<1x16xf32>
      tpu.vector_store %arg8[%swap3A_2072, %swap3A_2073], %swap3A_2076 {strides = array<i32>} : memref<128x128xf32, #tpu.memory_space<vmem>>, vector<1x16xf32>,
      %slice3A_2077 = vector.extract_strided_slice %get3A_1939 {offsets = [1], sizes = [1], strides = [1]} : vector<16xf32> to vector<1xf32>
      %squeeze3A_2078 = vector.extract %slice3A_2077[0] : f32 from vector<1xf32>
      %slice3A_2079 = vector.extract_strided_slice %get3A_1948 {offsets = [1], sizes = [1], strides = [1]} : vector<16xf32> to vector<1xf32>
      %squeeze3A_2080 = vector.extract %slice3A_2079[0] : f32 from vector<1xf32>
      %slice3A_2081 = vector.extract_strided_slice %get3A_1957 {offsets = [1], sizes = [1], strides = [1]} : vector<16xf32> to vector<1xf32>
      %squeeze3A_2082 = vector.extract %slice3A_2081[0] : f32 from vector<1xf32>
      %slice3A_2083 = vector.extract_strided_slice %get3A_1966 {offsets = [1], sizes = [1], strides = [1]} : vector<16xf32> to vector<1xf32>
      %squeeze3A_2084 = vector.extract %slice3A_2083[0] : f32 from vector<1xf32>
      %mul3A_2085 = arith.constant 16 : i32
      %mul3A_2086 = arith.muli %scan3A_139, %mul3A_2085 : i32
      %add3A_2087 = arith.constant 1 : i32
      %add3A_2088 = arith.addi %mul3A_2086, %add3A_2087 : i32
      %add3A_2089 = arith.constant 64 : i32
      %add3A_2090 = arith.addi %add3A_2088, %add3A_2089 : i32
      %broadcast_in_dim3A_2091 = vector.broadcast %squeeze3A_2078 : f32 to vector<16xf32>
      %broadcast_in_dim3A_2092 = vector.broadcast %squeeze3A_2080 : f32 to vector<16xf32>
      %select_n3A_2093 = arith.select %eq3A_44, %broadcast_in_dim3A_2091, %broadcast_in_dim3A_2092 : vector<16xi1>, vector<16xf32>
      %broadcast_in_dim3A_2094 = vector.broadcast %squeeze3A_2082 : f32 to vector<16xf32>
      %broadcast_in_dim3A_2095 = vector.broadcast %squeeze3A_2084 : f32 to vector<16xf32>
      %select_n3A_2096 = arith.select %eq3A_47, %broadcast_in_dim3A_2094, %broadcast_in_dim3A_2095 : vector<16xi1>, vector<16xf32>
      %select_n3A_2097 = arith.select %lt3A_49, %select_n3A_2093, %select_n3A_2096 : vector<16xi1>, vector<16xf32>
      %swap3A_2098 = arith.index_cast %add3A_2090 : i32 to index
      %swap3A_2099 = arith.constant 0 : index
      %swap3A_2100 = tpu.vector_load %arg8[%swap3A_2098, %swap3A_2099] {strides = array<i32>} : memref<128x128xf32, #tpu.memory_space<vmem>>, vector<1x16xf32>,
      %swap3A_2101 = vector.shape_cast %swap3A_2100 : vector<1x16xf32> to vector<16xf32>
      %swap3A_2102 = vector.shape_cast %select_n3A_2097 : vector<16xf32> to vector<1x16xf32>
      tpu.vector_store %arg8[%swap3A_2098, %swap3A_2099], %swap3A_2102 {strides = array<i32>} : memref<128x128xf32, #tpu.memory_space<vmem>>, vector<1x16xf32>,
      %broadcast_in_dim3A_2103 = vector.broadcast %squeeze3A_2078 : f32 to vector<16xf32>
      %broadcast_in_dim3A_2104 = vector.broadcast %squeeze3A_2080 : f32 to vector<16xf32>
      %select_n3A_2105 = arith.select %eq3A_55, %broadcast_in_dim3A_2103, %broadcast_in_dim3A_2104 : vector<16xi1>, vector<16xf32>
      %broadcast_in_dim3A_2106 = vector.broadcast %squeeze3A_2082 : f32 to vector<16xf32>
      %broadcast_in_dim3A_2107 = vector.broadcast %squeeze3A_2084 : f32 to vector<16xf32>
      %select_n3A_2108 = arith.select %eq3A_58, %broadcast_in_dim3A_2106, %broadcast_in_dim3A_2107 : vector<16xi1>, vector<16xf32>
      %select_n3A_2109 = arith.select %lt3A_61, %select_n3A_2105, %select_n3A_2108 : vector<16xi1>, vector<16xf32>
      %swap3A_2110 = arith.index_cast %add3A_2090 : i32 to index
      %swap3A_2111 = arith.constant 16 : index
      %swap3A_2112 = tpu.vector_load %arg8[%swap3A_2110, %swap3A_2111] {strides = array<i32>} : memref<128x128xf32, #tpu.memory_space<vmem>>, vector<1x16xf32>,
      %swap3A_2113 = vector.shape_cast %swap3A_2112 : vector<1x16xf32> to vector<16xf32>
      %swap3A_2114 = vector.shape_cast %select_n3A_2109 : vector<16xf32> to vector<1x16xf32>
      tpu.vector_store %arg8[%swap3A_2110, %swap3A_2111], %swap3A_2114 {strides = array<i32>} : memref<128x128xf32, #tpu.memory_space<vmem>>, vector<1x16xf32>,
      %broadcast_in_dim3A_2115 = vector.broadcast %squeeze3A_2078 : f32 to vector<16xf32>
      %broadcast_in_dim3A_2116 = vector.broadcast %squeeze3A_2080 : f32 to vector<16xf32>
      %select_n3A_2117 = arith.select %eq3A_67, %broadcast_in_dim3A_2115, %broadcast_in_dim3A_2116 : vector<16xi1>, vector<16xf32>
      %broadcast_in_dim3A_2118 = vector.broadcast %squeeze3A_2082 : f32 to vector<16xf32>
      %broadcast_in_dim3A_2119 = vector.broadcast %squeeze3A_2084 : f32 to vector<16xf32>
      %select_n3A_2120 = arith.select %eq3A_70, %broadcast_in_dim3A_2118, %broadcast_in_dim3A_2119 : vector<16xi1>, vector<16xf32>
      %select_n3A_2121 = arith.select %lt3A_73, %select_n3A_2117, %select_n3A_2120 : vector<16xi1>, vector<16xf32>
      %swap3A_2122 = arith.index_cast %add3A_2090 : i32 to index
      %swap3A_2123 = arith.constant 32 : index
      %swap3A_2124 = tpu.vector_load %arg8[%swap3A_2122, %swap3A_2123] {strides = array<i32>} : memref<128x128xf32, #tpu.memory_space<vmem>>, vector<1x16xf32>,
      %swap3A_2125 = vector.shape_cast %swap3A_2124 : vector<1x16xf32> to vector<16xf32>
      %swap3A_2126 = vector.shape_cast %select_n3A_2121 : vector<16xf32> to vector<1x16xf32>
      tpu.vector_store %arg8[%swap3A_2122, %swap3A_2123], %swap3A_2126 {strides = array<i32>} : memref<128x128xf32, #tpu.memory_space<vmem>>, vector<1x16xf32>,
      %broadcast_in_dim3A_2127 = vector.broadcast %squeeze3A_2078 : f32 to vector<16xf32>
      %broadcast_in_dim3A_2128 = vector.broadcast %squeeze3A_2080 : f32 to vector<16xf32>
      %select_n3A_2129 = arith.select %eq3A_79, %broadcast_in_dim3A_2127, %broadcast_in_dim3A_2128 : vector<16xi1>, vector<16xf32>
      %broadcast_in_dim3A_2130 = vector.broadcast %squeeze3A_2082 : f32 to vector<16xf32>
      %broadcast_in_dim3A_2131 = vector.broadcast %squeeze3A_2084 : f32 to vector<16xf32>
      %select_n3A_2132 = arith.select %eq3A_82, %broadcast_in_dim3A_2130, %broadcast_in_dim3A_2131 : vector<16xi1>, vector<16xf32>
      %select_n3A_2133 = arith.select %lt3A_85, %select_n3A_2129, %select_n3A_2132 : vector<16xi1>, vector<16xf32>
      %swap3A_2134 = arith.index_cast %add3A_2090 : i32 to index
      %swap3A_2135 = arith.constant 48 : index
      %swap3A_2136 = tpu.vector_load %arg8[%swap3A_2134, %swap3A_2135] {strides = array<i32>} : memref<128x128xf32, #tpu.memory_space<vmem>>, vector<1x16xf32>,
      %swap3A_2137 = vector.shape_cast %swap3A_2136 : vector<1x16xf32> to vector<16xf32>
      %swap3A_2138 = vector.shape_cast %select_n3A_2133 : vector<16xf32> to vector<1x16xf32>
      tpu.vector_store %arg8[%swap3A_2134, %swap3A_2135], %swap3A_2138 {strides = array<i32>} : memref<128x128xf32, #tpu.memory_space<vmem>>, vector<1x16xf32>,
      %broadcast_in_dim3A_2139 = vector.broadcast %squeeze3A_2078 : f32 to vector<16xf32>
      %broadcast_in_dim3A_2140 = vector.broadcast %squeeze3A_2080 : f32 to vector<16xf32>
      %select_n3A_2141 = arith.select %eq3A_91, %broadcast_in_dim3A_2139, %broadcast_in_dim3A_2140 : vector<16xi1>, vector<16xf32>
      %broadcast_in_dim3A_2142 = vector.broadcast %squeeze3A_2082 : f32 to vector<16xf32>
      %broadcast_in_dim3A_2143 = vector.broadcast %squeeze3A_2084 : f32 to vector<16xf32>
      %select_n3A_2144 = arith.select %eq3A_94, %broadcast_in_dim3A_2142, %broadcast_in_dim3A_2143 : vector<16xi1>, vector<16xf32>
      %select_n3A_2145 = arith.select %lt3A_97, %select_n3A_2141, %select_n3A_2144 : vector<16xi1>, vector<16xf32>
      %swap3A_2146 = arith.index_cast %add3A_2090 : i32 to index
      %swap3A_2147 = arith.constant 64 : index
      %swap3A_2148 = tpu.vector_load %arg8[%swap3A_2146, %swap3A_2147] {strides = array<i32>} : memref<128x128xf32, #tpu.memory_space<vmem>>, vector<1x16xf32>,
      %swap3A_2149 = vector.shape_cast %swap3A_2148 : vector<1x16xf32> to vector<16xf32>
      %swap3A_2150 = vector.shape_cast %select_n3A_2145 : vector<16xf32> to vector<1x16xf32>
      tpu.vector_store %arg8[%swap3A_2146, %swap3A_2147], %swap3A_2150 {strides = array<i32>} : memref<128x128xf32, #tpu.memory_space<vmem>>, vector<1x16xf32>,
      %broadcast_in_dim3A_2151 = vector.broadcast %squeeze3A_2078 : f32 to vector<16xf32>
      %broadcast_in_dim3A_2152 = vector.broadcast %squeeze3A_2080 : f32 to vector<16xf32>
      %select_n3A_2153 = arith.select %eq3A_103, %broadcast_in_dim3A_2151, %broadcast_in_dim3A_2152 : vector<16xi1>, vector<16xf32>
      %broadcast_in_dim3A_2154 = vector.broadcast %squeeze3A_2082 : f32 to vector<16xf32>
      %broadcast_in_dim3A_2155 = vector.broadcast %squeeze3A_2084 : f32 to vector<16xf32>
      %select_n3A_2156 = arith.select %eq3A_106, %broadcast_in_dim3A_2154, %broadcast_in_dim3A_2155 : vector<16xi1>, vector<16xf32>
      %select_n3A_2157 = arith.select %lt3A_109, %select_n3A_2153, %select_n3A_2156 : vector<16xi1>, vector<16xf32>
      %swap3A_2158 = arith.index_cast %add3A_2090 : i32 to index
      %swap3A_2159 = arith.constant 80 : index
      %swap3A_2160 = tpu.vector_load %arg8[%swap3A_2158, %swap3A_2159] {strides = array<i32>} : memref<128x128xf32, #tpu.memory_space<vmem>>, vector<1x16xf32>,
      %swap3A_2161 = vector.shape_cast %swap3A_2160 : vector<1x16xf32> to vector<16xf32>
      %swap3A_2162 = vector.shape_cast %select_n3A_2157 : vector<16xf32> to vector<1x16xf32>
      tpu.vector_store %arg8[%swap3A_2158, %swap3A_2159], %swap3A_2162 {strides = array<i32>} : memref<128x128xf32, #tpu.memory_space<vmem>>, vector<1x16xf32>,
      %broadcast_in_dim3A_2163 = vector.broadcast %squeeze3A_2078 : f32 to vector<16xf32>
      %broadcast_in_dim3A_2164 = vector.broadcast %squeeze3A_2080 : f32 to vector<16xf32>
      %select_n3A_2165 = arith.select %eq3A_115, %broadcast_in_dim3A_2163, %broadcast_in_dim3A_2164 : vector<16xi1>, vector<16xf32>
      %broadcast_in_dim3A_2166 = vector.broadcast %squeeze3A_2082 : f32 to vector<16xf32>
      %broadcast_in_dim3A_2167 = vector.broadcast %squeeze3A_2084 : f32 to vector<16xf32>
      %select_n3A_2168 = arith.select %eq3A_118, %broadcast_in_dim3A_2166, %broadcast_in_dim3A_2167 : vector<16xi1>, vector<16xf32>
      %select_n3A_2169 = arith.select %lt3A_121, %select_n3A_2165, %select_n3A_2168 : vector<16xi1>, vector<16xf32>
      %swap3A_2170 = arith.index_cast %add3A_2090 : i32 to index
      %swap3A_2171 = arith.constant 96 : index
      %swap3A_2172 = tpu.vector_load %arg8[%swap3A_2170, %swap3A_2171] {strides = array<i32>} : memref<128x128xf32, #tpu.memory_space<vmem>>, vector<1x16xf32>,
      %swap3A_2173 = vector.shape_cast %swap3A_2172 : vector<1x16xf32> to vector<16xf32>
      %swap3A_2174 = vector.shape_cast %select_n3A_2169 : vector<16xf32> to vector<1x16xf32>
      tpu.vector_store %arg8[%swap3A_2170, %swap3A_2171], %swap3A_2174 {strides = array<i32>} : memref<128x128xf32, #tpu.memory_space<vmem>>, vector<1x16xf32>,
      %broadcast_in_dim3A_2175 = vector.broadcast %squeeze3A_2078 : f32 to vector<16xf32>
      %broadcast_in_dim3A_2176 = vector.broadcast %squeeze3A_2080 : f32 to vector<16xf32>
      %select_n3A_2177 = arith.select %eq3A_127, %broadcast_in_dim3A_2175, %broadcast_in_dim3A_2176 : vector<16xi1>, vector<16xf32>
      %broadcast_in_dim3A_2178 = vector.broadcast %squeeze3A_2082 : f32 to vector<16xf32>
      %broadcast_in_dim3A_2179 = vector.broadcast %squeeze3A_2084 : f32 to vector<16xf32>
      %select_n3A_2180 = arith.select %eq3A_130, %broadcast_in_dim3A_2178, %broadcast_in_dim3A_2179 : vector<16xi1>, vector<16xf32>
      %select_n3A_2181 = arith.select %lt3A_133, %select_n3A_2177, %select_n3A_2180 : vector<16xi1>, vector<16xf32>
      %swap3A_2182 = arith.index_cast %add3A_2090 : i32 to index
      %swap3A_2183 = arith.constant 112 : index
      %swap3A_2184 = tpu.vector_load %arg8[%swap3A_2182, %swap3A_2183] {strides = array<i32>} : memref<128x128xf32, #tpu.memory_space<vmem>>, vector<1x16xf32>,
      %swap3A_2185 = vector.shape_cast %swap3A_2184 : vector<1x16xf32> to vector<16xf32>
      %swap3A_2186 = vector.shape_cast %select_n3A_2181 : vector<16xf32> to vector<1x16xf32>
      tpu.vector_store %arg8[%swap3A_2182, %swap3A_2183], %swap3A_2186 {strides = array<i32>} : memref<128x128xf32, #tpu.memory_space<vmem>>, vector<1x16xf32>,
      %slice3A_2187 = vector.extract_strided_slice %get3A_1939 {offsets = [2], sizes = [1], strides = [1]} : vector<16xf32> to vector<1xf32>
      %squeeze3A_2188 = vector.extract %slice3A_2187[0] : f32 from vector<1xf32>
      %slice3A_2189 = vector.extract_strided_slice %get3A_1948 {offsets = [2], sizes = [1], strides = [1]} : vector<16xf32> to vector<1xf32>
      %squeeze3A_2190 = vector.extract %slice3A_2189[0] : f32 from vector<1xf32>
      %slice3A_2191 = vector.extract_strided_slice %get3A_1957 {offsets = [2], sizes = [1], strides = [1]} : vector<16xf32> to vector<1xf32>
      %squeeze3A_2192 = vector.extract %slice3A_2191[0] : f32 from vector<1xf32>
      %slice3A_2193 = vector.extract_strided_slice %get3A_1966 {offsets = [2], sizes = [1], strides = [1]} : vector<16xf32> to vector<1xf32>
      %squeeze3A_2194 = vector.extract %slice3A_2193[0] : f32 from vector<1xf32>
      %mul3A_2195 = arith.constant 16 : i32
      %mul3A_2196 = arith.muli %scan3A_139, %mul3A_2195 : i32
      %add3A_2197 = arith.constant 2 : i32
      %add3A_2198 = arith.addi %mul3A_2196, %add3A_2197 : i32
      %add3A_2199 = arith.constant 64 : i32
      %add3A_2200 = arith.addi %add3A_2198, %add3A_2199 : i32
      %broadcast_in_dim3A_2201 = vector.broadcast %squeeze3A_2188 : f32 to vector<16xf32>
      %broadcast_in_dim3A_2202 = vector.broadcast %squeeze3A_2190 : f32 to vector<16xf32>
      %select_n3A_2203 = arith.select %eq3A_44, %broadcast_in_dim3A_2201, %broadcast_in_dim3A_2202 : vector<16xi1>, vector<16xf32>
      %broadcast_in_dim3A_2204 = vector.broadcast %squeeze3A_2192 : f32 to vector<16xf32>
      %broadcast_in_dim3A_2205 = vector.broadcast %squeeze3A_2194 : f32 to vector<16xf32>
      %select_n3A_2206 = arith.select %eq3A_47, %broadcast_in_dim3A_2204, %broadcast_in_dim3A_2205 : vector<16xi1>, vector<16xf32>
      %select_n3A_2207 = arith.select %lt3A_49, %select_n3A_2203, %select_n3A_2206 : vector<16xi1>, vector<16xf32>
      %swap3A_2208 = arith.index_cast %add3A_2200 : i32 to index
      %swap3A_2209 = arith.constant 0 : index
      %swap3A_2210 = tpu.vector_load %arg8[%swap3A_2208, %swap3A_2209] {strides = array<i32>} : memref<128x128xf32, #tpu.memory_space<vmem>>, vector<1x16xf32>,
      %swap3A_2211 = vector.shape_cast %swap3A_2210 : vector<1x16xf32> to vector<16xf32>
      %swap3A_2212 = vector.shape_cast %select_n3A_2207 : vector<16xf32> to vector<1x16xf32>
      tpu.vector_store %arg8[%swap3A_2208, %swap3A_2209], %swap3A_2212 {strides = array<i32>} : memref<128x128xf32, #tpu.memory_space<vmem>>, vector<1x16xf32>,
      %broadcast_in_dim3A_2213 = vector.broadcast %squeeze3A_2188 : f32 to vector<16xf32>
      %broadcast_in_dim3A_2214 = vector.broadcast %squeeze3A_2190 : f32 to vector<16xf32>
      %select_n3A_2215 = arith.select %eq3A_55, %broadcast_in_dim3A_2213, %broadcast_in_dim3A_2214 : vector<16xi1>, vector<16xf32>
      %broadcast_in_dim3A_2216 = vector.broadcast %squeeze3A_2192 : f32 to vector<16xf32>
      %broadcast_in_dim3A_2217 = vector.broadcast %squeeze3A_2194 : f32 to vector<16xf32>
      %select_n3A_2218 = arith.select %eq3A_58, %broadcast_in_dim3A_2216, %broadcast_in_dim3A_2217 : vector<16xi1>, vector<16xf32>
      %select_n3A_2219 = arith.select %lt3A_61, %select_n3A_2215, %select_n3A_2218 : vector<16xi1>, vector<16xf32>
      %swap3A_2220 = arith.index_cast %add3A_2200 : i32 to index
      %swap3A_2221 = arith.constant 16 : index
      %swap3A_2222 = tpu.vector_load %arg8[%swap3A_2220, %swap3A_2221] {strides = array<i32>} : memref<128x128xf32, #tpu.memory_space<vmem>>, vector<1x16xf32>,
      %swap3A_2223 = vector.shape_cast %swap3A_2222 : vector<1x16xf32> to vector<16xf32>
      %swap3A_2224 = vector.shape_cast %select_n3A_2219 : vector<16xf32> to vector<1x16xf32>
      tpu.vector_store %arg8[%swap3A_2220, %swap3A_2221], %swap3A_2224 {strides = array<i32>} : memref<128x128xf32, #tpu.memory_space<vmem>>, vector<1x16xf32>,
      %broadcast_in_dim3A_2225 = vector.broadcast %squeeze3A_2188 : f32 to vector<16xf32>
      %broadcast_in_dim3A_2226 = vector.broadcast %squeeze3A_2190 : f32 to vector<16xf32>
      %select_n3A_2227 = arith.select %eq3A_67, %broadcast_in_dim3A_2225, %broadcast_in_dim3A_2226 : vector<16xi1>, vector<16xf32>
      %broadcast_in_dim3A_2228 = vector.broadcast %squeeze3A_2192 : f32 to vector<16xf32>
      %broadcast_in_dim3A_2229 = vector.broadcast %squeeze3A_2194 : f32 to vector<16xf32>
      %select_n3A_2230 = arith.select %eq3A_70, %broadcast_in_dim3A_2228, %broadcast_in_dim3A_2229 : vector<16xi1>, vector<16xf32>
      %select_n3A_2231 = arith.select %lt3A_73, %select_n3A_2227, %select_n3A_2230 : vector<16xi1>, vector<16xf32>
      %swap3A_2232 = arith.index_cast %add3A_2200 : i32 to index
      %swap3A_2233 = arith.constant 32 : index
      %swap3A_2234 = tpu.vector_load %arg8[%swap3A_2232, %swap3A_2233] {strides = array<i32>} : memref<128x128xf32, #tpu.memory_space<vmem>>, vector<1x16xf32>,
      %swap3A_2235 = vector.shape_cast %swap3A_2234 : vector<1x16xf32> to vector<16xf32>
      %swap3A_2236 = vector.shape_cast %select_n3A_2231 : vector<16xf32> to vector<1x16xf32>
      tpu.vector_store %arg8[%swap3A_2232, %swap3A_2233], %swap3A_2236 {strides = array<i32>} : memref<128x128xf32, #tpu.memory_space<vmem>>, vector<1x16xf32>,
      %broadcast_in_dim3A_2237 = vector.broadcast %squeeze3A_2188 : f32 to vector<16xf32>
      %broadcast_in_dim3A_2238 = vector.broadcast %squeeze3A_2190 : f32 to vector<16xf32>
      %select_n3A_2239 = arith.select %eq3A_79, %broadcast_in_dim3A_2237, %broadcast_in_dim3A_2238 : vector<16xi1>, vector<16xf32>
      %broadcast_in_dim3A_2240 = vector.broadcast %squeeze3A_2192 : f32 to vector<16xf32>
      %broadcast_in_dim3A_2241 = vector.broadcast %squeeze3A_2194 : f32 to vector<16xf32>
      %select_n3A_2242 = arith.select %eq3A_82, %broadcast_in_dim3A_2240, %broadcast_in_dim3A_2241 : vector<16xi1>, vector<16xf32>
      %select_n3A_2243 = arith.select %lt3A_85, %select_n3A_2239, %select_n3A_2242 : vector<16xi1>, vector<16xf32>
      %swap3A_2244 = arith.index_cast %add3A_2200 : i32 to index
      %swap3A_2245 = arith.constant 48 : index
      %swap3A_2246 = tpu.vector_load %arg8[%swap3A_2244, %swap3A_2245] {strides = array<i32>} : memref<128x128xf32, #tpu.memory_space<vmem>>, vector<1x16xf32>,
      %swap3A_2247 = vector.shape_cast %swap3A_2246 : vector<1x16xf32> to vector<16xf32>
      %swap3A_2248 = vector.shape_cast %select_n3A_2243 : vector<16xf32> to vector<1x16xf32>
      tpu.vector_store %arg8[%swap3A_2244, %swap3A_2245], %swap3A_2248 {strides = array<i32>} : memref<128x128xf32, #tpu.memory_space<vmem>>, vector<1x16xf32>,
      %broadcast_in_dim3A_2249 = vector.broadcast %squeeze3A_2188 : f32 to vector<16xf32>
      %broadcast_in_dim3A_2250 = vector.broadcast %squeeze3A_2190 : f32 to vector<16xf32>
      %select_n3A_2251 = arith.select %eq3A_91, %broadcast_in_dim3A_2249, %broadcast_in_dim3A_2250 : vector<16xi1>, vector<16xf32>
      %broadcast_in_dim3A_2252 = vector.broadcast %squeeze3A_2192 : f32 to vector<16xf32>
      %broadcast_in_dim3A_2253 = vector.broadcast %squeeze3A_2194 : f32 to vector<16xf32>
      %select_n3A_2254 = arith.select %eq3A_94, %broadcast_in_dim3A_2252, %broadcast_in_dim3A_2253 : vector<16xi1>, vector<16xf32>
      %select_n3A_2255 = arith.select %lt3A_97, %select_n3A_2251, %select_n3A_2254 : vector<16xi1>, vector<16xf32>
      %swap3A_2256 = arith.index_cast %add3A_2200 : i32 to index
      %swap3A_2257 = arith.constant 64 : index
      %swap3A_2258 = tpu.vector_load %arg8[%swap3A_2256, %swap3A_2257] {strides = array<i32>} : memref<128x128xf32, #tpu.memory_space<vmem>>, vector<1x16xf32>,
      %swap3A_2259 = vector.shape_cast %swap3A_2258 : vector<1x16xf32> to vector<16xf32>
      %swap3A_2260 = vector.shape_cast %select_n3A_2255 : vector<16xf32> to vector<1x16xf32>
      tpu.vector_store %arg8[%swap3A_2256, %swap3A_2257], %swap3A_2260 {strides = array<i32>} : memref<128x128xf32, #tpu.memory_space<vmem>>, vector<1x16xf32>,
      %broadcast_in_dim3A_2261 = vector.broadcast %squeeze3A_2188 : f32 to vector<16xf32>
      %broadcast_in_dim3A_2262 = vector.broadcast %squeeze3A_2190 : f32 to vector<16xf32>
      %select_n3A_2263 = arith.select %eq3A_103, %broadcast_in_dim3A_2261, %broadcast_in_dim3A_2262 : vector<16xi1>, vector<16xf32>
      %broadcast_in_dim3A_2264 = vector.broadcast %squeeze3A_2192 : f32 to vector<16xf32>
      %broadcast_in_dim3A_2265 = vector.broadcast %squeeze3A_2194 : f32 to vector<16xf32>
      %select_n3A_2266 = arith.select %eq3A_106, %broadcast_in_dim3A_2264, %broadcast_in_dim3A_2265 : vector<16xi1>, vector<16xf32>
      %select_n3A_2267 = arith.select %lt3A_109, %select_n3A_2263, %select_n3A_2266 : vector<16xi1>, vector<16xf32>
      %swap3A_2268 = arith.index_cast %add3A_2200 : i32 to index
      %swap3A_2269 = arith.constant 80 : index
      %swap3A_2270 = tpu.vector_load %arg8[%swap3A_2268, %swap3A_2269] {strides = array<i32>} : memref<128x128xf32, #tpu.memory_space<vmem>>, vector<1x16xf32>,
      %swap3A_2271 = vector.shape_cast %swap3A_2270 : vector<1x16xf32> to vector<16xf32>
      %swap3A_2272 = vector.shape_cast %select_n3A_2267 : vector<16xf32> to vector<1x16xf32>
      tpu.vector_store %arg8[%swap3A_2268, %swap3A_2269], %swap3A_2272 {strides = array<i32>} : memref<128x128xf32, #tpu.memory_space<vmem>>, vector<1x16xf32>,
      %broadcast_in_dim3A_2273 = vector.broadcast %squeeze3A_2188 : f32 to vector<16xf32>
      %broadcast_in_dim3A_2274 = vector.broadcast %squeeze3A_2190 : f32 to vector<16xf32>
      %select_n3A_2275 = arith.select %eq3A_115, %broadcast_in_dim3A_2273, %broadcast_in_dim3A_2274 : vector<16xi1>, vector<16xf32>
      %broadcast_in_dim3A_2276 = vector.broadcast %squeeze3A_2192 : f32 to vector<16xf32>
      %broadcast_in_dim3A_2277 = vector.broadcast %squeeze3A_2194 : f32 to vector<16xf32>
      %select_n3A_2278 = arith.select %eq3A_118, %broadcast_in_dim3A_2276, %broadcast_in_dim3A_2277 : vector<16xi1>, vector<16xf32>
      %select_n3A_2279 = arith.select %lt3A_121, %select_n3A_2275, %select_n3A_2278 : vector<16xi1>, vector<16xf32>
      %swap3A_2280 = arith.index_cast %add3A_2200 : i32 to index
      %swap3A_2281 = arith.constant 96 : index
      %swap3A_2282 = tpu.vector_load %arg8[%swap3A_2280, %swap3A_2281] {strides = array<i32>} : memref<128x128xf32, #tpu.memory_space<vmem>>, vector<1x16xf32>,
      %swap3A_2283 = vector.shape_cast %swap3A_2282 : vector<1x16xf32> to vector<16xf32>
      %swap3A_2284 = vector.shape_cast %select_n3A_2279 : vector<16xf32> to vector<1x16xf32>
      tpu.vector_store %arg8[%swap3A_2280, %swap3A_2281], %swap3A_2284 {strides = array<i32>} : memref<128x128xf32, #tpu.memory_space<vmem>>, vector<1x16xf32>,
      %broadcast_in_dim3A_2285 = vector.broadcast %squeeze3A_2188 : f32 to vector<16xf32>
      %broadcast_in_dim3A_2286 = vector.broadcast %squeeze3A_2190 : f32 to vector<16xf32>
      %select_n3A_2287 = arith.select %eq3A_127, %broadcast_in_dim3A_2285, %broadcast_in_dim3A_2286 : vector<16xi1>, vector<16xf32>
      %broadcast_in_dim3A_2288 = vector.broadcast %squeeze3A_2192 : f32 to vector<16xf32>
      %broadcast_in_dim3A_2289 = vector.broadcast %squeeze3A_2194 : f32 to vector<16xf32>
      %select_n3A_2290 = arith.select %eq3A_130, %broadcast_in_dim3A_2288, %broadcast_in_dim3A_2289 : vector<16xi1>, vector<16xf32>
      %select_n3A_2291 = arith.select %lt3A_133, %select_n3A_2287, %select_n3A_2290 : vector<16xi1>, vector<16xf32>
      %swap3A_2292 = arith.index_cast %add3A_2200 : i32 to index
      %swap3A_2293 = arith.constant 112 : index
      %swap3A_2294 = tpu.vector_load %arg8[%swap3A_2292, %swap3A_2293] {strides = array<i32>} : memref<128x128xf32, #tpu.memory_space<vmem>>, vector<1x16xf32>,
      %swap3A_2295 = vector.shape_cast %swap3A_2294 : vector<1x16xf32> to vector<16xf32>
      %swap3A_2296 = vector.shape_cast %select_n3A_2291 : vector<16xf32> to vector<1x16xf32>
      tpu.vector_store %arg8[%swap3A_2292, %swap3A_2293], %swap3A_2296 {strides = array<i32>} : memref<128x128xf32, #tpu.memory_space<vmem>>, vector<1x16xf32>,
      %slice3A_2297 = vector.extract_strided_slice %get3A_1939 {offsets = [3], sizes = [1], strides = [1]} : vector<16xf32> to vector<1xf32>
      %squeeze3A_2298 = vector.extract %slice3A_2297[0] : f32 from vector<1xf32>
      %slice3A_2299 = vector.extract_strided_slice %get3A_1948 {offsets = [3], sizes = [1], strides = [1]} : vector<16xf32> to vector<1xf32>
      %squeeze3A_2300 = vector.extract %slice3A_2299[0] : f32 from vector<1xf32>
      %slice3A_2301 = vector.extract_strided_slice %get3A_1957 {offsets = [3], sizes = [1], strides = [1]} : vector<16xf32> to vector<1xf32>
      %squeeze3A_2302 = vector.extract %slice3A_2301[0] : f32 from vector<1xf32>
      %slice3A_2303 = vector.extract_strided_slice %get3A_1966 {offsets = [3], sizes = [1], strides = [1]} : vector<16xf32> to vector<1xf32>
      %squeeze3A_2304 = vector.extract %slice3A_2303[0] : f32 from vector<1xf32>
      %mul3A_2305 = arith.constant 16 : i32
      %mul3A_2306 = arith.muli %scan3A_139, %mul3A_2305 : i32
      %add3A_2307 = arith.constant 3 : i32
      %add3A_2308 = arith.addi %mul3A_2306, %add3A_2307 : i32
      %add3A_2309 = arith.constant 64 : i32
      %add3A_2310 = arith.addi %add3A_2308, %add3A_2309 : i32
      %broadcast_in_dim3A_2311 = vector.broadcast %squeeze3A_2298 : f32 to vector<16xf32>
      %broadcast_in_dim3A_2312 = vector.broadcast %squeeze3A_2300 : f32 to vector<16xf32>
      %select_n3A_2313 = arith.select %eq3A_44, %broadcast_in_dim3A_2311, %broadcast_in_dim3A_2312 : vector<16xi1>, vector<16xf32>
      %broadcast_in_dim3A_2314 = vector.broadcast %squeeze3A_2302 : f32 to vector<16xf32>
      %broadcast_in_dim3A_2315 = vector.broadcast %squeeze3A_2304 : f32 to vector<16xf32>
      %select_n3A_2316 = arith.select %eq3A_47, %broadcast_in_dim3A_2314, %broadcast_in_dim3A_2315 : vector<16xi1>, vector<16xf32>
      %select_n3A_2317 = arith.select %lt3A_49, %select_n3A_2313, %select_n3A_2316 : vector<16xi1>, vector<16xf32>
      %swap3A_2318 = arith.index_cast %add3A_2310 : i32 to index
      %swap3A_2319 = arith.constant 0 : index
      %swap3A_2320 = tpu.vector_load %arg8[%swap3A_2318, %swap3A_2319] {strides = array<i32>} : memref<128x128xf32, #tpu.memory_space<vmem>>, vector<1x16xf32>,
      %swap3A_2321 = vector.shape_cast %swap3A_2320 : vector<1x16xf32> to vector<16xf32>
      %swap3A_2322 = vector.shape_cast %select_n3A_2317 : vector<16xf32> to vector<1x16xf32>
      tpu.vector_store %arg8[%swap3A_2318, %swap3A_2319], %swap3A_2322 {strides = array<i32>} : memref<128x128xf32, #tpu.memory_space<vmem>>, vector<1x16xf32>,
      %broadcast_in_dim3A_2323 = vector.broadcast %squeeze3A_2298 : f32 to vector<16xf32>
      %broadcast_in_dim3A_2324 = vector.broadcast %squeeze3A_2300 : f32 to vector<16xf32>
      %select_n3A_2325 = arith.select %eq3A_55, %broadcast_in_dim3A_2323, %broadcast_in_dim3A_2324 : vector<16xi1>, vector<16xf32>
      %broadcast_in_dim3A_2326 = vector.broadcast %squeeze3A_2302 : f32 to vector<16xf32>
      %broadcast_in_dim3A_2327 = vector.broadcast %squeeze3A_2304 : f32 to vector<16xf32>
      %select_n3A_2328 = arith.select %eq3A_58, %broadcast_in_dim3A_2326, %broadcast_in_dim3A_2327 : vector<16xi1>, vector<16xf32>
      %select_n3A_2329 = arith.select %lt3A_61, %select_n3A_2325, %select_n3A_2328 : vector<16xi1>, vector<16xf32>
      %swap3A_2330 = arith.index_cast %add3A_2310 : i32 to index
      %swap3A_2331 = arith.constant 16 : index
      %swap3A_2332 = tpu.vector_load %arg8[%swap3A_2330, %swap3A_2331] {strides = array<i32>} : memref<128x128xf32, #tpu.memory_space<vmem>>, vector<1x16xf32>,
      %swap3A_2333 = vector.shape_cast %swap3A_2332 : vector<1x16xf32> to vector<16xf32>
      %swap3A_2334 = vector.shape_cast %select_n3A_2329 : vector<16xf32> to vector<1x16xf32>
      tpu.vector_store %arg8[%swap3A_2330, %swap3A_2331], %swap3A_2334 {strides = array<i32>} : memref<128x128xf32, #tpu.memory_space<vmem>>, vector<1x16xf32>,
      %broadcast_in_dim3A_2335 = vector.broadcast %squeeze3A_2298 : f32 to vector<16xf32>
      %broadcast_in_dim3A_2336 = vector.broadcast %squeeze3A_2300 : f32 to vector<16xf32>
      %select_n3A_2337 = arith.select %eq3A_67, %broadcast_in_dim3A_2335, %broadcast_in_dim3A_2336 : vector<16xi1>, vector<16xf32>
      %broadcast_in_dim3A_2338 = vector.broadcast %squeeze3A_2302 : f32 to vector<16xf32>
      %broadcast_in_dim3A_2339 = vector.broadcast %squeeze3A_2304 : f32 to vector<16xf32>
      %select_n3A_2340 = arith.select %eq3A_70, %broadcast_in_dim3A_2338, %broadcast_in_dim3A_2339 : vector<16xi1>, vector<16xf32>
      %select_n3A_2341 = arith.select %lt3A_73, %select_n3A_2337, %select_n3A_2340 : vector<16xi1>, vector<16xf32>
      %swap3A_2342 = arith.index_cast %add3A_2310 : i32 to index
      %swap3A_2343 = arith.constant 32 : index
      %swap3A_2344 = tpu.vector_load %arg8[%swap3A_2342, %swap3A_2343] {strides = array<i32>} : memref<128x128xf32, #tpu.memory_space<vmem>>, vector<1x16xf32>,
      %swap3A_2345 = vector.shape_cast %swap3A_2344 : vector<1x16xf32> to vector<16xf32>
      %swap3A_2346 = vector.shape_cast %select_n3A_2341 : vector<16xf32> to vector<1x16xf32>
      tpu.vector_store %arg8[%swap3A_2342, %swap3A_2343], %swap3A_2346 {strides = array<i32>} : memref<128x128xf32, #tpu.memory_space<vmem>>, vector<1x16xf32>,
      %broadcast_in_dim3A_2347 = vector.broadcast %squeeze3A_2298 : f32 to vector<16xf32>
      %broadcast_in_dim3A_2348 = vector.broadcast %squeeze3A_2300 : f32 to vector<16xf32>
      %select_n3A_2349 = arith.select %eq3A_79, %broadcast_in_dim3A_2347, %broadcast_in_dim3A_2348 : vector<16xi1>, vector<16xf32>
      %broadcast_in_dim3A_2350 = vector.broadcast %squeeze3A_2302 : f32 to vector<16xf32>
      %broadcast_in_dim3A_2351 = vector.broadcast %squeeze3A_2304 : f32 to vector<16xf32>
      %select_n3A_2352 = arith.select %eq3A_82, %broadcast_in_dim3A_2350, %broadcast_in_dim3A_2351 : vector<16xi1>, vector<16xf32>
      %select_n3A_2353 = arith.select %lt3A_85, %select_n3A_2349, %select_n3A_2352 : vector<16xi1>, vector<16xf32>
      %swap3A_2354 = arith.index_cast %add3A_2310 : i32 to index
      %swap3A_2355 = arith.constant 48 : index
      %swap3A_2356 = tpu.vector_load %arg8[%swap3A_2354, %swap3A_2355] {strides = array<i32>} : memref<128x128xf32, #tpu.memory_space<vmem>>, vector<1x16xf32>,
      %swap3A_2357 = vector.shape_cast %swap3A_2356 : vector<1x16xf32> to vector<16xf32>
      %swap3A_2358 = vector.shape_cast %select_n3A_2353 : vector<16xf32> to vector<1x16xf32>
      tpu.vector_store %arg8[%swap3A_2354, %swap3A_2355], %swap3A_2358 {strides = array<i32>} : memref<128x128xf32, #tpu.memory_space<vmem>>, vector<1x16xf32>,
      %broadcast_in_dim3A_2359 = vector.broadcast %squeeze3A_2298 : f32 to vector<16xf32>
      %broadcast_in_dim3A_2360 = vector.broadcast %squeeze3A_2300 : f32 to vector<16xf32>
      %select_n3A_2361 = arith.select %eq3A_91, %broadcast_in_dim3A_2359, %broadcast_in_dim3A_2360 : vector<16xi1>, vector<16xf32>
      %broadcast_in_dim3A_2362 = vector.broadcast %squeeze3A_2302 : f32 to vector<16xf32>
      %broadcast_in_dim3A_2363 = vector.broadcast %squeeze3A_2304 : f32 to vector<16xf32>
      %select_n3A_2364 = arith.select %eq3A_94, %broadcast_in_dim3A_2362, %broadcast_in_dim3A_2363 : vector<16xi1>, vector<16xf32>
      %select_n3A_2365 = arith.select %lt3A_97, %select_n3A_2361, %select_n3A_2364 : vector<16xi1>, vector<16xf32>
      %swap3A_2366 = arith.index_cast %add3A_2310 : i32 to index
      %swap3A_2367 = arith.constant 64 : index
      %swap3A_2368 = tpu.vector_load %arg8[%swap3A_2366, %swap3A_2367] {strides = array<i32>} : memref<128x128xf32, #tpu.memory_space<vmem>>, vector<1x16xf32>,
      %swap3A_2369 = vector.shape_cast %swap3A_2368 : vector<1x16xf32> to vector<16xf32>
      %swap3A_2370 = vector.shape_cast %select_n3A_2365 : vector<16xf32> to vector<1x16xf32>
      tpu.vector_store %arg8[%swap3A_2366, %swap3A_2367], %swap3A_2370 {strides = array<i32>} : memref<128x128xf32, #tpu.memory_space<vmem>>, vector<1x16xf32>,
      %broadcast_in_dim3A_2371 = vector.broadcast %squeeze3A_2298 : f32 to vector<16xf32>
      %broadcast_in_dim3A_2372 = vector.broadcast %squeeze3A_2300 : f32 to vector<16xf32>
      %select_n3A_2373 = arith.select %eq3A_103, %broadcast_in_dim3A_2371, %broadcast_in_dim3A_2372 : vector<16xi1>, vector<16xf32>
      %broadcast_in_dim3A_2374 = vector.broadcast %squeeze3A_2302 : f32 to vector<16xf32>
      %broadcast_in_dim3A_2375 = vector.broadcast %squeeze3A_2304 : f32 to vector<16xf32>
      %select_n3A_2376 = arith.select %eq3A_106, %broadcast_in_dim3A_2374, %broadcast_in_dim3A_2375 : vector<16xi1>, vector<16xf32>
      %select_n3A_2377 = arith.select %lt3A_109, %select_n3A_2373, %select_n3A_2376 : vector<16xi1>, vector<16xf32>
      %swap3A_2378 = arith.index_cast %add3A_2310 : i32 to index
      %swap3A_2379 = arith.constant 80 : index
      %swap3A_2380 = tpu.vector_load %arg8[%swap3A_2378, %swap3A_2379] {strides = array<i32>} : memref<128x128xf32, #tpu.memory_space<vmem>>, vector<1x16xf32>,
      %swap3A_2381 = vector.shape_cast %swap3A_2380 : vector<1x16xf32> to vector<16xf32>
      %swap3A_2382 = vector.shape_cast %select_n3A_2377 : vector<16xf32> to vector<1x16xf32>
      tpu.vector_store %arg8[%swap3A_2378, %swap3A_2379], %swap3A_2382 {strides = array<i32>} : memref<128x128xf32, #tpu.memory_space<vmem>>, vector<1x16xf32>,
      %broadcast_in_dim3A_2383 = vector.broadcast %squeeze3A_2298 : f32 to vector<16xf32>
      %broadcast_in_dim3A_2384 = vector.broadcast %squeeze3A_2300 : f32 to vector<16xf32>
      %select_n3A_2385 = arith.select %eq3A_115, %broadcast_in_dim3A_2383, %broadcast_in_dim3A_2384 : vector<16xi1>, vector<16xf32>
      %broadcast_in_dim3A_2386 = vector.broadcast %squeeze3A_2302 : f32 to vector<16xf32>
      %broadcast_in_dim3A_2387 = vector.broadcast %squeeze3A_2304 : f32 to vector<16xf32>
      %select_n3A_2388 = arith.select %eq3A_118, %broadcast_in_dim3A_2386, %broadcast_in_dim3A_2387 : vector<16xi1>, vector<16xf32>
      %select_n3A_2389 = arith.select %lt3A_121, %select_n3A_2385, %select_n3A_2388 : vector<16xi1>, vector<16xf32>
      %swap3A_2390 = arith.index_cast %add3A_2310 : i32 to index
      %swap3A_2391 = arith.constant 96 : index
      %swap3A_2392 = tpu.vector_load %arg8[%swap3A_2390, %swap3A_2391] {strides = array<i32>} : memref<128x128xf32, #tpu.memory_space<vmem>>, vector<1x16xf32>,
      %swap3A_2393 = vector.shape_cast %swap3A_2392 : vector<1x16xf32> to vector<16xf32>
      %swap3A_2394 = vector.shape_cast %select_n3A_2389 : vector<16xf32> to vector<1x16xf32>
      tpu.vector_store %arg8[%swap3A_2390, %swap3A_2391], %swap3A_2394 {strides = array<i32>} : memref<128x128xf32, #tpu.memory_space<vmem>>, vector<1x16xf32>,
      %broadcast_in_dim3A_2395 = vector.broadcast %squeeze3A_2298 : f32 to vector<16xf32>
      %broadcast_in_dim3A_2396 = vector.broadcast %squeeze3A_2300 : f32 to vector<16xf32>
      %select_n3A_2397 = arith.select %eq3A_127, %broadcast_in_dim3A_2395, %broadcast_in_dim3A_2396 : vector<16xi1>, vector<16xf32>
      %broadcast_in_dim3A_2398 = vector.broadcast %squeeze3A_2302 : f32 to vector<16xf32>
      %broadcast_in_dim3A_2399 = vector.broadcast %squeeze3A_2304 : f32 to vector<16xf32>
      %select_n3A_2400 = arith.select %eq3A_130, %broadcast_in_dim3A_2398, %broadcast_in_dim3A_2399 : vector<16xi1>, vector<16xf32>
      %select_n3A_2401 = arith.select %lt3A_133, %select_n3A_2397, %select_n3A_2400 : vector<16xi1>, vector<16xf32>
      %swap3A_2402 = arith.index_cast %add3A_2310 : i32 to index
      %swap3A_2403 = arith.constant 112 : index
      %swap3A_2404 = tpu.vector_load %arg8[%swap3A_2402, %swap3A_2403] {strides = array<i32>} : memref<128x128xf32, #tpu.memory_space<vmem>>, vector<1x16xf32>,
      %swap3A_2405 = vector.shape_cast %swap3A_2404 : vector<1x16xf32> to vector<16xf32>
      %swap3A_2406 = vector.shape_cast %select_n3A_2401 : vector<16xf32> to vector<1x16xf32>
      tpu.vector_store %arg8[%swap3A_2402, %swap3A_2403], %swap3A_2406 {strides = array<i32>} : memref<128x128xf32, #tpu.memory_space<vmem>>, vector<1x16xf32>,
      %slice3A_2407 = vector.extract_strided_slice %get3A_1939 {offsets = [4], sizes = [1], strides = [1]} : vector<16xf32> to vector<1xf32>
      %squeeze3A_2408 = vector.extract %slice3A_2407[0] : f32 from vector<1xf32>
      %slice3A_2409 = vector.extract_strided_slice %get3A_1948 {offsets = [4], sizes = [1], strides = [1]} : vector<16xf32> to vector<1xf32>
      %squeeze3A_2410 = vector.extract %slice3A_2409[0] : f32 from vector<1xf32>
      %slice3A_2411 = vector.extract_strided_slice %get3A_1957 {offsets = [4], sizes = [1], strides = [1]} : vector<16xf32> to vector<1xf32>
      %squeeze3A_2412 = vector.extract %slice3A_2411[0] : f32 from vector<1xf32>
      %slice3A_2413 = vector.extract_strided_slice %get3A_1966 {offsets = [4], sizes = [1], strides = [1]} : vector<16xf32> to vector<1xf32>
      %squeeze3A_2414 = vector.extract %slice3A_2413[0] : f32 from vector<1xf32>
      %mul3A_2415 = arith.constant 16 : i32
      %mul3A_2416 = arith.muli %scan3A_139, %mul3A_2415 : i32
      %add3A_2417 = arith.constant 4 : i32
      %add3A_2418 = arith.addi %mul3A_2416, %add3A_2417 : i32
      %add3A_2419 = arith.constant 64 : i32
      %add3A_2420 = arith.addi %add3A_2418, %add3A_2419 : i32
      %broadcast_in_dim3A_2421 = vector.broadcast %squeeze3A_2408 : f32 to vector<16xf32>
      %broadcast_in_dim3A_2422 = vector.broadcast %squeeze3A_2410 : f32 to vector<16xf32>
      %select_n3A_2423 = arith.select %eq3A_44, %broadcast_in_dim3A_2421, %broadcast_in_dim3A_2422 : vector<16xi1>, vector<16xf32>
      %broadcast_in_dim3A_2424 = vector.broadcast %squeeze3A_2412 : f32 to vector<16xf32>
      %broadcast_in_dim3A_2425 = vector.broadcast %squeeze3A_2414 : f32 to vector<16xf32>
      %select_n3A_2426 = arith.select %eq3A_47, %broadcast_in_dim3A_2424, %broadcast_in_dim3A_2425 : vector<16xi1>, vector<16xf32>
      %select_n3A_2427 = arith.select %lt3A_49, %select_n3A_2423, %select_n3A_2426 : vector<16xi1>, vector<16xf32>
      %swap3A_2428 = arith.index_cast %add3A_2420 : i32 to index
      %swap3A_2429 = arith.constant 0 : index
      %swap3A_2430 = tpu.vector_load %arg8[%swap3A_2428, %swap3A_2429] {strides = array<i32>} : memref<128x128xf32, #tpu.memory_space<vmem>>, vector<1x16xf32>,
      %swap3A_2431 = vector.shape_cast %swap3A_2430 : vector<1x16xf32> to vector<16xf32>
      %swap3A_2432 = vector.shape_cast %select_n3A_2427 : vector<16xf32> to vector<1x16xf32>
      tpu.vector_store %arg8[%swap3A_2428, %swap3A_2429], %swap3A_2432 {strides = array<i32>} : memref<128x128xf32, #tpu.memory_space<vmem>>, vector<1x16xf32>,
      %broadcast_in_dim3A_2433 = vector.broadcast %squeeze3A_2408 : f32 to vector<16xf32>
      %broadcast_in_dim3A_2434 = vector.broadcast %squeeze3A_2410 : f32 to vector<16xf32>
      %select_n3A_2435 = arith.select %eq3A_55, %broadcast_in_dim3A_2433, %broadcast_in_dim3A_2434 : vector<16xi1>, vector<16xf32>
      %broadcast_in_dim3A_2436 = vector.broadcast %squeeze3A_2412 : f32 to vector<16xf32>
      %broadcast_in_dim3A_2437 = vector.broadcast %squeeze3A_2414 : f32 to vector<16xf32>
      %select_n3A_2438 = arith.select %eq3A_58, %broadcast_in_dim3A_2436, %broadcast_in_dim3A_2437 : vector<16xi1>, vector<16xf32>
      %select_n3A_2439 = arith.select %lt3A_61, %select_n3A_2435, %select_n3A_2438 : vector<16xi1>, vector<16xf32>
      %swap3A_2440 = arith.index_cast %add3A_2420 : i32 to index
      %swap3A_2441 = arith.constant 16 : index
      %swap3A_2442 = tpu.vector_load %arg8[%swap3A_2440, %swap3A_2441] {strides = array<i32>} : memref<128x128xf32, #tpu.memory_space<vmem>>, vector<1x16xf32>,
      %swap3A_2443 = vector.shape_cast %swap3A_2442 : vector<1x16xf32> to vector<16xf32>
      %swap3A_2444 = vector.shape_cast %select_n3A_2439 : vector<16xf32> to vector<1x16xf32>
      tpu.vector_store %arg8[%swap3A_2440, %swap3A_2441], %swap3A_2444 {strides = array<i32>} : memref<128x128xf32, #tpu.memory_space<vmem>>, vector<1x16xf32>,
      %broadcast_in_dim3A_2445 = vector.broadcast %squeeze3A_2408 : f32 to vector<16xf32>
      %broadcast_in_dim3A_2446 = vector.broadcast %squeeze3A_2410 : f32 to vector<16xf32>
      %select_n3A_2447 = arith.select %eq3A_67, %broadcast_in_dim3A_2445, %broadcast_in_dim3A_2446 : vector<16xi1>, vector<16xf32>
      %broadcast_in_dim3A_2448 = vector.broadcast %squeeze3A_2412 : f32 to vector<16xf32>
      %broadcast_in_dim3A_2449 = vector.broadcast %squeeze3A_2414 : f32 to vector<16xf32>
      %select_n3A_2450 = arith.select %eq3A_70, %broadcast_in_dim3A_2448, %broadcast_in_dim3A_2449 : vector<16xi1>, vector<16xf32>
      %select_n3A_2451 = arith.select %lt3A_73, %select_n3A_2447, %select_n3A_2450 : vector<16xi1>, vector<16xf32>
      %swap3A_2452 = arith.index_cast %add3A_2420 : i32 to index
      %swap3A_2453 = arith.constant 32 : index
      %swap3A_2454 = tpu.vector_load %arg8[%swap3A_2452, %swap3A_2453] {strides = array<i32>} : memref<128x128xf32, #tpu.memory_space<vmem>>, vector<1x16xf32>,
      %swap3A_2455 = vector.shape_cast %swap3A_2454 : vector<1x16xf32> to vector<16xf32>
      %swap3A_2456 = vector.shape_cast %select_n3A_2451 : vector<16xf32> to vector<1x16xf32>
      tpu.vector_store %arg8[%swap3A_2452, %swap3A_2453], %swap3A_2456 {strides = array<i32>} : memref<128x128xf32, #tpu.memory_space<vmem>>, vector<1x16xf32>,
      %broadcast_in_dim3A_2457 = vector.broadcast %squeeze3A_2408 : f32 to vector<16xf32>
      %broadcast_in_dim3A_2458 = vector.broadcast %squeeze3A_2410 : f32 to vector<16xf32>
      %select_n3A_2459 = arith.select %eq3A_79, %broadcast_in_dim3A_2457, %broadcast_in_dim3A_2458 : vector<16xi1>, vector<16xf32>
      %broadcast_in_dim3A_2460 = vector.broadcast %squeeze3A_2412 : f32 to vector<16xf32>
      %broadcast_in_dim3A_2461 = vector.broadcast %squeeze3A_2414 : f32 to vector<16xf32>
      %select_n3A_2462 = arith.select %eq3A_82, %broadcast_in_dim3A_2460, %broadcast_in_dim3A_2461 : vector<16xi1>, vector<16xf32>
      %select_n3A_2463 = arith.select %lt3A_85, %select_n3A_2459, %select_n3A_2462 : vector<16xi1>, vector<16xf32>
      %swap3A_2464 = arith.index_cast %add3A_2420 : i32 to index
      %swap3A_2465 = arith.constant 48 : index
      %swap3A_2466 = tpu.vector_load %arg8[%swap3A_2464, %swap3A_2465] {strides = array<i32>} : memref<128x128xf32, #tpu.memory_space<vmem>>, vector<1x16xf32>,
      %swap3A_2467 = vector.shape_cast %swap3A_2466 : vector<1x16xf32> to vector<16xf32>
      %swap3A_2468 = vector.shape_cast %select_n3A_2463 : vector<16xf32> to vector<1x16xf32>
      tpu.vector_store %arg8[%swap3A_2464, %swap3A_2465], %swap3A_2468 {strides = array<i32>} : memref<128x128xf32, #tpu.memory_space<vmem>>, vector<1x16xf32>,
      %broadcast_in_dim3A_2469 = vector.broadcast %squeeze3A_2408 : f32 to vector<16xf32>
      %broadcast_in_dim3A_2470 = vector.broadcast %squeeze3A_2410 : f32 to vector<16xf32>
      %select_n3A_2471 = arith.select %eq3A_91, %broadcast_in_dim3A_2469, %broadcast_in_dim3A_2470 : vector<16xi1>, vector<16xf32>
      %broadcast_in_dim3A_2472 = vector.broadcast %squeeze3A_2412 : f32 to vector<16xf32>
      %broadcast_in_dim3A_2473 = vector.broadcast %squeeze3A_2414 : f32 to vector<16xf32>
      %select_n3A_2474 = arith.select %eq3A_94, %broadcast_in_dim3A_2472, %broadcast_in_dim3A_2473 : vector<16xi1>, vector<16xf32>
      %select_n3A_2475 = arith.select %lt3A_97, %select_n3A_2471, %select_n3A_2474 : vector<16xi1>, vector<16xf32>
      %swap3A_2476 = arith.index_cast %add3A_2420 : i32 to index
      %swap3A_2477 = arith.constant 64 : index
      %swap3A_2478 = tpu.vector_load %arg8[%swap3A_2476, %swap3A_2477] {strides = array<i32>} : memref<128x128xf32, #tpu.memory_space<vmem>>, vector<1x16xf32>,
      %swap3A_2479 = vector.shape_cast %swap3A_2478 : vector<1x16xf32> to vector<16xf32>
      %swap3A_2480 = vector.shape_cast %select_n3A_2475 : vector<16xf32> to vector<1x16xf32>
      tpu.vector_store %arg8[%swap3A_2476, %swap3A_2477], %swap3A_2480 {strides = array<i32>} : memref<128x128xf32, #tpu.memory_space<vmem>>, vector<1x16xf32>,
      %broadcast_in_dim3A_2481 = vector.broadcast %squeeze3A_2408 : f32 to vector<16xf32>
      %broadcast_in_dim3A_2482 = vector.broadcast %squeeze3A_2410 : f32 to vector<16xf32>
      %select_n3A_2483 = arith.select %eq3A_103, %broadcast_in_dim3A_2481, %broadcast_in_dim3A_2482 : vector<16xi1>, vector<16xf32>
      %broadcast_in_dim3A_2484 = vector.broadcast %squeeze3A_2412 : f32 to vector<16xf32>
      %broadcast_in_dim3A_2485 = vector.broadcast %squeeze3A_2414 : f32 to vector<16xf32>
      %select_n3A_2486 = arith.select %eq3A_106, %broadcast_in_dim3A_2484, %broadcast_in_dim3A_2485 : vector<16xi1>, vector<16xf32>
      %select_n3A_2487 = arith.select %lt3A_109, %select_n3A_2483, %select_n3A_2486 : vector<16xi1>, vector<16xf32>
      %swap3A_2488 = arith.index_cast %add3A_2420 : i32 to index
      %swap3A_2489 = arith.constant 80 : index
      %swap3A_2490 = tpu.vector_load %arg8[%swap3A_2488, %swap3A_2489] {strides = array<i32>} : memref<128x128xf32, #tpu.memory_space<vmem>>, vector<1x16xf32>,
      %swap3A_2491 = vector.shape_cast %swap3A_2490 : vector<1x16xf32> to vector<16xf32>
      %swap3A_2492 = vector.shape_cast %select_n3A_2487 : vector<16xf32> to vector<1x16xf32>
      tpu.vector_store %arg8[%swap3A_2488, %swap3A_2489], %swap3A_2492 {strides = array<i32>} : memref<128x128xf32, #tpu.memory_space<vmem>>, vector<1x16xf32>,
      %broadcast_in_dim3A_2493 = vector.broadcast %squeeze3A_2408 : f32 to vector<16xf32>
      %broadcast_in_dim3A_2494 = vector.broadcast %squeeze3A_2410 : f32 to vector<16xf32>
      %select_n3A_2495 = arith.select %eq3A_115, %broadcast_in_dim3A_2493, %broadcast_in_dim3A_2494 : vector<16xi1>, vector<16xf32>
      %broadcast_in_dim3A_2496 = vector.broadcast %squeeze3A_2412 : f32 to vector<16xf32>
      %broadcast_in_dim3A_2497 = vector.broadcast %squeeze3A_2414 : f32 to vector<16xf32>
      %select_n3A_2498 = arith.select %eq3A_118, %broadcast_in_dim3A_2496, %broadcast_in_dim3A_2497 : vector<16xi1>, vector<16xf32>
      %select_n3A_2499 = arith.select %lt3A_121, %select_n3A_2495, %select_n3A_2498 : vector<16xi1>, vector<16xf32>
      %swap3A_2500 = arith.index_cast %add3A_2420 : i32 to index
      %swap3A_2501 = arith.constant 96 : index
      %swap3A_2502 = tpu.vector_load %arg8[%swap3A_2500, %swap3A_2501] {strides = array<i32>} : memref<128x128xf32, #tpu.memory_space<vmem>>, vector<1x16xf32>,
      %swap3A_2503 = vector.shape_cast %swap3A_2502 : vector<1x16xf32> to vector<16xf32>
      %swap3A_2504 = vector.shape_cast %select_n3A_2499 : vector<16xf32> to vector<1x16xf32>
      tpu.vector_store %arg8[%swap3A_2500, %swap3A_2501], %swap3A_2504 {strides = array<i32>} : memref<128x128xf32, #tpu.memory_space<vmem>>, vector<1x16xf32>,
      %broadcast_in_dim3A_2505 = vector.broadcast %squeeze3A_2408 : f32 to vector<16xf32>
      %broadcast_in_dim3A_2506 = vector.broadcast %squeeze3A_2410 : f32 to vector<16xf32>
      %select_n3A_2507 = arith.select %eq3A_127, %broadcast_in_dim3A_2505, %broadcast_in_dim3A_2506 : vector<16xi1>, vector<16xf32>
      %broadcast_in_dim3A_2508 = vector.broadcast %squeeze3A_2412 : f32 to vector<16xf32>
      %broadcast_in_dim3A_2509 = vector.broadcast %squeeze3A_2414 : f32 to vector<16xf32>
      %select_n3A_2510 = arith.select %eq3A_130, %broadcast_in_dim3A_2508, %broadcast_in_dim3A_2509 : vector<16xi1>, vector<16xf32>
      %select_n3A_2511 = arith.select %lt3A_133, %select_n3A_2507, %select_n3A_2510 : vector<16xi1>, vector<16xf32>
      %swap3A_2512 = arith.index_cast %add3A_2420 : i32 to index
      %swap3A_2513 = arith.constant 112 : index
      %swap3A_2514 = tpu.vector_load %arg8[%swap3A_2512, %swap3A_2513] {strides = array<i32>} : memref<128x128xf32, #tpu.memory_space<vmem>>, vector<1x16xf32>,
      %swap3A_2515 = vector.shape_cast %swap3A_2514 : vector<1x16xf32> to vector<16xf32>
      %swap3A_2516 = vector.shape_cast %select_n3A_2511 : vector<16xf32> to vector<1x16xf32>
      tpu.vector_store %arg8[%swap3A_2512, %swap3A_2513], %swap3A_2516 {strides = array<i32>} : memref<128x128xf32, #tpu.memory_space<vmem>>, vector<1x16xf32>,
      %slice3A_2517 = vector.extract_strided_slice %get3A_1939 {offsets = [5], sizes = [1], strides = [1]} : vector<16xf32> to vector<1xf32>
      %squeeze3A_2518 = vector.extract %slice3A_2517[0] : f32 from vector<1xf32>
      %slice3A_2519 = vector.extract_strided_slice %get3A_1948 {offsets = [5], sizes = [1], strides = [1]} : vector<16xf32> to vector<1xf32>
      %squeeze3A_2520 = vector.extract %slice3A_2519[0] : f32 from vector<1xf32>
      %slice3A_2521 = vector.extract_strided_slice %get3A_1957 {offsets = [5], sizes = [1], strides = [1]} : vector<16xf32> to vector<1xf32>
      %squeeze3A_2522 = vector.extract %slice3A_2521[0] : f32 from vector<1xf32>
      %slice3A_2523 = vector.extract_strided_slice %get3A_1966 {offsets = [5], sizes = [1], strides = [1]} : vector<16xf32> to vector<1xf32>
      %squeeze3A_2524 = vector.extract %slice3A_2523[0] : f32 from vector<1xf32>
      %mul3A_2525 = arith.constant 16 : i32
      %mul3A_2526 = arith.muli %scan3A_139, %mul3A_2525 : i32
      %add3A_2527 = arith.constant 5 : i32
      %add3A_2528 = arith.addi %mul3A_2526, %add3A_2527 : i32
      %add3A_2529 = arith.constant 64 : i32
      %add3A_2530 = arith.addi %add3A_2528, %add3A_2529 : i32
      %broadcast_in_dim3A_2531 = vector.broadcast %squeeze3A_2518 : f32 to vector<16xf32>
      %broadcast_in_dim3A_2532 = vector.broadcast %squeeze3A_2520 : f32 to vector<16xf32>
      %select_n3A_2533 = arith.select %eq3A_44, %broadcast_in_dim3A_2531, %broadcast_in_dim3A_2532 : vector<16xi1>, vector<16xf32>
      %broadcast_in_dim3A_2534 = vector.broadcast %squeeze3A_2522 : f32 to vector<16xf32>
      %broadcast_in_dim3A_2535 = vector.broadcast %squeeze3A_2524 : f32 to vector<16xf32>
      %select_n3A_2536 = arith.select %eq3A_47, %broadcast_in_dim3A_2534, %broadcast_in_dim3A_2535 : vector<16xi1>, vector<16xf32>
      %select_n3A_2537 = arith.select %lt3A_49, %select_n3A_2533, %select_n3A_2536 : vector<16xi1>, vector<16xf32>
      %swap3A_2538 = arith.index_cast %add3A_2530 : i32 to index
      %swap3A_2539 = arith.constant 0 : index
      %swap3A_2540 = tpu.vector_load %arg8[%swap3A_2538, %swap3A_2539] {strides = array<i32>} : memref<128x128xf32, #tpu.memory_space<vmem>>, vector<1x16xf32>,
      %swap3A_2541 = vector.shape_cast %swap3A_2540 : vector<1x16xf32> to vector<16xf32>
      %swap3A_2542 = vector.shape_cast %select_n3A_2537 : vector<16xf32> to vector<1x16xf32>
      tpu.vector_store %arg8[%swap3A_2538, %swap3A_2539], %swap3A_2542 {strides = array<i32>} : memref<128x128xf32, #tpu.memory_space<vmem>>, vector<1x16xf32>,
      %broadcast_in_dim3A_2543 = vector.broadcast %squeeze3A_2518 : f32 to vector<16xf32>
      %broadcast_in_dim3A_2544 = vector.broadcast %squeeze3A_2520 : f32 to vector<16xf32>
      %select_n3A_2545 = arith.select %eq3A_55, %broadcast_in_dim3A_2543, %broadcast_in_dim3A_2544 : vector<16xi1>, vector<16xf32>
      %broadcast_in_dim3A_2546 = vector.broadcast %squeeze3A_2522 : f32 to vector<16xf32>
      %broadcast_in_dim3A_2547 = vector.broadcast %squeeze3A_2524 : f32 to vector<16xf32>
      %select_n3A_2548 = arith.select %eq3A_58, %broadcast_in_dim3A_2546, %broadcast_in_dim3A_2547 : vector<16xi1>, vector<16xf32>
      %select_n3A_2549 = arith.select %lt3A_61, %select_n3A_2545, %select_n3A_2548 : vector<16xi1>, vector<16xf32>
      %swap3A_2550 = arith.index_cast %add3A_2530 : i32 to index
      %swap3A_2551 = arith.constant 16 : index
      %swap3A_2552 = tpu.vector_load %arg8[%swap3A_2550, %swap3A_2551] {strides = array<i32>} : memref<128x128xf32, #tpu.memory_space<vmem>>, vector<1x16xf32>,
      %swap3A_2553 = vector.shape_cast %swap3A_2552 : vector<1x16xf32> to vector<16xf32>
      %swap3A_2554 = vector.shape_cast %select_n3A_2549 : vector<16xf32> to vector<1x16xf32>
      tpu.vector_store %arg8[%swap3A_2550, %swap3A_2551], %swap3A_2554 {strides = array<i32>} : memref<128x128xf32, #tpu.memory_space<vmem>>, vector<1x16xf32>,
      %broadcast_in_dim3A_2555 = vector.broadcast %squeeze3A_2518 : f32 to vector<16xf32>
      %broadcast_in_dim3A_2556 = vector.broadcast %squeeze3A_2520 : f32 to vector<16xf32>
      %select_n3A_2557 = arith.select %eq3A_67, %broadcast_in_dim3A_2555, %broadcast_in_dim3A_2556 : vector<16xi1>, vector<16xf32>
      %broadcast_in_dim3A_2558 = vector.broadcast %squeeze3A_2522 : f32 to vector<16xf32>
      %broadcast_in_dim3A_2559 = vector.broadcast %squeeze3A_2524 : f32 to vector<16xf32>
      %select_n3A_2560 = arith.select %eq3A_70, %broadcast_in_dim3A_2558, %broadcast_in_dim3A_2559 : vector<16xi1>, vector<16xf32>
      %select_n3A_2561 = arith.select %lt3A_73, %select_n3A_2557, %select_n3A_2560 : vector<16xi1>, vector<16xf32>
      %swap3A_2562 = arith.index_cast %add3A_2530 : i32 to index
      %swap3A_2563 = arith.constant 32 : index
      %swap3A_2564 = tpu.vector_load %arg8[%swap3A_2562, %swap3A_2563] {strides = array<i32>} : memref<128x128xf32, #tpu.memory_space<vmem>>, vector<1x16xf32>,
      %swap3A_2565 = vector.shape_cast %swap3A_2564 : vector<1x16xf32> to vector<16xf32>
      %swap3A_2566 = vector.shape_cast %select_n3A_2561 : vector<16xf32> to vector<1x16xf32>
      tpu.vector_store %arg8[%swap3A_2562, %swap3A_2563], %swap3A_2566 {strides = array<i32>} : memref<128x128xf32, #tpu.memory_space<vmem>>, vector<1x16xf32>,
      %broadcast_in_dim3A_2567 = vector.broadcast %squeeze3A_2518 : f32 to vector<16xf32>
      %broadcast_in_dim3A_2568 = vector.broadcast %squeeze3A_2520 : f32 to vector<16xf32>
      %select_n3A_2569 = arith.select %eq3A_79, %broadcast_in_dim3A_2567, %broadcast_in_dim3A_2568 : vector<16xi1>, vector<16xf32>
      %broadcast_in_dim3A_2570 = vector.broadcast %squeeze3A_2522 : f32 to vector<16xf32>
      %broadcast_in_dim3A_2571 = vector.broadcast %squeeze3A_2524 : f32 to vector<16xf32>
      %select_n3A_2572 = arith.select %eq3A_82, %broadcast_in_dim3A_2570, %broadcast_in_dim3A_2571 : vector<16xi1>, vector<16xf32>
      %select_n3A_2573 = arith.select %lt3A_85, %select_n3A_2569, %select_n3A_2572 : vector<16xi1>, vector<16xf32>
      %swap3A_2574 = arith.index_cast %add3A_2530 : i32 to index
      %swap3A_2575 = arith.constant 48 : index
      %swap3A_2576 = tpu.vector_load %arg8[%swap3A_2574, %swap3A_2575] {strides = array<i32>} : memref<128x128xf32, #tpu.memory_space<vmem>>, vector<1x16xf32>,
      %swap3A_2577 = vector.shape_cast %swap3A_2576 : vector<1x16xf32> to vector<16xf32>
      %swap3A_2578 = vector.shape_cast %select_n3A_2573 : vector<16xf32> to vector<1x16xf32>
      tpu.vector_store %arg8[%swap3A_2574, %swap3A_2575], %swap3A_2578 {strides = array<i32>} : memref<128x128xf32, #tpu.memory_space<vmem>>, vector<1x16xf32>,
      %broadcast_in_dim3A_2579 = vector.broadcast %squeeze3A_2518 : f32 to vector<16xf32>
      %broadcast_in_dim3A_2580 = vector.broadcast %squeeze3A_2520 : f32 to vector<16xf32>
      %select_n3A_2581 = arith.select %eq3A_91, %broadcast_in_dim3A_2579, %broadcast_in_dim3A_2580 : vector<16xi1>, vector<16xf32>
      %broadcast_in_dim3A_2582 = vector.broadcast %squeeze3A_2522 : f32 to vector<16xf32>
      %broadcast_in_dim3A_2583 = vector.broadcast %squeeze3A_2524 : f32 to vector<16xf32>
      %select_n3A_2584 = arith.select %eq3A_94, %broadcast_in_dim3A_2582, %broadcast_in_dim3A_2583 : vector<16xi1>, vector<16xf32>
      %select_n3A_2585 = arith.select %lt3A_97, %select_n3A_2581, %select_n3A_2584 : vector<16xi1>, vector<16xf32>
      %swap3A_2586 = arith.index_cast %add3A_2530 : i32 to index
      %swap3A_2587 = arith.constant 64 : index
      %swap3A_2588 = tpu.vector_load %arg8[%swap3A_2586, %swap3A_2587] {strides = array<i32>} : memref<128x128xf32, #tpu.memory_space<vmem>>, vector<1x16xf32>,
      %swap3A_2589 = vector.shape_cast %swap3A_2588 : vector<1x16xf32> to vector<16xf32>
      %swap3A_2590 = vector.shape_cast %select_n3A_2585 : vector<16xf32> to vector<1x16xf32>
      tpu.vector_store %arg8[%swap3A_2586, %swap3A_2587], %swap3A_2590 {strides = array<i32>} : memref<128x128xf32, #tpu.memory_space<vmem>>, vector<1x16xf32>,
      %broadcast_in_dim3A_2591 = vector.broadcast %squeeze3A_2518 : f32 to vector<16xf32>
      %broadcast_in_dim3A_2592 = vector.broadcast %squeeze3A_2520 : f32 to vector<16xf32>
      %select_n3A_2593 = arith.select %eq3A_103, %broadcast_in_dim3A_2591, %broadcast_in_dim3A_2592 : vector<16xi1>, vector<16xf32>
      %broadcast_in_dim3A_2594 = vector.broadcast %squeeze3A_2522 : f32 to vector<16xf32>
      %broadcast_in_dim3A_2595 = vector.broadcast %squeeze3A_2524 : f32 to vector<16xf32>
      %select_n3A_2596 = arith.select %eq3A_106, %broadcast_in_dim3A_2594, %broadcast_in_dim3A_2595 : vector<16xi1>, vector<16xf32>
      %select_n3A_2597 = arith.select %lt3A_109, %select_n3A_2593, %select_n3A_2596 : vector<16xi1>, vector<16xf32>
      %swap3A_2598 = arith.index_cast %add3A_2530 : i32 to index
      %swap3A_2599 = arith.constant 80 : index
      %swap3A_2600 = tpu.vector_load %arg8[%swap3A_2598, %swap3A_2599] {strides = array<i32>} : memref<128x128xf32, #tpu.memory_space<vmem>>, vector<1x16xf32>,
      %swap3A_2601 = vector.shape_cast %swap3A_2600 : vector<1x16xf32> to vector<16xf32>
      %swap3A_2602 = vector.shape_cast %select_n3A_2597 : vector<16xf32> to vector<1x16xf32>
      tpu.vector_store %arg8[%swap3A_2598, %swap3A_2599], %swap3A_2602 {strides = array<i32>} : memref<128x128xf32, #tpu.memory_space<vmem>>, vector<1x16xf32>,
      %broadcast_in_dim3A_2603 = vector.broadcast %squeeze3A_2518 : f32 to vector<16xf32>
      %broadcast_in_dim3A_2604 = vector.broadcast %squeeze3A_2520 : f32 to vector<16xf32>
      %select_n3A_2605 = arith.select %eq3A_115, %broadcast_in_dim3A_2603, %broadcast_in_dim3A_2604 : vector<16xi1>, vector<16xf32>
      %broadcast_in_dim3A_2606 = vector.broadcast %squeeze3A_2522 : f32 to vector<16xf32>
      %broadcast_in_dim3A_2607 = vector.broadcast %squeeze3A_2524 : f32 to vector<16xf32>
      %select_n3A_2608 = arith.select %eq3A_118, %broadcast_in_dim3A_2606, %broadcast_in_dim3A_2607 : vector<16xi1>, vector<16xf32>
      %select_n3A_2609 = arith.select %lt3A_121, %select_n3A_2605, %select_n3A_2608 : vector<16xi1>, vector<16xf32>
      %swap3A_2610 = arith.index_cast %add3A_2530 : i32 to index
      %swap3A_2611 = arith.constant 96 : index
      %swap3A_2612 = tpu.vector_load %arg8[%swap3A_2610, %swap3A_2611] {strides = array<i32>} : memref<128x128xf32, #tpu.memory_space<vmem>>, vector<1x16xf32>,
      %swap3A_2613 = vector.shape_cast %swap3A_2612 : vector<1x16xf32> to vector<16xf32>
      %swap3A_2614 = vector.shape_cast %select_n3A_2609 : vector<16xf32> to vector<1x16xf32>
      tpu.vector_store %arg8[%swap3A_2610, %swap3A_2611], %swap3A_2614 {strides = array<i32>} : memref<128x128xf32, #tpu.memory_space<vmem>>, vector<1x16xf32>,
      %broadcast_in_dim3A_2615 = vector.broadcast %squeeze3A_2518 : f32 to vector<16xf32>
      %broadcast_in_dim3A_2616 = vector.broadcast %squeeze3A_2520 : f32 to vector<16xf32>
      %select_n3A_2617 = arith.select %eq3A_127, %broadcast_in_dim3A_2615, %broadcast_in_dim3A_2616 : vector<16xi1>, vector<16xf32>
      %broadcast_in_dim3A_2618 = vector.broadcast %squeeze3A_2522 : f32 to vector<16xf32>
      %broadcast_in_dim3A_2619 = vector.broadcast %squeeze3A_2524 : f32 to vector<16xf32>
      %select_n3A_2620 = arith.select %eq3A_130, %broadcast_in_dim3A_2618, %broadcast_in_dim3A_2619 : vector<16xi1>, vector<16xf32>
      %select_n3A_2621 = arith.select %lt3A_133, %select_n3A_2617, %select_n3A_2620 : vector<16xi1>, vector<16xf32>
      %swap3A_2622 = arith.index_cast %add3A_2530 : i32 to index
      %swap3A_2623 = arith.constant 112 : index
      %swap3A_2624 = tpu.vector_load %arg8[%swap3A_2622, %swap3A_2623] {strides = array<i32>} : memref<128x128xf32, #tpu.memory_space<vmem>>, vector<1x16xf32>,
      %swap3A_2625 = vector.shape_cast %swap3A_2624 : vector<1x16xf32> to vector<16xf32>
      %swap3A_2626 = vector.shape_cast %select_n3A_2621 : vector<16xf32> to vector<1x16xf32>
      tpu.vector_store %arg8[%swap3A_2622, %swap3A_2623], %swap3A_2626 {strides = array<i32>} : memref<128x128xf32, #tpu.memory_space<vmem>>, vector<1x16xf32>,
      %slice3A_2627 = vector.extract_strided_slice %get3A_1939 {offsets = [6], sizes = [1], strides = [1]} : vector<16xf32> to vector<1xf32>
      %squeeze3A_2628 = vector.extract %slice3A_2627[0] : f32 from vector<1xf32>
      %slice3A_2629 = vector.extract_strided_slice %get3A_1948 {offsets = [6], sizes = [1], strides = [1]} : vector<16xf32> to vector<1xf32>
      %squeeze3A_2630 = vector.extract %slice3A_2629[0] : f32 from vector<1xf32>
      %slice3A_2631 = vector.extract_strided_slice %get3A_1957 {offsets = [6], sizes = [1], strides = [1]} : vector<16xf32> to vector<1xf32>
      %squeeze3A_2632 = vector.extract %slice3A_2631[0] : f32 from vector<1xf32>
      %slice3A_2633 = vector.extract_strided_slice %get3A_1966 {offsets = [6], sizes = [1], strides = [1]} : vector<16xf32> to vector<1xf32>
      %squeeze3A_2634 = vector.extract %slice3A_2633[0] : f32 from vector<1xf32>
      %mul3A_2635 = arith.constant 16 : i32
      %mul3A_2636 = arith.muli %scan3A_139, %mul3A_2635 : i32
      %add3A_2637 = arith.constant 6 : i32
      %add3A_2638 = arith.addi %mul3A_2636, %add3A_2637 : i32
      %add3A_2639 = arith.constant 64 : i32
      %add3A_2640 = arith.addi %add3A_2638, %add3A_2639 : i32
      %broadcast_in_dim3A_2641 = vector.broadcast %squeeze3A_2628 : f32 to vector<16xf32>
      %broadcast_in_dim3A_2642 = vector.broadcast %squeeze3A_2630 : f32 to vector<16xf32>
      %select_n3A_2643 = arith.select %eq3A_44, %broadcast_in_dim3A_2641, %broadcast_in_dim3A_2642 : vector<16xi1>, vector<16xf32>
      %broadcast_in_dim3A_2644 = vector.broadcast %squeeze3A_2632 : f32 to vector<16xf32>
      %broadcast_in_dim3A_2645 = vector.broadcast %squeeze3A_2634 : f32 to vector<16xf32>
      %select_n3A_2646 = arith.select %eq3A_47, %broadcast_in_dim3A_2644, %broadcast_in_dim3A_2645 : vector<16xi1>, vector<16xf32>
      %select_n3A_2647 = arith.select %lt3A_49, %select_n3A_2643, %select_n3A_2646 : vector<16xi1>, vector<16xf32>
      %swap3A_2648 = arith.index_cast %add3A_2640 : i32 to index
      %swap3A_2649 = arith.constant 0 : index
      %swap3A_2650 = tpu.vector_load %arg8[%swap3A_2648, %swap3A_2649] {strides = array<i32>} : memref<128x128xf32, #tpu.memory_space<vmem>>, vector<1x16xf32>,
      %swap3A_2651 = vector.shape_cast %swap3A_2650 : vector<1x16xf32> to vector<16xf32>
      %swap3A_2652 = vector.shape_cast %select_n3A_2647 : vector<16xf32> to vector<1x16xf32>
      tpu.vector_store %arg8[%swap3A_2648, %swap3A_2649], %swap3A_2652 {strides = array<i32>} : memref<128x128xf32, #tpu.memory_space<vmem>>, vector<1x16xf32>,
      %broadcast_in_dim3A_2653 = vector.broadcast %squeeze3A_2628 : f32 to vector<16xf32>
      %broadcast_in_dim3A_2654 = vector.broadcast %squeeze3A_2630 : f32 to vector<16xf32>
      %select_n3A_2655 = arith.select %eq3A_55, %broadcast_in_dim3A_2653, %broadcast_in_dim3A_2654 : vector<16xi1>, vector<16xf32>
      %broadcast_in_dim3A_2656 = vector.broadcast %squeeze3A_2632 : f32 to vector<16xf32>
      %broadcast_in_dim3A_2657 = vector.broadcast %squeeze3A_2634 : f32 to vector<16xf32>
      %select_n3A_2658 = arith.select %eq3A_58, %broadcast_in_dim3A_2656, %broadcast_in_dim3A_2657 : vector<16xi1>, vector<16xf32>
      %select_n3A_2659 = arith.select %lt3A_61, %select_n3A_2655, %select_n3A_2658 : vector<16xi1>, vector<16xf32>
      %swap3A_2660 = arith.index_cast %add3A_2640 : i32 to index
      %swap3A_2661 = arith.constant 16 : index
      %swap3A_2662 = tpu.vector_load %arg8[%swap3A_2660, %swap3A_2661] {strides = array<i32>} : memref<128x128xf32, #tpu.memory_space<vmem>>, vector<1x16xf32>,
      %swap3A_2663 = vector.shape_cast %swap3A_2662 : vector<1x16xf32> to vector<16xf32>
      %swap3A_2664 = vector.shape_cast %select_n3A_2659 : vector<16xf32> to vector<1x16xf32>
      tpu.vector_store %arg8[%swap3A_2660, %swap3A_2661], %swap3A_2664 {strides = array<i32>} : memref<128x128xf32, #tpu.memory_space<vmem>>, vector<1x16xf32>,
      %broadcast_in_dim3A_2665 = vector.broadcast %squeeze3A_2628 : f32 to vector<16xf32>
      %broadcast_in_dim3A_2666 = vector.broadcast %squeeze3A_2630 : f32 to vector<16xf32>
      %select_n3A_2667 = arith.select %eq3A_67, %broadcast_in_dim3A_2665, %broadcast_in_dim3A_2666 : vector<16xi1>, vector<16xf32>
      %broadcast_in_dim3A_2668 = vector.broadcast %squeeze3A_2632 : f32 to vector<16xf32>
      %broadcast_in_dim3A_2669 = vector.broadcast %squeeze3A_2634 : f32 to vector<16xf32>
      %select_n3A_2670 = arith.select %eq3A_70, %broadcast_in_dim3A_2668, %broadcast_in_dim3A_2669 : vector<16xi1>, vector<16xf32>
      %select_n3A_2671 = arith.select %lt3A_73, %select_n3A_2667, %select_n3A_2670 : vector<16xi1>, vector<16xf32>
      %swap3A_2672 = arith.index_cast %add3A_2640 : i32 to index
      %swap3A_2673 = arith.constant 32 : index
      %swap3A_2674 = tpu.vector_load %arg8[%swap3A_2672, %swap3A_2673] {strides = array<i32>} : memref<128x128xf32, #tpu.memory_space<vmem>>, vector<1x16xf32>,
      %swap3A_2675 = vector.shape_cast %swap3A_2674 : vector<1x16xf32> to vector<16xf32>
      %swap3A_2676 = vector.shape_cast %select_n3A_2671 : vector<16xf32> to vector<1x16xf32>
      tpu.vector_store %arg8[%swap3A_2672, %swap3A_2673], %swap3A_2676 {strides = array<i32>} : memref<128x128xf32, #tpu.memory_space<vmem>>, vector<1x16xf32>,
      %broadcast_in_dim3A_2677 = vector.broadcast %squeeze3A_2628 : f32 to vector<16xf32>
      %broadcast_in_dim3A_2678 = vector.broadcast %squeeze3A_2630 : f32 to vector<16xf32>
      %select_n3A_2679 = arith.select %eq3A_79, %broadcast_in_dim3A_2677, %broadcast_in_dim3A_2678 : vector<16xi1>, vector<16xf32>
      %broadcast_in_dim3A_2680 = vector.broadcast %squeeze3A_2632 : f32 to vector<16xf32>
      %broadcast_in_dim3A_2681 = vector.broadcast %squeeze3A_2634 : f32 to vector<16xf32>
      %select_n3A_2682 = arith.select %eq3A_82, %broadcast_in_dim3A_2680, %broadcast_in_dim3A_2681 : vector<16xi1>, vector<16xf32>
      %select_n3A_2683 = arith.select %lt3A_85, %select_n3A_2679, %select_n3A_2682 : vector<16xi1>, vector<16xf32>
      %swap3A_2684 = arith.index_cast %add3A_2640 : i32 to index
      %swap3A_2685 = arith.constant 48 : index
      %swap3A_2686 = tpu.vector_load %arg8[%swap3A_2684, %swap3A_2685] {strides = array<i32>} : memref<128x128xf32, #tpu.memory_space<vmem>>, vector<1x16xf32>,
      %swap3A_2687 = vector.shape_cast %swap3A_2686 : vector<1x16xf32> to vector<16xf32>
      %swap3A_2688 = vector.shape_cast %select_n3A_2683 : vector<16xf32> to vector<1x16xf32>
      tpu.vector_store %arg8[%swap3A_2684, %swap3A_2685], %swap3A_2688 {strides = array<i32>} : memref<128x128xf32, #tpu.memory_space<vmem>>, vector<1x16xf32>,
      %broadcast_in_dim3A_2689 = vector.broadcast %squeeze3A_2628 : f32 to vector<16xf32>
      %broadcast_in_dim3A_2690 = vector.broadcast %squeeze3A_2630 : f32 to vector<16xf32>
      %select_n3A_2691 = arith.select %eq3A_91, %broadcast_in_dim3A_2689, %broadcast_in_dim3A_2690 : vector<16xi1>, vector<16xf32>
      %broadcast_in_dim3A_2692 = vector.broadcast %squeeze3A_2632 : f32 to vector<16xf32>
      %broadcast_in_dim3A_2693 = vector.broadcast %squeeze3A_2634 : f32 to vector<16xf32>
      %select_n3A_2694 = arith.select %eq3A_94, %broadcast_in_dim3A_2692, %broadcast_in_dim3A_2693 : vector<16xi1>, vector<16xf32>
      %select_n3A_2695 = arith.select %lt3A_97, %select_n3A_2691, %select_n3A_2694 : vector<16xi1>, vector<16xf32>
      %swap3A_2696 = arith.index_cast %add3A_2640 : i32 to index
      %swap3A_2697 = arith.constant 64 : index
      %swap3A_2698 = tpu.vector_load %arg8[%swap3A_2696, %swap3A_2697] {strides = array<i32>} : memref<128x128xf32, #tpu.memory_space<vmem>>, vector<1x16xf32>,
      %swap3A_2699 = vector.shape_cast %swap3A_2698 : vector<1x16xf32> to vector<16xf32>
      %swap3A_2700 = vector.shape_cast %select_n3A_2695 : vector<16xf32> to vector<1x16xf32>
      tpu.vector_store %arg8[%swap3A_2696, %swap3A_2697], %swap3A_2700 {strides = array<i32>} : memref<128x128xf32, #tpu.memory_space<vmem>>, vector<1x16xf32>,
      %broadcast_in_dim3A_2701 = vector.broadcast %squeeze3A_2628 : f32 to vector<16xf32>
      %broadcast_in_dim3A_2702 = vector.broadcast %squeeze3A_2630 : f32 to vector<16xf32>
      %select_n3A_2703 = arith.select %eq3A_103, %broadcast_in_dim3A_2701, %broadcast_in_dim3A_2702 : vector<16xi1>, vector<16xf32>
      %broadcast_in_dim3A_2704 = vector.broadcast %squeeze3A_2632 : f32 to vector<16xf32>
      %broadcast_in_dim3A_2705 = vector.broadcast %squeeze3A_2634 : f32 to vector<16xf32>
      %select_n3A_2706 = arith.select %eq3A_106, %broadcast_in_dim3A_2704, %broadcast_in_dim3A_2705 : vector<16xi1>, vector<16xf32>
      %select_n3A_2707 = arith.select %lt3A_109, %select_n3A_2703, %select_n3A_2706 : vector<16xi1>, vector<16xf32>
      %swap3A_2708 = arith.index_cast %add3A_2640 : i32 to index
      %swap3A_2709 = arith.constant 80 : index
      %swap3A_2710 = tpu.vector_load %arg8[%swap3A_2708, %swap3A_2709] {strides = array<i32>} : memref<128x128xf32, #tpu.memory_space<vmem>>, vector<1x16xf32>,
      %swap3A_2711 = vector.shape_cast %swap3A_2710 : vector<1x16xf32> to vector<16xf32>
      %swap3A_2712 = vector.shape_cast %select_n3A_2707 : vector<16xf32> to vector<1x16xf32>
      tpu.vector_store %arg8[%swap3A_2708, %swap3A_2709], %swap3A_2712 {strides = array<i32>} : memref<128x128xf32, #tpu.memory_space<vmem>>, vector<1x16xf32>,
      %broadcast_in_dim3A_2713 = vector.broadcast %squeeze3A_2628 : f32 to vector<16xf32>
      %broadcast_in_dim3A_2714 = vector.broadcast %squeeze3A_2630 : f32 to vector<16xf32>
      %select_n3A_2715 = arith.select %eq3A_115, %broadcast_in_dim3A_2713, %broadcast_in_dim3A_2714 : vector<16xi1>, vector<16xf32>
      %broadcast_in_dim3A_2716 = vector.broadcast %squeeze3A_2632 : f32 to vector<16xf32>
      %broadcast_in_dim3A_2717 = vector.broadcast %squeeze3A_2634 : f32 to vector<16xf32>
      %select_n3A_2718 = arith.select %eq3A_118, %broadcast_in_dim3A_2716, %broadcast_in_dim3A_2717 : vector<16xi1>, vector<16xf32>
      %select_n3A_2719 = arith.select %lt3A_121, %select_n3A_2715, %select_n3A_2718 : vector<16xi1>, vector<16xf32>
      %swap3A_2720 = arith.index_cast %add3A_2640 : i32 to index
      %swap3A_2721 = arith.constant 96 : index
      %swap3A_2722 = tpu.vector_load %arg8[%swap3A_2720, %swap3A_2721] {strides = array<i32>} : memref<128x128xf32, #tpu.memory_space<vmem>>, vector<1x16xf32>,
      %swap3A_2723 = vector.shape_cast %swap3A_2722 : vector<1x16xf32> to vector<16xf32>
      %swap3A_2724 = vector.shape_cast %select_n3A_2719 : vector<16xf32> to vector<1x16xf32>
      tpu.vector_store %arg8[%swap3A_2720, %swap3A_2721], %swap3A_2724 {strides = array<i32>} : memref<128x128xf32, #tpu.memory_space<vmem>>, vector<1x16xf32>,
      %broadcast_in_dim3A_2725 = vector.broadcast %squeeze3A_2628 : f32 to vector<16xf32>
      %broadcast_in_dim3A_2726 = vector.broadcast %squeeze3A_2630 : f32 to vector<16xf32>
      %select_n3A_2727 = arith.select %eq3A_127, %broadcast_in_dim3A_2725, %broadcast_in_dim3A_2726 : vector<16xi1>, vector<16xf32>
      %broadcast_in_dim3A_2728 = vector.broadcast %squeeze3A_2632 : f32 to vector<16xf32>
      %broadcast_in_dim3A_2729 = vector.broadcast %squeeze3A_2634 : f32 to vector<16xf32>
      %select_n3A_2730 = arith.select %eq3A_130, %broadcast_in_dim3A_2728, %broadcast_in_dim3A_2729 : vector<16xi1>, vector<16xf32>
      %select_n3A_2731 = arith.select %lt3A_133, %select_n3A_2727, %select_n3A_2730 : vector<16xi1>, vector<16xf32>
      %swap3A_2732 = arith.index_cast %add3A_2640 : i32 to index
      %swap3A_2733 = arith.constant 112 : index
      %swap3A_2734 = tpu.vector_load %arg8[%swap3A_2732, %swap3A_2733] {strides = array<i32>} : memref<128x128xf32, #tpu.memory_space<vmem>>, vector<1x16xf32>,
      %swap3A_2735 = vector.shape_cast %swap3A_2734 : vector<1x16xf32> to vector<16xf32>
      %swap3A_2736 = vector.shape_cast %select_n3A_2731 : vector<16xf32> to vector<1x16xf32>
      tpu.vector_store %arg8[%swap3A_2732, %swap3A_2733], %swap3A_2736 {strides = array<i32>} : memref<128x128xf32, #tpu.memory_space<vmem>>, vector<1x16xf32>,
      %slice3A_2737 = vector.extract_strided_slice %get3A_1939 {offsets = [7], sizes = [1], strides = [1]} : vector<16xf32> to vector<1xf32>
      %squeeze3A_2738 = vector.extract %slice3A_2737[0] : f32 from vector<1xf32>
      %slice3A_2739 = vector.extract_strided_slice %get3A_1948 {offsets = [7], sizes = [1], strides = [1]} : vector<16xf32> to vector<1xf32>
      %squeeze3A_2740 = vector.extract %slice3A_2739[0] : f32 from vector<1xf32>
      %slice3A_2741 = vector.extract_strided_slice %get3A_1957 {offsets = [7], sizes = [1], strides = [1]} : vector<16xf32> to vector<1xf32>
      %squeeze3A_2742 = vector.extract %slice3A_2741[0] : f32 from vector<1xf32>
      %slice3A_2743 = vector.extract_strided_slice %get3A_1966 {offsets = [7], sizes = [1], strides = [1]} : vector<16xf32> to vector<1xf32>
      %squeeze3A_2744 = vector.extract %slice3A_2743[0] : f32 from vector<1xf32>
      %mul3A_2745 = arith.constant 16 : i32
      %mul3A_2746 = arith.muli %scan3A_139, %mul3A_2745 : i32
      %add3A_2747 = arith.constant 7 : i32
      %add3A_2748 = arith.addi %mul3A_2746, %add3A_2747 : i32
      %add3A_2749 = arith.constant 64 : i32
      %add3A_2750 = arith.addi %add3A_2748, %add3A_2749 : i32
      %broadcast_in_dim3A_2751 = vector.broadcast %squeeze3A_2738 : f32 to vector<16xf32>
      %broadcast_in_dim3A_2752 = vector.broadcast %squeeze3A_2740 : f32 to vector<16xf32>
      %select_n3A_2753 = arith.select %eq3A_44, %broadcast_in_dim3A_2751, %broadcast_in_dim3A_2752 : vector<16xi1>, vector<16xf32>
      %broadcast_in_dim3A_2754 = vector.broadcast %squeeze3A_2742 : f32 to vector<16xf32>
      %broadcast_in_dim3A_2755 = vector.broadcast %squeeze3A_2744 : f32 to vector<16xf32>
      %select_n3A_2756 = arith.select %eq3A_47, %broadcast_in_dim3A_2754, %broadcast_in_dim3A_2755 : vector<16xi1>, vector<16xf32>
      %select_n3A_2757 = arith.select %lt3A_49, %select_n3A_2753, %select_n3A_2756 : vector<16xi1>, vector<16xf32>
      %swap3A_2758 = arith.index_cast %add3A_2750 : i32 to index
      %swap3A_2759 = arith.constant 0 : index
      %swap3A_2760 = tpu.vector_load %arg8[%swap3A_2758, %swap3A_2759] {strides = array<i32>} : memref<128x128xf32, #tpu.memory_space<vmem>>, vector<1x16xf32>,
      %swap3A_2761 = vector.shape_cast %swap3A_2760 : vector<1x16xf32> to vector<16xf32>
      %swap3A_2762 = vector.shape_cast %select_n3A_2757 : vector<16xf32> to vector<1x16xf32>
      tpu.vector_store %arg8[%swap3A_2758, %swap3A_2759], %swap3A_2762 {strides = array<i32>} : memref<128x128xf32, #tpu.memory_space<vmem>>, vector<1x16xf32>,
      %broadcast_in_dim3A_2763 = vector.broadcast %squeeze3A_2738 : f32 to vector<16xf32>
      %broadcast_in_dim3A_2764 = vector.broadcast %squeeze3A_2740 : f32 to vector<16xf32>
      %select_n3A_2765 = arith.select %eq3A_55, %broadcast_in_dim3A_2763, %broadcast_in_dim3A_2764 : vector<16xi1>, vector<16xf32>
      %broadcast_in_dim3A_2766 = vector.broadcast %squeeze3A_2742 : f32 to vector<16xf32>
      %broadcast_in_dim3A_2767 = vector.broadcast %squeeze3A_2744 : f32 to vector<16xf32>
      %select_n3A_2768 = arith.select %eq3A_58, %broadcast_in_dim3A_2766, %broadcast_in_dim3A_2767 : vector<16xi1>, vector<16xf32>
      %select_n3A_2769 = arith.select %lt3A_61, %select_n3A_2765, %select_n3A_2768 : vector<16xi1>, vector<16xf32>
      %swap3A_2770 = arith.index_cast %add3A_2750 : i32 to index
      %swap3A_2771 = arith.constant 16 : index
      %swap3A_2772 = tpu.vector_load %arg8[%swap3A_2770, %swap3A_2771] {strides = array<i32>} : memref<128x128xf32, #tpu.memory_space<vmem>>, vector<1x16xf32>,
      %swap3A_2773 = vector.shape_cast %swap3A_2772 : vector<1x16xf32> to vector<16xf32>
      %swap3A_2774 = vector.shape_cast %select_n3A_2769 : vector<16xf32> to vector<1x16xf32>
      tpu.vector_store %arg8[%swap3A_2770, %swap3A_2771], %swap3A_2774 {strides = array<i32>} : memref<128x128xf32, #tpu.memory_space<vmem>>, vector<1x16xf32>,
      %broadcast_in_dim3A_2775 = vector.broadcast %squeeze3A_2738 : f32 to vector<16xf32>
      %broadcast_in_dim3A_2776 = vector.broadcast %squeeze3A_2740 : f32 to vector<16xf32>
      %select_n3A_2777 = arith.select %eq3A_67, %broadcast_in_dim3A_2775, %broadcast_in_dim3A_2776 : vector<16xi1>, vector<16xf32>
      %broadcast_in_dim3A_2778 = vector.broadcast %squeeze3A_2742 : f32 to vector<16xf32>
      %broadcast_in_dim3A_2779 = vector.broadcast %squeeze3A_2744 : f32 to vector<16xf32>
      %select_n3A_2780 = arith.select %eq3A_70, %broadcast_in_dim3A_2778, %broadcast_in_dim3A_2779 : vector<16xi1>, vector<16xf32>
      %select_n3A_2781 = arith.select %lt3A_73, %select_n3A_2777, %select_n3A_2780 : vector<16xi1>, vector<16xf32>
      %swap3A_2782 = arith.index_cast %add3A_2750 : i32 to index
      %swap3A_2783 = arith.constant 32 : index
      %swap3A_2784 = tpu.vector_load %arg8[%swap3A_2782, %swap3A_2783] {strides = array<i32>} : memref<128x128xf32, #tpu.memory_space<vmem>>, vector<1x16xf32>,
      %swap3A_2785 = vector.shape_cast %swap3A_2784 : vector<1x16xf32> to vector<16xf32>
      %swap3A_2786 = vector.shape_cast %select_n3A_2781 : vector<16xf32> to vector<1x16xf32>
      tpu.vector_store %arg8[%swap3A_2782, %swap3A_2783], %swap3A_2786 {strides = array<i32>} : memref<128x128xf32, #tpu.memory_space<vmem>>, vector<1x16xf32>,
      %broadcast_in_dim3A_2787 = vector.broadcast %squeeze3A_2738 : f32 to vector<16xf32>
      %broadcast_in_dim3A_2788 = vector.broadcast %squeeze3A_2740 : f32 to vector<16xf32>
      %select_n3A_2789 = arith.select %eq3A_79, %broadcast_in_dim3A_2787, %broadcast_in_dim3A_2788 : vector<16xi1>, vector<16xf32>
      %broadcast_in_dim3A_2790 = vector.broadcast %squeeze3A_2742 : f32 to vector<16xf32>
      %broadcast_in_dim3A_2791 = vector.broadcast %squeeze3A_2744 : f32 to vector<16xf32>
      %select_n3A_2792 = arith.select %eq3A_82, %broadcast_in_dim3A_2790, %broadcast_in_dim3A_2791 : vector<16xi1>, vector<16xf32>
      %select_n3A_2793 = arith.select %lt3A_85, %select_n3A_2789, %select_n3A_2792 : vector<16xi1>, vector<16xf32>
      %swap3A_2794 = arith.index_cast %add3A_2750 : i32 to index
      %swap3A_2795 = arith.constant 48 : index
      %swap3A_2796 = tpu.vector_load %arg8[%swap3A_2794, %swap3A_2795] {strides = array<i32>} : memref<128x128xf32, #tpu.memory_space<vmem>>, vector<1x16xf32>,
      %swap3A_2797 = vector.shape_cast %swap3A_2796 : vector<1x16xf32> to vector<16xf32>
      %swap3A_2798 = vector.shape_cast %select_n3A_2793 : vector<16xf32> to vector<1x16xf32>
      tpu.vector_store %arg8[%swap3A_2794, %swap3A_2795], %swap3A_2798 {strides = array<i32>} : memref<128x128xf32, #tpu.memory_space<vmem>>, vector<1x16xf32>,
      %broadcast_in_dim3A_2799 = vector.broadcast %squeeze3A_2738 : f32 to vector<16xf32>
      %broadcast_in_dim3A_2800 = vector.broadcast %squeeze3A_2740 : f32 to vector<16xf32>
      %select_n3A_2801 = arith.select %eq3A_91, %broadcast_in_dim3A_2799, %broadcast_in_dim3A_2800 : vector<16xi1>, vector<16xf32>
      %broadcast_in_dim3A_2802 = vector.broadcast %squeeze3A_2742 : f32 to vector<16xf32>
      %broadcast_in_dim3A_2803 = vector.broadcast %squeeze3A_2744 : f32 to vector<16xf32>
      %select_n3A_2804 = arith.select %eq3A_94, %broadcast_in_dim3A_2802, %broadcast_in_dim3A_2803 : vector<16xi1>, vector<16xf32>
      %select_n3A_2805 = arith.select %lt3A_97, %select_n3A_2801, %select_n3A_2804 : vector<16xi1>, vector<16xf32>
      %swap3A_2806 = arith.index_cast %add3A_2750 : i32 to index
      %swap3A_2807 = arith.constant 64 : index
      %swap3A_2808 = tpu.vector_load %arg8[%swap3A_2806, %swap3A_2807] {strides = array<i32>} : memref<128x128xf32, #tpu.memory_space<vmem>>, vector<1x16xf32>,
      %swap3A_2809 = vector.shape_cast %swap3A_2808 : vector<1x16xf32> to vector<16xf32>
      %swap3A_2810 = vector.shape_cast %select_n3A_2805 : vector<16xf32> to vector<1x16xf32>
      tpu.vector_store %arg8[%swap3A_2806, %swap3A_2807], %swap3A_2810 {strides = array<i32>} : memref<128x128xf32, #tpu.memory_space<vmem>>, vector<1x16xf32>,
      %broadcast_in_dim3A_2811 = vector.broadcast %squeeze3A_2738 : f32 to vector<16xf32>
      %broadcast_in_dim3A_2812 = vector.broadcast %squeeze3A_2740 : f32 to vector<16xf32>
      %select_n3A_2813 = arith.select %eq3A_103, %broadcast_in_dim3A_2811, %broadcast_in_dim3A_2812 : vector<16xi1>, vector<16xf32>
      %broadcast_in_dim3A_2814 = vector.broadcast %squeeze3A_2742 : f32 to vector<16xf32>
      %broadcast_in_dim3A_2815 = vector.broadcast %squeeze3A_2744 : f32 to vector<16xf32>
      %select_n3A_2816 = arith.select %eq3A_106, %broadcast_in_dim3A_2814, %broadcast_in_dim3A_2815 : vector<16xi1>, vector<16xf32>
      %select_n3A_2817 = arith.select %lt3A_109, %select_n3A_2813, %select_n3A_2816 : vector<16xi1>, vector<16xf32>
      %swap3A_2818 = arith.index_cast %add3A_2750 : i32 to index
      %swap3A_2819 = arith.constant 80 : index
      %swap3A_2820 = tpu.vector_load %arg8[%swap3A_2818, %swap3A_2819] {strides = array<i32>} : memref<128x128xf32, #tpu.memory_space<vmem>>, vector<1x16xf32>,
      %swap3A_2821 = vector.shape_cast %swap3A_2820 : vector<1x16xf32> to vector<16xf32>
      %swap3A_2822 = vector.shape_cast %select_n3A_2817 : vector<16xf32> to vector<1x16xf32>
      tpu.vector_store %arg8[%swap3A_2818, %swap3A_2819], %swap3A_2822 {strides = array<i32>} : memref<128x128xf32, #tpu.memory_space<vmem>>, vector<1x16xf32>,
      %broadcast_in_dim3A_2823 = vector.broadcast %squeeze3A_2738 : f32 to vector<16xf32>
      %broadcast_in_dim3A_2824 = vector.broadcast %squeeze3A_2740 : f32 to vector<16xf32>
      %select_n3A_2825 = arith.select %eq3A_115, %broadcast_in_dim3A_2823, %broadcast_in_dim3A_2824 : vector<16xi1>, vector<16xf32>
      %broadcast_in_dim3A_2826 = vector.broadcast %squeeze3A_2742 : f32 to vector<16xf32>
      %broadcast_in_dim3A_2827 = vector.broadcast %squeeze3A_2744 : f32 to vector<16xf32>
      %select_n3A_2828 = arith.select %eq3A_118, %broadcast_in_dim3A_2826, %broadcast_in_dim3A_2827 : vector<16xi1>, vector<16xf32>
      %select_n3A_2829 = arith.select %lt3A_121, %select_n3A_2825, %select_n3A_2828 : vector<16xi1>, vector<16xf32>
      %swap3A_2830 = arith.index_cast %add3A_2750 : i32 to index
      %swap3A_2831 = arith.constant 96 : index
      %swap3A_2832 = tpu.vector_load %arg8[%swap3A_2830, %swap3A_2831] {strides = array<i32>} : memref<128x128xf32, #tpu.memory_space<vmem>>, vector<1x16xf32>,
      %swap3A_2833 = vector.shape_cast %swap3A_2832 : vector<1x16xf32> to vector<16xf32>
      %swap3A_2834 = vector.shape_cast %select_n3A_2829 : vector<16xf32> to vector<1x16xf32>
      tpu.vector_store %arg8[%swap3A_2830, %swap3A_2831], %swap3A_2834 {strides = array<i32>} : memref<128x128xf32, #tpu.memory_space<vmem>>, vector<1x16xf32>,
      %broadcast_in_dim3A_2835 = vector.broadcast %squeeze3A_2738 : f32 to vector<16xf32>
      %broadcast_in_dim3A_2836 = vector.broadcast %squeeze3A_2740 : f32 to vector<16xf32>
      %select_n3A_2837 = arith.select %eq3A_127, %broadcast_in_dim3A_2835, %broadcast_in_dim3A_2836 : vector<16xi1>, vector<16xf32>
      %broadcast_in_dim3A_2838 = vector.broadcast %squeeze3A_2742 : f32 to vector<16xf32>
      %broadcast_in_dim3A_2839 = vector.broadcast %squeeze3A_2744 : f32 to vector<16xf32>
      %select_n3A_2840 = arith.select %eq3A_130, %broadcast_in_dim3A_2838, %broadcast_in_dim3A_2839 : vector<16xi1>, vector<16xf32>
      %select_n3A_2841 = arith.select %lt3A_133, %select_n3A_2837, %select_n3A_2840 : vector<16xi1>, vector<16xf32>
      %swap3A_2842 = arith.index_cast %add3A_2750 : i32 to index
      %swap3A_2843 = arith.constant 112 : index
      %swap3A_2844 = tpu.vector_load %arg8[%swap3A_2842, %swap3A_2843] {strides = array<i32>} : memref<128x128xf32, #tpu.memory_space<vmem>>, vector<1x16xf32>,
      %swap3A_2845 = vector.shape_cast %swap3A_2844 : vector<1x16xf32> to vector<16xf32>
      %swap3A_2846 = vector.shape_cast %select_n3A_2841 : vector<16xf32> to vector<1x16xf32>
      tpu.vector_store %arg8[%swap3A_2842, %swap3A_2843], %swap3A_2846 {strides = array<i32>} : memref<128x128xf32, #tpu.memory_space<vmem>>, vector<1x16xf32>,
      %slice3A_2847 = vector.extract_strided_slice %get3A_1939 {offsets = [8], sizes = [1], strides = [1]} : vector<16xf32> to vector<1xf32>
      %squeeze3A_2848 = vector.extract %slice3A_2847[0] : f32 from vector<1xf32>
      %slice3A_2849 = vector.extract_strided_slice %get3A_1948 {offsets = [8], sizes = [1], strides = [1]} : vector<16xf32> to vector<1xf32>
      %squeeze3A_2850 = vector.extract %slice3A_2849[0] : f32 from vector<1xf32>
      %slice3A_2851 = vector.extract_strided_slice %get3A_1957 {offsets = [8], sizes = [1], strides = [1]} : vector<16xf32> to vector<1xf32>
      %squeeze3A_2852 = vector.extract %slice3A_2851[0] : f32 from vector<1xf32>
      %slice3A_2853 = vector.extract_strided_slice %get3A_1966 {offsets = [8], sizes = [1], strides = [1]} : vector<16xf32> to vector<1xf32>
      %squeeze3A_2854 = vector.extract %slice3A_2853[0] : f32 from vector<1xf32>
      %mul3A_2855 = arith.constant 16 : i32
      %mul3A_2856 = arith.muli %scan3A_139, %mul3A_2855 : i32
      %add3A_2857 = arith.constant 8 : i32
      %add3A_2858 = arith.addi %mul3A_2856, %add3A_2857 : i32
      %add3A_2859 = arith.constant 64 : i32
      %add3A_2860 = arith.addi %add3A_2858, %add3A_2859 : i32
      %broadcast_in_dim3A_2861 = vector.broadcast %squeeze3A_2848 : f32 to vector<16xf32>
      %broadcast_in_dim3A_2862 = vector.broadcast %squeeze3A_2850 : f32 to vector<16xf32>
      %select_n3A_2863 = arith.select %eq3A_44, %broadcast_in_dim3A_2861, %broadcast_in_dim3A_2862 : vector<16xi1>, vector<16xf32>
      %broadcast_in_dim3A_2864 = vector.broadcast %squeeze3A_2852 : f32 to vector<16xf32>
      %broadcast_in_dim3A_2865 = vector.broadcast %squeeze3A_2854 : f32 to vector<16xf32>
      %select_n3A_2866 = arith.select %eq3A_47, %broadcast_in_dim3A_2864, %broadcast_in_dim3A_2865 : vector<16xi1>, vector<16xf32>
      %select_n3A_2867 = arith.select %lt3A_49, %select_n3A_2863, %select_n3A_2866 : vector<16xi1>, vector<16xf32>
      %swap3A_2868 = arith.index_cast %add3A_2860 : i32 to index
      %swap3A_2869 = arith.constant 0 : index
      %swap3A_2870 = tpu.vector_load %arg8[%swap3A_2868, %swap3A_2869] {strides = array<i32>} : memref<128x128xf32, #tpu.memory_space<vmem>>, vector<1x16xf32>,
      %swap3A_2871 = vector.shape_cast %swap3A_2870 : vector<1x16xf32> to vector<16xf32>
      %swap3A_2872 = vector.shape_cast %select_n3A_2867 : vector<16xf32> to vector<1x16xf32>
      tpu.vector_store %arg8[%swap3A_2868, %swap3A_2869], %swap3A_2872 {strides = array<i32>} : memref<128x128xf32, #tpu.memory_space<vmem>>, vector<1x16xf32>,
      %broadcast_in_dim3A_2873 = vector.broadcast %squeeze3A_2848 : f32 to vector<16xf32>
      %broadcast_in_dim3A_2874 = vector.broadcast %squeeze3A_2850 : f32 to vector<16xf32>
      %select_n3A_2875 = arith.select %eq3A_55, %broadcast_in_dim3A_2873, %broadcast_in_dim3A_2874 : vector<16xi1>, vector<16xf32>
      %broadcast_in_dim3A_2876 = vector.broadcast %squeeze3A_2852 : f32 to vector<16xf32>
      %broadcast_in_dim3A_2877 = vector.broadcast %squeeze3A_2854 : f32 to vector<16xf32>
      %select_n3A_2878 = arith.select %eq3A_58, %broadcast_in_dim3A_2876, %broadcast_in_dim3A_2877 : vector<16xi1>, vector<16xf32>
      %select_n3A_2879 = arith.select %lt3A_61, %select_n3A_2875, %select_n3A_2878 : vector<16xi1>, vector<16xf32>
      %swap3A_2880 = arith.index_cast %add3A_2860 : i32 to index
      %swap3A_2881 = arith.constant 16 : index
      %swap3A_2882 = tpu.vector_load %arg8[%swap3A_2880, %swap3A_2881] {strides = array<i32>} : memref<128x128xf32, #tpu.memory_space<vmem>>, vector<1x16xf32>,
      %swap3A_2883 = vector.shape_cast %swap3A_2882 : vector<1x16xf32> to vector<16xf32>
      %swap3A_2884 = vector.shape_cast %select_n3A_2879 : vector<16xf32> to vector<1x16xf32>
      tpu.vector_store %arg8[%swap3A_2880, %swap3A_2881], %swap3A_2884 {strides = array<i32>} : memref<128x128xf32, #tpu.memory_space<vmem>>, vector<1x16xf32>,
      %broadcast_in_dim3A_2885 = vector.broadcast %squeeze3A_2848 : f32 to vector<16xf32>
      %broadcast_in_dim3A_2886 = vector.broadcast %squeeze3A_2850 : f32 to vector<16xf32>
      %select_n3A_2887 = arith.select %eq3A_67, %broadcast_in_dim3A_2885, %broadcast_in_dim3A_2886 : vector<16xi1>, vector<16xf32>
      %broadcast_in_dim3A_2888 = vector.broadcast %squeeze3A_2852 : f32 to vector<16xf32>
      %broadcast_in_dim3A_2889 = vector.broadcast %squeeze3A_2854 : f32 to vector<16xf32>
      %select_n3A_2890 = arith.select %eq3A_70, %broadcast_in_dim3A_2888, %broadcast_in_dim3A_2889 : vector<16xi1>, vector<16xf32>
      %select_n3A_2891 = arith.select %lt3A_73, %select_n3A_2887, %select_n3A_2890 : vector<16xi1>, vector<16xf32>
      %swap3A_2892 = arith.index_cast %add3A_2860 : i32 to index
      %swap3A_2893 = arith.constant 32 : index
      %swap3A_2894 = tpu.vector_load %arg8[%swap3A_2892, %swap3A_2893] {strides = array<i32>} : memref<128x128xf32, #tpu.memory_space<vmem>>, vector<1x16xf32>,
      %swap3A_2895 = vector.shape_cast %swap3A_2894 : vector<1x16xf32> to vector<16xf32>
      %swap3A_2896 = vector.shape_cast %select_n3A_2891 : vector<16xf32> to vector<1x16xf32>
      tpu.vector_store %arg8[%swap3A_2892, %swap3A_2893], %swap3A_2896 {strides = array<i32>} : memref<128x128xf32, #tpu.memory_space<vmem>>, vector<1x16xf32>,
      %broadcast_in_dim3A_2897 = vector.broadcast %squeeze3A_2848 : f32 to vector<16xf32>
      %broadcast_in_dim3A_2898 = vector.broadcast %squeeze3A_2850 : f32 to vector<16xf32>
      %select_n3A_2899 = arith.select %eq3A_79, %broadcast_in_dim3A_2897, %broadcast_in_dim3A_2898 : vector<16xi1>, vector<16xf32>
      %broadcast_in_dim3A_2900 = vector.broadcast %squeeze3A_2852 : f32 to vector<16xf32>
      %broadcast_in_dim3A_2901 = vector.broadcast %squeeze3A_2854 : f32 to vector<16xf32>
      %select_n3A_2902 = arith.select %eq3A_82, %broadcast_in_dim3A_2900, %broadcast_in_dim3A_2901 : vector<16xi1>, vector<16xf32>
      %select_n3A_2903 = arith.select %lt3A_85, %select_n3A_2899, %select_n3A_2902 : vector<16xi1>, vector<16xf32>
      %swap3A_2904 = arith.index_cast %add3A_2860 : i32 to index
      %swap3A_2905 = arith.constant 48 : index
      %swap3A_2906 = tpu.vector_load %arg8[%swap3A_2904, %swap3A_2905] {strides = array<i32>} : memref<128x128xf32, #tpu.memory_space<vmem>>, vector<1x16xf32>,
      %swap3A_2907 = vector.shape_cast %swap3A_2906 : vector<1x16xf32> to vector<16xf32>
      %swap3A_2908 = vector.shape_cast %select_n3A_2903 : vector<16xf32> to vector<1x16xf32>
      tpu.vector_store %arg8[%swap3A_2904, %swap3A_2905], %swap3A_2908 {strides = array<i32>} : memref<128x128xf32, #tpu.memory_space<vmem>>, vector<1x16xf32>,
      %broadcast_in_dim3A_2909 = vector.broadcast %squeeze3A_2848 : f32 to vector<16xf32>
      %broadcast_in_dim3A_2910 = vector.broadcast %squeeze3A_2850 : f32 to vector<16xf32>
      %select_n3A_2911 = arith.select %eq3A_91, %broadcast_in_dim3A_2909, %broadcast_in_dim3A_2910 : vector<16xi1>, vector<16xf32>
      %broadcast_in_dim3A_2912 = vector.broadcast %squeeze3A_2852 : f32 to vector<16xf32>
      %broadcast_in_dim3A_2913 = vector.broadcast %squeeze3A_2854 : f32 to vector<16xf32>
      %select_n3A_2914 = arith.select %eq3A_94, %broadcast_in_dim3A_2912, %broadcast_in_dim3A_2913 : vector<16xi1>, vector<16xf32>
      %select_n3A_2915 = arith.select %lt3A_97, %select_n3A_2911, %select_n3A_2914 : vector<16xi1>, vector<16xf32>
      %swap3A_2916 = arith.index_cast %add3A_2860 : i32 to index
      %swap3A_2917 = arith.constant 64 : index
      %swap3A_2918 = tpu.vector_load %arg8[%swap3A_2916, %swap3A_2917] {strides = array<i32>} : memref<128x128xf32, #tpu.memory_space<vmem>>, vector<1x16xf32>,
      %swap3A_2919 = vector.shape_cast %swap3A_2918 : vector<1x16xf32> to vector<16xf32>
      %swap3A_2920 = vector.shape_cast %select_n3A_2915 : vector<16xf32> to vector<1x16xf32>
      tpu.vector_store %arg8[%swap3A_2916, %swap3A_2917], %swap3A_2920 {strides = array<i32>} : memref<128x128xf32, #tpu.memory_space<vmem>>, vector<1x16xf32>,
      %broadcast_in_dim3A_2921 = vector.broadcast %squeeze3A_2848 : f32 to vector<16xf32>
      %broadcast_in_dim3A_2922 = vector.broadcast %squeeze3A_2850 : f32 to vector<16xf32>
      %select_n3A_2923 = arith.select %eq3A_103, %broadcast_in_dim3A_2921, %broadcast_in_dim3A_2922 : vector<16xi1>, vector<16xf32>
      %broadcast_in_dim3A_2924 = vector.broadcast %squeeze3A_2852 : f32 to vector<16xf32>
      %broadcast_in_dim3A_2925 = vector.broadcast %squeeze3A_2854 : f32 to vector<16xf32>
      %select_n3A_2926 = arith.select %eq3A_106, %broadcast_in_dim3A_2924, %broadcast_in_dim3A_2925 : vector<16xi1>, vector<16xf32>
      %select_n3A_2927 = arith.select %lt3A_109, %select_n3A_2923, %select_n3A_2926 : vector<16xi1>, vector<16xf32>
      %swap3A_2928 = arith.index_cast %add3A_2860 : i32 to index
      %swap3A_2929 = arith.constant 80 : index
      %swap3A_2930 = tpu.vector_load %arg8[%swap3A_2928, %swap3A_2929] {strides = array<i32>} : memref<128x128xf32, #tpu.memory_space<vmem>>, vector<1x16xf32>,
      %swap3A_2931 = vector.shape_cast %swap3A_2930 : vector<1x16xf32> to vector<16xf32>
      %swap3A_2932 = vector.shape_cast %select_n3A_2927 : vector<16xf32> to vector<1x16xf32>
      tpu.vector_store %arg8[%swap3A_2928, %swap3A_2929], %swap3A_2932 {strides = array<i32>} : memref<128x128xf32, #tpu.memory_space<vmem>>, vector<1x16xf32>,
      %broadcast_in_dim3A_2933 = vector.broadcast %squeeze3A_2848 : f32 to vector<16xf32>
      %broadcast_in_dim3A_2934 = vector.broadcast %squeeze3A_2850 : f32 to vector<16xf32>
      %select_n3A_2935 = arith.select %eq3A_115, %broadcast_in_dim3A_2933, %broadcast_in_dim3A_2934 : vector<16xi1>, vector<16xf32>
      %broadcast_in_dim3A_2936 = vector.broadcast %squeeze3A_2852 : f32 to vector<16xf32>
      %broadcast_in_dim3A_2937 = vector.broadcast %squeeze3A_2854 : f32 to vector<16xf32>
      %select_n3A_2938 = arith.select %eq3A_118, %broadcast_in_dim3A_2936, %broadcast_in_dim3A_2937 : vector<16xi1>, vector<16xf32>
      %select_n3A_2939 = arith.select %lt3A_121, %select_n3A_2935, %select_n3A_2938 : vector<16xi1>, vector<16xf32>
      %swap3A_2940 = arith.index_cast %add3A_2860 : i32 to index
      %swap3A_2941 = arith.constant 96 : index
      %swap3A_2942 = tpu.vector_load %arg8[%swap3A_2940, %swap3A_2941] {strides = array<i32>} : memref<128x128xf32, #tpu.memory_space<vmem>>, vector<1x16xf32>,
      %swap3A_2943 = vector.shape_cast %swap3A_2942 : vector<1x16xf32> to vector<16xf32>
      %swap3A_2944 = vector.shape_cast %select_n3A_2939 : vector<16xf32> to vector<1x16xf32>
      tpu.vector_store %arg8[%swap3A_2940, %swap3A_2941], %swap3A_2944 {strides = array<i32>} : memref<128x128xf32, #tpu.memory_space<vmem>>, vector<1x16xf32>,
      %broadcast_in_dim3A_2945 = vector.broadcast %squeeze3A_2848 : f32 to vector<16xf32>
      %broadcast_in_dim3A_2946 = vector.broadcast %squeeze3A_2850 : f32 to vector<16xf32>
      %select_n3A_2947 = arith.select %eq3A_127, %broadcast_in_dim3A_2945, %broadcast_in_dim3A_2946 : vector<16xi1>, vector<16xf32>
      %broadcast_in_dim3A_2948 = vector.broadcast %squeeze3A_2852 : f32 to vector<16xf32>
      %broadcast_in_dim3A_2949 = vector.broadcast %squeeze3A_2854 : f32 to vector<16xf32>
      %select_n3A_2950 = arith.select %eq3A_130, %broadcast_in_dim3A_2948, %broadcast_in_dim3A_2949 : vector<16xi1>, vector<16xf32>
      %select_n3A_2951 = arith.select %lt3A_133, %select_n3A_2947, %select_n3A_2950 : vector<16xi1>, vector<16xf32>
      %swap3A_2952 = arith.index_cast %add3A_2860 : i32 to index
      %swap3A_2953 = arith.constant 112 : index
      %swap3A_2954 = tpu.vector_load %arg8[%swap3A_2952, %swap3A_2953] {strides = array<i32>} : memref<128x128xf32, #tpu.memory_space<vmem>>, vector<1x16xf32>,
      %swap3A_2955 = vector.shape_cast %swap3A_2954 : vector<1x16xf32> to vector<16xf32>
      %swap3A_2956 = vector.shape_cast %select_n3A_2951 : vector<16xf32> to vector<1x16xf32>
      tpu.vector_store %arg8[%swap3A_2952, %swap3A_2953], %swap3A_2956 {strides = array<i32>} : memref<128x128xf32, #tpu.memory_space<vmem>>, vector<1x16xf32>,
      %slice3A_2957 = vector.extract_strided_slice %get3A_1939 {offsets = [9], sizes = [1], strides = [1]} : vector<16xf32> to vector<1xf32>
      %squeeze3A_2958 = vector.extract %slice3A_2957[0] : f32 from vector<1xf32>
      %slice3A_2959 = vector.extract_strided_slice %get3A_1948 {offsets = [9], sizes = [1], strides = [1]} : vector<16xf32> to vector<1xf32>
      %squeeze3A_2960 = vector.extract %slice3A_2959[0] : f32 from vector<1xf32>
      %slice3A_2961 = vector.extract_strided_slice %get3A_1957 {offsets = [9], sizes = [1], strides = [1]} : vector<16xf32> to vector<1xf32>
      %squeeze3A_2962 = vector.extract %slice3A_2961[0] : f32 from vector<1xf32>
      %slice3A_2963 = vector.extract_strided_slice %get3A_1966 {offsets = [9], sizes = [1], strides = [1]} : vector<16xf32> to vector<1xf32>
      %squeeze3A_2964 = vector.extract %slice3A_2963[0] : f32 from vector<1xf32>
      %mul3A_2965 = arith.constant 16 : i32
      %mul3A_2966 = arith.muli %scan3A_139, %mul3A_2965 : i32
      %add3A_2967 = arith.constant 9 : i32
      %add3A_2968 = arith.addi %mul3A_2966, %add3A_2967 : i32
      %add3A_2969 = arith.constant 64 : i32
      %add3A_2970 = arith.addi %add3A_2968, %add3A_2969 : i32
      %broadcast_in_dim3A_2971 = vector.broadcast %squeeze3A_2958 : f32 to vector<16xf32>
      %broadcast_in_dim3A_2972 = vector.broadcast %squeeze3A_2960 : f32 to vector<16xf32>
      %select_n3A_2973 = arith.select %eq3A_44, %broadcast_in_dim3A_2971, %broadcast_in_dim3A_2972 : vector<16xi1>, vector<16xf32>
      %broadcast_in_dim3A_2974 = vector.broadcast %squeeze3A_2962 : f32 to vector<16xf32>
      %broadcast_in_dim3A_2975 = vector.broadcast %squeeze3A_2964 : f32 to vector<16xf32>
      %select_n3A_2976 = arith.select %eq3A_47, %broadcast_in_dim3A_2974, %broadcast_in_dim3A_2975 : vector<16xi1>, vector<16xf32>
      %select_n3A_2977 = arith.select %lt3A_49, %select_n3A_2973, %select_n3A_2976 : vector<16xi1>, vector<16xf32>
      %swap3A_2978 = arith.index_cast %add3A_2970 : i32 to index
      %swap3A_2979 = arith.constant 0 : index
      %swap3A_2980 = tpu.vector_load %arg8[%swap3A_2978, %swap3A_2979] {strides = array<i32>} : memref<128x128xf32, #tpu.memory_space<vmem>>, vector<1x16xf32>,
      %swap3A_2981 = vector.shape_cast %swap3A_2980 : vector<1x16xf32> to vector<16xf32>
      %swap3A_2982 = vector.shape_cast %select_n3A_2977 : vector<16xf32> to vector<1x16xf32>
      tpu.vector_store %arg8[%swap3A_2978, %swap3A_2979], %swap3A_2982 {strides = array<i32>} : memref<128x128xf32, #tpu.memory_space<vmem>>, vector<1x16xf32>,
      %broadcast_in_dim3A_2983 = vector.broadcast %squeeze3A_2958 : f32 to vector<16xf32>
      %broadcast_in_dim3A_2984 = vector.broadcast %squeeze3A_2960 : f32 to vector<16xf32>
      %select_n3A_2985 = arith.select %eq3A_55, %broadcast_in_dim3A_2983, %broadcast_in_dim3A_2984 : vector<16xi1>, vector<16xf32>
      %broadcast_in_dim3A_2986 = vector.broadcast %squeeze3A_2962 : f32 to vector<16xf32>
      %broadcast_in_dim3A_2987 = vector.broadcast %squeeze3A_2964 : f32 to vector<16xf32>
      %select_n3A_2988 = arith.select %eq3A_58, %broadcast_in_dim3A_2986, %broadcast_in_dim3A_2987 : vector<16xi1>, vector<16xf32>
      %select_n3A_2989 = arith.select %lt3A_61, %select_n3A_2985, %select_n3A_2988 : vector<16xi1>, vector<16xf32>
      %swap3A_2990 = arith.index_cast %add3A_2970 : i32 to index
      %swap3A_2991 = arith.constant 16 : index
      %swap3A_2992 = tpu.vector_load %arg8[%swap3A_2990, %swap3A_2991] {strides = array<i32>} : memref<128x128xf32, #tpu.memory_space<vmem>>, vector<1x16xf32>,
      %swap3A_2993 = vector.shape_cast %swap3A_2992 : vector<1x16xf32> to vector<16xf32>
      %swap3A_2994 = vector.shape_cast %select_n3A_2989 : vector<16xf32> to vector<1x16xf32>
      tpu.vector_store %arg8[%swap3A_2990, %swap3A_2991], %swap3A_2994 {strides = array<i32>} : memref<128x128xf32, #tpu.memory_space<vmem>>, vector<1x16xf32>,
      %broadcast_in_dim3A_2995 = vector.broadcast %squeeze3A_2958 : f32 to vector<16xf32>
      %broadcast_in_dim3A_2996 = vector.broadcast %squeeze3A_2960 : f32 to vector<16xf32>
      %select_n3A_2997 = arith.select %eq3A_67, %broadcast_in_dim3A_2995, %broadcast_in_dim3A_2996 : vector<16xi1>, vector<16xf32>
      %broadcast_in_dim3A_2998 = vector.broadcast %squeeze3A_2962 : f32 to vector<16xf32>
      %broadcast_in_dim3A_2999 = vector.broadcast %squeeze3A_2964 : f32 to vector<16xf32>
      %select_n3A_3000 = arith.select %eq3A_70, %broadcast_in_dim3A_2998, %broadcast_in_dim3A_2999 : vector<16xi1>, vector<16xf32>
      %select_n3A_3001 = arith.select %lt3A_73, %select_n3A_2997, %select_n3A_3000 : vector<16xi1>, vector<16xf32>
      %swap3A_3002 = arith.index_cast %add3A_2970 : i32 to index
      %swap3A_3003 = arith.constant 32 : index
      %swap3A_3004 = tpu.vector_load %arg8[%swap3A_3002, %swap3A_3003] {strides = array<i32>} : memref<128x128xf32, #tpu.memory_space<vmem>>, vector<1x16xf32>,
      %swap3A_3005 = vector.shape_cast %swap3A_3004 : vector<1x16xf32> to vector<16xf32>
      %swap3A_3006 = vector.shape_cast %select_n3A_3001 : vector<16xf32> to vector<1x16xf32>
      tpu.vector_store %arg8[%swap3A_3002, %swap3A_3003], %swap3A_3006 {strides = array<i32>} : memref<128x128xf32, #tpu.memory_space<vmem>>, vector<1x16xf32>,
      %broadcast_in_dim3A_3007 = vector.broadcast %squeeze3A_2958 : f32 to vector<16xf32>
      %broadcast_in_dim3A_3008 = vector.broadcast %squeeze3A_2960 : f32 to vector<16xf32>
      %select_n3A_3009 = arith.select %eq3A_79, %broadcast_in_dim3A_3007, %broadcast_in_dim3A_3008 : vector<16xi1>, vector<16xf32>
      %broadcast_in_dim3A_3010 = vector.broadcast %squeeze3A_2962 : f32 to vector<16xf32>
      %broadcast_in_dim3A_3011 = vector.broadcast %squeeze3A_2964 : f32 to vector<16xf32>
      %select_n3A_3012 = arith.select %eq3A_82, %broadcast_in_dim3A_3010, %broadcast_in_dim3A_3011 : vector<16xi1>, vector<16xf32>
      %select_n3A_3013 = arith.select %lt3A_85, %select_n3A_3009, %select_n3A_3012 : vector<16xi1>, vector<16xf32>
      %swap3A_3014 = arith.index_cast %add3A_2970 : i32 to index
      %swap3A_3015 = arith.constant 48 : index
      %swap3A_3016 = tpu.vector_load %arg8[%swap3A_3014, %swap3A_3015] {strides = array<i32>} : memref<128x128xf32, #tpu.memory_space<vmem>>, vector<1x16xf32>,
      %swap3A_3017 = vector.shape_cast %swap3A_3016 : vector<1x16xf32> to vector<16xf32>
      %swap3A_3018 = vector.shape_cast %select_n3A_3013 : vector<16xf32> to vector<1x16xf32>
      tpu.vector_store %arg8[%swap3A_3014, %swap3A_3015], %swap3A_3018 {strides = array<i32>} : memref<128x128xf32, #tpu.memory_space<vmem>>, vector<1x16xf32>,
      %broadcast_in_dim3A_3019 = vector.broadcast %squeeze3A_2958 : f32 to vector<16xf32>
      %broadcast_in_dim3A_3020 = vector.broadcast %squeeze3A_2960 : f32 to vector<16xf32>
      %select_n3A_3021 = arith.select %eq3A_91, %broadcast_in_dim3A_3019, %broadcast_in_dim3A_3020 : vector<16xi1>, vector<16xf32>
      %broadcast_in_dim3A_3022 = vector.broadcast %squeeze3A_2962 : f32 to vector<16xf32>
      %broadcast_in_dim3A_3023 = vector.broadcast %squeeze3A_2964 : f32 to vector<16xf32>
      %select_n3A_3024 = arith.select %eq3A_94, %broadcast_in_dim3A_3022, %broadcast_in_dim3A_3023 : vector<16xi1>, vector<16xf32>
      %select_n3A_3025 = arith.select %lt3A_97, %select_n3A_3021, %select_n3A_3024 : vector<16xi1>, vector<16xf32>
      %swap3A_3026 = arith.index_cast %add3A_2970 : i32 to index
      %swap3A_3027 = arith.constant 64 : index
      %swap3A_3028 = tpu.vector_load %arg8[%swap3A_3026, %swap3A_3027] {strides = array<i32>} : memref<128x128xf32, #tpu.memory_space<vmem>>, vector<1x16xf32>,
      %swap3A_3029 = vector.shape_cast %swap3A_3028 : vector<1x16xf32> to vector<16xf32>
      %swap3A_3030 = vector.shape_cast %select_n3A_3025 : vector<16xf32> to vector<1x16xf32>
      tpu.vector_store %arg8[%swap3A_3026, %swap3A_3027], %swap3A_3030 {strides = array<i32>} : memref<128x128xf32, #tpu.memory_space<vmem>>, vector<1x16xf32>,
      %broadcast_in_dim3A_3031 = vector.broadcast %squeeze3A_2958 : f32 to vector<16xf32>
      %broadcast_in_dim3A_3032 = vector.broadcast %squeeze3A_2960 : f32 to vector<16xf32>
      %select_n3A_3033 = arith.select %eq3A_103, %broadcast_in_dim3A_3031, %broadcast_in_dim3A_3032 : vector<16xi1>, vector<16xf32>
      %broadcast_in_dim3A_3034 = vector.broadcast %squeeze3A_2962 : f32 to vector<16xf32>
      %broadcast_in_dim3A_3035 = vector.broadcast %squeeze3A_2964 : f32 to vector<16xf32>
      %select_n3A_3036 = arith.select %eq3A_106, %broadcast_in_dim3A_3034, %broadcast_in_dim3A_3035 : vector<16xi1>, vector<16xf32>
      %select_n3A_3037 = arith.select %lt3A_109, %select_n3A_3033, %select_n3A_3036 : vector<16xi1>, vector<16xf32>
      %swap3A_3038 = arith.index_cast %add3A_2970 : i32 to index
      %swap3A_3039 = arith.constant 80 : index
      %swap3A_3040 = tpu.vector_load %arg8[%swap3A_3038, %swap3A_3039] {strides = array<i32>} : memref<128x128xf32, #tpu.memory_space<vmem>>, vector<1x16xf32>,
      %swap3A_3041 = vector.shape_cast %swap3A_3040 : vector<1x16xf32> to vector<16xf32>
      %swap3A_3042 = vector.shape_cast %select_n3A_3037 : vector<16xf32> to vector<1x16xf32>
      tpu.vector_store %arg8[%swap3A_3038, %swap3A_3039], %swap3A_3042 {strides = array<i32>} : memref<128x128xf32, #tpu.memory_space<vmem>>, vector<1x16xf32>,
      %broadcast_in_dim3A_3043 = vector.broadcast %squeeze3A_2958 : f32 to vector<16xf32>
      %broadcast_in_dim3A_3044 = vector.broadcast %squeeze3A_2960 : f32 to vector<16xf32>
      %select_n3A_3045 = arith.select %eq3A_115, %broadcast_in_dim3A_3043, %broadcast_in_dim3A_3044 : vector<16xi1>, vector<16xf32>
      %broadcast_in_dim3A_3046 = vector.broadcast %squeeze3A_2962 : f32 to vector<16xf32>
      %broadcast_in_dim3A_3047 = vector.broadcast %squeeze3A_2964 : f32 to vector<16xf32>
      %select_n3A_3048 = arith.select %eq3A_118, %broadcast_in_dim3A_3046, %broadcast_in_dim3A_3047 : vector<16xi1>, vector<16xf32>
      %select_n3A_3049 = arith.select %lt3A_121, %select_n3A_3045, %select_n3A_3048 : vector<16xi1>, vector<16xf32>
      %swap3A_3050 = arith.index_cast %add3A_2970 : i32 to index
      %swap3A_3051 = arith.constant 96 : index
      %swap3A_3052 = tpu.vector_load %arg8[%swap3A_3050, %swap3A_3051] {strides = array<i32>} : memref<128x128xf32, #tpu.memory_space<vmem>>, vector<1x16xf32>,
      %swap3A_3053 = vector.shape_cast %swap3A_3052 : vector<1x16xf32> to vector<16xf32>
      %swap3A_3054 = vector.shape_cast %select_n3A_3049 : vector<16xf32> to vector<1x16xf32>
      tpu.vector_store %arg8[%swap3A_3050, %swap3A_3051], %swap3A_3054 {strides = array<i32>} : memref<128x128xf32, #tpu.memory_space<vmem>>, vector<1x16xf32>,
      %broadcast_in_dim3A_3055 = vector.broadcast %squeeze3A_2958 : f32 to vector<16xf32>
      %broadcast_in_dim3A_3056 = vector.broadcast %squeeze3A_2960 : f32 to vector<16xf32>
      %select_n3A_3057 = arith.select %eq3A_127, %broadcast_in_dim3A_3055, %broadcast_in_dim3A_3056 : vector<16xi1>, vector<16xf32>
      %broadcast_in_dim3A_3058 = vector.broadcast %squeeze3A_2962 : f32 to vector<16xf32>
      %broadcast_in_dim3A_3059 = vector.broadcast %squeeze3A_2964 : f32 to vector<16xf32>
      %select_n3A_3060 = arith.select %eq3A_130, %broadcast_in_dim3A_3058, %broadcast_in_dim3A_3059 : vector<16xi1>, vector<16xf32>
      %select_n3A_3061 = arith.select %lt3A_133, %select_n3A_3057, %select_n3A_3060 : vector<16xi1>, vector<16xf32>
      %swap3A_3062 = arith.index_cast %add3A_2970 : i32 to index
      %swap3A_3063 = arith.constant 112 : index
      %swap3A_3064 = tpu.vector_load %arg8[%swap3A_3062, %swap3A_3063] {strides = array<i32>} : memref<128x128xf32, #tpu.memory_space<vmem>>, vector<1x16xf32>,
      %swap3A_3065 = vector.shape_cast %swap3A_3064 : vector<1x16xf32> to vector<16xf32>
      %swap3A_3066 = vector.shape_cast %select_n3A_3061 : vector<16xf32> to vector<1x16xf32>
      tpu.vector_store %arg8[%swap3A_3062, %swap3A_3063], %swap3A_3066 {strides = array<i32>} : memref<128x128xf32, #tpu.memory_space<vmem>>, vector<1x16xf32>,
      %slice3A_3067 = vector.extract_strided_slice %get3A_1939 {offsets = [10], sizes = [1], strides = [1]} : vector<16xf32> to vector<1xf32>
      %squeeze3A_3068 = vector.extract %slice3A_3067[0] : f32 from vector<1xf32>
      %slice3A_3069 = vector.extract_strided_slice %get3A_1948 {offsets = [10], sizes = [1], strides = [1]} : vector<16xf32> to vector<1xf32>
      %squeeze3A_3070 = vector.extract %slice3A_3069[0] : f32 from vector<1xf32>
      %slice3A_3071 = vector.extract_strided_slice %get3A_1957 {offsets = [10], sizes = [1], strides = [1]} : vector<16xf32> to vector<1xf32>
      %squeeze3A_3072 = vector.extract %slice3A_3071[0] : f32 from vector<1xf32>
      %slice3A_3073 = vector.extract_strided_slice %get3A_1966 {offsets = [10], sizes = [1], strides = [1]} : vector<16xf32> to vector<1xf32>
      %squeeze3A_3074 = vector.extract %slice3A_3073[0] : f32 from vector<1xf32>
      %mul3A_3075 = arith.constant 16 : i32
      %mul3A_3076 = arith.muli %scan3A_139, %mul3A_3075 : i32
      %add3A_3077 = arith.constant 10 : i32
      %add3A_3078 = arith.addi %mul3A_3076, %add3A_3077 : i32
      %add3A_3079 = arith.constant 64 : i32
      %add3A_3080 = arith.addi %add3A_3078, %add3A_3079 : i32
      %broadcast_in_dim3A_3081 = vector.broadcast %squeeze3A_3068 : f32 to vector<16xf32>
      %broadcast_in_dim3A_3082 = vector.broadcast %squeeze3A_3070 : f32 to vector<16xf32>
      %select_n3A_3083 = arith.select %eq3A_44, %broadcast_in_dim3A_3081, %broadcast_in_dim3A_3082 : vector<16xi1>, vector<16xf32>
      %broadcast_in_dim3A_3084 = vector.broadcast %squeeze3A_3072 : f32 to vector<16xf32>
      %broadcast_in_dim3A_3085 = vector.broadcast %squeeze3A_3074 : f32 to vector<16xf32>
      %select_n3A_3086 = arith.select %eq3A_47, %broadcast_in_dim3A_3084, %broadcast_in_dim3A_3085 : vector<16xi1>, vector<16xf32>
      %select_n3A_3087 = arith.select %lt3A_49, %select_n3A_3083, %select_n3A_3086 : vector<16xi1>, vector<16xf32>
      %swap3A_3088 = arith.index_cast %add3A_3080 : i32 to index
      %swap3A_3089 = arith.constant 0 : index
      %swap3A_3090 = tpu.vector_load %arg8[%swap3A_3088, %swap3A_3089] {strides = array<i32>} : memref<128x128xf32, #tpu.memory_space<vmem>>, vector<1x16xf32>,
      %swap3A_3091 = vector.shape_cast %swap3A_3090 : vector<1x16xf32> to vector<16xf32>
      %swap3A_3092 = vector.shape_cast %select_n3A_3087 : vector<16xf32> to vector<1x16xf32>
      tpu.vector_store %arg8[%swap3A_3088, %swap3A_3089], %swap3A_3092 {strides = array<i32>} : memref<128x128xf32, #tpu.memory_space<vmem>>, vector<1x16xf32>,
      %broadcast_in_dim3A_3093 = vector.broadcast %squeeze3A_3068 : f32 to vector<16xf32>
      %broadcast_in_dim3A_3094 = vector.broadcast %squeeze3A_3070 : f32 to vector<16xf32>
      %select_n3A_3095 = arith.select %eq3A_55, %broadcast_in_dim3A_3093, %broadcast_in_dim3A_3094 : vector<16xi1>, vector<16xf32>
      %broadcast_in_dim3A_3096 = vector.broadcast %squeeze3A_3072 : f32 to vector<16xf32>
      %broadcast_in_dim3A_3097 = vector.broadcast %squeeze3A_3074 : f32 to vector<16xf32>
      %select_n3A_3098 = arith.select %eq3A_58, %broadcast_in_dim3A_3096, %broadcast_in_dim3A_3097 : vector<16xi1>, vector<16xf32>
      %select_n3A_3099 = arith.select %lt3A_61, %select_n3A_3095, %select_n3A_3098 : vector<16xi1>, vector<16xf32>
      %swap3A_3100 = arith.index_cast %add3A_3080 : i32 to index
      %swap3A_3101 = arith.constant 16 : index
      %swap3A_3102 = tpu.vector_load %arg8[%swap3A_3100, %swap3A_3101] {strides = array<i32>} : memref<128x128xf32, #tpu.memory_space<vmem>>, vector<1x16xf32>,
      %swap3A_3103 = vector.shape_cast %swap3A_3102 : vector<1x16xf32> to vector<16xf32>
      %swap3A_3104 = vector.shape_cast %select_n3A_3099 : vector<16xf32> to vector<1x16xf32>
      tpu.vector_store %arg8[%swap3A_3100, %swap3A_3101], %swap3A_3104 {strides = array<i32>} : memref<128x128xf32, #tpu.memory_space<vmem>>, vector<1x16xf32>,
      %broadcast_in_dim3A_3105 = vector.broadcast %squeeze3A_3068 : f32 to vector<16xf32>
      %broadcast_in_dim3A_3106 = vector.broadcast %squeeze3A_3070 : f32 to vector<16xf32>
      %select_n3A_3107 = arith.select %eq3A_67, %broadcast_in_dim3A_3105, %broadcast_in_dim3A_3106 : vector<16xi1>, vector<16xf32>
      %broadcast_in_dim3A_3108 = vector.broadcast %squeeze3A_3072 : f32 to vector<16xf32>
      %broadcast_in_dim3A_3109 = vector.broadcast %squeeze3A_3074 : f32 to vector<16xf32>
      %select_n3A_3110 = arith.select %eq3A_70, %broadcast_in_dim3A_3108, %broadcast_in_dim3A_3109 : vector<16xi1>, vector<16xf32>
      %select_n3A_3111 = arith.select %lt3A_73, %select_n3A_3107, %select_n3A_3110 : vector<16xi1>, vector<16xf32>
      %swap3A_3112 = arith.index_cast %add3A_3080 : i32 to index
      %swap3A_3113 = arith.constant 32 : index
      %swap3A_3114 = tpu.vector_load %arg8[%swap3A_3112, %swap3A_3113] {strides = array<i32>} : memref<128x128xf32, #tpu.memory_space<vmem>>, vector<1x16xf32>,
      %swap3A_3115 = vector.shape_cast %swap3A_3114 : vector<1x16xf32> to vector<16xf32>
      %swap3A_3116 = vector.shape_cast %select_n3A_3111 : vector<16xf32> to vector<1x16xf32>
      tpu.vector_store %arg8[%swap3A_3112, %swap3A_3113], %swap3A_3116 {strides = array<i32>} : memref<128x128xf32, #tpu.memory_space<vmem>>, vector<1x16xf32>,
      %broadcast_in_dim3A_3117 = vector.broadcast %squeeze3A_3068 : f32 to vector<16xf32>
      %broadcast_in_dim3A_3118 = vector.broadcast %squeeze3A_3070 : f32 to vector<16xf32>
      %select_n3A_3119 = arith.select %eq3A_79, %broadcast_in_dim3A_3117, %broadcast_in_dim3A_3118 : vector<16xi1>, vector<16xf32>
      %broadcast_in_dim3A_3120 = vector.broadcast %squeeze3A_3072 : f32 to vector<16xf32>
      %broadcast_in_dim3A_3121 = vector.broadcast %squeeze3A_3074 : f32 to vector<16xf32>
      %select_n3A_3122 = arith.select %eq3A_82, %broadcast_in_dim3A_3120, %broadcast_in_dim3A_3121 : vector<16xi1>, vector<16xf32>
      %select_n3A_3123 = arith.select %lt3A_85, %select_n3A_3119, %select_n3A_3122 : vector<16xi1>, vector<16xf32>
      %swap3A_3124 = arith.index_cast %add3A_3080 : i32 to index
      %swap3A_3125 = arith.constant 48 : index
      %swap3A_3126 = tpu.vector_load %arg8[%swap3A_3124, %swap3A_3125] {strides = array<i32>} : memref<128x128xf32, #tpu.memory_space<vmem>>, vector<1x16xf32>,
      %swap3A_3127 = vector.shape_cast %swap3A_3126 : vector<1x16xf32> to vector<16xf32>
      %swap3A_3128 = vector.shape_cast %select_n3A_3123 : vector<16xf32> to vector<1x16xf32>
      tpu.vector_store %arg8[%swap3A_3124, %swap3A_3125], %swap3A_3128 {strides = array<i32>} : memref<128x128xf32, #tpu.memory_space<vmem>>, vector<1x16xf32>,
      %broadcast_in_dim3A_3129 = vector.broadcast %squeeze3A_3068 : f32 to vector<16xf32>
      %broadcast_in_dim3A_3130 = vector.broadcast %squeeze3A_3070 : f32 to vector<16xf32>
      %select_n3A_3131 = arith.select %eq3A_91, %broadcast_in_dim3A_3129, %broadcast_in_dim3A_3130 : vector<16xi1>, vector<16xf32>
      %broadcast_in_dim3A_3132 = vector.broadcast %squeeze3A_3072 : f32 to vector<16xf32>
      %broadcast_in_dim3A_3133 = vector.broadcast %squeeze3A_3074 : f32 to vector<16xf32>
      %select_n3A_3134 = arith.select %eq3A_94, %broadcast_in_dim3A_3132, %broadcast_in_dim3A_3133 : vector<16xi1>, vector<16xf32>
      %select_n3A_3135 = arith.select %lt3A_97, %select_n3A_3131, %select_n3A_3134 : vector<16xi1>, vector<16xf32>
      %swap3A_3136 = arith.index_cast %add3A_3080 : i32 to index
      %swap3A_3137 = arith.constant 64 : index
      %swap3A_3138 = tpu.vector_load %arg8[%swap3A_3136, %swap3A_3137] {strides = array<i32>} : memref<128x128xf32, #tpu.memory_space<vmem>>, vector<1x16xf32>,
      %swap3A_3139 = vector.shape_cast %swap3A_3138 : vector<1x16xf32> to vector<16xf32>
      %swap3A_3140 = vector.shape_cast %select_n3A_3135 : vector<16xf32> to vector<1x16xf32>
      tpu.vector_store %arg8[%swap3A_3136, %swap3A_3137], %swap3A_3140 {strides = array<i32>} : memref<128x128xf32, #tpu.memory_space<vmem>>, vector<1x16xf32>,
      %broadcast_in_dim3A_3141 = vector.broadcast %squeeze3A_3068 : f32 to vector<16xf32>
      %broadcast_in_dim3A_3142 = vector.broadcast %squeeze3A_3070 : f32 to vector<16xf32>
      %select_n3A_3143 = arith.select %eq3A_103, %broadcast_in_dim3A_3141, %broadcast_in_dim3A_3142 : vector<16xi1>, vector<16xf32>
      %broadcast_in_dim3A_3144 = vector.broadcast %squeeze3A_3072 : f32 to vector<16xf32>
      %broadcast_in_dim3A_3145 = vector.broadcast %squeeze3A_3074 : f32 to vector<16xf32>
      %select_n3A_3146 = arith.select %eq3A_106, %broadcast_in_dim3A_3144, %broadcast_in_dim3A_3145 : vector<16xi1>, vector<16xf32>
      %select_n3A_3147 = arith.select %lt3A_109, %select_n3A_3143, %select_n3A_3146 : vector<16xi1>, vector<16xf32>
      %swap3A_3148 = arith.index_cast %add3A_3080 : i32 to index
      %swap3A_3149 = arith.constant 80 : index
      %swap3A_3150 = tpu.vector_load %arg8[%swap3A_3148, %swap3A_3149] {strides = array<i32>} : memref<128x128xf32, #tpu.memory_space<vmem>>, vector<1x16xf32>,
      %swap3A_3151 = vector.shape_cast %swap3A_3150 : vector<1x16xf32> to vector<16xf32>
      %swap3A_3152 = vector.shape_cast %select_n3A_3147 : vector<16xf32> to vector<1x16xf32>
      tpu.vector_store %arg8[%swap3A_3148, %swap3A_3149], %swap3A_3152 {strides = array<i32>} : memref<128x128xf32, #tpu.memory_space<vmem>>, vector<1x16xf32>,
      %broadcast_in_dim3A_3153 = vector.broadcast %squeeze3A_3068 : f32 to vector<16xf32>
      %broadcast_in_dim3A_3154 = vector.broadcast %squeeze3A_3070 : f32 to vector<16xf32>
      %select_n3A_3155 = arith.select %eq3A_115, %broadcast_in_dim3A_3153, %broadcast_in_dim3A_3154 : vector<16xi1>, vector<16xf32>
      %broadcast_in_dim3A_3156 = vector.broadcast %squeeze3A_3072 : f32 to vector<16xf32>
      %broadcast_in_dim3A_3157 = vector.broadcast %squeeze3A_3074 : f32 to vector<16xf32>
      %select_n3A_3158 = arith.select %eq3A_118, %broadcast_in_dim3A_3156, %broadcast_in_dim3A_3157 : vector<16xi1>, vector<16xf32>
      %select_n3A_3159 = arith.select %lt3A_121, %select_n3A_3155, %select_n3A_3158 : vector<16xi1>, vector<16xf32>
      %swap3A_3160 = arith.index_cast %add3A_3080 : i32 to index
      %swap3A_3161 = arith.constant 96 : index
      %swap3A_3162 = tpu.vector_load %arg8[%swap3A_3160, %swap3A_3161] {strides = array<i32>} : memref<128x128xf32, #tpu.memory_space<vmem>>, vector<1x16xf32>,
      %swap3A_3163 = vector.shape_cast %swap3A_3162 : vector<1x16xf32> to vector<16xf32>
      %swap3A_3164 = vector.shape_cast %select_n3A_3159 : vector<16xf32> to vector<1x16xf32>
      tpu.vector_store %arg8[%swap3A_3160, %swap3A_3161], %swap3A_3164 {strides = array<i32>} : memref<128x128xf32, #tpu.memory_space<vmem>>, vector<1x16xf32>,
      %broadcast_in_dim3A_3165 = vector.broadcast %squeeze3A_3068 : f32 to vector<16xf32>
      %broadcast_in_dim3A_3166 = vector.broadcast %squeeze3A_3070 : f32 to vector<16xf32>
      %select_n3A_3167 = arith.select %eq3A_127, %broadcast_in_dim3A_3165, %broadcast_in_dim3A_3166 : vector<16xi1>, vector<16xf32>
      %broadcast_in_dim3A_3168 = vector.broadcast %squeeze3A_3072 : f32 to vector<16xf32>
      %broadcast_in_dim3A_3169 = vector.broadcast %squeeze3A_3074 : f32 to vector<16xf32>
      %select_n3A_3170 = arith.select %eq3A_130, %broadcast_in_dim3A_3168, %broadcast_in_dim3A_3169 : vector<16xi1>, vector<16xf32>
      %select_n3A_3171 = arith.select %lt3A_133, %select_n3A_3167, %select_n3A_3170 : vector<16xi1>, vector<16xf32>
      %swap3A_3172 = arith.index_cast %add3A_3080 : i32 to index
      %swap3A_3173 = arith.constant 112 : index
      %swap3A_3174 = tpu.vector_load %arg8[%swap3A_3172, %swap3A_3173] {strides = array<i32>} : memref<128x128xf32, #tpu.memory_space<vmem>>, vector<1x16xf32>,
      %swap3A_3175 = vector.shape_cast %swap3A_3174 : vector<1x16xf32> to vector<16xf32>
      %swap3A_3176 = vector.shape_cast %select_n3A_3171 : vector<16xf32> to vector<1x16xf32>
      tpu.vector_store %arg8[%swap3A_3172, %swap3A_3173], %swap3A_3176 {strides = array<i32>} : memref<128x128xf32, #tpu.memory_space<vmem>>, vector<1x16xf32>,
      %slice3A_3177 = vector.extract_strided_slice %get3A_1939 {offsets = [11], sizes = [1], strides = [1]} : vector<16xf32> to vector<1xf32>
      %squeeze3A_3178 = vector.extract %slice3A_3177[0] : f32 from vector<1xf32>
      %slice3A_3179 = vector.extract_strided_slice %get3A_1948 {offsets = [11], sizes = [1], strides = [1]} : vector<16xf32> to vector<1xf32>
      %squeeze3A_3180 = vector.extract %slice3A_3179[0] : f32 from vector<1xf32>
      %slice3A_3181 = vector.extract_strided_slice %get3A_1957 {offsets = [11], sizes = [1], strides = [1]} : vector<16xf32> to vector<1xf32>
      %squeeze3A_3182 = vector.extract %slice3A_3181[0] : f32 from vector<1xf32>
      %slice3A_3183 = vector.extract_strided_slice %get3A_1966 {offsets = [11], sizes = [1], strides = [1]} : vector<16xf32> to vector<1xf32>
      %squeeze3A_3184 = vector.extract %slice3A_3183[0] : f32 from vector<1xf32>
      %mul3A_3185 = arith.constant 16 : i32
      %mul3A_3186 = arith.muli %scan3A_139, %mul3A_3185 : i32
      %add3A_3187 = arith.constant 11 : i32
      %add3A_3188 = arith.addi %mul3A_3186, %add3A_3187 : i32
      %add3A_3189 = arith.constant 64 : i32
      %add3A_3190 = arith.addi %add3A_3188, %add3A_3189 : i32
      %broadcast_in_dim3A_3191 = vector.broadcast %squeeze3A_3178 : f32 to vector<16xf32>
      %broadcast_in_dim3A_3192 = vector.broadcast %squeeze3A_3180 : f32 to vector<16xf32>
      %select_n3A_3193 = arith.select %eq3A_44, %broadcast_in_dim3A_3191, %broadcast_in_dim3A_3192 : vector<16xi1>, vector<16xf32>
      %broadcast_in_dim3A_3194 = vector.broadcast %squeeze3A_3182 : f32 to vector<16xf32>
      %broadcast_in_dim3A_3195 = vector.broadcast %squeeze3A_3184 : f32 to vector<16xf32>
      %select_n3A_3196 = arith.select %eq3A_47, %broadcast_in_dim3A_3194, %broadcast_in_dim3A_3195 : vector<16xi1>, vector<16xf32>
      %select_n3A_3197 = arith.select %lt3A_49, %select_n3A_3193, %select_n3A_3196 : vector<16xi1>, vector<16xf32>
      %swap3A_3198 = arith.index_cast %add3A_3190 : i32 to index
      %swap3A_3199 = arith.constant 0 : index
      %swap3A_3200 = tpu.vector_load %arg8[%swap3A_3198, %swap3A_3199] {strides = array<i32>} : memref<128x128xf32, #tpu.memory_space<vmem>>, vector<1x16xf32>,
      %swap3A_3201 = vector.shape_cast %swap3A_3200 : vector<1x16xf32> to vector<16xf32>
      %swap3A_3202 = vector.shape_cast %select_n3A_3197 : vector<16xf32> to vector<1x16xf32>
      tpu.vector_store %arg8[%swap3A_3198, %swap3A_3199], %swap3A_3202 {strides = array<i32>} : memref<128x128xf32, #tpu.memory_space<vmem>>, vector<1x16xf32>,
      %broadcast_in_dim3A_3203 = vector.broadcast %squeeze3A_3178 : f32 to vector<16xf32>
      %broadcast_in_dim3A_3204 = vector.broadcast %squeeze3A_3180 : f32 to vector<16xf32>
      %select_n3A_3205 = arith.select %eq3A_55, %broadcast_in_dim3A_3203, %broadcast_in_dim3A_3204 : vector<16xi1>, vector<16xf32>
      %broadcast_in_dim3A_3206 = vector.broadcast %squeeze3A_3182 : f32 to vector<16xf32>
      %broadcast_in_dim3A_3207 = vector.broadcast %squeeze3A_3184 : f32 to vector<16xf32>
      %select_n3A_3208 = arith.select %eq3A_58, %broadcast_in_dim3A_3206, %broadcast_in_dim3A_3207 : vector<16xi1>, vector<16xf32>
      %select_n3A_3209 = arith.select %lt3A_61, %select_n3A_3205, %select_n3A_3208 : vector<16xi1>, vector<16xf32>
      %swap3A_3210 = arith.index_cast %add3A_3190 : i32 to index
      %swap3A_3211 = arith.constant 16 : index
      %swap3A_3212 = tpu.vector_load %arg8[%swap3A_3210, %swap3A_3211] {strides = array<i32>} : memref<128x128xf32, #tpu.memory_space<vmem>>, vector<1x16xf32>,
      %swap3A_3213 = vector.shape_cast %swap3A_3212 : vector<1x16xf32> to vector<16xf32>
      %swap3A_3214 = vector.shape_cast %select_n3A_3209 : vector<16xf32> to vector<1x16xf32>
      tpu.vector_store %arg8[%swap3A_3210, %swap3A_3211], %swap3A_3214 {strides = array<i32>} : memref<128x128xf32, #tpu.memory_space<vmem>>, vector<1x16xf32>,
      %broadcast_in_dim3A_3215 = vector.broadcast %squeeze3A_3178 : f32 to vector<16xf32>
      %broadcast_in_dim3A_3216 = vector.broadcast %squeeze3A_3180 : f32 to vector<16xf32>
      %select_n3A_3217 = arith.select %eq3A_67, %broadcast_in_dim3A_3215, %broadcast_in_dim3A_3216 : vector<16xi1>, vector<16xf32>
      %broadcast_in_dim3A_3218 = vector.broadcast %squeeze3A_3182 : f32 to vector<16xf32>
      %broadcast_in_dim3A_3219 = vector.broadcast %squeeze3A_3184 : f32 to vector<16xf32>
      %select_n3A_3220 = arith.select %eq3A_70, %broadcast_in_dim3A_3218, %broadcast_in_dim3A_3219 : vector<16xi1>, vector<16xf32>
      %select_n3A_3221 = arith.select %lt3A_73, %select_n3A_3217, %select_n3A_3220 : vector<16xi1>, vector<16xf32>
      %swap3A_3222 = arith.index_cast %add3A_3190 : i32 to index
      %swap3A_3223 = arith.constant 32 : index
      %swap3A_3224 = tpu.vector_load %arg8[%swap3A_3222, %swap3A_3223] {strides = array<i32>} : memref<128x128xf32, #tpu.memory_space<vmem>>, vector<1x16xf32>,
      %swap3A_3225 = vector.shape_cast %swap3A_3224 : vector<1x16xf32> to vector<16xf32>
      %swap3A_3226 = vector.shape_cast %select_n3A_3221 : vector<16xf32> to vector<1x16xf32>
      tpu.vector_store %arg8[%swap3A_3222, %swap3A_3223], %swap3A_3226 {strides = array<i32>} : memref<128x128xf32, #tpu.memory_space<vmem>>, vector<1x16xf32>,
      %broadcast_in_dim3A_3227 = vector.broadcast %squeeze3A_3178 : f32 to vector<16xf32>
      %broadcast_in_dim3A_3228 = vector.broadcast %squeeze3A_3180 : f32 to vector<16xf32>
      %select_n3A_3229 = arith.select %eq3A_79, %broadcast_in_dim3A_3227, %broadcast_in_dim3A_3228 : vector<16xi1>, vector<16xf32>
      %broadcast_in_dim3A_3230 = vector.broadcast %squeeze3A_3182 : f32 to vector<16xf32>
      %broadcast_in_dim3A_3231 = vector.broadcast %squeeze3A_3184 : f32 to vector<16xf32>
      %select_n3A_3232 = arith.select %eq3A_82, %broadcast_in_dim3A_3230, %broadcast_in_dim3A_3231 : vector<16xi1>, vector<16xf32>
      %select_n3A_3233 = arith.select %lt3A_85, %select_n3A_3229, %select_n3A_3232 : vector<16xi1>, vector<16xf32>
      %swap3A_3234 = arith.index_cast %add3A_3190 : i32 to index
      %swap3A_3235 = arith.constant 48 : index
      %swap3A_3236 = tpu.vector_load %arg8[%swap3A_3234, %swap3A_3235] {strides = array<i32>} : memref<128x128xf32, #tpu.memory_space<vmem>>, vector<1x16xf32>,
      %swap3A_3237 = vector.shape_cast %swap3A_3236 : vector<1x16xf32> to vector<16xf32>
      %swap3A_3238 = vector.shape_cast %select_n3A_3233 : vector<16xf32> to vector<1x16xf32>
      tpu.vector_store %arg8[%swap3A_3234, %swap3A_3235], %swap3A_3238 {strides = array<i32>} : memref<128x128xf32, #tpu.memory_space<vmem>>, vector<1x16xf32>,
      %broadcast_in_dim3A_3239 = vector.broadcast %squeeze3A_3178 : f32 to vector<16xf32>
      %broadcast_in_dim3A_3240 = vector.broadcast %squeeze3A_3180 : f32 to vector<16xf32>
      %select_n3A_3241 = arith.select %eq3A_91, %broadcast_in_dim3A_3239, %broadcast_in_dim3A_3240 : vector<16xi1>, vector<16xf32>
      %broadcast_in_dim3A_3242 = vector.broadcast %squeeze3A_3182 : f32 to vector<16xf32>
      %broadcast_in_dim3A_3243 = vector.broadcast %squeeze3A_3184 : f32 to vector<16xf32>
      %select_n3A_3244 = arith.select %eq3A_94, %broadcast_in_dim3A_3242, %broadcast_in_dim3A_3243 : vector<16xi1>, vector<16xf32>
      %select_n3A_3245 = arith.select %lt3A_97, %select_n3A_3241, %select_n3A_3244 : vector<16xi1>, vector<16xf32>
      %swap3A_3246 = arith.index_cast %add3A_3190 : i32 to index
      %swap3A_3247 = arith.constant 64 : index
      %swap3A_3248 = tpu.vector_load %arg8[%swap3A_3246, %swap3A_3247] {strides = array<i32>} : memref<128x128xf32, #tpu.memory_space<vmem>>, vector<1x16xf32>,
      %swap3A_3249 = vector.shape_cast %swap3A_3248 : vector<1x16xf32> to vector<16xf32>
      %swap3A_3250 = vector.shape_cast %select_n3A_3245 : vector<16xf32> to vector<1x16xf32>
      tpu.vector_store %arg8[%swap3A_3246, %swap3A_3247], %swap3A_3250 {strides = array<i32>} : memref<128x128xf32, #tpu.memory_space<vmem>>, vector<1x16xf32>,
      %broadcast_in_dim3A_3251 = vector.broadcast %squeeze3A_3178 : f32 to vector<16xf32>
      %broadcast_in_dim3A_3252 = vector.broadcast %squeeze3A_3180 : f32 to vector<16xf32>
      %select_n3A_3253 = arith.select %eq3A_103, %broadcast_in_dim3A_3251, %broadcast_in_dim3A_3252 : vector<16xi1>, vector<16xf32>
      %broadcast_in_dim3A_3254 = vector.broadcast %squeeze3A_3182 : f32 to vector<16xf32>
      %broadcast_in_dim3A_3255 = vector.broadcast %squeeze3A_3184 : f32 to vector<16xf32>
      %select_n3A_3256 = arith.select %eq3A_106, %broadcast_in_dim3A_3254, %broadcast_in_dim3A_3255 : vector<16xi1>, vector<16xf32>
      %select_n3A_3257 = arith.select %lt3A_109, %select_n3A_3253, %select_n3A_3256 : vector<16xi1>, vector<16xf32>
      %swap3A_3258 = arith.index_cast %add3A_3190 : i32 to index
      %swap3A_3259 = arith.constant 80 : index
      %swap3A_3260 = tpu.vector_load %arg8[%swap3A_3258, %swap3A_3259] {strides = array<i32>} : memref<128x128xf32, #tpu.memory_space<vmem>>, vector<1x16xf32>,
      %swap3A_3261 = vector.shape_cast %swap3A_3260 : vector<1x16xf32> to vector<16xf32>
      %swap3A_3262 = vector.shape_cast %select_n3A_3257 : vector<16xf32> to vector<1x16xf32>
      tpu.vector_store %arg8[%swap3A_3258, %swap3A_3259], %swap3A_3262 {strides = array<i32>} : memref<128x128xf32, #tpu.memory_space<vmem>>, vector<1x16xf32>,
      %broadcast_in_dim3A_3263 = vector.broadcast %squeeze3A_3178 : f32 to vector<16xf32>
      %broadcast_in_dim3A_3264 = vector.broadcast %squeeze3A_3180 : f32 to vector<16xf32>
      %select_n3A_3265 = arith.select %eq3A_115, %broadcast_in_dim3A_3263, %broadcast_in_dim3A_3264 : vector<16xi1>, vector<16xf32>
      %broadcast_in_dim3A_3266 = vector.broadcast %squeeze3A_3182 : f32 to vector<16xf32>
      %broadcast_in_dim3A_3267 = vector.broadcast %squeeze3A_3184 : f32 to vector<16xf32>
      %select_n3A_3268 = arith.select %eq3A_118, %broadcast_in_dim3A_3266, %broadcast_in_dim3A_3267 : vector<16xi1>, vector<16xf32>
      %select_n3A_3269 = arith.select %lt3A_121, %select_n3A_3265, %select_n3A_3268 : vector<16xi1>, vector<16xf32>
      %swap3A_3270 = arith.index_cast %add3A_3190 : i32 to index
      %swap3A_3271 = arith.constant 96 : index
      %swap3A_3272 = tpu.vector_load %arg8[%swap3A_3270, %swap3A_3271] {strides = array<i32>} : memref<128x128xf32, #tpu.memory_space<vmem>>, vector<1x16xf32>,
      %swap3A_3273 = vector.shape_cast %swap3A_3272 : vector<1x16xf32> to vector<16xf32>
      %swap3A_3274 = vector.shape_cast %select_n3A_3269 : vector<16xf32> to vector<1x16xf32>
      tpu.vector_store %arg8[%swap3A_3270, %swap3A_3271], %swap3A_3274 {strides = array<i32>} : memref<128x128xf32, #tpu.memory_space<vmem>>, vector<1x16xf32>,
      %broadcast_in_dim3A_3275 = vector.broadcast %squeeze3A_3178 : f32 to vector<16xf32>
      %broadcast_in_dim3A_3276 = vector.broadcast %squeeze3A_3180 : f32 to vector<16xf32>
      %select_n3A_3277 = arith.select %eq3A_127, %broadcast_in_dim3A_3275, %broadcast_in_dim3A_3276 : vector<16xi1>, vector<16xf32>
      %broadcast_in_dim3A_3278 = vector.broadcast %squeeze3A_3182 : f32 to vector<16xf32>
      %broadcast_in_dim3A_3279 = vector.broadcast %squeeze3A_3184 : f32 to vector<16xf32>
      %select_n3A_3280 = arith.select %eq3A_130, %broadcast_in_dim3A_3278, %broadcast_in_dim3A_3279 : vector<16xi1>, vector<16xf32>
      %select_n3A_3281 = arith.select %lt3A_133, %select_n3A_3277, %select_n3A_3280 : vector<16xi1>, vector<16xf32>
      %swap3A_3282 = arith.index_cast %add3A_3190 : i32 to index
      %swap3A_3283 = arith.constant 112 : index
      %swap3A_3284 = tpu.vector_load %arg8[%swap3A_3282, %swap3A_3283] {strides = array<i32>} : memref<128x128xf32, #tpu.memory_space<vmem>>, vector<1x16xf32>,
      %swap3A_3285 = vector.shape_cast %swap3A_3284 : vector<1x16xf32> to vector<16xf32>
      %swap3A_3286 = vector.shape_cast %select_n3A_3281 : vector<16xf32> to vector<1x16xf32>
      tpu.vector_store %arg8[%swap3A_3282, %swap3A_3283], %swap3A_3286 {strides = array<i32>} : memref<128x128xf32, #tpu.memory_space<vmem>>, vector<1x16xf32>,
      %slice3A_3287 = vector.extract_strided_slice %get3A_1939 {offsets = [12], sizes = [1], strides = [1]} : vector<16xf32> to vector<1xf32>
      %squeeze3A_3288 = vector.extract %slice3A_3287[0] : f32 from vector<1xf32>
      %slice3A_3289 = vector.extract_strided_slice %get3A_1948 {offsets = [12], sizes = [1], strides = [1]} : vector<16xf32> to vector<1xf32>
      %squeeze3A_3290 = vector.extract %slice3A_3289[0] : f32 from vector<1xf32>
      %slice3A_3291 = vector.extract_strided_slice %get3A_1957 {offsets = [12], sizes = [1], strides = [1]} : vector<16xf32> to vector<1xf32>
      %squeeze3A_3292 = vector.extract %slice3A_3291[0] : f32 from vector<1xf32>
      %slice3A_3293 = vector.extract_strided_slice %get3A_1966 {offsets = [12], sizes = [1], strides = [1]} : vector<16xf32> to vector<1xf32>
      %squeeze3A_3294 = vector.extract %slice3A_3293[0] : f32 from vector<1xf32>
      %mul3A_3295 = arith.constant 16 : i32
      %mul3A_3296 = arith.muli %scan3A_139, %mul3A_3295 : i32
      %add3A_3297 = arith.constant 12 : i32
      %add3A_3298 = arith.addi %mul3A_3296, %add3A_3297 : i32
      %add3A_3299 = arith.constant 64 : i32
      %add3A_3300 = arith.addi %add3A_3298, %add3A_3299 : i32
      %broadcast_in_dim3A_3301 = vector.broadcast %squeeze3A_3288 : f32 to vector<16xf32>
      %broadcast_in_dim3A_3302 = vector.broadcast %squeeze3A_3290 : f32 to vector<16xf32>
      %select_n3A_3303 = arith.select %eq3A_44, %broadcast_in_dim3A_3301, %broadcast_in_dim3A_3302 : vector<16xi1>, vector<16xf32>
      %broadcast_in_dim3A_3304 = vector.broadcast %squeeze3A_3292 : f32 to vector<16xf32>
      %broadcast_in_dim3A_3305 = vector.broadcast %squeeze3A_3294 : f32 to vector<16xf32>
      %select_n3A_3306 = arith.select %eq3A_47, %broadcast_in_dim3A_3304, %broadcast_in_dim3A_3305 : vector<16xi1>, vector<16xf32>
      %select_n3A_3307 = arith.select %lt3A_49, %select_n3A_3303, %select_n3A_3306 : vector<16xi1>, vector<16xf32>
      %swap3A_3308 = arith.index_cast %add3A_3300 : i32 to index
      %swap3A_3309 = arith.constant 0 : index
      %swap3A_3310 = tpu.vector_load %arg8[%swap3A_3308, %swap3A_3309] {strides = array<i32>} : memref<128x128xf32, #tpu.memory_space<vmem>>, vector<1x16xf32>,
      %swap3A_3311 = vector.shape_cast %swap3A_3310 : vector<1x16xf32> to vector<16xf32>
      %swap3A_3312 = vector.shape_cast %select_n3A_3307 : vector<16xf32> to vector<1x16xf32>
      tpu.vector_store %arg8[%swap3A_3308, %swap3A_3309], %swap3A_3312 {strides = array<i32>} : memref<128x128xf32, #tpu.memory_space<vmem>>, vector<1x16xf32>,
      %broadcast_in_dim3A_3313 = vector.broadcast %squeeze3A_3288 : f32 to vector<16xf32>
      %broadcast_in_dim3A_3314 = vector.broadcast %squeeze3A_3290 : f32 to vector<16xf32>
      %select_n3A_3315 = arith.select %eq3A_55, %broadcast_in_dim3A_3313, %broadcast_in_dim3A_3314 : vector<16xi1>, vector<16xf32>
      %broadcast_in_dim3A_3316 = vector.broadcast %squeeze3A_3292 : f32 to vector<16xf32>
      %broadcast_in_dim3A_3317 = vector.broadcast %squeeze3A_3294 : f32 to vector<16xf32>
      %select_n3A_3318 = arith.select %eq3A_58, %broadcast_in_dim3A_3316, %broadcast_in_dim3A_3317 : vector<16xi1>, vector<16xf32>
      %select_n3A_3319 = arith.select %lt3A_61, %select_n3A_3315, %select_n3A_3318 : vector<16xi1>, vector<16xf32>
      %swap3A_3320 = arith.index_cast %add3A_3300 : i32 to index
      %swap3A_3321 = arith.constant 16 : index
      %swap3A_3322 = tpu.vector_load %arg8[%swap3A_3320, %swap3A_3321] {strides = array<i32>} : memref<128x128xf32, #tpu.memory_space<vmem>>, vector<1x16xf32>,
      %swap3A_3323 = vector.shape_cast %swap3A_3322 : vector<1x16xf32> to vector<16xf32>
      %swap3A_3324 = vector.shape_cast %select_n3A_3319 : vector<16xf32> to vector<1x16xf32>
      tpu.vector_store %arg8[%swap3A_3320, %swap3A_3321], %swap3A_3324 {strides = array<i32>} : memref<128x128xf32, #tpu.memory_space<vmem>>, vector<1x16xf32>,
      %broadcast_in_dim3A_3325 = vector.broadcast %squeeze3A_3288 : f32 to vector<16xf32>
      %broadcast_in_dim3A_3326 = vector.broadcast %squeeze3A_3290 : f32 to vector<16xf32>
      %select_n3A_3327 = arith.select %eq3A_67, %broadcast_in_dim3A_3325, %broadcast_in_dim3A_3326 : vector<16xi1>, vector<16xf32>
      %broadcast_in_dim3A_3328 = vector.broadcast %squeeze3A_3292 : f32 to vector<16xf32>
      %broadcast_in_dim3A_3329 = vector.broadcast %squeeze3A_3294 : f32 to vector<16xf32>
      %select_n3A_3330 = arith.select %eq3A_70, %broadcast_in_dim3A_3328, %broadcast_in_dim3A_3329 : vector<16xi1>, vector<16xf32>
      %select_n3A_3331 = arith.select %lt3A_73, %select_n3A_3327, %select_n3A_3330 : vector<16xi1>, vector<16xf32>
      %swap3A_3332 = arith.index_cast %add3A_3300 : i32 to index
      %swap3A_3333 = arith.constant 32 : index
      %swap3A_3334 = tpu.vector_load %arg8[%swap3A_3332, %swap3A_3333] {strides = array<i32>} : memref<128x128xf32, #tpu.memory_space<vmem>>, vector<1x16xf32>,
      %swap3A_3335 = vector.shape_cast %swap3A_3334 : vector<1x16xf32> to vector<16xf32>
      %swap3A_3336 = vector.shape_cast %select_n3A_3331 : vector<16xf32> to vector<1x16xf32>
      tpu.vector_store %arg8[%swap3A_3332, %swap3A_3333], %swap3A_3336 {strides = array<i32>} : memref<128x128xf32, #tpu.memory_space<vmem>>, vector<1x16xf32>,
      %broadcast_in_dim3A_3337 = vector.broadcast %squeeze3A_3288 : f32 to vector<16xf32>
      %broadcast_in_dim3A_3338 = vector.broadcast %squeeze3A_3290 : f32 to vector<16xf32>
      %select_n3A_3339 = arith.select %eq3A_79, %broadcast_in_dim3A_3337, %broadcast_in_dim3A_3338 : vector<16xi1>, vector<16xf32>
      %broadcast_in_dim3A_3340 = vector.broadcast %squeeze3A_3292 : f32 to vector<16xf32>
      %broadcast_in_dim3A_3341 = vector.broadcast %squeeze3A_3294 : f32 to vector<16xf32>
      %select_n3A_3342 = arith.select %eq3A_82, %broadcast_in_dim3A_3340, %broadcast_in_dim3A_3341 : vector<16xi1>, vector<16xf32>
      %select_n3A_3343 = arith.select %lt3A_85, %select_n3A_3339, %select_n3A_3342 : vector<16xi1>, vector<16xf32>
      %swap3A_3344 = arith.index_cast %add3A_3300 : i32 to index
      %swap3A_3345 = arith.constant 48 : index
      %swap3A_3346 = tpu.vector_load %arg8[%swap3A_3344, %swap3A_3345] {strides = array<i32>} : memref<128x128xf32, #tpu.memory_space<vmem>>, vector<1x16xf32>,
      %swap3A_3347 = vector.shape_cast %swap3A_3346 : vector<1x16xf32> to vector<16xf32>
      %swap3A_3348 = vector.shape_cast %select_n3A_3343 : vector<16xf32> to vector<1x16xf32>
      tpu.vector_store %arg8[%swap3A_3344, %swap3A_3345], %swap3A_3348 {strides = array<i32>} : memref<128x128xf32, #tpu.memory_space<vmem>>, vector<1x16xf32>,
      %broadcast_in_dim3A_3349 = vector.broadcast %squeeze3A_3288 : f32 to vector<16xf32>
      %broadcast_in_dim3A_3350 = vector.broadcast %squeeze3A_3290 : f32 to vector<16xf32>
      %select_n3A_3351 = arith.select %eq3A_91, %broadcast_in_dim3A_3349, %broadcast_in_dim3A_3350 : vector<16xi1>, vector<16xf32>
      %broadcast_in_dim3A_3352 = vector.broadcast %squeeze3A_3292 : f32 to vector<16xf32>
      %broadcast_in_dim3A_3353 = vector.broadcast %squeeze3A_3294 : f32 to vector<16xf32>
      %select_n3A_3354 = arith.select %eq3A_94, %broadcast_in_dim3A_3352, %broadcast_in_dim3A_3353 : vector<16xi1>, vector<16xf32>
      %select_n3A_3355 = arith.select %lt3A_97, %select_n3A_3351, %select_n3A_3354 : vector<16xi1>, vector<16xf32>
      %swap3A_3356 = arith.index_cast %add3A_3300 : i32 to index
      %swap3A_3357 = arith.constant 64 : index
      %swap3A_3358 = tpu.vector_load %arg8[%swap3A_3356, %swap3A_3357] {strides = array<i32>} : memref<128x128xf32, #tpu.memory_space<vmem>>, vector<1x16xf32>,
      %swap3A_3359 = vector.shape_cast %swap3A_3358 : vector<1x16xf32> to vector<16xf32>
      %swap3A_3360 = vector.shape_cast %select_n3A_3355 : vector<16xf32> to vector<1x16xf32>
      tpu.vector_store %arg8[%swap3A_3356, %swap3A_3357], %swap3A_3360 {strides = array<i32>} : memref<128x128xf32, #tpu.memory_space<vmem>>, vector<1x16xf32>,
      %broadcast_in_dim3A_3361 = vector.broadcast %squeeze3A_3288 : f32 to vector<16xf32>
      %broadcast_in_dim3A_3362 = vector.broadcast %squeeze3A_3290 : f32 to vector<16xf32>
      %select_n3A_3363 = arith.select %eq3A_103, %broadcast_in_dim3A_3361, %broadcast_in_dim3A_3362 : vector<16xi1>, vector<16xf32>
      %broadcast_in_dim3A_3364 = vector.broadcast %squeeze3A_3292 : f32 to vector<16xf32>
      %broadcast_in_dim3A_3365 = vector.broadcast %squeeze3A_3294 : f32 to vector<16xf32>
      %select_n3A_3366 = arith.select %eq3A_106, %broadcast_in_dim3A_3364, %broadcast_in_dim3A_3365 : vector<16xi1>, vector<16xf32>
      %select_n3A_3367 = arith.select %lt3A_109, %select_n3A_3363, %select_n3A_3366 : vector<16xi1>, vector<16xf32>
      %swap3A_3368 = arith.index_cast %add3A_3300 : i32 to index
      %swap3A_3369 = arith.constant 80 : index
      %swap3A_3370 = tpu.vector_load %arg8[%swap3A_3368, %swap3A_3369] {strides = array<i32>} : memref<128x128xf32, #tpu.memory_space<vmem>>, vector<1x16xf32>,
      %swap3A_3371 = vector.shape_cast %swap3A_3370 : vector<1x16xf32> to vector<16xf32>
      %swap3A_3372 = vector.shape_cast %select_n3A_3367 : vector<16xf32> to vector<1x16xf32>
      tpu.vector_store %arg8[%swap3A_3368, %swap3A_3369], %swap3A_3372 {strides = array<i32>} : memref<128x128xf32, #tpu.memory_space<vmem>>, vector<1x16xf32>,
      %broadcast_in_dim3A_3373 = vector.broadcast %squeeze3A_3288 : f32 to vector<16xf32>
      %broadcast_in_dim3A_3374 = vector.broadcast %squeeze3A_3290 : f32 to vector<16xf32>
      %select_n3A_3375 = arith.select %eq3A_115, %broadcast_in_dim3A_3373, %broadcast_in_dim3A_3374 : vector<16xi1>, vector<16xf32>
      %broadcast_in_dim3A_3376 = vector.broadcast %squeeze3A_3292 : f32 to vector<16xf32>
      %broadcast_in_dim3A_3377 = vector.broadcast %squeeze3A_3294 : f32 to vector<16xf32>
      %select_n3A_3378 = arith.select %eq3A_118, %broadcast_in_dim3A_3376, %broadcast_in_dim3A_3377 : vector<16xi1>, vector<16xf32>
      %select_n3A_3379 = arith.select %lt3A_121, %select_n3A_3375, %select_n3A_3378 : vector<16xi1>, vector<16xf32>
      %swap3A_3380 = arith.index_cast %add3A_3300 : i32 to index
      %swap3A_3381 = arith.constant 96 : index
      %swap3A_3382 = tpu.vector_load %arg8[%swap3A_3380, %swap3A_3381] {strides = array<i32>} : memref<128x128xf32, #tpu.memory_space<vmem>>, vector<1x16xf32>,
      %swap3A_3383 = vector.shape_cast %swap3A_3382 : vector<1x16xf32> to vector<16xf32>
      %swap3A_3384 = vector.shape_cast %select_n3A_3379 : vector<16xf32> to vector<1x16xf32>
      tpu.vector_store %arg8[%swap3A_3380, %swap3A_3381], %swap3A_3384 {strides = array<i32>} : memref<128x128xf32, #tpu.memory_space<vmem>>, vector<1x16xf32>,
      %broadcast_in_dim3A_3385 = vector.broadcast %squeeze3A_3288 : f32 to vector<16xf32>
      %broadcast_in_dim3A_3386 = vector.broadcast %squeeze3A_3290 : f32 to vector<16xf32>
      %select_n3A_3387 = arith.select %eq3A_127, %broadcast_in_dim3A_3385, %broadcast_in_dim3A_3386 : vector<16xi1>, vector<16xf32>
      %broadcast_in_dim3A_3388 = vector.broadcast %squeeze3A_3292 : f32 to vector<16xf32>
      %broadcast_in_dim3A_3389 = vector.broadcast %squeeze3A_3294 : f32 to vector<16xf32>
      %select_n3A_3390 = arith.select %eq3A_130, %broadcast_in_dim3A_3388, %broadcast_in_dim3A_3389 : vector<16xi1>, vector<16xf32>
      %select_n3A_3391 = arith.select %lt3A_133, %select_n3A_3387, %select_n3A_3390 : vector<16xi1>, vector<16xf32>
      %swap3A_3392 = arith.index_cast %add3A_3300 : i32 to index
      %swap3A_3393 = arith.constant 112 : index
      %swap3A_3394 = tpu.vector_load %arg8[%swap3A_3392, %swap3A_3393] {strides = array<i32>} : memref<128x128xf32, #tpu.memory_space<vmem>>, vector<1x16xf32>,
      %swap3A_3395 = vector.shape_cast %swap3A_3394 : vector<1x16xf32> to vector<16xf32>
      %swap3A_3396 = vector.shape_cast %select_n3A_3391 : vector<16xf32> to vector<1x16xf32>
      tpu.vector_store %arg8[%swap3A_3392, %swap3A_3393], %swap3A_3396 {strides = array<i32>} : memref<128x128xf32, #tpu.memory_space<vmem>>, vector<1x16xf32>,
      %slice3A_3397 = vector.extract_strided_slice %get3A_1939 {offsets = [13], sizes = [1], strides = [1]} : vector<16xf32> to vector<1xf32>
      %squeeze3A_3398 = vector.extract %slice3A_3397[0] : f32 from vector<1xf32>
      %slice3A_3399 = vector.extract_strided_slice %get3A_1948 {offsets = [13], sizes = [1], strides = [1]} : vector<16xf32> to vector<1xf32>
      %squeeze3A_3400 = vector.extract %slice3A_3399[0] : f32 from vector<1xf32>
      %slice3A_3401 = vector.extract_strided_slice %get3A_1957 {offsets = [13], sizes = [1], strides = [1]} : vector<16xf32> to vector<1xf32>
      %squeeze3A_3402 = vector.extract %slice3A_3401[0] : f32 from vector<1xf32>
      %slice3A_3403 = vector.extract_strided_slice %get3A_1966 {offsets = [13], sizes = [1], strides = [1]} : vector<16xf32> to vector<1xf32>
      %squeeze3A_3404 = vector.extract %slice3A_3403[0] : f32 from vector<1xf32>
      %mul3A_3405 = arith.constant 16 : i32
      %mul3A_3406 = arith.muli %scan3A_139, %mul3A_3405 : i32
      %add3A_3407 = arith.constant 13 : i32
      %add3A_3408 = arith.addi %mul3A_3406, %add3A_3407 : i32
      %add3A_3409 = arith.constant 64 : i32
      %add3A_3410 = arith.addi %add3A_3408, %add3A_3409 : i32
      %broadcast_in_dim3A_3411 = vector.broadcast %squeeze3A_3398 : f32 to vector<16xf32>
      %broadcast_in_dim3A_3412 = vector.broadcast %squeeze3A_3400 : f32 to vector<16xf32>
      %select_n3A_3413 = arith.select %eq3A_44, %broadcast_in_dim3A_3411, %broadcast_in_dim3A_3412 : vector<16xi1>, vector<16xf32>
      %broadcast_in_dim3A_3414 = vector.broadcast %squeeze3A_3402 : f32 to vector<16xf32>
      %broadcast_in_dim3A_3415 = vector.broadcast %squeeze3A_3404 : f32 to vector<16xf32>
      %select_n3A_3416 = arith.select %eq3A_47, %broadcast_in_dim3A_3414, %broadcast_in_dim3A_3415 : vector<16xi1>, vector<16xf32>
      %select_n3A_3417 = arith.select %lt3A_49, %select_n3A_3413, %select_n3A_3416 : vector<16xi1>, vector<16xf32>
      %swap3A_3418 = arith.index_cast %add3A_3410 : i32 to index
      %swap3A_3419 = arith.constant 0 : index
      %swap3A_3420 = tpu.vector_load %arg8[%swap3A_3418, %swap3A_3419] {strides = array<i32>} : memref<128x128xf32, #tpu.memory_space<vmem>>, vector<1x16xf32>,
      %swap3A_3421 = vector.shape_cast %swap3A_3420 : vector<1x16xf32> to vector<16xf32>
      %swap3A_3422 = vector.shape_cast %select_n3A_3417 : vector<16xf32> to vector<1x16xf32>
      tpu.vector_store %arg8[%swap3A_3418, %swap3A_3419], %swap3A_3422 {strides = array<i32>} : memref<128x128xf32, #tpu.memory_space<vmem>>, vector<1x16xf32>,
      %broadcast_in_dim3A_3423 = vector.broadcast %squeeze3A_3398 : f32 to vector<16xf32>
      %broadcast_in_dim3A_3424 = vector.broadcast %squeeze3A_3400 : f32 to vector<16xf32>
      %select_n3A_3425 = arith.select %eq3A_55, %broadcast_in_dim3A_3423, %broadcast_in_dim3A_3424 : vector<16xi1>, vector<16xf32>
      %broadcast_in_dim3A_3426 = vector.broadcast %squeeze3A_3402 : f32 to vector<16xf32>
      %broadcast_in_dim3A_3427 = vector.broadcast %squeeze3A_3404 : f32 to vector<16xf32>
      %select_n3A_3428 = arith.select %eq3A_58, %broadcast_in_dim3A_3426, %broadcast_in_dim3A_3427 : vector<16xi1>, vector<16xf32>
      %select_n3A_3429 = arith.select %lt3A_61, %select_n3A_3425, %select_n3A_3428 : vector<16xi1>, vector<16xf32>
      %swap3A_3430 = arith.index_cast %add3A_3410 : i32 to index
      %swap3A_3431 = arith.constant 16 : index
      %swap3A_3432 = tpu.vector_load %arg8[%swap3A_3430, %swap3A_3431] {strides = array<i32>} : memref<128x128xf32, #tpu.memory_space<vmem>>, vector<1x16xf32>,
      %swap3A_3433 = vector.shape_cast %swap3A_3432 : vector<1x16xf32> to vector<16xf32>
      %swap3A_3434 = vector.shape_cast %select_n3A_3429 : vector<16xf32> to vector<1x16xf32>
      tpu.vector_store %arg8[%swap3A_3430, %swap3A_3431], %swap3A_3434 {strides = array<i32>} : memref<128x128xf32, #tpu.memory_space<vmem>>, vector<1x16xf32>,
      %broadcast_in_dim3A_3435 = vector.broadcast %squeeze3A_3398 : f32 to vector<16xf32>
      %broadcast_in_dim3A_3436 = vector.broadcast %squeeze3A_3400 : f32 to vector<16xf32>
      %select_n3A_3437 = arith.select %eq3A_67, %broadcast_in_dim3A_3435, %broadcast_in_dim3A_3436 : vector<16xi1>, vector<16xf32>
      %broadcast_in_dim3A_3438 = vector.broadcast %squeeze3A_3402 : f32 to vector<16xf32>
      %broadcast_in_dim3A_3439 = vector.broadcast %squeeze3A_3404 : f32 to vector<16xf32>
      %select_n3A_3440 = arith.select %eq3A_70, %broadcast_in_dim3A_3438, %broadcast_in_dim3A_3439 : vector<16xi1>, vector<16xf32>
      %select_n3A_3441 = arith.select %lt3A_73, %select_n3A_3437, %select_n3A_3440 : vector<16xi1>, vector<16xf32>
      %swap3A_3442 = arith.index_cast %add3A_3410 : i32 to index
      %swap3A_3443 = arith.constant 32 : index
      %swap3A_3444 = tpu.vector_load %arg8[%swap3A_3442, %swap3A_3443] {strides = array<i32>} : memref<128x128xf32, #tpu.memory_space<vmem>>, vector<1x16xf32>,
      %swap3A_3445 = vector.shape_cast %swap3A_3444 : vector<1x16xf32> to vector<16xf32>
      %swap3A_3446 = vector.shape_cast %select_n3A_3441 : vector<16xf32> to vector<1x16xf32>
      tpu.vector_store %arg8[%swap3A_3442, %swap3A_3443], %swap3A_3446 {strides = array<i32>} : memref<128x128xf32, #tpu.memory_space<vmem>>, vector<1x16xf32>,
      %broadcast_in_dim3A_3447 = vector.broadcast %squeeze3A_3398 : f32 to vector<16xf32>
      %broadcast_in_dim3A_3448 = vector.broadcast %squeeze3A_3400 : f32 to vector<16xf32>
      %select_n3A_3449 = arith.select %eq3A_79, %broadcast_in_dim3A_3447, %broadcast_in_dim3A_3448 : vector<16xi1>, vector<16xf32>
      %broadcast_in_dim3A_3450 = vector.broadcast %squeeze3A_3402 : f32 to vector<16xf32>
      %broadcast_in_dim3A_3451 = vector.broadcast %squeeze3A_3404 : f32 to vector<16xf32>
      %select_n3A_3452 = arith.select %eq3A_82, %broadcast_in_dim3A_3450, %broadcast_in_dim3A_3451 : vector<16xi1>, vector<16xf32>
      %select_n3A_3453 = arith.select %lt3A_85, %select_n3A_3449, %select_n3A_3452 : vector<16xi1>, vector<16xf32>
      %swap3A_3454 = arith.index_cast %add3A_3410 : i32 to index
      %swap3A_3455 = arith.constant 48 : index
      %swap3A_3456 = tpu.vector_load %arg8[%swap3A_3454, %swap3A_3455] {strides = array<i32>} : memref<128x128xf32, #tpu.memory_space<vmem>>, vector<1x16xf32>,
      %swap3A_3457 = vector.shape_cast %swap3A_3456 : vector<1x16xf32> to vector<16xf32>
      %swap3A_3458 = vector.shape_cast %select_n3A_3453 : vector<16xf32> to vector<1x16xf32>
      tpu.vector_store %arg8[%swap3A_3454, %swap3A_3455], %swap3A_3458 {strides = array<i32>} : memref<128x128xf32, #tpu.memory_space<vmem>>, vector<1x16xf32>,
      %broadcast_in_dim3A_3459 = vector.broadcast %squeeze3A_3398 : f32 to vector<16xf32>
      %broadcast_in_dim3A_3460 = vector.broadcast %squeeze3A_3400 : f32 to vector<16xf32>
      %select_n3A_3461 = arith.select %eq3A_91, %broadcast_in_dim3A_3459, %broadcast_in_dim3A_3460 : vector<16xi1>, vector<16xf32>
      %broadcast_in_dim3A_3462 = vector.broadcast %squeeze3A_3402 : f32 to vector<16xf32>
      %broadcast_in_dim3A_3463 = vector.broadcast %squeeze3A_3404 : f32 to vector<16xf32>
      %select_n3A_3464 = arith.select %eq3A_94, %broadcast_in_dim3A_3462, %broadcast_in_dim3A_3463 : vector<16xi1>, vector<16xf32>
      %select_n3A_3465 = arith.select %lt3A_97, %select_n3A_3461, %select_n3A_3464 : vector<16xi1>, vector<16xf32>
      %swap3A_3466 = arith.index_cast %add3A_3410 : i32 to index
      %swap3A_3467 = arith.constant 64 : index
      %swap3A_3468 = tpu.vector_load %arg8[%swap3A_3466, %swap3A_3467] {strides = array<i32>} : memref<128x128xf32, #tpu.memory_space<vmem>>, vector<1x16xf32>,
      %swap3A_3469 = vector.shape_cast %swap3A_3468 : vector<1x16xf32> to vector<16xf32>
      %swap3A_3470 = vector.shape_cast %select_n3A_3465 : vector<16xf32> to vector<1x16xf32>
      tpu.vector_store %arg8[%swap3A_3466, %swap3A_3467], %swap3A_3470 {strides = array<i32>} : memref<128x128xf32, #tpu.memory_space<vmem>>, vector<1x16xf32>,
      %broadcast_in_dim3A_3471 = vector.broadcast %squeeze3A_3398 : f32 to vector<16xf32>
      %broadcast_in_dim3A_3472 = vector.broadcast %squeeze3A_3400 : f32 to vector<16xf32>
      %select_n3A_3473 = arith.select %eq3A_103, %broadcast_in_dim3A_3471, %broadcast_in_dim3A_3472 : vector<16xi1>, vector<16xf32>
      %broadcast_in_dim3A_3474 = vector.broadcast %squeeze3A_3402 : f32 to vector<16xf32>
      %broadcast_in_dim3A_3475 = vector.broadcast %squeeze3A_3404 : f32 to vector<16xf32>
      %select_n3A_3476 = arith.select %eq3A_106, %broadcast_in_dim3A_3474, %broadcast_in_dim3A_3475 : vector<16xi1>, vector<16xf32>
      %select_n3A_3477 = arith.select %lt3A_109, %select_n3A_3473, %select_n3A_3476 : vector<16xi1>, vector<16xf32>
      %swap3A_3478 = arith.index_cast %add3A_3410 : i32 to index
      %swap3A_3479 = arith.constant 80 : index
      %swap3A_3480 = tpu.vector_load %arg8[%swap3A_3478, %swap3A_3479] {strides = array<i32>} : memref<128x128xf32, #tpu.memory_space<vmem>>, vector<1x16xf32>,
      %swap3A_3481 = vector.shape_cast %swap3A_3480 : vector<1x16xf32> to vector<16xf32>
      %swap3A_3482 = vector.shape_cast %select_n3A_3477 : vector<16xf32> to vector<1x16xf32>
      tpu.vector_store %arg8[%swap3A_3478, %swap3A_3479], %swap3A_3482 {strides = array<i32>} : memref<128x128xf32, #tpu.memory_space<vmem>>, vector<1x16xf32>,
      %broadcast_in_dim3A_3483 = vector.broadcast %squeeze3A_3398 : f32 to vector<16xf32>
      %broadcast_in_dim3A_3484 = vector.broadcast %squeeze3A_3400 : f32 to vector<16xf32>
      %select_n3A_3485 = arith.select %eq3A_115, %broadcast_in_dim3A_3483, %broadcast_in_dim3A_3484 : vector<16xi1>, vector<16xf32>
      %broadcast_in_dim3A_3486 = vector.broadcast %squeeze3A_3402 : f32 to vector<16xf32>
      %broadcast_in_dim3A_3487 = vector.broadcast %squeeze3A_3404 : f32 to vector<16xf32>
      %select_n3A_3488 = arith.select %eq3A_118, %broadcast_in_dim3A_3486, %broadcast_in_dim3A_3487 : vector<16xi1>, vector<16xf32>
      %select_n3A_3489 = arith.select %lt3A_121, %select_n3A_3485, %select_n3A_3488 : vector<16xi1>, vector<16xf32>
      %swap3A_3490 = arith.index_cast %add3A_3410 : i32 to index
      %swap3A_3491 = arith.constant 96 : index
      %swap3A_3492 = tpu.vector_load %arg8[%swap3A_3490, %swap3A_3491] {strides = array<i32>} : memref<128x128xf32, #tpu.memory_space<vmem>>, vector<1x16xf32>,
      %swap3A_3493 = vector.shape_cast %swap3A_3492 : vector<1x16xf32> to vector<16xf32>
      %swap3A_3494 = vector.shape_cast %select_n3A_3489 : vector<16xf32> to vector<1x16xf32>
      tpu.vector_store %arg8[%swap3A_3490, %swap3A_3491], %swap3A_3494 {strides = array<i32>} : memref<128x128xf32, #tpu.memory_space<vmem>>, vector<1x16xf32>,
      %broadcast_in_dim3A_3495 = vector.broadcast %squeeze3A_3398 : f32 to vector<16xf32>
      %broadcast_in_dim3A_3496 = vector.broadcast %squeeze3A_3400 : f32 to vector<16xf32>
      %select_n3A_3497 = arith.select %eq3A_127, %broadcast_in_dim3A_3495, %broadcast_in_dim3A_3496 : vector<16xi1>, vector<16xf32>
      %broadcast_in_dim3A_3498 = vector.broadcast %squeeze3A_3402 : f32 to vector<16xf32>
      %broadcast_in_dim3A_3499 = vector.broadcast %squeeze3A_3404 : f32 to vector<16xf32>
      %select_n3A_3500 = arith.select %eq3A_130, %broadcast_in_dim3A_3498, %broadcast_in_dim3A_3499 : vector<16xi1>, vector<16xf32>
      %select_n3A_3501 = arith.select %lt3A_133, %select_n3A_3497, %select_n3A_3500 : vector<16xi1>, vector<16xf32>
      %swap3A_3502 = arith.index_cast %add3A_3410 : i32 to index
      %swap3A_3503 = arith.constant 112 : index
      %swap3A_3504 = tpu.vector_load %arg8[%swap3A_3502, %swap3A_3503] {strides = array<i32>} : memref<128x128xf32, #tpu.memory_space<vmem>>, vector<1x16xf32>,
      %swap3A_3505 = vector.shape_cast %swap3A_3504 : vector<1x16xf32> to vector<16xf32>
      %swap3A_3506 = vector.shape_cast %select_n3A_3501 : vector<16xf32> to vector<1x16xf32>
      tpu.vector_store %arg8[%swap3A_3502, %swap3A_3503], %swap3A_3506 {strides = array<i32>} : memref<128x128xf32, #tpu.memory_space<vmem>>, vector<1x16xf32>,
      %slice3A_3507 = vector.extract_strided_slice %get3A_1939 {offsets = [14], sizes = [1], strides = [1]} : vector<16xf32> to vector<1xf32>
      %squeeze3A_3508 = vector.extract %slice3A_3507[0] : f32 from vector<1xf32>
      %slice3A_3509 = vector.extract_strided_slice %get3A_1948 {offsets = [14], sizes = [1], strides = [1]} : vector<16xf32> to vector<1xf32>
      %squeeze3A_3510 = vector.extract %slice3A_3509[0] : f32 from vector<1xf32>
      %slice3A_3511 = vector.extract_strided_slice %get3A_1957 {offsets = [14], sizes = [1], strides = [1]} : vector<16xf32> to vector<1xf32>
      %squeeze3A_3512 = vector.extract %slice3A_3511[0] : f32 from vector<1xf32>
      %slice3A_3513 = vector.extract_strided_slice %get3A_1966 {offsets = [14], sizes = [1], strides = [1]} : vector<16xf32> to vector<1xf32>
      %squeeze3A_3514 = vector.extract %slice3A_3513[0] : f32 from vector<1xf32>
      %mul3A_3515 = arith.constant 16 : i32
      %mul3A_3516 = arith.muli %scan3A_139, %mul3A_3515 : i32
      %add3A_3517 = arith.constant 14 : i32
      %add3A_3518 = arith.addi %mul3A_3516, %add3A_3517 : i32
      %add3A_3519 = arith.constant 64 : i32
      %add3A_3520 = arith.addi %add3A_3518, %add3A_3519 : i32
      %broadcast_in_dim3A_3521 = vector.broadcast %squeeze3A_3508 : f32 to vector<16xf32>
      %broadcast_in_dim3A_3522 = vector.broadcast %squeeze3A_3510 : f32 to vector<16xf32>
      %select_n3A_3523 = arith.select %eq3A_44, %broadcast_in_dim3A_3521, %broadcast_in_dim3A_3522 : vector<16xi1>, vector<16xf32>
      %broadcast_in_dim3A_3524 = vector.broadcast %squeeze3A_3512 : f32 to vector<16xf32>
      %broadcast_in_dim3A_3525 = vector.broadcast %squeeze3A_3514 : f32 to vector<16xf32>
      %select_n3A_3526 = arith.select %eq3A_47, %broadcast_in_dim3A_3524, %broadcast_in_dim3A_3525 : vector<16xi1>, vector<16xf32>
      %select_n3A_3527 = arith.select %lt3A_49, %select_n3A_3523, %select_n3A_3526 : vector<16xi1>, vector<16xf32>
      %swap3A_3528 = arith.index_cast %add3A_3520 : i32 to index
      %swap3A_3529 = arith.constant 0 : index
      %swap3A_3530 = tpu.vector_load %arg8[%swap3A_3528, %swap3A_3529] {strides = array<i32>} : memref<128x128xf32, #tpu.memory_space<vmem>>, vector<1x16xf32>,
      %swap3A_3531 = vector.shape_cast %swap3A_3530 : vector<1x16xf32> to vector<16xf32>
      %swap3A_3532 = vector.shape_cast %select_n3A_3527 : vector<16xf32> to vector<1x16xf32>
      tpu.vector_store %arg8[%swap3A_3528, %swap3A_3529], %swap3A_3532 {strides = array<i32>} : memref<128x128xf32, #tpu.memory_space<vmem>>, vector<1x16xf32>,
      %broadcast_in_dim3A_3533 = vector.broadcast %squeeze3A_3508 : f32 to vector<16xf32>
      %broadcast_in_dim3A_3534 = vector.broadcast %squeeze3A_3510 : f32 to vector<16xf32>
      %select_n3A_3535 = arith.select %eq3A_55, %broadcast_in_dim3A_3533, %broadcast_in_dim3A_3534 : vector<16xi1>, vector<16xf32>
      %broadcast_in_dim3A_3536 = vector.broadcast %squeeze3A_3512 : f32 to vector<16xf32>
      %broadcast_in_dim3A_3537 = vector.broadcast %squeeze3A_3514 : f32 to vector<16xf32>
      %select_n3A_3538 = arith.select %eq3A_58, %broadcast_in_dim3A_3536, %broadcast_in_dim3A_3537 : vector<16xi1>, vector<16xf32>
      %select_n3A_3539 = arith.select %lt3A_61, %select_n3A_3535, %select_n3A_3538 : vector<16xi1>, vector<16xf32>
      %swap3A_3540 = arith.index_cast %add3A_3520 : i32 to index
      %swap3A_3541 = arith.constant 16 : index
      %swap3A_3542 = tpu.vector_load %arg8[%swap3A_3540, %swap3A_3541] {strides = array<i32>} : memref<128x128xf32, #tpu.memory_space<vmem>>, vector<1x16xf32>,
      %swap3A_3543 = vector.shape_cast %swap3A_3542 : vector<1x16xf32> to vector<16xf32>
      %swap3A_3544 = vector.shape_cast %select_n3A_3539 : vector<16xf32> to vector<1x16xf32>
      tpu.vector_store %arg8[%swap3A_3540, %swap3A_3541], %swap3A_3544 {strides = array<i32>} : memref<128x128xf32, #tpu.memory_space<vmem>>, vector<1x16xf32>,
      %broadcast_in_dim3A_3545 = vector.broadcast %squeeze3A_3508 : f32 to vector<16xf32>
      %broadcast_in_dim3A_3546 = vector.broadcast %squeeze3A_3510 : f32 to vector<16xf32>
      %select_n3A_3547 = arith.select %eq3A_67, %broadcast_in_dim3A_3545, %broadcast_in_dim3A_3546 : vector<16xi1>, vector<16xf32>
      %broadcast_in_dim3A_3548 = vector.broadcast %squeeze3A_3512 : f32 to vector<16xf32>
      %broadcast_in_dim3A_3549 = vector.broadcast %squeeze3A_3514 : f32 to vector<16xf32>
      %select_n3A_3550 = arith.select %eq3A_70, %broadcast_in_dim3A_3548, %broadcast_in_dim3A_3549 : vector<16xi1>, vector<16xf32>
      %select_n3A_3551 = arith.select %lt3A_73, %select_n3A_3547, %select_n3A_3550 : vector<16xi1>, vector<16xf32>
      %swap3A_3552 = arith.index_cast %add3A_3520 : i32 to index
      %swap3A_3553 = arith.constant 32 : index
      %swap3A_3554 = tpu.vector_load %arg8[%swap3A_3552, %swap3A_3553] {strides = array<i32>} : memref<128x128xf32, #tpu.memory_space<vmem>>, vector<1x16xf32>,
      %swap3A_3555 = vector.shape_cast %swap3A_3554 : vector<1x16xf32> to vector<16xf32>
      %swap3A_3556 = vector.shape_cast %select_n3A_3551 : vector<16xf32> to vector<1x16xf32>
      tpu.vector_store %arg8[%swap3A_3552, %swap3A_3553], %swap3A_3556 {strides = array<i32>} : memref<128x128xf32, #tpu.memory_space<vmem>>, vector<1x16xf32>,
      %broadcast_in_dim3A_3557 = vector.broadcast %squeeze3A_3508 : f32 to vector<16xf32>
      %broadcast_in_dim3A_3558 = vector.broadcast %squeeze3A_3510 : f32 to vector<16xf32>
      %select_n3A_3559 = arith.select %eq3A_79, %broadcast_in_dim3A_3557, %broadcast_in_dim3A_3558 : vector<16xi1>, vector<16xf32>
      %broadcast_in_dim3A_3560 = vector.broadcast %squeeze3A_3512 : f32 to vector<16xf32>
      %broadcast_in_dim3A_3561 = vector.broadcast %squeeze3A_3514 : f32 to vector<16xf32>
      %select_n3A_3562 = arith.select %eq3A_82, %broadcast_in_dim3A_3560, %broadcast_in_dim3A_3561 : vector<16xi1>, vector<16xf32>
      %select_n3A_3563 = arith.select %lt3A_85, %select_n3A_3559, %select_n3A_3562 : vector<16xi1>, vector<16xf32>
      %swap3A_3564 = arith.index_cast %add3A_3520 : i32 to index
      %swap3A_3565 = arith.constant 48 : index
      %swap3A_3566 = tpu.vector_load %arg8[%swap3A_3564, %swap3A_3565] {strides = array<i32>} : memref<128x128xf32, #tpu.memory_space<vmem>>, vector<1x16xf32>,
      %swap3A_3567 = vector.shape_cast %swap3A_3566 : vector<1x16xf32> to vector<16xf32>
      %swap3A_3568 = vector.shape_cast %select_n3A_3563 : vector<16xf32> to vector<1x16xf32>
      tpu.vector_store %arg8[%swap3A_3564, %swap3A_3565], %swap3A_3568 {strides = array<i32>} : memref<128x128xf32, #tpu.memory_space<vmem>>, vector<1x16xf32>,
      %broadcast_in_dim3A_3569 = vector.broadcast %squeeze3A_3508 : f32 to vector<16xf32>
      %broadcast_in_dim3A_3570 = vector.broadcast %squeeze3A_3510 : f32 to vector<16xf32>
      %select_n3A_3571 = arith.select %eq3A_91, %broadcast_in_dim3A_3569, %broadcast_in_dim3A_3570 : vector<16xi1>, vector<16xf32>
      %broadcast_in_dim3A_3572 = vector.broadcast %squeeze3A_3512 : f32 to vector<16xf32>
      %broadcast_in_dim3A_3573 = vector.broadcast %squeeze3A_3514 : f32 to vector<16xf32>
      %select_n3A_3574 = arith.select %eq3A_94, %broadcast_in_dim3A_3572, %broadcast_in_dim3A_3573 : vector<16xi1>, vector<16xf32>
      %select_n3A_3575 = arith.select %lt3A_97, %select_n3A_3571, %select_n3A_3574 : vector<16xi1>, vector<16xf32>
      %swap3A_3576 = arith.index_cast %add3A_3520 : i32 to index
      %swap3A_3577 = arith.constant 64 : index
      %swap3A_3578 = tpu.vector_load %arg8[%swap3A_3576, %swap3A_3577] {strides = array<i32>} : memref<128x128xf32, #tpu.memory_space<vmem>>, vector<1x16xf32>,
      %swap3A_3579 = vector.shape_cast %swap3A_3578 : vector<1x16xf32> to vector<16xf32>
      %swap3A_3580 = vector.shape_cast %select_n3A_3575 : vector<16xf32> to vector<1x16xf32>
      tpu.vector_store %arg8[%swap3A_3576, %swap3A_3577], %swap3A_3580 {strides = array<i32>} : memref<128x128xf32, #tpu.memory_space<vmem>>, vector<1x16xf32>,
      %broadcast_in_dim3A_3581 = vector.broadcast %squeeze3A_3508 : f32 to vector<16xf32>
      %broadcast_in_dim3A_3582 = vector.broadcast %squeeze3A_3510 : f32 to vector<16xf32>
      %select_n3A_3583 = arith.select %eq3A_103, %broadcast_in_dim3A_3581, %broadcast_in_dim3A_3582 : vector<16xi1>, vector<16xf32>
      %broadcast_in_dim3A_3584 = vector.broadcast %squeeze3A_3512 : f32 to vector<16xf32>
      %broadcast_in_dim3A_3585 = vector.broadcast %squeeze3A_3514 : f32 to vector<16xf32>
      %select_n3A_3586 = arith.select %eq3A_106, %broadcast_in_dim3A_3584, %broadcast_in_dim3A_3585 : vector<16xi1>, vector<16xf32>
      %select_n3A_3587 = arith.select %lt3A_109, %select_n3A_3583, %select_n3A_3586 : vector<16xi1>, vector<16xf32>
      %swap3A_3588 = arith.index_cast %add3A_3520 : i32 to index
      %swap3A_3589 = arith.constant 80 : index
      %swap3A_3590 = tpu.vector_load %arg8[%swap3A_3588, %swap3A_3589] {strides = array<i32>} : memref<128x128xf32, #tpu.memory_space<vmem>>, vector<1x16xf32>,
      %swap3A_3591 = vector.shape_cast %swap3A_3590 : vector<1x16xf32> to vector<16xf32>
      %swap3A_3592 = vector.shape_cast %select_n3A_3587 : vector<16xf32> to vector<1x16xf32>
      tpu.vector_store %arg8[%swap3A_3588, %swap3A_3589], %swap3A_3592 {strides = array<i32>} : memref<128x128xf32, #tpu.memory_space<vmem>>, vector<1x16xf32>,
      %broadcast_in_dim3A_3593 = vector.broadcast %squeeze3A_3508 : f32 to vector<16xf32>
      %broadcast_in_dim3A_3594 = vector.broadcast %squeeze3A_3510 : f32 to vector<16xf32>
      %select_n3A_3595 = arith.select %eq3A_115, %broadcast_in_dim3A_3593, %broadcast_in_dim3A_3594 : vector<16xi1>, vector<16xf32>
      %broadcast_in_dim3A_3596 = vector.broadcast %squeeze3A_3512 : f32 to vector<16xf32>
      %broadcast_in_dim3A_3597 = vector.broadcast %squeeze3A_3514 : f32 to vector<16xf32>
      %select_n3A_3598 = arith.select %eq3A_118, %broadcast_in_dim3A_3596, %broadcast_in_dim3A_3597 : vector<16xi1>, vector<16xf32>
      %select_n3A_3599 = arith.select %lt3A_121, %select_n3A_3595, %select_n3A_3598 : vector<16xi1>, vector<16xf32>
      %swap3A_3600 = arith.index_cast %add3A_3520 : i32 to index
      %swap3A_3601 = arith.constant 96 : index
      %swap3A_3602 = tpu.vector_load %arg8[%swap3A_3600, %swap3A_3601] {strides = array<i32>} : memref<128x128xf32, #tpu.memory_space<vmem>>, vector<1x16xf32>,
      %swap3A_3603 = vector.shape_cast %swap3A_3602 : vector<1x16xf32> to vector<16xf32>
      %swap3A_3604 = vector.shape_cast %select_n3A_3599 : vector<16xf32> to vector<1x16xf32>
      tpu.vector_store %arg8[%swap3A_3600, %swap3A_3601], %swap3A_3604 {strides = array<i32>} : memref<128x128xf32, #tpu.memory_space<vmem>>, vector<1x16xf32>,
      %broadcast_in_dim3A_3605 = vector.broadcast %squeeze3A_3508 : f32 to vector<16xf32>
      %broadcast_in_dim3A_3606 = vector.broadcast %squeeze3A_3510 : f32 to vector<16xf32>
      %select_n3A_3607 = arith.select %eq3A_127, %broadcast_in_dim3A_3605, %broadcast_in_dim3A_3606 : vector<16xi1>, vector<16xf32>
      %broadcast_in_dim3A_3608 = vector.broadcast %squeeze3A_3512 : f32 to vector<16xf32>
      %broadcast_in_dim3A_3609 = vector.broadcast %squeeze3A_3514 : f32 to vector<16xf32>
      %select_n3A_3610 = arith.select %eq3A_130, %broadcast_in_dim3A_3608, %broadcast_in_dim3A_3609 : vector<16xi1>, vector<16xf32>
      %select_n3A_3611 = arith.select %lt3A_133, %select_n3A_3607, %select_n3A_3610 : vector<16xi1>, vector<16xf32>
      %swap3A_3612 = arith.index_cast %add3A_3520 : i32 to index
      %swap3A_3613 = arith.constant 112 : index
      %swap3A_3614 = tpu.vector_load %arg8[%swap3A_3612, %swap3A_3613] {strides = array<i32>} : memref<128x128xf32, #tpu.memory_space<vmem>>, vector<1x16xf32>,
      %swap3A_3615 = vector.shape_cast %swap3A_3614 : vector<1x16xf32> to vector<16xf32>
      %swap3A_3616 = vector.shape_cast %select_n3A_3611 : vector<16xf32> to vector<1x16xf32>
      tpu.vector_store %arg8[%swap3A_3612, %swap3A_3613], %swap3A_3616 {strides = array<i32>} : memref<128x128xf32, #tpu.memory_space<vmem>>, vector<1x16xf32>,
      %slice3A_3617 = vector.extract_strided_slice %get3A_1939 {offsets = [15], sizes = [1], strides = [1]} : vector<16xf32> to vector<1xf32>
      %squeeze3A_3618 = vector.extract %slice3A_3617[0] : f32 from vector<1xf32>
      %slice3A_3619 = vector.extract_strided_slice %get3A_1948 {offsets = [15], sizes = [1], strides = [1]} : vector<16xf32> to vector<1xf32>
      %squeeze3A_3620 = vector.extract %slice3A_3619[0] : f32 from vector<1xf32>
      %slice3A_3621 = vector.extract_strided_slice %get3A_1957 {offsets = [15], sizes = [1], strides = [1]} : vector<16xf32> to vector<1xf32>
      %squeeze3A_3622 = vector.extract %slice3A_3621[0] : f32 from vector<1xf32>
      %slice3A_3623 = vector.extract_strided_slice %get3A_1966 {offsets = [15], sizes = [1], strides = [1]} : vector<16xf32> to vector<1xf32>
      %squeeze3A_3624 = vector.extract %slice3A_3623[0] : f32 from vector<1xf32>
      %mul3A_3625 = arith.constant 16 : i32
      %mul3A_3626 = arith.muli %scan3A_139, %mul3A_3625 : i32
      %add3A_3627 = arith.constant 15 : i32
      %add3A_3628 = arith.addi %mul3A_3626, %add3A_3627 : i32
      %add3A_3629 = arith.constant 64 : i32
      %add3A_3630 = arith.addi %add3A_3628, %add3A_3629 : i32
      %broadcast_in_dim3A_3631 = vector.broadcast %squeeze3A_3618 : f32 to vector<16xf32>
      %broadcast_in_dim3A_3632 = vector.broadcast %squeeze3A_3620 : f32 to vector<16xf32>
      %select_n3A_3633 = arith.select %eq3A_44, %broadcast_in_dim3A_3631, %broadcast_in_dim3A_3632 : vector<16xi1>, vector<16xf32>
      %broadcast_in_dim3A_3634 = vector.broadcast %squeeze3A_3622 : f32 to vector<16xf32>
      %broadcast_in_dim3A_3635 = vector.broadcast %squeeze3A_3624 : f32 to vector<16xf32>
      %select_n3A_3636 = arith.select %eq3A_47, %broadcast_in_dim3A_3634, %broadcast_in_dim3A_3635 : vector<16xi1>, vector<16xf32>
      %select_n3A_3637 = arith.select %lt3A_49, %select_n3A_3633, %select_n3A_3636 : vector<16xi1>, vector<16xf32>
      %swap3A_3638 = arith.index_cast %add3A_3630 : i32 to index
      %swap3A_3639 = arith.constant 0 : index
      %swap3A_3640 = tpu.vector_load %arg8[%swap3A_3638, %swap3A_3639] {strides = array<i32>} : memref<128x128xf32, #tpu.memory_space<vmem>>, vector<1x16xf32>,
      %swap3A_3641 = vector.shape_cast %swap3A_3640 : vector<1x16xf32> to vector<16xf32>
      %swap3A_3642 = vector.shape_cast %select_n3A_3637 : vector<16xf32> to vector<1x16xf32>
      tpu.vector_store %arg8[%swap3A_3638, %swap3A_3639], %swap3A_3642 {strides = array<i32>} : memref<128x128xf32, #tpu.memory_space<vmem>>, vector<1x16xf32>,
      %broadcast_in_dim3A_3643 = vector.broadcast %squeeze3A_3618 : f32 to vector<16xf32>
      %broadcast_in_dim3A_3644 = vector.broadcast %squeeze3A_3620 : f32 to vector<16xf32>
      %select_n3A_3645 = arith.select %eq3A_55, %broadcast_in_dim3A_3643, %broadcast_in_dim3A_3644 : vector<16xi1>, vector<16xf32>
      %broadcast_in_dim3A_3646 = vector.broadcast %squeeze3A_3622 : f32 to vector<16xf32>
      %broadcast_in_dim3A_3647 = vector.broadcast %squeeze3A_3624 : f32 to vector<16xf32>
      %select_n3A_3648 = arith.select %eq3A_58, %broadcast_in_dim3A_3646, %broadcast_in_dim3A_3647 : vector<16xi1>, vector<16xf32>
      %select_n3A_3649 = arith.select %lt3A_61, %select_n3A_3645, %select_n3A_3648 : vector<16xi1>, vector<16xf32>
      %swap3A_3650 = arith.index_cast %add3A_3630 : i32 to index
      %swap3A_3651 = arith.constant 16 : index
      %swap3A_3652 = tpu.vector_load %arg8[%swap3A_3650, %swap3A_3651] {strides = array<i32>} : memref<128x128xf32, #tpu.memory_space<vmem>>, vector<1x16xf32>,
      %swap3A_3653 = vector.shape_cast %swap3A_3652 : vector<1x16xf32> to vector<16xf32>
      %swap3A_3654 = vector.shape_cast %select_n3A_3649 : vector<16xf32> to vector<1x16xf32>
      tpu.vector_store %arg8[%swap3A_3650, %swap3A_3651], %swap3A_3654 {strides = array<i32>} : memref<128x128xf32, #tpu.memory_space<vmem>>, vector<1x16xf32>,
      %broadcast_in_dim3A_3655 = vector.broadcast %squeeze3A_3618 : f32 to vector<16xf32>
      %broadcast_in_dim3A_3656 = vector.broadcast %squeeze3A_3620 : f32 to vector<16xf32>
      %select_n3A_3657 = arith.select %eq3A_67, %broadcast_in_dim3A_3655, %broadcast_in_dim3A_3656 : vector<16xi1>, vector<16xf32>
      %broadcast_in_dim3A_3658 = vector.broadcast %squeeze3A_3622 : f32 to vector<16xf32>
      %broadcast_in_dim3A_3659 = vector.broadcast %squeeze3A_3624 : f32 to vector<16xf32>
      %select_n3A_3660 = arith.select %eq3A_70, %broadcast_in_dim3A_3658, %broadcast_in_dim3A_3659 : vector<16xi1>, vector<16xf32>
      %select_n3A_3661 = arith.select %lt3A_73, %select_n3A_3657, %select_n3A_3660 : vector<16xi1>, vector<16xf32>
      %swap3A_3662 = arith.index_cast %add3A_3630 : i32 to index
      %swap3A_3663 = arith.constant 32 : index
      %swap3A_3664 = tpu.vector_load %arg8[%swap3A_3662, %swap3A_3663] {strides = array<i32>} : memref<128x128xf32, #tpu.memory_space<vmem>>, vector<1x16xf32>,
      %swap3A_3665 = vector.shape_cast %swap3A_3664 : vector<1x16xf32> to vector<16xf32>
      %swap3A_3666 = vector.shape_cast %select_n3A_3661 : vector<16xf32> to vector<1x16xf32>
      tpu.vector_store %arg8[%swap3A_3662, %swap3A_3663], %swap3A_3666 {strides = array<i32>} : memref<128x128xf32, #tpu.memory_space<vmem>>, vector<1x16xf32>,
      %broadcast_in_dim3A_3667 = vector.broadcast %squeeze3A_3618 : f32 to vector<16xf32>
      %broadcast_in_dim3A_3668 = vector.broadcast %squeeze3A_3620 : f32 to vector<16xf32>
      %select_n3A_3669 = arith.select %eq3A_79, %broadcast_in_dim3A_3667, %broadcast_in_dim3A_3668 : vector<16xi1>, vector<16xf32>
      %broadcast_in_dim3A_3670 = vector.broadcast %squeeze3A_3622 : f32 to vector<16xf32>
      %broadcast_in_dim3A_3671 = vector.broadcast %squeeze3A_3624 : f32 to vector<16xf32>
      %select_n3A_3672 = arith.select %eq3A_82, %broadcast_in_dim3A_3670, %broadcast_in_dim3A_3671 : vector<16xi1>, vector<16xf32>
      %select_n3A_3673 = arith.select %lt3A_85, %select_n3A_3669, %select_n3A_3672 : vector<16xi1>, vector<16xf32>
      %swap3A_3674 = arith.index_cast %add3A_3630 : i32 to index
      %swap3A_3675 = arith.constant 48 : index
      %swap3A_3676 = tpu.vector_load %arg8[%swap3A_3674, %swap3A_3675] {strides = array<i32>} : memref<128x128xf32, #tpu.memory_space<vmem>>, vector<1x16xf32>,
      %swap3A_3677 = vector.shape_cast %swap3A_3676 : vector<1x16xf32> to vector<16xf32>
      %swap3A_3678 = vector.shape_cast %select_n3A_3673 : vector<16xf32> to vector<1x16xf32>
      tpu.vector_store %arg8[%swap3A_3674, %swap3A_3675], %swap3A_3678 {strides = array<i32>} : memref<128x128xf32, #tpu.memory_space<vmem>>, vector<1x16xf32>,
      %broadcast_in_dim3A_3679 = vector.broadcast %squeeze3A_3618 : f32 to vector<16xf32>
      %broadcast_in_dim3A_3680 = vector.broadcast %squeeze3A_3620 : f32 to vector<16xf32>
      %select_n3A_3681 = arith.select %eq3A_91, %broadcast_in_dim3A_3679, %broadcast_in_dim3A_3680 : vector<16xi1>, vector<16xf32>
      %broadcast_in_dim3A_3682 = vector.broadcast %squeeze3A_3622 : f32 to vector<16xf32>
      %broadcast_in_dim3A_3683 = vector.broadcast %squeeze3A_3624 : f32 to vector<16xf32>
      %select_n3A_3684 = arith.select %eq3A_94, %broadcast_in_dim3A_3682, %broadcast_in_dim3A_3683 : vector<16xi1>, vector<16xf32>
      %select_n3A_3685 = arith.select %lt3A_97, %select_n3A_3681, %select_n3A_3684 : vector<16xi1>, vector<16xf32>
      %swap3A_3686 = arith.index_cast %add3A_3630 : i32 to index
      %swap3A_3687 = arith.constant 64 : index
      %swap3A_3688 = tpu.vector_load %arg8[%swap3A_3686, %swap3A_3687] {strides = array<i32>} : memref<128x128xf32, #tpu.memory_space<vmem>>, vector<1x16xf32>,
      %swap3A_3689 = vector.shape_cast %swap3A_3688 : vector<1x16xf32> to vector<16xf32>
      %swap3A_3690 = vector.shape_cast %select_n3A_3685 : vector<16xf32> to vector<1x16xf32>
      tpu.vector_store %arg8[%swap3A_3686, %swap3A_3687], %swap3A_3690 {strides = array<i32>} : memref<128x128xf32, #tpu.memory_space<vmem>>, vector<1x16xf32>,
      %broadcast_in_dim3A_3691 = vector.broadcast %squeeze3A_3618 : f32 to vector<16xf32>
      %broadcast_in_dim3A_3692 = vector.broadcast %squeeze3A_3620 : f32 to vector<16xf32>
      %select_n3A_3693 = arith.select %eq3A_103, %broadcast_in_dim3A_3691, %broadcast_in_dim3A_3692 : vector<16xi1>, vector<16xf32>
      %broadcast_in_dim3A_3694 = vector.broadcast %squeeze3A_3622 : f32 to vector<16xf32>
      %broadcast_in_dim3A_3695 = vector.broadcast %squeeze3A_3624 : f32 to vector<16xf32>
      %select_n3A_3696 = arith.select %eq3A_106, %broadcast_in_dim3A_3694, %broadcast_in_dim3A_3695 : vector<16xi1>, vector<16xf32>
      %select_n3A_3697 = arith.select %lt3A_109, %select_n3A_3693, %select_n3A_3696 : vector<16xi1>, vector<16xf32>
      %swap3A_3698 = arith.index_cast %add3A_3630 : i32 to index
      %swap3A_3699 = arith.constant 80 : index
      %swap3A_3700 = tpu.vector_load %arg8[%swap3A_3698, %swap3A_3699] {strides = array<i32>} : memref<128x128xf32, #tpu.memory_space<vmem>>, vector<1x16xf32>,
      %swap3A_3701 = vector.shape_cast %swap3A_3700 : vector<1x16xf32> to vector<16xf32>
      %swap3A_3702 = vector.shape_cast %select_n3A_3697 : vector<16xf32> to vector<1x16xf32>
      tpu.vector_store %arg8[%swap3A_3698, %swap3A_3699], %swap3A_3702 {strides = array<i32>} : memref<128x128xf32, #tpu.memory_space<vmem>>, vector<1x16xf32>,
      %broadcast_in_dim3A_3703 = vector.broadcast %squeeze3A_3618 : f32 to vector<16xf32>
      %broadcast_in_dim3A_3704 = vector.broadcast %squeeze3A_3620 : f32 to vector<16xf32>
      %select_n3A_3705 = arith.select %eq3A_115, %broadcast_in_dim3A_3703, %broadcast_in_dim3A_3704 : vector<16xi1>, vector<16xf32>
      %broadcast_in_dim3A_3706 = vector.broadcast %squeeze3A_3622 : f32 to vector<16xf32>
      %broadcast_in_dim3A_3707 = vector.broadcast %squeeze3A_3624 : f32 to vector<16xf32>
      %select_n3A_3708 = arith.select %eq3A_118, %broadcast_in_dim3A_3706, %broadcast_in_dim3A_3707 : vector<16xi1>, vector<16xf32>
      %select_n3A_3709 = arith.select %lt3A_121, %select_n3A_3705, %select_n3A_3708 : vector<16xi1>, vector<16xf32>
      %swap3A_3710 = arith.index_cast %add3A_3630 : i32 to index
      %swap3A_3711 = arith.constant 96 : index
      %swap3A_3712 = tpu.vector_load %arg8[%swap3A_3710, %swap3A_3711] {strides = array<i32>} : memref<128x128xf32, #tpu.memory_space<vmem>>, vector<1x16xf32>,
      %swap3A_3713 = vector.shape_cast %swap3A_3712 : vector<1x16xf32> to vector<16xf32>
      %swap3A_3714 = vector.shape_cast %select_n3A_3709 : vector<16xf32> to vector<1x16xf32>
      tpu.vector_store %arg8[%swap3A_3710, %swap3A_3711], %swap3A_3714 {strides = array<i32>} : memref<128x128xf32, #tpu.memory_space<vmem>>, vector<1x16xf32>,
      %broadcast_in_dim3A_3715 = vector.broadcast %squeeze3A_3618 : f32 to vector<16xf32>
      %broadcast_in_dim3A_3716 = vector.broadcast %squeeze3A_3620 : f32 to vector<16xf32>
      %select_n3A_3717 = arith.select %eq3A_127, %broadcast_in_dim3A_3715, %broadcast_in_dim3A_3716 : vector<16xi1>, vector<16xf32>
      %broadcast_in_dim3A_3718 = vector.broadcast %squeeze3A_3622 : f32 to vector<16xf32>
      %broadcast_in_dim3A_3719 = vector.broadcast %squeeze3A_3624 : f32 to vector<16xf32>
      %select_n3A_3720 = arith.select %eq3A_130, %broadcast_in_dim3A_3718, %broadcast_in_dim3A_3719 : vector<16xi1>, vector<16xf32>
      %select_n3A_3721 = arith.select %lt3A_133, %select_n3A_3717, %select_n3A_3720 : vector<16xi1>, vector<16xf32>
      %swap3A_3722 = arith.index_cast %add3A_3630 : i32 to index
      %swap3A_3723 = arith.constant 112 : index
      %swap3A_3724 = tpu.vector_load %arg8[%swap3A_3722, %swap3A_3723] {strides = array<i32>} : memref<128x128xf32, #tpu.memory_space<vmem>>, vector<1x16xf32>,
      %swap3A_3725 = vector.shape_cast %swap3A_3724 : vector<1x16xf32> to vector<16xf32>
      %swap3A_3726 = vector.shape_cast %select_n3A_3721 : vector<16xf32> to vector<1x16xf32>
      tpu.vector_store %arg8[%swap3A_3722, %swap3A_3723], %swap3A_3726 {strides = array<i32>} : memref<128x128xf32, #tpu.memory_space<vmem>>, vector<1x16xf32>,
    }
    %scan3A_138 = arith.constant 4 : i32
    "tpu.region"() ({
      %run_scoped3A = tpu.sem_alloc : memref<!tpu.dma_semaphore, #tpu.memory_space<semaphore_mem>>
      %dma_start3A_139 = arith.constant 0 : i32
      %dma_start3A_140 = arith.constant 0 : i32
      %dma_start3A_141 = tpu.memref_slice %arg5[%add3A, %dma_start3A_139, %dma_start3A_140] : memref<32x128x128xf32, #tpu.memory_space<hbm>> -> memref<1x128x128xf32, #tpu.memory_space<hbm>>
      %dma_start3A_142 = tpu.memref_squeeze %dma_start3A_141 : memref<1x128x128xf32, #tpu.memory_space<hbm>> -> memref<128x128xf32, #tpu.memory_space<hbm>>
      %dma_start3A_143 = arith.constant 0 : i32
      %dma_start3A_144 = arith.constant 0 : i32
      %dma_start3A_145 = tpu.memref_slice %arg5[%add3A, %dma_start3A_143, %dma_start3A_144] : memref<32x128x128xf32, #tpu.memory_space<hbm>> -> memref<1x128x128xf32, #tpu.memory_space<hbm>>
      %dma_start3A_146 = tpu.memref_squeeze %dma_start3A_145 : memref<1x128x128xf32, #tpu.memory_space<hbm>> -> memref<128x128xf32, #tpu.memory_space<hbm>>
      tpu.enqueue_dma source(%arg8 : memref<128x128xf32, #tpu.memory_space<vmem>>) target(%dma_start3A_146 : memref<128x128xf32, #tpu.memory_space<hbm>>) target_semaphore(%run_scoped3A : memref<!tpu.dma_semaphore, #tpu.memory_space<semaphore_mem>>)
      %dma_wait3A_147 = arith.constant 0 : i32
      %dma_wait3A_148 = arith.constant 0 : i32
      %dma_wait3A_149 = tpu.memref_slice %arg5[%add3A, %dma_wait3A_147, %dma_wait3A_148] : memref<32x128x128xf32, #tpu.memory_space<hbm>> -> memref<1x128x128xf32, #tpu.memory_space<hbm>>
      %dma_wait3A_150 = tpu.memref_squeeze %dma_wait3A_149 : memref<1x128x128xf32, #tpu.memory_space<hbm>> -> memref<128x128xf32, #tpu.memory_space<hbm>>
      %dma_wait3A_151 = arith.constant 0 : i32
      %dma_wait3A_152 = arith.constant 0 : i32
      %dma_wait3A_153 = tpu.memref_slice %arg5[%add3A, %dma_wait3A_151, %dma_wait3A_152] : memref<32x128x128xf32, #tpu.memory_space<hbm>> -> memref<1x128x128xf32, #tpu.memory_space<hbm>>
      %dma_wait3A_154 = tpu.memref_squeeze %dma_wait3A_153 : memref<1x128x128xf32, #tpu.memory_space<hbm>> -> memref<128x128xf32, #tpu.memory_space<hbm>>
      tpu.wait_dma2 semaphore(%run_scoped3A : memref<!tpu.dma_semaphore, #tpu.memory_space<semaphore_mem>>) src(%arg8 : memref<128x128xf32, #tpu.memory_space<vmem>>) dst(%dma_wait3A_154 : memref<128x128xf32, #tpu.memory_space<hbm>>)
      tpu.yield
    }) : () -> ()
    return
  }
}

module attributes {stable_mosaic.version = 14 : i64} {
  func.func @_film_body(%arg0: i32, %arg1: i32, %arg2: memref<1x128x128xf32, #tpu.memory_space<vmem>>, %arg3: memref<200x64x128xf32, #tpu.memory_space<vmem>>, %arg4: memref<200x64x128xf32, #tpu.memory_space<vmem>>) attributes {dimension_semantics = [#tpu.dimension_semantics<parallel>, #tpu.dimension_semantics<parallel>], iteration_bounds = array<i64: 32, 1>, scalar_prefetch = 0 : i64, scratch_operands = 0 : i64, tpu.core_type = #tpu.core_type<tc>, window_params = [{transform_indices = @transform_0, window_bounds = array<i64: 1, 128, 128>}, {transform_indices = @transform_1, window_bounds = array<i64: 200, 64, 128>}, {transform_indices = @transform_2, window_bounds = array<i64: 200, 64, 128>}]} {
    %get3A = arith.constant 0 : index
    %get3A_0 = arith.constant 0 : index
    %get3A_1 = arith.constant 0 : index
    %get3A_2 = vector.load %arg2[%get3A, %get3A_0, %get3A_1] : memref<1x128x128xf32, #tpu.memory_space<vmem>>, vector<1x64x128xf32>
    %get3A_3 = vector.shape_cast %get3A_2 : vector<1x64x128xf32> to vector<64x128xf32>
    %get3A_4 = arith.constant 0 : index
    %get3A_5 = arith.constant 64 : index
    %get3A_6 = arith.constant 0 : index
    %get3A_7 = vector.load %arg2[%get3A_4, %get3A_5, %get3A_6] : memref<1x128x128xf32, #tpu.memory_space<vmem>>, vector<1x64x128xf32>
    %get3A_8 = vector.shape_cast %get3A_7 : vector<1x64x128xf32> to vector<64x128xf32>
    %get3A_9 = arith.constant 0 : index
    %get3A_10 = arith.constant 0 : index
    %get3A_11 = arith.constant 0 : index
    %get3A_12 = vector.load %arg3[%get3A_9, %get3A_10, %get3A_11] : memref<200x64x128xf32, #tpu.memory_space<vmem>>, vector<200x64x128xf32>
    %broadcast_in_dim3A = vector.shape_cast %get3A_3 : vector<64x128xf32> to vector<1x64x128xf32>
    %mul3A = vector.broadcast %broadcast_in_dim3A : vector<1x64x128xf32> to vector<200x64x128xf32>
    %mul3A_13 = arith.mulf %get3A_12, %mul3A : vector<200x64x128xf32>
    %broadcast_in_dim3A_14 = vector.shape_cast %get3A_8 : vector<64x128xf32> to vector<1x64x128xf32>
    %add3A = vector.broadcast %broadcast_in_dim3A_14 : vector<1x64x128xf32> to vector<200x64x128xf32>
    %add3A_15 = arith.addf %mul3A_13, %add3A : vector<200x64x128xf32>
    %swap3A = arith.constant 0 : index
    %swap3A_16 = arith.constant 0 : index
    %swap3A_17 = arith.constant 0 : index
    %swap3A_18 = vector.load %arg4[%swap3A, %swap3A_16, %swap3A_17] : memref<200x64x128xf32, #tpu.memory_space<vmem>>, vector<200x64x128xf32>
    tpu.vector_store %arg4[%swap3A, %swap3A_16, %swap3A_17], %add3A_15 {strides = array<i32>} : memref<200x64x128xf32, #tpu.memory_space<vmem>>, vector<200x64x128xf32>,
    return
  }
  func.func @transform_0(%arg0: i32, %arg1: i32) -> (i32, i32, i32) {
    %c0_i32 = arith.constant 0 : i32
    %c0_i32_0 = arith.constant 0 : i32
    %c0_i32_1 = arith.constant 0 : i32
    return %arg0, %c0_i32, %c0_i32_0 : i32, i32, i32
  }
  func.func @transform_1(%arg0: i32, %arg1: i32) -> (i32, i32, i32) {
    %c0_i32 = arith.constant 0 : i32
    %c0_i32_0 = arith.constant 0 : i32
    return %arg1, %c0_i32, %arg0 : i32, i32, i32
  }
  func.func @transform_2(%arg0: i32, %arg1: i32) -> (i32, i32, i32) {
    %c0_i32 = arith.constant 0 : i32
    %c0_i32_0 = arith.constant 0 : i32
    return %arg1, %c0_i32, %arg0 : i32, i32, i32
  }
}

</mosaic_0001>

<sc_bundles>
// kernel: kernel.4.cloned.1.call-start
scs
__scs_entry_jumppad:
0x0: {  	(pc) =	sbr.rel $0x88, $3  }
0x1: {  	(tag) =	ssettag $0x0;
	lr =	simm.s32 $0x1  }
0x2: {  	[smem:$0x3F9D] =	sst lr;
	_ =	strace $0xD0000000  }
0x3: {  	_ = 	snop  }
0x4: {  	_ = 	snop  }
0x5: {  	_ = 	snop  }
0x6: {  	_ = 	snop  }
0x7: {  	_ = 	snop  }
__scs_overlays_trampoline_lowered:
0x8: {  	[smem:$0x3FAC] =	sst s0  }
0x9: {  	[smem:$0x3FAD] =	sst s1  }
0xa: {  	[smem:$0x3FAE] =	sst s2  }
0xb: {  	[smem:$0x3FAF] =	sst s3  }
0xc: {  	[smem:$0x3FB0] =	sst s4  }
0xd: {  	[smem:$0x3FB1] =	sst s5  }
0xe: {  	[smem:$0x3FB2] =	sst s6  }
0xf: {  	[smem:$0x3FB3] =	sst s7  }
0x10: {  	[smem:$0x3FB4] =	sst s8  }
0x11: {  	[smem:$0x3FB5] =	sst s9;
	s0 =	simm.s32 @!p0 $0x0  }
0x12: {  	s1 =	sld [smem:$0x3F9B];
	s0 =	simm.s32 @p0 $0x1  }
0x13: {  	[smem:$0x3FB6] =	sst s0;
	s0 =	simm.s32 @!p1 $0x0  }
0x14: {  	s2 =	sld [smem:$0x3F9A];
	s0 =	simm.s32 @p1 $0x1  }
0x15: {  	[smem:$0x3FB7] =	sst s0;
	s0 =	simm.s32 @!p2 $0x0  }
0x16: {  	s3 =	sld [smem:$0x3FDB];
	s0 =	simm.s32 @p2 $0x1  }
0x17: {  	s4 =	simm.s32 $0x1BF5;
	[smem:$0x3FB9] =	sst s0  }
0x18: {  	s0 =	sld [smem:$0x3F9C];
	_ =	swait.ge [sflag:s4], $0x0  }
0x19: {  	s7 =	sld [smem:$0x3F9D]  }
0x1a: {  	s8 =	sadd.s32 $0xFFFFE003, lr  }
0x1b: {  	s9 =	sadd.s32 $0xFFFFFEF7, lr;
	s5 =	simm.s32 $0xFFFFFFFF;
	p2 =	slt.u32 s8, $0xFFFFF086  }
0x1c: {  	p1 =	slt.u32 s9, $0xF7A;
	s5 =	simm.s32 @!p2 $0x0  }
0x1d: {  	s5 =	simm.s32 @p1 $0x1;
	p0 =	seq.s32 s7, s2  }
0x1e: {  	s7 =	smul.u32 @!p0 $0xF7A, s2;
	p2 =	seq.s32 @!p0 s5, $0x0  }
0x1f: {  	s9 =	smul.u32 $0xF7A, s1;
	s8 =	simm.s32 @!p0 $0x1BF5;
	p2 =	por !p2, p0  }
0x20: {  	[sflag:s8] =	ssyncset.s32 @!p0 $0xFFFFF086;
	s6 =	sadd.s32 @!p0 s3, s7;
	s7 =	simm.s32 @!p0 $0x108  }
0x21: {  	s3 =	sadd.s32 s3, s9;
	s6 =	sadd.s32 @!p0 $0x88, s6;
	s7 =	simm.s32 @p2 $0x1082  }
0x22: {  	[simem:s7], [sflag:s8] =	dma.local @!p0 [hbm:s6], $0xF7A  }
0x23: {  	s9 =	sor.u32 $0xD0000000, s2;
	s6 =	simm.s32 $0x108;
	_ =	swait.ge @!p0 [sflag:s8], $0x0  }
0x24: {  	s3 =	sadd.s32 $0x88, s3;
	s6 =	simm.s32 @!p1 $0x1082;
	[sflag:s4] =	ssyncset.s32 $0xFFFFF086  }
0x25: {  	[simem:s6], [sflag:s4] =	dma.local [hbm:s3], $0xF7A  }
0x26: {  	[smem:$0x3F9D] =	sst s1;
	(tag) =	ssettag s2;
	_ =	strace s9  }
0x27: {  	s1 =	sld [smem:$0x3FAD]  }
0x28: {  	s2 =	sld [smem:$0x3FAE]  }
0x29: {  	s4 =	sld [smem:$0x3FB0]  }
0x2a: {  	p0 =	seq.s32 s5, $0x0;
	s5 =	sld [smem:$0x3FB1]  }
0x2b: {  	s6 =	sld [smem:$0x3FB2]  }
0x2c: {  	s7 =	sld [smem:$0x3FB3]  }
0x2d: {  	s3 =	simm.s32 $0x108;
	s8 =	sld [smem:$0x3FB4]  }
0x2e: {  	s3 =	simm.s32 @!p0 $0x1082;
	s9 =	sld [smem:$0x3FB5]  }
0x2f: {  	lr =	sadd.s32 s0, s3;
	s0 =	sld [smem:$0x3FAC]  }
0x30: {  	s3 =	sld [smem:$0x3FAF]  }
0x31: {  	[smem:$0x3FB8] =	sst s10  }
0x32: {  	s10 =	sld [smem:$0x3FB6];
	_ =	sdelay $0x3  }
0x33: {  	p0 =	seq.s32 s10, $0x1;
	s10 =	sld [smem:$0x3FB8];
	_ =	sdelay $0x3  }
0x34: {  	[smem:$0x3FB8] =	sst s10  }
0x35: {  	s10 =	sld [smem:$0x3FB7];
	_ =	sdelay $0x3  }
0x36: {  	p1 =	seq.s32 s10, $0x1;
	s10 =	sld [smem:$0x3FB8];
	_ =	sdelay $0x3  }
0x37: {  	[smem:$0x3FB8] =	sst s10  }
0x38: {  	s10 =	sld [smem:$0x3FB9]  }
0x39: {  	_ = 	snop;
	(pc) =	sbr.ind lr, $3  }
0x3a: {  	_ = 	snop  }
0x3b: {  	_ = 	snop  }
0x3c: {  	p2 =	seq.s32 s10, $0x1;
	s10 =	sld [smem:$0x3FB8]  }
0x3d: {  	_ =	shalt  }
0x3e: {  	_ =	shalt  }
0x3f: {  	_ =	shalt  }
0x40: {  	_ =	shalt  }
0x41: {  	_ =	shalt  }
0x42: {  	_ =	shalt  }
0x43: {  	_ =	shalt  }
0x44: {  	_ =	shalt  }
0x45: {  	_ =	shalt  }
0x46: {  	_ =	shalt  }
0x47: {  	_ =	shalt  }
0x48: {  	_ =	shalt  }
0x49: {  	_ =	shalt  }
0x4a: {  	_ =	shalt  }
0x4b: {  	_ =	shalt  }
0x4c: {  	_ =	shalt  }
0x4d: {  	_ =	shalt  }
0x4e: {  	_ =	shalt  }
0x4f: {  	_ =	shalt  }
0x50: {  	_ =	shalt  }
0x51: {  	_ =	shalt  }
0x52: {  	_ =	shalt  }
0x53: {  	_ =	shalt  }
0x54: {  	_ =	shalt  }
0x55: {  	_ =	shalt  }
0x56: {  	_ =	shalt  }
0x57: {  	_ =	shalt  }
0x58: {  	_ =	shalt  }
0x59: {  	_ =	shalt  }
0x5a: {  	_ =	shalt  }
0x5b: {  	_ =	shalt  }
0x5c: {  	_ =	shalt  }
0x5d: {  	_ =	shalt  }
0x5e: {  	_ =	shalt  }
0x5f: {  	_ =	shalt  }
0x60: {  	_ =	shalt  }
0x61: {  	_ =	shalt  }
0x62: {  	_ =	shalt  }
0x63: {  	_ =	shalt  }
0x64: {  	_ =	shalt  }
0x65: {  	_ =	shalt  }
0x66: {  	_ =	shalt  }
0x67: {  	_ =	shalt  }
0x68: {  	_ =	shalt  }
0x69: {  	_ =	shalt  }
0x6a: {  	_ =	shalt  }
0x6b: {  	_ =	shalt  }
0x6c: {  	_ =	shalt  }
0x6d: {  	_ =	shalt  }
0x6e: {  	_ =	shalt  }
0x6f: {  	_ =	shalt  }
0x70: {  	_ =	shalt  }
0x71: {  	_ =	shalt  }
0x72: {  	_ =	shalt  }
0x73: {  	_ =	shalt  }
0x74: {  	_ =	shalt  }
0x75: {  	_ =	shalt  }
0x76: {  	_ =	shalt  }
0x77: {  	_ =	shalt  }
0x78: {  	_ =	shalt  }
0x79: {  	_ =	shalt  }
0x7a: {  	_ =	shalt  }
0x7b: {  	_ =	shalt  }
0x7c: {  	_ =	shalt  }
0x7d: {  	_ =	shalt  }
0x7e: {  	_ =	shalt  }
0x7f: {  	_ =	shalt  }
0x80: {  	_ =	shalt  }
0x81: {  	_ =	shalt  }
0x82: {  	_ =	shalt  }
0x83: {  	_ =	shalt  }
0x84: {  	_ =	shalt  }
0x85: {  	_ =	shalt  }
0x86: {  	_ =	shalt  }
0x87: {  	_ =	shalt  }
.Lfunc_end0:
.L_simem_size_0:
called_computation_lowered:
.L_overlay_start_0:
0x88: {  	s2 =	sld [smem:$0x3FD9]  }
0x89: {  	s3 =	sld [smem:$0x3FFE];
	_ =	sdelay $0x1  }
0x8a: {  	s1 =	srdreg.scid  }
0x8b: {  	s0 =	sand.u32 $0x1, s1  }
0x8c: {  	s18 =	sshll.u32 s0, $0xA;
	s2 =	sadd.s32 s3, s2  }
0x8d: {  	s2 =	sadd.s32 s2, s18  }
0x8e: {  	[smem:$0x3FC4] =	sst s2  }
0x8f: {  	_ = 	snop  }
0x90: {  	s2 =	sld [smem:$0x3FC8]  }
0x91: {  	s19 =	sld [smem:$0x3FC7]  }
0x92: {  	s4 =	sld [smem:$0x3FC6]  }
0x93: {  	s5 =	sld [smem:$0x3FD0];
	(tm) =	ssettm $0x1  }
0x94: {  	s6 =	sld [smem:$0x3FFB];
	_ =	sdelay $0x3  }
0x95: {  	_ =	strace s6  }
0x96: {  	s6 =	sld [smem:$0x3FFC];
	_ =	sdelay $0x3  }
0x97: {  	_ =	strace s6  }
0x98: {  	s6 =	sld [smem:$0x3FFD];
	_ =	sdelay $0x3  }
0x99: {  	_ =	strace s6  }
0x9a: {  	_ =	strace $0x8FFFFFFF  }
0x9b: {  	s20 =	sld [smem:$0x3FDB];
	_ =	sdelay $0x1  }
0x9c: {  	s7 =	simm.s32 $_scs_section_size  }
0x9d: {  	s8 =	simm.s32 $_size__tile_overlayer_lowered;
	s9 =	simm.s32 $_tile_overlayer_lowered  }
0x9e: {  	s23 =	simm.s32 $0x1BFF;
	s22 =	sshll.u32 s9, $0x1;
	s6 =	sadd.s32 s7, s20  }
0x9f: {  	s10 =	simm.s32 $0x0;
	s21 =	sshll.u32 s8, $0x1;
	s8 =	sadd.s32 s22, s6  }
0xa0: {  	[timem:s10], [sflag:s23] =	dma.local [hbm:s8], s21  }
0xa1: {  	_ =	swait.ge [sflag:s23], s21  }
0xa2: {  	s7 =	ssub.s32 $0x0, s21;
	[sflag:s23] =	ssyncset.done $0x0  }
0xa3: {  	[sflag:s23] =	ssyncadd.s32 s7;
	_ =	sdelay $0x1  }
0xa4: {  	s24 =	simm.s32 $0x1B8B  }
0xa5: {  	_ =	swait.ge [sflag:s24], $0x1  }
0xa6: {  	[sflag:s24] =	ssyncset.done $0x0  }
0xa7: {  	s25 =	simm.s32 $0x1B8E;
	[sflag:s24] =	ssyncadd.s32 $0xFFFFFFFF  }
0xa8: {  	s26 =	simm.s32 $execute0_lowered;
	[smem:$0x3FD2] =	sst s25  }
0xa9: {  	s7 =	sshll.u32 s26, $0x1;
	_ =	strace $0x80000046;
	[dreg:$0x1] =	wrdreg $0xFFFFFFFF  }
0xaa: {  	s28 =	simm.s32 $_size_execute0_lowered;
	s6 =	sadd.s32 s6, s7;
	[dreg:$0x0] =	wrdreg $0x0  }
0xab: {  	s7 =	sshll.u32 s28, $0x1;
	[dreg:$0x2] =	wrdreg s6  }
0xac: {  	[dreg:$0x3] =	wrdreg s7  }
0xad: {  	[dreg:$0x4] =	wrdreg $0xC0  }
0xae: {  	_ =	task [dreg:s10], $0x5FFFF  }
0xaf: {  	[dreg:$0x1] =	wrdreg $0xFFFFFFFF  }
0xb0: {  	[dreg:$0x0] =	wrdreg $0x60  }
0xb1: {  	[dreg:$0x2] =	wrdreg s19  }
0xb2: {  	[dreg:$0x3] =	wrdreg s4  }
0xb3: {  	[dreg:$0x4] =	wrdreg s2  }
0xb4: {  	[dreg:$0x5] =	wrdreg s5  }
0xb5: {  	[dreg:$0x6] =	wrdreg $0x9  }
0xb6: {  	_ =	task.clear_ibuf [dreg:s10], $0x7FFFF;
	_ =	strace $0x90000046  }
0xb7: {  	s29 =	simm.s32 $0x9;
	_ =	strace $0x80000048  }
0xb8: {  	_ =	swait.ge [sflag:s29], $0x1  }
0xb9: {  	[sflag:s29] =	ssyncadd.s32 $0xFFFFFFFF  }
0xba: {  	_ =	strace $0x90000048  }
0xbb: {  	_ =	sfence  }
0xbc: {  	s30 =	sld [smem:$0x0];
	_ =	sdelay $0x2  }
0xbd: {  	s31 =	sshll.u32 s1, $0xD;
	s1 =	sshrl.u32 s1, $0x2  }
0xbe: {  	s3 =	sand.u32 $0x4000, s31;
	s1 =	sadd.s32 s1, s30  }
0xbf: {  	s0 =	sor.u32 s3, s0;
	s1 =	sshll.u32 s1, $0x11  }
0xc0: {  	s0 =	sor.u32 s1, s0  }
0xc1: {  	s0 =	sadd.s32 $0x8F2B, s0  }
0xc2: {  	[sflag:s0] =	ssyncadd.remote.s32 $0x1  }
0xc3: {  	_ =	sfence.sel $0xFFFF  }
0xc4: {  	[dreg:$0x0] =	wrdreg $0xFFFFFFFF;
	(pc) =	sbr.abs _section_cstart, $3  }
0xc5: {  	[dreg:$0x1] =	wrdreg $0xFFFFFFFF  }
0xc6: {  	_ =	task.clear_ibuf [dreg:s10], $0x2FFFF;
	_ =	strace $0x9FFFFFFF  }
0xc7: {  	(tm) =	ssettm $0x7FFFFFFF  }
tec
execute0_lowered:
.L_overlay_start_1:
0x0: {  	(tag) =	ssettag $0x1  }
0x1: {  	s1 =	rddreg [dreg:$0x0]  }
0x2: {  	s2 =	rddreg [dreg:$0x1]  }
0x3: {  	s5 =	rddreg [dreg:$0x2]  }
0x4: {  	s6 =	rddreg [dreg:$0x3]  }
0x5: {  	s0 =	rddreg [dreg:$0x4]  }
0x6: {  	s4 =	simm.s32 $0x0;
	s7 =	srdreg.scid;
	s3 =	stileid.u32  }
0x7: {  	s11 =	simm.s32 $0x2;
	s12 =	simm.s32 $0x3;
	s13 =	simm.s32 $0x480  }
0x8: {  	s14 =	simm.s32 $0x4;
	s15 =	simm.s32 $0x0;
	s7 =	sand.u32 $0x1, s7  }
0x9: {  	[smem:$0x7FF] =	sst s4;
	s8 =	sshll.u32 s3, $0x1;
	s9 =	ssub.s32 $0x2, s7  }
0xa: {  	_ =	strace $0x80000047;
	s7 =	sor.u32 s7, s8;
	s31 =	sshrl.u32 s9, $0x1  }
0xb: {  	s10 =	sshll.u32 s7, $0x4;
	s7 =	sshll.u32 s7, $0xB;
	s8 =	ssub.s32 s9, s31  }
0xc: {  	s5 =	sadd.s32 s5, s10;
	s6 =	sadd.s32 s6, s7;
	s9 =	simm.s32 $0x280  }
0xd: {  	s10 =	simm.s32 $0x1;
	s7 =	smax.u32 s8, $0x1;
	s8 =	simm.s32 $0x80  }
.LBB2_1:
0xe: {  	[tilespmem:s4], [sflag:$0x1] =	stream.linear.gather [hbm4b:s5+s4], $0x80, $0x38;
	[tilespmem:$0x4480] =	vst v63  }
0xf: {  	_ = 	snop  }
0x10: {  	[tilespmem:s8], [sflag:$0x2] =	stream.linear.gather [hbm4b:s1+s4], $0x200, $0x38;
	[tilespmem:$0x4480] =	vst v63  }
0x11: {  	_ = 	snop  }
0x12: {  	[tilespmem:s9], [sflag:$0x3] =	stream.linear.gather [hbm4b:s2+s4], $0x200, $0x38;
	[tilespmem:$0x4480] =	vst v63  }
0x13: {  	_ =	swait.ge [sflag:s10], $0x80  }
0x14: {  	[sflag:s10] =	ssyncset.done $0x0  }
0x15: {  	[sflag:s10] =	ssyncadd.s32 $0xFFFFFF80  }
0x16: {  	_ =	swait.ge [sflag:s11], $0x200  }
0x17: {  	[sflag:s11] =	ssyncset.done $0x0  }
0x18: {  	[sflag:s11] =	ssyncadd.s32 $0xFFFFFE00  }
0x19: {  	_ =	swait.ge [sflag:s12], $0x200  }
0x1a: {  	[sflag:s12] =	ssyncset.done $0x0  }
0x1b: {  	[sflag:s12] =	ssyncadd.s32 $0xFFFFFE00  }
0x1c: {  	v0 =	vld [tilespmem:$0x70];
	_ =	sdelay $0x1  }
0x1d: {  	v1 =	vld [tilespmem:$0x60]  }
0x1e: {  	v2 =	vld [tilespmem:$0x50]  }
0x1f: {  	v6 =	vimm.s32 $0x0;
	v39 =	vimm.s32 $0x0;
	v40 =	vimm.s32 $0x0  }
0x20: {  	v44 =	vimm.s32 $0x0;
	v48 =	vimm.s32 $0x0;
	v3 =	vld [tilespmem:$0x40];
	vm0 =	vlt.s32 v0, $0x2  }
0x21: {  	v41 =	vld [tilespmem:$0x10];
	vm5 =	veq.s32 v0, $0x2;
	vm6 =	veq.s32 v0, $0x0;
	v6 =	vsel vm0, $0xFFFFFFFF, v6  }
0x22: {  	vm7 =	vlt.s32 v1, $0x2;
	vm9 =	veq.s32 v1, $0x0;
	v0 =	vsel vm6, $0xFFFFFFFF, v40;
	[tilespmem:$0x1FE80] =	vst v6  }
0x23: {  	vm8 =	veq.s32 v1, $0x2;
	vm12 =	veq.s32 v2, $0x0;
	v1 =	vsel vm9, $0xFFFFFFFF, v44;
	[tilespmem:$0x1FEA0] =	vst v0  }
0x24: {  	v45 =	vld [tilespmem:$0x0];
	vm10 =	vlt.s32 v2, $0x2;
	vm11 =	veq.s32 v2, $0x2;
	v2 =	vsel vm12, $0xFFFFFFFF, v48;
	[tilespmem:$0x1FED0] =	vst v1  }
0x25: {  	v49 =	vimm.s32 $0x0;
	vm13 =	vlt.s32 v3, $0x2;
	v6 =	vsel vm5, $0xFFFFFFFF, v39;
	[tilespmem:$0x1FF00] =	vst v2  }
0x26: {  	v60 =	vimm.s32 $0x0;
	vm12 =	veq.s32 v41, $0x0;
	v2 =	vsel vm13, $0xFFFFFFFF, v49;
	[tilespmem:$0x1FE90] =	vst v6  }
0x27: {  	v42 =	vimm.s32 $0x0;
	v0 =	vsel vm12, $0xFFFFFFFF, v60;
	[tilespmem:$0x1FF10] =	vst v2  }
0x28: {  	v50 =	vimm.s32 $0x0;
	vm14 =	veq.s32 v3, $0x2;
	v6 =	vsel vm7, $0xFFFFFFFF, v42;
	[tilespmem:$0x1FFC0] =	vst v0  }
0x29: {  	v61 =	vimm.s32 $0x0;
	v4 =	vld [tilespmem:$0x30];
	vm13 =	vlt.s32 v45, $0x2;
	v2 =	vsel vm14, $0xFFFFFFFF, v50;
	[tilespmem:$0x1FEB0] =	vst v6  }
0x2a: {  	v43 =	vimm.s32 $0x0;
	v0 =	vsel vm13, $0xFFFFFFFF, v61;
	[tilespmem:$0x1FF20] =	vst v2  }
0x2b: {  	v51 =	vimm.s32 $0x0;
	vm15 =	veq.s32 v3, $0x0;
	v6 =	vsel vm8, $0xFFFFFFFF, v43;
	[tilespmem:$0x1FFD0] =	vst v0  }
0x2c: {  	v62 =	vimm.s32 $0x0;
	vm14 =	veq.s32 v45, $0x2;
	v2 =	vsel vm15, $0xFFFFFFFF, v51;
	[tilespmem:$0x1FEC0] =	vst v6  }
0x2d: {  	v46 =	vimm.s32 $0x0;
	v0 =	vsel vm14, $0xFFFFFFFF, v62;
	[tilespmem:$0x1FF30] =	vst v2  }
0x2e: {  	v52 =	vimm.s32 $0x0;
	v5 =	vld [tilespmem:$0x20];
	vm4 =	vlt.s32 v4, $0x2;
	v6 =	vsel vm10, $0xFFFFFFFF, v46;
	[tilespmem:$0x1FFE0] =	vst v0  }
0x2f: {  	v63 =	vimm.s32 $0x0;
	vm15 =	veq.s32 v45, $0x0;
	v2 =	vsel vm4, $0xFFFFFFFF, v52;
	[tilespmem:$0x1FEE0] =	vst v6  }
0x30: {  	v47 =	vimm.s32 $0x0;
	v0 =	vsel vm15, $0xFFFFFFFF, v63;
	[tilespmem:$0x1FF40] =	vst v2  }
0x31: {  	v53 =	vimm.s32 $0x0;
	vm5 =	veq.s32 v4, $0x2;
	v6 =	vsel vm11, $0xFFFFFFFF, v47;
	[tilespmem:$0x1FFF0] =	vst v0  }
0x32: {  	v54 =	vimm.s32 $0x0;
	vm6 =	veq.s32 v4, $0x0;
	v2 =	vsel vm5, $0xFFFFFFFF, v53;
	[tilespmem:$0x1FEF0] =	vst v6  }
0x33: {  	v55 =	vimm.s32 $0x0;
	vm7 =	vlt.s32 v5, $0x2;
	[tilespmem:$0x1FF50] =	vst v2;
	v2 =	vsel vm6, $0xFFFFFFFF, v54  }
0x34: {  	v56 =	vimm.s32 $0x0;
	vm8 =	veq.s32 v5, $0x2;
	[tilespmem:$0x1FF60] =	vst v2;
	v2 =	vsel vm7, $0xFFFFFFFF, v55  }
0x35: {  	v57 =	vimm.s32 $0x0;
	vm9 =	veq.s32 v5, $0x0;
	[tilespmem:$0x1FF70] =	vst v2;
	v2 =	vsel vm8, $0xFFFFFFFF, v56  }
0x36: {  	v58 =	vimm.s32 $0x0;
	vm10 =	vlt.s32 v41, $0x2;
	[tilespmem:$0x1FF80] =	vst v2;
	v2 =	vsel vm9, $0xFFFFFFFF, v57  }
0x37: {  	v59 =	vimm.s32 $0x0;
	vm11 =	veq.s32 v41, $0x2;
	[tilespmem:$0x1FF90] =	vst v2;
	v2 =	vsel vm10, $0xFFFFFFFF, v58  }
0x38: {  	[tilespmem:$0x1FFA0] =	vst v2;
	v2 =	vsel vm11, $0xFFFFFFFF, v59  }
0x39: {  	s16 =	simm.s32 $0x0;
	[tilespmem:$0x1FFB0] =	vst v2  }
.LBB2_2:
0x3a: {  	v8 =	vld [tilespmem:$0x1FFF0]  }
0x3b: {  	v9 =	vld [tilespmem:$0x1FFE0]  }
0x3c: {  	v10 =	vld [tilespmem:$0x1FFD0]  }
0x3d: {  	v30 =	vld [tilespmem:$0x1FFC0]  }
0x3e: {  	v31 =	vld [tilespmem:$0x1FFB0]  }
0x3f: {  	v11 =	vld [tilespmem:$0x1FFA0]  }
0x40: {  	v32 =	vld [tilespmem:$0x1FF90]  }
0x41: {  	v33 =	vld [tilespmem:$0x1FF80]  }
0x42: {  	v12 =	vld [tilespmem:$0x1FF70]  }
0x43: {  	v34 =	vld [tilespmem:$0x1FF60]  }
0x44: {  	v13 =	vld [tilespmem:$0x1FF40]  }
0x45: {  	s18 =	sshll.u32 s16, $0x4;
	v36 =	vld [tilespmem:$0x1FF30]  }
0x46: {  	v2 =	vld [tilespmem:s18+$0x80]  }
0x47: {  	v3 =	vld [tilespmem:s18+$0x100]  }
0x48: {  	v0 =	vld [tilespmem:s18+$0x180]  }
0x49: {  	v1 =	vld [tilespmem:s18+$0x200];
	vm4 =	vnez.u8 v8;
	vm1 =	vnez.u8 v9  }
0x4a: {  	v37 =	vld [tilespmem:$0x1FF20];
	vm5 =	vnez.u8 v10;
	vm15 =	vnez.u8 v30;
	vm0 =	vnez.u8 v31  }
0x4b: {  	v38 =	vld [tilespmem:$0x1FF00];
	vm7 =	vnez.u8 v11;
	vm6 =	vnez.u8 v32;
	vm10 =	vnez.u8 v33  }
0x4c: {  	v39 =	vld [tilespmem:$0x1FEF0];
	vm9 =	vnez.u8 v12;
	vm11 =	vnez.u8 v34;
	v4 =	vbroadcast v2, $0x0  }
0x4d: {  	v15 =	vld [tilespmem:$0x1FED0];
	vm14 =	vnez.u8 v13;
	v5 =	vbroadcast v3, $0x0;
	v6 =	vbroadcast v0, $0x0  }
0x4e: {  	vm2 =	vnez.u8 v36;
	v7 =	vbroadcast v1, $0x0;
	v16 =	vbroadcast v2, $0x1  }
0x4f: {  	v14 =	vld [tilespmem:$0x1FF10];
	vm12 =	vnez.u8 v37;
	v17 =	vbroadcast v3, $0x1;
	v19 =	vbroadcast v0, $0x1  }
0x50: {  	v21 =	vld [tilespmem:$0x1FEE0];
	vm3 =	vnez.u8 v38;
	v20 =	vbroadcast v1, $0x1;
	v56 =	vbroadcast v2, $0x2  }
0x51: {  	v40 =	vld [tilespmem:$0x1FEB0];
	vm13 =	vnez.u8 v39;
	v57 =	vbroadcast v3, $0x2;
	v58 =	vbroadcast v0, $0x2  }
0x52: {  	v47 =	vld [tilespmem:$0x1FFB0];
	vm8 =	vnez.u8 v15;
	v26 =	vbroadcast v1, $0x2;
	v31 =	vbroadcast v2, $0x4  }
0x53: {  	v8 =	vsel vm4, v4, v5;
	v9 =	vsel vm1, v6, v7;
	v10 =	vsel vm0, v6, v7  }
0x54: {  	v11 =	vsel vm10, v6, v7;
	v13 =	vsel vm12, v6, v7;
	vm12 =	vnez.u8 v14  }
0x55: {  	v14 =	vsel vm13, v6, v7;
	v15 =	vsel vm8, v4, v5;
	vm8 =	vnez.u8 v21  }
0x56: {  	v35 =	vld [tilespmem:$0x1FF50];
	vm13 =	vnez.u8 v40;
	v43 =	vsel vm4, v16, v17;
	v44 =	vsel vm1, v19, v20  }
0x57: {  	v18 =	vld [tilespmem:$0x1FEC0];
	v46 =	vsel vm15, v16, v17;
	vm0 =	vnez.u8 v47;
	v48 =	vsel vm6, v16, v17  }
0x58: {  	v39 =	vld [tilespmem:$0x1FF40];
	v49 =	vsel vm10, v19, v20;
	v53 =	vsel vm2, v16, v17;
	v54 =	vsel vm3, v16, v17  }
0x59: {  	v41 =	vld [tilespmem:$0x1FEA0];
	v60 =	vsel vm4, v56, v57;
	v61 =	vsel vm1, v58, v26;
	v62 =	vsel vm15, v56, v57  }
0x5a: {  	v25 =	vld [tilespmem:$0x1FEA0];
	v28 =	vsel vm6, v56, v57;
	v8 =	vsel vm5, v8, v9;
	v9 =	vsel vm15, v4, v5  }
0x5b: {  	v22 =	vld [tilespmem:$0x1FF20];
	v63 =	vsel vm0, v58, v26;
	v9 =	vsel vm7, v9, v10;
	v10 =	vsel vm6, v4, v5  }
0x5c: {  	v42 =	vld [tilespmem:$0x1FE90];
	v10 =	vsel vm9, v10, v11;
	v11 =	vsel vm11, v4, v5;
	vm11 =	vnez.u8 v35  }
0x5d: {  	v40 =	vld [tilespmem:$0x1FF10];
	vm15 =	vnez.u8 v39;
	vm9 =	vnez.u8 v18;
	v12 =	vsel vm11, v6, v7  }
0x5e: {  	v45 =	vld [tilespmem:$0x1FE80];
	v18 =	vsel vm9, v6, v7;
	v52 =	vsel vm11, v19, v20;
	v24 =	vsel vm9, v19, v20  }
0x5f: {  	v23 =	vld [tilespmem:$0x1FED0];
	vm9 =	vnez.u8 v25;
	v11 =	vsel vm14, v11, v12;
	v12 =	vsel vm2, v4, v5  }
0x60: {  	v32 =	vld [tilespmem:$0x1FFA0];
	v34 =	vsel vm11, v58, v26;
	vm2 =	vnez.u8 v22;
	v12 =	vsel vm12, v12, v13  }
0x61: {  	v35 =	vld [tilespmem:$0x1FF30];
	v13 =	vsel vm3, v4, v5;
	v22 =	vsel vm2, v19, v20;
	v36 =	vsel vm2, v58, v26  }
0x62: {  	vm2 =	vnez.u8 v40;
	v13 =	vsel vm8, v13, v14;
	v14 =	vsel vm13, v15, v18  }
0x63: {  	vm8 =	vnez.u8 v41;
	vm13 =	vnez.u8 v45;
	v18 =	vsel vm12, v53, v22  }
0x64: {  	v30 =	vld [tilespmem:$0x1FFD0];
	vm12 =	vmmov vm3;
	vm3 =	vnez.u8 v23;
	v45 =	vbroadcast v0, $0x3  }
0x65: {  	v50 =	vld [tilespmem:$0x1FF70];
	v4 =	vsel vm8, v4, v5;
	vm8 =	vnez.u8 v42;
	v23 =	vsel vm3, v16, v17  }
0x66: {  	v51 =	vld [tilespmem:$0x1FF60];
	vm3 =	vmmov vm1;
	vm1 =	vnez.u8 v32;
	vm11 =	vnez.u8 v35  }
0x67: {  	v37 =	vsel vm12, v56, v57;
	v42 =	vbroadcast v2, $0x3;
	v32 =	vbroadcast v3, $0x4  }
0x68: {  	v27 =	vld [tilespmem:$0x1FEE0];
	v35 =	vbroadcast v1, $0x4;
	v5 =	vsel vm8, v6, v7;
	v7 =	vsel vm0, v19, v20  }
0x69: {  	v55 =	vld [tilespmem:$0x1FEF0];
	vm0 =	vnez.u8 v30;
	v4 =	vsel vm13, v4, v5;
	v5 =	vsel vm5, v43, v44  }
0x6a: {  	vm5 =	vmmov vm10;
	v6 =	vsel vm7, v46, v7;
	vm7 =	vnez.u8 v50  }
0x6b: {  	v53 =	vld [tilespmem:$0x1FFB0];
	vm10 =	vnez.u8 v51;
	v43 =	vbroadcast v3, $0x3;
	v46 =	vbroadcast v1, $0x3  }
0x6c: {  	v59 =	vld [tilespmem:$0x1FEB0];
	s17 =	sshll.u32 s16, $0xB;
	v7 =	vsel vm7, v48, v49;
	v15 =	vsel vm10, v16, v17;
	v16 =	vsel vm9, v16, v17  }
0x6d: {  	s17 =	sand.u32 $0x3FFFF800, s17;
	vm9 =	vnez.u8 v27;
	v29 =	vsel vm5, v58, v26;
	v33 =	vsel vm10, v56, v57  }
0x6e: {  	[tilespmem:s17+$0x480] =	vst v8;
	v15 =	vsel vm14, v15, v52;
	vm14 =	vnez.u8 v55;
	v8 =	vsel vm15, v33, v34  }
0x6f: {  	v47 =	vld [tilespmem:$0x1FEA0];
	v50 =	vsel vm4, v42, v43;
	v51 =	vsel vm3, v45, v46;
	vm3 =	vmmov vm0  }
0x70: {  	v41 =	vld [tilespmem:$0x1FED0];
	vm4 =	vnez.u8 v53;
	v34 =	vbroadcast v0, $0x4;
	v22 =	vsel vm14, v19, v20  }
0x71: {  	[tilespmem:s17+$0x4E0] =	vst v14;
	v44 =	vld [tilespmem:$0x1FEC0];
	v19 =	vsel vm8, v19, v20;
	vm8 =	vnez.u8 v59;
	v38 =	vsel vm14, v58, v26  }
0x72: {  	v48 =	vld [tilespmem:$0x1FE90];
	[tilespmem:s17+$0x4F0] =	vst v4;
	v4 =	vsel vm0, v50, v51;
	v14 =	vsel vm4, v45, v46;
	v21 =	vsel vm9, v54, v22  }
0x73: {  	v49 =	vld [tilespmem:$0x1FE80];
	v22 =	vsel vm8, v23, v24;
	v16 =	vsel vm13, v16, v19;
	v19 =	vsel vm0, v60, v61  }
0x74: {  	[tilespmem:s17+$0x490] =	vst v9;
	v52 =	vld [tilespmem:$0x1FFC0];
	v23 =	vsel vm1, v62, v63;
	v24 =	vsel vm7, v28, v29;
	v28 =	vsel vm11, v56, v57  }
0x75: {  	[tilespmem:s17+$0x4A0] =	vst v10;
	v55 =	vld [tilespmem:$0x1FF80];
	v10 =	vsel vm9, v37, v38;
	vm9 =	vnez.u8 v41;
	vm11 =	vmmov vm8  }
0x76: {  	[tilespmem:s17+$0x4B0] =	vst v11;
	v59 =	vld [tilespmem:$0x1FF30];
	v9 =	vsel vm2, v28, v36;
	v11 =	vsel vm9, v56, v57;
	vm13 =	vnez.u8 v44  }
0x77: {  	[tilespmem:s17+$0x4C0] =	vst v12;
	v54 =	vld [tilespmem:$0x1FF90];
	v63 =	vsel vm9, v42, v43;
	v12 =	vsel vm13, v58, v26;
	vm7 =	vnez.u8 v48  }
0x78: {  	v36 =	vld [tilespmem:$0x1FEE0];
	vm12 =	vnez.u8 v49;
	vm9 =	vmmov vm13;
	v33 =	vsel vm13, v45, v46  }
0x79: {  	[tilespmem:s17+$0x4D0] =	vst v13;
	v11 =	vsel vm8, v11, v12;
	vm8 =	vnez.u8 v47;
	v13 =	vsel vm7, v58, v26;
	v58 =	vld [tilespmem:$0x1FF50]  }
0x7a: {  	vm0 =	vnez.u8 v52;
	vm10 =	vnez.u8 v55;
	v12 =	vsel vm8, v56, v57;
	v56 =	vld [tilespmem:$0x1FF70]  }
0x7b: {  	v38 =	vsel vm7, v45, v46;
	v57 =	vld [tilespmem:$0x1FF60];
	v37 =	vsel vm8, v42, v43;
	v12 =	vsel vm12, v12, v13  }
0x7c: {  	v29 =	vld [tilespmem:$0x1FFB0];
	v13 =	vsel vm0, v42, v43;
	vm12 =	vnez.u8 v59;
	v59 =	vbroadcast v3, $0x5  }
0x7d: {  	[tilespmem:s17+$0x500] =	vst v5;
	v27 =	vld [tilespmem:$0x1FFE0];
	v5 =	vsel vm1, v13, v14;
	vm1 =	vnez.u8 v54;
	v14 =	vsel vm10, v45, v46  }
0x7e: {  	v28 =	vld [tilespmem:$0x1FFC0];
	vm13 =	vnez.u8 v36;
	v49 =	vsel vm12, v31, v32;
	v13 =	vsel vm1, v42, v43  }
0x7f: {  	v60 =	vld [tilespmem:$0x1FF20];
	v44 =	vsel vm1, v31, v32;
	vm14 =	vnez.u8 v58;
	v58 =	vbroadcast v2, $0x5  }
0x80: {  	v61 =	vld [tilespmem:$0x1FF00];
	vm5 =	vnez.u8 v56;
	vm6 =	vnez.u8 v57;
	v48 =	vsel vm14, v34, v35  }
0x81: {  	[tilespmem:s17+$0x510] =	vst v6;
	v62 =	vld [tilespmem:$0x1FEF0];
	v56 =	vsel vm9, v34, v35;
	vm9 =	vnez.u8 v29;
	v6 =	vsel vm5, v13, v14  }
0x82: {  	v51 =	vld [tilespmem:$0x1FF40];
	v13 =	vsel vm6, v42, v43;
	v14 =	vsel vm14, v45, v46;
	v47 =	vsel vm6, v31, v32  }
0x83: {  	[tilespmem:s17+$0x520] =	vst v7;
	v55 =	vld [tilespmem:$0x1FED0];
	vm6 =	vnez.u8 v28;
	v7 =	vsel vm15, v13, v14;
	v13 =	vsel vm12, v42, v43  }
0x84: {  	vm15 =	vnez.u8 v60;
	v60 =	vsel vm7, v34, v35;
	vm12 =	vnez.u8 v27  }
0x85: {  	v14 =	vsel vm15, v45, v46;
	vm15 =	vnez.u8 v61;
	v61 =	vbroadcast v0, $0x5  }
0x86: {  	v39 =	vld [tilespmem:$0x1FFF0];
	[tilespmem:s17+$0x540] =	vst v18;
	v13 =	vsel vm2, v13, v14;
	v14 =	vsel vm15, v42, v43;
	vm2 =	vnez.u8 v62  }
0x87: {  	v40 =	vld [tilespmem:$0x1FFE0];
	[tilespmem:s17+$0x530] =	vst v15;
	v42 =	vsel vm0, v31, v32;
	v43 =	vsel vm4, v34, v35;
	vm4 =	vmmov vm1  }
0x88: {  	[tilespmem:s17+$0x5B0] =	vst v8;
	v50 =	vld [tilespmem:$0x1FF20];
	vm1 =	vnez.u8 v51;
	v53 =	vsel vm15, v31, v32;
	vm0 =	vnez.u8 v55  }
0x89: {  	v41 =	vld [tilespmem:$0x1FE80];
	[tilespmem:s17+$0x600] =	vst v4;
	v62 =	vbroadcast v1, $0x5;
	v15 =	vsel vm2, v45, v46;
	vm2 =	vmmov vm8  }
0x8a: {  	[tilespmem:s17+$0x550] =	vst v21;
	v52 =	vld [tilespmem:$0x1FF10];
	v45 =	vsel vm10, v34, v35;
	vm10 =	vmmov vm5;
	v8 =	vsel vm1, v47, v48  }
0x8b: {  	[tilespmem:s17+$0x590] =	vst v23;
	v54 =	vld [tilespmem:$0x1FEF0];
	v23 =	vsel vm0, v31, v32;
	v30 =	vsel vm4, v58, v59;
	v14 =	vsel vm13, v14, v15  }
0x8c: {  	[tilespmem:s17+$0x560] =	vst v22;
	v55 =	vld [tilespmem:$0x1FF90];
	v15 =	vsel vm11, v63, v33;
	vm13 =	vnez.u8 v39;
	v57 =	vsel vm2, v31, v32  }
0x8d: {  	[tilespmem:s17+$0x5F0] =	vst v12;
	v46 =	vld [tilespmem:$0x1FFA0];
	v12 =	vsel vm12, v61, v62;
	v21 =	vsel vm13, v31, v32;
	vm13 =	vnez.u8 v40  }
0x8e: {  	[tilespmem:s17+$0x620] =	vst v6;
	v63 =	vld [tilespmem:$0x1FEE0];
	v6 =	vsel vm9, v61, v62;
	v22 =	vsel vm13, v34, v35;
	vm13 =	vnez.u8 v41  }
0x8f: {  	[tilespmem:s17+$0x570] =	vst v16;
	v33 =	vld [tilespmem:$0x1FF60];
	v40 =	vsel vm0, v58, v59;
	v41 =	vbroadcast v2, $0x6;
	v16 =	vsel vm13, v37, v38  }
0x90: {  	[tilespmem:s17+$0x580] =	vst v19;
	v39 =	vld [tilespmem:$0x1FF10];
	v17 =	vsel vm3, v21, v22;
	v21 =	vsel vm5, v44, v45;
	vm3 =	vnez.u8 v50  }
0x91: {  	[tilespmem:s17+$0x5E0] =	vst v11;
	v31 =	vld [tilespmem:$0x1FF80];
	vm5 =	vnez.u8 v52;
	v11 =	vsel vm13, v57, v60;
	v44 =	vbroadcast v0, $0x6  }
0x92: {  	[tilespmem:s17+$0x5A0] =	vst v24;
	v32 =	vld [tilespmem:$0x1FFD0];
	v45 =	vbroadcast v1, $0x6;
	vm0 =	vnez.u8 v55;
	vm11 =	vnez.u8 v46  }
0x93: {  	[tilespmem:s17+$0x5D0] =	vst v10;
	v22 =	vld [tilespmem:$0x1FEB0];
	v24 =	vsel vm3, v34, v35;
	v36 =	vsel vm3, v61, v62;
	v19 =	vsel vm11, v42, v43  }
0x94: {  	[tilespmem:s17+$0x5C0] =	vst v9;
	v37 =	vld [tilespmem:$0x1FF00];
	v9 =	vsel vm5, v49, v24;
	vm5 =	vnez.u8 v54;
	vm8 =	vnez.u8 v63  }
0x95: {  	[tilespmem:s17+$0x610] =	vst v5;
	v28 =	vld [tilespmem:$0x1FEF0];
	vm13 =	vnez.u8 v33;
	vm2 =	vnez.u8 v39;
	v42 =	vbroadcast v3, $0x6  }
0x96: {  	[tilespmem:s17+$0x630] =	vst v7;
	v46 =	vld [tilespmem:$0x1FEA0];
	v50 =	vsel vm12, v44, v45;
	v33 =	vbroadcast v0, $0x7;
	v10 =	vsel vm5, v34, v35  }
0x97: {  	[tilespmem:s17+$0x640] =	vst v13;
	v24 =	vld [tilespmem:$0x1FFF0];
	vm15 =	vnez.u8 v32;
	v38 =	vsel vm5, v61, v62;
	vm5 =	vmmov vm1  }
0x98: {  	v48 =	vld [tilespmem:$0x1FE80];
	[tilespmem:s17+$0x6B0] =	vst v8;
	v4 =	vsel vm8, v53, v10;
	vm7 =	vnez.u8 v22;
	v22 =	vsel vm6, v58, v59  }
0x99: {  	[tilespmem:s17+$0x650] =	vst v14;
	v34 =	vld [tilespmem:$0x1FF50];
	vm6 =	vnez.u8 v31;
	vm9 =	vnez.u8 v37;
	v31 =	vbroadcast v3, $0x7  }
0x9a: {  	[tilespmem:s17+$0x660] =	vst v15;
	v54 =	vld [tilespmem:$0x1FFA0];
	v10 =	vsel vm7, v23, v56;
	v6 =	vsel vm11, v22, v6;
	v23 =	vsel vm9, v58, v59  }
0x9b: {  	[tilespmem:s17+$0x670] =	vst v16;
	v43 =	vld [tilespmem:$0x1FEC0];
	vm11 =	vmmov vm7;
	vm3 =	vnez.u8 v46;
	v56 =	vsel vm6, v44, v45  }
0x9c: {  	[tilespmem:s17+$0x680] =	vst v17;
	v35 =	vld [tilespmem:$0x1FF30];
	v63 =	vsel vm9, v41, v42;
	vm9 =	vnez.u8 v28;
	vm14 =	vnez.u8 v24  }
0x9d: {  	[tilespmem:s17+$0x6A0] =	vst v21;
	v53 =	vld [tilespmem:$0x1FFB0];
	v24 =	vsel vm6, v61, v62;
	v14 =	vsel vm8, v23, v38;
	vm8 =	vnez.u8 v48  }
0x9e: {  	v52 =	vld [tilespmem:$0x1FFC0];
	[tilespmem:s17+$0x6F0] =	vst v11;
	v5 =	vsel vm14, v58, v59;
	v7 =	vsel vm10, v30, v24;
	vm4 =	vnez.u8 v34  }
0x9f: {  	v29 =	vld [tilespmem:$0x1FED0];
	[tilespmem:s17+$0x690] =	vst v19;
	v49 =	vsel vm14, v41, v42;
	vm14 =	vnez.u8 v54;
	v30 =	vbroadcast v2, $0x7  }
0xa0: {  	v47 =	vld [tilespmem:$0x1FE90];
	[tilespmem:s17+$0x6C0] =	vst v9;
	v34 =	vbroadcast v1, $0x7;
	v5 =	vsel vm15, v5, v12;
	v12 =	vsel vm13, v58, v59  }
0xa1: {  	[tilespmem:s17+$0x6D0] =	vst v4;
	v37 =	vld [tilespmem:$0x1FE90];
	v13 =	vsel vm4, v61, v62;
	vm4 =	vnez.u8 v35;
	vm13 =	vnez.u8 v43  }
0xa2: {  	[tilespmem:s17+$0x6E0] =	vst v10;
	v38 =	vld [tilespmem:$0x1FFF0];
	v51 =	vsel vm15, v49, v50;
	vm12 =	vnez.u8 v53;
	v22 =	vsel vm4, v58, v59  }
0xa3: {  	[tilespmem:s17+$0x710] =	vst v6;
	v35 =	vld [tilespmem:$0x1FEE0];
	v12 =	vsel vm1, v12, v13;
	v17 =	vsel vm13, v61, v62;
	vm1 =	vnez.u8 v52  }
0xa4: {  	[tilespmem:s17+$0x720] =	vst v7;
	v19 =	vsel vm12, v44, v45;
	v15 =	vsel vm7, v40, v17;
	v17 =	vsel vm3, v58, v59;
	v58 =	vld [tilespmem:$0x1FF60]  }
0xa5: {  	[tilespmem:s17+$0x700] =	vst v5;
	v32 =	vsel vm13, v44, v45;
	v43 =	vsel vm12, v33, v34;
	vm7 =	vnez.u8 v47;
	v59 =	vld [tilespmem:$0x1FF50]  }
0xa6: {  	v13 =	vsel vm2, v22, v36;
	v36 =	vsel vm3, v41, v42;
	[tilespmem:s17+$0x730] =	vst v12;
	v18 =	vsel vm7, v61, v62;
	v62 =	vld [tilespmem:$0x1FF20]  }
0xa7: {  	v61 =	vsel vm4, v41, v42;
	vm7 =	vmmov vm4;
	vm3 =	vnez.u8 v38;
	v39 =	vld [tilespmem:$0x1FFE0]  }
0xa8: {  	[tilespmem:s17+$0x780] =	vst v51;
	v51 =	vld [tilespmem:$0x1FF40];
	v17 =	vsel vm8, v17, v18;
	v18 =	vsel vm1, v41, v42;
	vm8 =	vmmov vm10  }
0xa9: {  	v52 =	vld [tilespmem:$0x1FF10];
	v16 =	vsel vm3, v30, v31;
	v9 =	vsel vm14, v18, v19;
	v18 =	vsel vm0, v41, v42  }
0xaa: {  	v49 =	vsel vm7, v30, v31;
	vm15 =	vnez.u8 v35;
	v57 =	vsel vm10, v18, v56  }
0xab: {  	vm6 =	vnez.u8 v58;
	vm10 =	vnez.u8 v59;
	v58 =	vbroadcast v2, $0x8  }
0xac: {  	v54 =	vld [tilespmem:$0x1FEF0];
	v59 =	vbroadcast v3, $0x8;
	v18 =	vsel vm6, v41, v42;
	v19 =	vsel vm10, v44, v45  }
0xad: {  	vm4 =	vnez.u8 v62;
	v47 =	vsel vm6, v30, v31;
	v48 =	vsel vm10, v33, v34  }
0xae: {  	v40 =	vld [tilespmem:$0x1FE80];
	vm6 =	vnez.u8 v51;
	vm10 =	vnez.u8 v52;
	v62 =	vbroadcast v1, $0x8  }
0xaf: {  	v26 =	vld [tilespmem:$0x1FFC0];
	v60 =	vsel vm5, v18, v19;
	v19 =	vsel vm4, v44, v45;
	vm5 =	vmmov vm13  }
0xb0: {  	vm13 =	vnez.u8 v39;
	v50 =	vsel vm4, v33, v34;
	v8 =	vsel vm6, v47, v48  }
0xb1: {  	vm4 =	vnez.u8 v54;
	v24 =	vsel vm3, v58, v59;
	v11 =	vsel vm2, v61, v19  }
0xb2: {  	[tilespmem:s17+$0x760] =	vst v15;
	v23 =	vld [tilespmem:$0x1FEB0];
	v19 =	vsel vm9, v44, v45;
	vm2 =	vnez.u8 v29;
	v18 =	vsel vm13, v33, v34  }
0xb3: {  	[tilespmem:s17+$0x790] =	vst v9;
	vm9 =	vnez.u8 v40;
	v15 =	vsel vm10, v49, v50;
	v9 =	vsel vm4, v33, v34  }
0xb4: {  	v25 =	vld [tilespmem:$0x1FFE0];
	v56 =	vsel vm5, v33, v34;
	v61 =	vbroadcast v0, $0x8;
	vm5 =	vnez.u8 v26  }
0xb5: {  	v26 =	vbroadcast v3, $0xA;
	v5 =	vsel vm2, v41, v42;
	v7 =	vsel vm15, v63, v19  }
0xb6: {  	vm15 =	vnez.u8 v37;
	v41 =	vld [tilespmem:$0x1FFD0];
	v42 =	vsel vm1, v30, v31;
	v55 =	vsel vm2, v30, v31  }
0xb7: {  	[tilespmem:s17+$0x740] =	vst v13;
	v63 =	vld [tilespmem:$0x1FEE0];
	vm2 =	vnez.u8 v23;
	v5 =	vsel vm11, v5, v32;
	v12 =	vsel vm15, v44, v45  }
0xb8: {  	[tilespmem:s17+$0x7B0] =	vst v60;
	v44 =	vsel vm0, v30, v31;
	v45 =	vld [tilespmem:$0x1FF80];
	v13 =	vsel vm14, v42, v43;
	vm11 =	vmmov vm8  }
0xb9: {  	v53 =	vld [tilespmem:$0x1FF00];
	[tilespmem:s17+$0x7C0] =	vst v11;
	v60 =	vsel vm15, v33, v34;
	v11 =	vsel vm2, v55, v56;
	vm15 =	vnez.u8 v25  }
0xba: {  	v27 =	vsel vm12, v61, v62;
	v37 =	vsel vm4, v61, v62;
	vm4 =	vmmov vm6  }
0xbb: {  	v35 =	vld [tilespmem:$0x1FF20];
	v42 =	vbroadcast v3, $0x9;
	v25 =	vbroadcast v2, $0xA;
	v6 =	vsel vm9, v36, v12  }
0xbc: {  	v10 =	vsel vm15, v61, v62;
	vm13 =	vnez.u8 v41;
	vm1 =	vnez.u8 v63  }
0xbd: {  	[tilespmem:s17+$0x7A0] =	vst v57;
	v57 =	vld [tilespmem:$0x1FEA0];
	v41 =	vbroadcast v2, $0x9;
	v12 =	vsel vm13, v16, v18;
	vm0 =	vnez.u8 v45  }
0xbe: {  	v40 =	vld [tilespmem:$0x1FED0];
	vm13 =	vmmov vm7;
	vm7 =	vnez.u8 v53;
	v45 =	vbroadcast v1, $0x9  }
0xbf: {  	v55 =	vld [tilespmem:$0x1FF90];
	v18 =	vsel vm0, v33, v34;
	v16 =	vsel vm7, v30, v31;
	v29 =	vsel vm0, v61, v62  }
0xc0: {  	v34 =	vsel vm13, v58, v59;
	vm13 =	vnez.u8 v35;
	v36 =	vsel vm7, v58, v59  }
0xc1: {  	vm7 =	vmmov vm10;
	v49 =	vsel vm3, v41, v42;
	v52 =	vsel vm5, v41, v42  }
0xc2: {  	v43 =	vld [tilespmem:$0x1FEC0];
	v46 =	vsel vm8, v44, v18;
	vm8 =	vnez.u8 v57;
	v9 =	vsel vm1, v16, v9  }
0xc3: {  	v47 =	vld [tilespmem:$0x1FE90];
	[tilespmem:s17+$0x810] =	vst v13;
	v16 =	vsel vm5, v58, v59;
	v13 =	vsel vm13, v61, v62;
	v39 =	vsel vm1, v36, v37  }
0xc4: {  	v28 =	vld [tilespmem:$0x1FF90];
	vm13 =	vnez.u8 v40;
	v44 =	vbroadcast v0, $0x9;
	vm5 =	vnez.u8 v55  }
0xc5: {  	[tilespmem:s17+$0x830] =	vst v8;
	vm1 =	vmmov vm4;
	vm3 =	vmmov vm7;
	v55 =	vbroadcast v3, $0xB  }
0xc6: {  	v32 =	vld [tilespmem:$0x1FF60];
	[tilespmem:s17+$0x7E0] =	vst v5;
	v4 =	vsel vm8, v30, v31;
	v5 =	vsel vm14, v16, v27;
	v38 =	vsel vm10, v34, v13  }
0xc7: {  	v56 =	vld [tilespmem:$0x1FF80];
	[tilespmem:s17+$0x820] =	vst v46;
	v8 =	vsel vm13, v58, v59;
	vm10 =	vnez.u8 v43;
	v46 =	vsel vm8, v58, v59  }
0xc8: {  	[tilespmem:s17+$0x860] =	vst v11;
	v33 =	vld [tilespmem:$0x1FF50];
	vm8 =	vnez.u8 v47;
	v11 =	vsel vm5, v41, v42;
	v40 =	vsel vm5, v25, v26  }
0xc9: {  	[tilespmem:s17+$0x840] =	vst v15;
	v57 =	vld [tilespmem:$0x1FF70];
	v4 =	vsel vm9, v4, v60;
	vm9 =	vnez.u8 v28;
	v15 =	vsel vm10, v61, v62  }
0xca: {  	v30 =	vld [tilespmem:$0x1FFD0];
	v50 =	vsel vm15, v44, v45;
	v53 =	vsel vm12, v44, v45;
	v27 =	vsel vm10, v44, v45  }
0xcb: {  	[tilespmem:s17+$0x770] =	vst v17;
	v34 =	vld [tilespmem:$0x1FFF0];
	v28 =	vbroadcast v0, $0xA;
	v17 =	vsel vm9, v58, v59;
	v8 =	vsel vm2, v8, v15  }
0xcc: {  	[tilespmem:s17+$0x8D0] =	vst v39;
	v39 =	vld [tilespmem:$0x1FFB0];
	v15 =	vsel vm8, v61, v62;
	vm2 =	vmmov vm15;
	v54 =	vsel vm14, v52, v53  }
0xcd: {  	v21 =	vld [tilespmem:$0x1FF80];
	vm15 =	vnez.u8 v56;
	vm14 =	vmmov vm13;
	v31 =	vsel vm11, v17, v29  }
0xce: {  	v48 =	vld [tilespmem:$0x1FE80];
	[tilespmem:s17+$0x800] =	vst v12;
	vm11 =	vnez.u8 v32;
	vm9 =	vnez.u8 v33;
	v29 =	vbroadcast v1, $0xA  }
0xcf: {  	v37 =	vld [tilespmem:$0x1FFD0];
	[tilespmem:s17+$0x910] =	vst v54;
	v54 =	vbroadcast v2, $0xB;
	v12 =	vsel vm9, v61, v62;
	vm12 =	vnez.u8 v57  }
0xd0: {  	v23 =	vld [tilespmem:$0x1FEF0];
	v57 =	vbroadcast v0, $0xB;
	vm0 =	vnez.u8 v30;
	vm10 =	vnez.u8 v34  }
0xd1: {  	v33 =	vld [tilespmem:$0x1FE90];
	v35 =	vsel vm2, v28, v29;
	vm2 =	vnez.u8 v39;
	v39 =	vbroadcast v1, $0xC  }
0xd2: {  	[tilespmem:s17+$0x7F0] =	vst v6;
	v61 =	vld [tilespmem:$0x1FF30];
	v6 =	vsel vm0, v24, v10;
	v10 =	vsel vm11, v58, v59;
	v51 =	vsel vm0, v49, v50  }
0xd3: {  	v62 =	vld [tilespmem:$0x1FF20];
	v58 =	vsel vm11, v41, v42;
	v59 =	vsel vm9, v44, v45;
	v24 =	vsel vm13, v41, v42  }
0xd4: {  	[tilespmem:s17+$0x8A0] =	vst v31;
	v31 =	vld [tilespmem:$0x1FEB0];
	v13 =	vsel vm10, v25, v26;
	vm10 =	vnez.u8 v37;
	v10 =	vsel vm6, v10, v12  }
0xd5: {  	vm6 =	vnez.u8 v48;
	[tilespmem:s17+$0x880] =	vst v6;
	v60 =	vsel vm4, v58, v59;
	vm4 =	vnez.u8 v23  }
0xd6: {  	v30 =	vld [tilespmem:$0x1FEE0];
	[tilespmem:s17+$0x900] =	vst v51;
	v6 =	vsel vm2, v28, v29;
	v51 =	vsel vm14, v25, v26;
	v58 =	vbroadcast v1, $0xB  }
0xd7: {  	[tilespmem:s17+$0x850] =	vst v9;
	vm14 =	vnez.u8 v21;
	v9 =	vsel vm6, v46, v15;
	v15 =	vsel vm15, v44, v45  }
0xd8: {  	v22 =	vld [tilespmem:$0x1FF00];
	[tilespmem:s17+$0x890] =	vst v5;
	vm11 =	vnez.u8 v33;
	v50 =	vsel vm4, v28, v29;
	v5 =	vsel vm12, v11, v15  }
0xd9: {  	v52 =	vld [tilespmem:$0x1FEC0];
	vm0 =	vnez.u8 v61;
	vm8 =	vnez.u8 v62;
	vm9 =	vnez.u8 v31  }
0xda: {  	v23 =	vld [tilespmem:$0x1FFA0];
	[tilespmem:s17+$0x8F0] =	vst v9;
	v9 =	vsel vm11, v44, v45;
	v56 =	vsel vm11, v28, v29;
	v19 =	vsel vm2, v57, v58  }
0xdb: {  	v32 =	vld [tilespmem:$0x1FEA0];
	v11 =	vsel vm0, v41, v42;
	v15 =	vsel vm8, v44, v45;
	vm13 =	vnez.u8 v30  }
0xdc: {  	v46 =	vsel vm0, v25, v26;
	vm5 =	vmmov vm0;
	v47 =	vsel vm8, v28, v29  }
0xdd: {  	[tilespmem:s17+$0x8C0] =	vst v38;
	v38 =	vld [tilespmem:$0x1FFC0];
	v63 =	vsel vm7, v11, v15;
	vm7 =	vnez.u8 v22;
	v15 =	vsel vm4, v44, v45  }
0xde: {  	v61 =	vld [tilespmem:$0x1FFF0];
	v48 =	vsel vm3, v46, v47;
	vm3 =	vmmov vm6;
	v11 =	vsel vm7, v41, v42  }
0xdf: {  	v31 =	vld [tilespmem:$0x1FF40];
	v49 =	vsel vm7, v25, v26;
	vm7 =	vnez.u8 v52;
	vm2 =	vnez.u8 v23  }
0xe0: {  	[tilespmem:s17+$0x8E0] =	vst v8;
	v62 =	vld [tilespmem:$0x1FFE0];
	v8 =	vsel vm13, v11, v15;
	v11 =	vsel vm9, v24, v27;
	vm13 =	vnez.u8 v32  }
0xe1: {  	[tilespmem:s17+$0x750] =	vst v14;
	v30 =	vld [tilespmem:$0x1FEF0];
	v14 =	vsel vm7, v28, v29;
	v27 =	vsel vm5, v54, v55;
	v37 =	vsel vm7, v57, v58  }
0xe2: {  	v44 =	vld [tilespmem:$0x1FF60];
	v12 =	vsel vm13, v41, v42;
	v41 =	vsel vm15, v28, v29;
	v53 =	vsel vm13, v25, v26  }
0xe3: {  	[tilespmem:s17+$0x930] =	vst v60;
	v22 =	vld [tilespmem:$0x1FFD0];
	v60 =	vsel vm9, v51, v14;
	vm13 =	vnez.u8 v61;
	v14 =	vsel vm14, v57, v58  }
0xe4: {  	[tilespmem:s17+$0x870] =	vst v4;
	v42 =	vld [tilespmem:$0x1FFA0];
	vm5 =	vnez.u8 v31;
	v61 =	vbroadcast v0, $0xD;
	v36 =	vsel vm6, v12, v9  }
0xe5: {  	[tilespmem:s17+$0x9C0] =	vst v48;
	v48 =	vld [tilespmem:$0x1FF70];
	v9 =	vsel vm10, v13, v35;
	vm10 =	vnez.u8 v38;
	v43 =	vsel vm12, v40, v41  }
0xe6: {  	[tilespmem:s17+$0x940] =	vst v63;
	v32 =	vld [tilespmem:$0x1FF10];
	v4 =	vsel vm6, v53, v56;
	vm6 =	vnez.u8 v62;
	v35 =	vbroadcast v2, $0xC  }
0xe7: {  	v45 =	vld [tilespmem:$0x1FF50];
	[tilespmem:s17+$0x960] =	vst v11;
	v38 =	vbroadcast v0, $0xC;
	v62 =	vbroadcast v1, $0xD;
	v12 =	vsel vm10, v25, v26  }
0xe8: {  	v20 =	vld [tilespmem:$0x1FF90];
	[tilespmem:s17+$0x970] =	vst v36;
	v11 =	vsel vm6, v57, v58;
	v63 =	vsel vm10, v54, v55;
	vm0 =	vnez.u8 v22  }
0xe9: {  	v59 =	vld [tilespmem:$0x1FEE0];
	[tilespmem:s17+$0x9A0] =	vst v43;
	v36 =	vbroadcast v3, $0xC;
	v43 =	vsel vm6, v38, v39;
	vm15 =	vnez.u8 v42  }
0xea: {  	[tilespmem:s17+$0x920] =	vst v5;
	v40 =	vld [tilespmem:$0x1FEA0];
	vm6 =	vnez.u8 v48;
	v5 =	vsel vm15, v12, v6;
	vm15 =	vnez.u8 v44  }
0xeb: {  	v41 =	vld [tilespmem:$0x1FE90];
	vm11 =	vnez.u8 v32;
	v6 =	vsel vm2, v63, v19;
	v12 =	vsel vm15, v25, v26  }
0xec: {  	v53 =	vld [tilespmem:$0x1FF20];
	vm15 =	vnez.u8 v45;
	[tilespmem:s17+$0x990] =	vst v5;
	v5 =	vsel vm13, v54, v55;
	vm13 =	vnez.u8 v30  }
0xed: {  	[tilespmem:s17+$0x7D0] =	vst v7;
	v44 =	vld [tilespmem:$0x1FFC0];
	v7 =	vsel vm15, v28, v29;
	vm15 =	vmmov vm8;
	vm8 =	vnez.u8 v20  }
0xee: {  	v63 =	vld [tilespmem:$0x1FEE0];
	v5 =	vsel vm0, v5, v11;
	v56 =	vsel vm13, v38, v39;
	v7 =	vsel vm1, v12, v7  }
0xef: {  	v25 =	vld [tilespmem:$0x1FF60];
	vm1 =	vnez.u8 v59;
	v13 =	vsel vm8, v54, v55;
	v28 =	vsel vm15, v57, v58  }
0xf0: {  	v26 =	vld [tilespmem:$0x1FF50];
	vm15 =	vnez.u8 v40;
	v46 =	vsel vm8, v35, v36;
	v59 =	vbroadcast v3, $0xD  }
0xf1: {  	[tilespmem:s17+$0x950] =	vst v8;
	v42 =	vld [tilespmem:$0x1FFF0];
	vm8 =	vnez.u8 v53;
	v40 =	vbroadcast v3, $0xE;
	v3 =	vbroadcast v3, $0xF  }
0xf2: {  	[tilespmem:s17+$0xA10] =	vst v6;
	v45 =	vld [tilespmem:$0x1FFB0];
	v8 =	vsel vm1, v49, v50;
	v24 =	vsel vm12, v13, v14;
	v14 =	vsel vm13, v57, v58  }
0xf3: {  	v29 =	vld [tilespmem:$0x1FF00];
	[tilespmem:s17+$0xA00] =	vst v5;
	v5 =	vsel vm15, v54, v55;
	vm15 =	vnez.u8 v41;
	v31 =	vsel vm8, v61, v62  }
0xf4: {  	[tilespmem:s17+$0x9D0] =	vst v8;
	v8 =	vsel vm11, v27, v28;
	v6 =	vsel vm15, v57, v58;
	vm7 =	vnez.u8 v44  }
0xf5: {  	vm13 =	vnez.u8 v63;
	vm14 =	vnez.u8 v25;
	vm4 =	vnez.u8 v26  }
0xf6: {  	[tilespmem:s17+$0x9B0] =	vst v7;
	v5 =	vsel vm3, v5, v6;
	vm3 =	vnez.u8 v42;
	v7 =	vsel vm7, v35, v36  }
0xf7: {  	v52 =	vld [tilespmem:$0x1FF30];
	vm12 =	vnez.u8 v45;
	v42 =	vbroadcast v0, $0xE;
	v0 =	vbroadcast v0, $0xF  }
0xf8: {  	[tilespmem:s17+$0x8B0] =	vst v10;
	v32 =	vld [tilespmem:$0x1FF40];
	v10 =	vsel vm14, v54, v55;
	v11 =	vsel vm4, v57, v58;
	vm10 =	vnez.u8 v29  }
0xf9: {  	v34 =	vld [tilespmem:$0x1FED0];
	v6 =	vsel vm3, v35, v36;
	v49 =	vsel vm14, v35, v36;
	v50 =	vsel vm4, v38, v39  }
0xfa: {  	v47 =	vld [tilespmem:$0x1FF80];
	vm14 =	vmmov vm4;
	v58 =	vbroadcast v2, $0xD;
	v13 =	vsel vm10, v54, v55  }
0xfb: {  	[tilespmem:s17+$0x980] =	vst v9;
	v19 =	vld [tilespmem:$0x1FFE0];
	v9 =	vsel vm5, v10, v11;
	v6 =	vsel vm0, v6, v43;
	v51 =	vsel vm5, v49, v50  }
0xfc: {  	vm0 =	vnez.u8 v52;
	v10 =	vsel vm8, v38, v39;
	v29 =	vsel vm14, v61, v62  }
0xfd: {  	v21 =	vld [tilespmem:$0x1FFD0];
	[tilespmem:s17+$0x9E0] =	vst v60;
	vm14 =	vnez.u8 v32;
	v43 =	vbroadcast v1, $0xE;
	v1 =	vbroadcast v1, $0xF  }
0xfe: {  	v60 =	vld [tilespmem:$0x1FEC0];
	v33 =	vsel vm1, v13, v14;
	vm1 =	vnez.u8 v34;
	[tilespmem:s17+$0xA30] =	vst v9;
	v9 =	vsel vm12, v38, v39  }
0xff: {  	[tilespmem:s17+$0xA20] =	vst v24;
	v24 =	vld [tilespmem:$0x1FF90];
	vm12 =	vnez.u8 v47;
	v13 =	vsel vm15, v38, v39;
	v14 =	vsel vm3, v58, v59  }
0x100: {  	v23 =	vld [tilespmem:$0x1FFB0];
	vm3 =	vnez.u8 v19;
	v22 =	vsel vm7, v58, v59;
	v30 =	vsel vm0, v58, v59  }
0x101: {  	[tilespmem:s17+$0x9F0] =	vst v4;
	v48 =	vld [tilespmem:$0x1FFC0];
	v34 =	vsel vm10, v58, v59;
	v4 =	vsel vm1, v54, v55;
	v7 =	vsel vm2, v7, v9  }
0x102: {  	v26 =	vld [tilespmem:$0x1FFA0];
	v9 =	vsel vm12, v38, v39;
	v55 =	vsel vm10, v35, v36;
	v57 =	vsel vm1, v35, v36  }
0x103: {  	v20 =	vld [tilespmem:$0x1FE80];
	vm4 =	vmmov vm1;
	vm2 =	vnez.u8 v60;
	vm1 =	vmmov vm15  }
0x104: {  	v44 =	vld [tilespmem:$0x1FEE0];
	[tilespmem:s17+$0xA40] =	vst v8;
	vm15 =	vnez.u8 v21;
	vm5 =	vnez.u8 v24;
	v25 =	vsel vm12, v61, v62  }
0x105: {  	v53 =	vld [tilespmem:$0x1FFA0];
	[tilespmem:s17+$0xA50] =	vst v33;
	v33 =	vsel vm11, v30, v31;
	v8 =	vsel vm6, v46, v9;
	v9 =	vsel vm0, v35, v36  }
0x106: {  	[tilespmem:s17+$0xAB0] =	vst v51;
	v47 =	vsel vm3, v42, v43;
	v51 =	vsel vm12, v42, v43;
	v54 =	vsel vm11, v9, v10;
	v10 =	vld [tilespmem:$0x1FEA0]  }
0x107: {  	v28 =	vld [tilespmem:$0x1FF60];
	v4 =	vsel vm9, v4, v37;
	[tilespmem:s17+$0xA90] =	vst v7;
	v7 =	vsel vm2, v38, v39;
	vm7 =	vnez.u8 v26  }
0x108: {  	v52 =	vld [tilespmem:$0x1FFD0];
	v37 =	vsel vm2, v61, v62;
	v39 =	vbroadcast v2, $0xE;
	v41 =	vsel vm1, v61, v62  }
0x109: {  	vm1 =	vnez.u8 v44;
	v2 =	vbroadcast v2, $0xF;
	[tilespmem:s17+$0xAA0] =	vst v8;
	v8 =	vsel vm13, v55, v56;
	v56 =	vld [tilespmem:$0x1FF50]  }
0x10a: {  	[tilespmem:s17+$0xA80] =	vst v6;
	v6 =	vsel vm9, v57, v7;
	vm9 =	vnez.u8 v20;
	v9 =	vsel vm5, v58, v59;
	v57 =	vld [tilespmem:$0x1FF30]  }
0x10b: {  	vm11 =	vnez.u8 v48;
	v27 =	vsel vm6, v9, v25;
	vm13 =	vnez.u8 v10  }
0x10c: {  	[tilespmem:s17+$0xA70] =	vst v5;
	vm6 =	vnez.u8 v28;
	v50 =	vsel vm5, v39, v40;
	v7 =	vsel vm13, v35, v36;
	v35 =	vld [tilespmem:$0x1FEF0]  }
0x10d: {  	v46 =	vld [tilespmem:$0x1FFF0];
	[tilespmem:s17+$0xA60] =	vst v4;
	vm0 =	vnez.u8 v52;
	v15 =	vsel vm11, v2, v3;
	v55 =	vsel vm6, v39, v40  }
0x10e: {  	v63 =	vld [tilespmem:$0x1FED0];
	[tilespmem:s17+$0xAC0] =	vst v54;
	v10 =	vsel vm3, v61, v62;
	vm3 =	vnez.u8 v53;
	vm12 =	vnez.u8 v56  }
0x10f: {  	[tilespmem:s17+$0xAD0] =	vst v8;
	vm5 =	vnez.u8 v57;
	v5 =	vsel vm15, v14, v10;
	vm15 =	vnez.u8 v23  }
0x110: {  	[tilespmem:s17+$0xAE0] =	vst v6;
	v36 =	vsel vm4, v58, v59;
	v38 =	vsel vm13, v58, v59;
	v8 =	vsel vm15, v61, v62  }
0x111: {  	[tilespmem:s17+$0xB00] =	vst v5;
	v6 =	vsel vm7, v22, v8;
	v8 =	vsel vm6, v58, v59;
	v58 =	vld [tilespmem:$0x1FF20];
	vm8 =	vnez.u8 v35  }
0x112: {  	vm4 =	vnez.u8 v46;
	v4 =	vsel vm9, v7, v13;
	[tilespmem:s17+$0xB10] =	vst v6;
	v6 =	vsel vm8, v61, v62;
	v61 =	vld [tilespmem:$0x1FF10]  }
0x113: {  	v45 =	vld [tilespmem:$0x1FEB0];
	vm13 =	vnez.u8 v63;
	v49 =	vsel vm15, v42, v43;
	[tilespmem:s17+$0xAF0] =	vst v4;
	v4 =	vsel vm14, v8, v29  }
0x114: {  	v54 =	vld [tilespmem:$0x1FF70];
	v7 =	vsel vm12, v42, v43;
	v12 =	vsel vm4, v2, v3;
	[tilespmem:s17+$0xB30] =	vst v4;
	v5 =	vsel vm1, v34, v6  }
0x115: {  	v18 =	vld [tilespmem:$0x1FF90];
	v8 =	vsel vm11, v39, v40;
	v4 =	vsel vm9, v38, v41;
	[tilespmem:s17+$0xB50] =	vst v5;
	v5 =	vsel vm4, v39, v40  }
0x116: {  	v19 =	vld [tilespmem:$0x1FF80];
	[tilespmem:s17+$0xB70] =	vst v4;
	vm6 =	vnez.u8 v58;
	v4 =	vsel vm0, v5, v47;
	v5 =	vsel vm3, v8, v49  }
0x117: {  	v10 =	vld [tilespmem:$0x1FE90];
	v8 =	vsel vm5, v39, v40;
	[tilespmem:s17+$0xB90] =	vst v5;
	v5 =	vsel vm6, v42, v43;
	vm2 =	vnez.u8 v61  }
0x118: {  	v16 =	vsel vm15, v0, v1;
	vm7 =	vnez.u8 v45;
	v5 =	vsel vm2, v8, v5;
	v8 =	vld [tilespmem:$0x1FEC0]  }
0x119: {  	v11 =	vld [tilespmem:$0x1FE80];
	[tilespmem:s17+$0xB40] =	vst v33;
	v30 =	vsel vm13, v2, v3;
	vm9 =	vnez.u8 v54;
	v6 =	vsel vm7, v36, v37  }
0x11a: {  	v9 =	vld [tilespmem:$0x1FEA0];
	v59 =	vsel vm10, v39, v40;
	v17 =	vsel vm3, v15, v16;
	[tilespmem:s17+$0xB60] =	vst v6;
	v6 =	vsel vm9, v50, v51  }
0x11b: {  	v13 =	vld [tilespmem:$0x1FFE0];
	vm10 =	vnez.u8 v19;
	v22 =	vsel vm12, v0, v1;
	v60 =	vsel vm8, v42, v43;
	[tilespmem:s17+$0xBA0] =	vst v6  }
0x11c: {  	v21 =	vld [tilespmem:$0x1FF60];
	v62 =	vsel vm1, v59, v60;
	vm1 =	vmmov vm7;
	[tilespmem:s17+$0xB80] =	vst v4;
	v4 =	vsel vm14, v55, v7  }
0x11d: {  	v24 =	vld [tilespmem:$0x1FF30];
	vm4 =	vnez.u8 v18;
	vm5 =	vnez.u8 v10;
	[tilespmem:s17+$0xBB0] =	vst v4;
	vm8 =	vnez.u8 v8  }
0x11e: {  	v23 =	vld [tilespmem:$0x1FF40];
	v6 =	vsel vm5, v42, v43;
	v4 =	vsel vm13, v39, v40;
	[tilespmem:s17+$0xBC0] =	vst v5;
	v5 =	vsel vm8, v42, v43  }
0x11f: {  	v25 =	vld [tilespmem:$0x1FF20];
	[tilespmem:s17+$0xB20] =	vst v27;
	vm6 =	vnez.u8 v11;
	v4 =	vsel vm7, v4, v5;
	vm7 =	vnez.u8 v9  }
0x120: {  	v28 =	vld [tilespmem:$0x1FEF0];
	[tilespmem:s17+$0xC10] =	vst v17;
	vm14 =	vnez.u8 v13;
	v31 =	vsel vm8, v0, v1;
	v5 =	vsel vm7, v39, v40  }
0x121: {  	v27 =	vld [tilespmem:$0x1FF00];
	v32 =	vsel vm1, v30, v31;
	[tilespmem:s17+$0xBE0] =	vst v4;
	v4 =	vsel vm6, v5, v6;
	v6 =	vsel vm14, v0, v1  }
0x122: {  	v29 =	vld [tilespmem:$0x1FEE0];
	[tilespmem:s17+$0xBD0] =	vst v62;
	v5 =	vsel vm4, v2, v3;
	v14 =	vsel vm0, v12, v6;
	v6 =	vsel vm10, v0, v1  }
0x123: {  	vm12 =	vnez.u8 v23;
	[tilespmem:s17+$0xC60] =	vst v32;
	v20 =	vsel vm9, v5, v6;
	vm9 =	vnez.u8 v21  }
0x124: {  	vm3 =	vnez.u8 v24;
	[tilespmem:s17+$0xBF0] =	vst v4;
	v5 =	vsel vm9, v2, v3;
	vm9 =	vnez.u8 v25  }
0x125: {  	[tilespmem:s17+$0xC00] =	vst v14;
	v4 =	vsel vm12, v5, v22;
	v5 =	vsel vm3, v2, v3;
	v6 =	vsel vm9, v0, v1  }
0x126: {  	vm0 =	vnez.u8 v27;
	[tilespmem:s17+$0xC20] =	vst v20;
	vm12 =	vnez.u8 v28;
	v26 =	vsel vm2, v5, v6  }
0x127: {  	v52 =	vld [tilespmem:$0x1FEF0];
	[tilespmem:s17+$0xC30] =	vst v4;
	v5 =	vsel vm0, v2, v3;
	v6 =	vsel vm12, v0, v1;
	vm12 =	vnez.u8 v29  }
0x128: {  	v56 =	vld [tilespmem:$0x1FEC0];
	v2 =	vsel vm7, v2, v3;
	v0 =	vsel vm5, v0, v1;
	[tilespmem:s17+$0xC40] =	vst v26;
	v4 =	vsel vm12, v5, v6  }
0x129: {  	v46 =	vld [tilespmem:$0x1FF60];
	v0 =	vsel vm6, v2, v0;
	[tilespmem:s17+$0xC50] =	vst v4  }
0x12a: {  	v37 =	vld [tilespmem:$0x1FFF0];
	[tilespmem:s17+$0xC70] =	vst v0  }
0x12b: {  	v2 =	vld [tilespmem:s18+$0x280]  }
0x12c: {  	v3 =	vld [tilespmem:s18+$0x300]  }
0x12d: {  	v0 =	vld [tilespmem:s18+$0x380]  }
0x12e: {  	v1 =	vld [tilespmem:s18+$0x400]  }
0x12f: {  	v39 =	vld [tilespmem:$0x1FFD0]  }
0x130: {  	v48 =	vld [tilespmem:$0x1FF40]  }
0x131: {  	v53 =	vld [tilespmem:$0x1FED0];
	vm13 =	vmmov vm5;
	vm8 =	vnez.u8 v46;
	vm1 =	vnez.u8 v56  }
0x132: {  	v42 =	vld [tilespmem:$0x1FFA0];
	vm7 =	vnez.u8 v37;
	v33 =	vbroadcast v2, $0x0;
	v34 =	vbroadcast v3, $0x0  }
0x133: {  	v45 =	vld [tilespmem:$0x1FF70];
	vm5 =	vnez.u8 v52;
	v35 =	vbroadcast v0, $0x0;
	v36 =	vbroadcast v1, $0x0  }
0x134: {  	v47 =	vld [tilespmem:$0x1FF50];
	vm6 =	vnez.u8 v39;
	v54 =	vbroadcast v2, $0x1;
	v55 =	vbroadcast v3, $0x1  }
0x135: {  	v59 =	vld [tilespmem:$0x1FEE0];
	vm12 =	vmmov vm10;
	v57 =	vbroadcast v0, $0x1;
	v58 =	vbroadcast v1, $0x1  }
0x136: {  	v24 =	vld [tilespmem:$0x1FF90];
	v37 =	vbroadcast v0, $0x2;
	v8 =	vsel vm7, v33, v34;
	v38 =	vsel vm14, v35, v36  }
0x137: {  	v21 =	vld [tilespmem:$0x1FE80];
	v40 =	vsel vm11, v33, v34;
	v41 =	vsel vm15, v35, v36;
	vm15 =	vnez.u8 v42  }
0x138: {  	v22 =	vld [tilespmem:$0x1FFC0];
	v43 =	vsel vm4, v33, v34;
	v44 =	vsel vm10, v35, v36;
	vm10 =	vnez.u8 v45  }
0x139: {  	v28 =	vld [tilespmem:$0x1FF30];
	v11 =	vsel vm8, v33, v34;
	vm4 =	vnez.u8 v47;
	vm14 =	vnez.u8 v48  }
0x13a: {  	v49 =	vsel vm3, v33, v34;
	v50 =	vsel vm9, v35, v36;
	v51 =	vsel vm0, v33, v34  }
0x13b: {  	v14 =	vsel vm5, v35, v36;
	vm5 =	vnez.u8 v53;
	v18 =	vsel vm1, v35, v36  }
0x13c: {  	v60 =	vld [tilespmem:$0x1FEB0];
	vm11 =	vnez.u8 v59;
	v62 =	vsel vm13, v35, v36;
	v63 =	vsel vm7, v54, v55  }
0x13d: {  	vm0 =	vnez.u8 v21;
	vm3 =	vnez.u8 v22;
	vm13 =	vnez.u8 v24  }
0x13e: {  	v25 =	vsel vm12, v57, v58;
	v26 =	vsel vm8, v54, v55;
	vm8 =	vnez.u8 v28  }
0x13f: {  	v61 =	vld [tilespmem:$0x1FEA0];
	v29 =	vsel vm9, v57, v58;
	v59 =	vbroadcast v3, $0x3;
	v8 =	vsel vm6, v8, v38  }
0x140: {  	v45 =	vld [tilespmem:$0x1FF90];
	v9 =	vsel vm15, v40, v41;
	v10 =	vsel vm10, v43, v44;
	v12 =	vsel vm4, v35, v36  }
0x141: {  	v47 =	vld [tilespmem:$0x1FFD0];
	v15 =	vsel vm5, v33, v34;
	v13 =	vsel vm11, v51, v14;
	vm11 =	vnez.u8 v60  }
0x142: {  	v48 =	vld [tilespmem:$0x1FFA0];
	v6 =	vsel vm3, v54, v55;
	v27 =	vsel vm4, v57, v58;
	v21 =	vsel vm8, v54, v55  }
0x143: {  	v53 =	vld [tilespmem:$0x1FF20];
	v32 =	vsel vm5, v54, v55;
	v35 =	vbroadcast v3, $0x2;
	v38 =	vbroadcast v1, $0x2  }
0x144: {  	v36 =	vld [tilespmem:$0x1FE90];
	v11 =	vsel vm14, v11, v12;
	v12 =	vsel vm2, v49, v50;
	v14 =	vsel vm11, v15, v18  }
0x145: {  	v40 =	vld [tilespmem:$0x1FEB0];
	vm11 =	vnez.u8 v61;
	v15 =	vsel vm13, v54, v55;
	vm13 =	vmmov vm0  }
0x146: {  	v41 =	vld [tilespmem:$0x1FFF0];
	v61 =	vbroadcast v0, $0x3;
	v4 =	vsel vm11, v33, v34;
	v34 =	vbroadcast v2, $0x2  }
0x147: {  	v18 =	vld [tilespmem:$0x1FFE0];
	v33 =	vsel vm1, v57, v58;
	v16 =	vsel vm11, v54, v55;
	v46 =	vsel vm12, v37, v38  }
0x148: {  	v30 =	vld [tilespmem:$0x1FF00];
	v4 =	vsel vm0, v4, v62;
	v62 =	vbroadcast v1, $0x3;
	v43 =	vsel vm3, v34, v35  }
0x149: {  	v49 =	vld [tilespmem:$0x1FF70];
	vm4 =	vnez.u8 v45;
	vm11 =	vnez.u8 v47;
	vm12 =	vnez.u8 v48  }
0x14a: {  	v52 =	vsel vm8, v34, v35;
	vm8 =	vnez.u8 v53;
	v45 =	vbroadcast v0, $0x4  }
0x14b: {  	v50 =	vld [tilespmem:$0x1FF60];
	vm9 =	vnez.u8 v36;
	vm1 =	vnez.u8 v40;
	vm5 =	vnez.u8 v41  }
0x14c: {  	v56 =	vld [tilespmem:$0x1FF10];
	[tilespmem:s17+$0x2490] =	vst v9;
	v28 =	vsel vm4, v34, v35;
	v9 =	vsel vm8, v37, v38;
	vm7 =	vnez.u8 v18  }
0x14d: {  	v23 =	vld [tilespmem:$0x1FFB0];
	v18 =	vsel vm2, v21, v29;
	vm2 =	vnez.u8 v30;
	v19 =	vsel vm9, v57, v58  }
0x14e: {  	vm3 =	vnez.u8 v49;
	v20 =	vsel vm9, v37, v38;
	v7 =	vsel vm7, v57, v58  }
0x14f: {  	v31 =	vld [tilespmem:$0x1FEF0];
	v21 =	vsel vm2, v54, v55;
	v16 =	vsel vm0, v16, v19;
	v19 =	vsel vm5, v34, v35  }
0x150: {  	v51 =	vld [tilespmem:$0x1FF50];
	v42 =	vsel vm7, v37, v38;
	v24 =	vsel vm3, v28, v46;
	vm0 =	vnez.u8 v50  }
0x151: {  	v39 =	vld [tilespmem:$0x1FEE0];
	v54 =	vsel vm2, v34, v35;
	vm7 =	vnez.u8 v56;
	v46 =	vbroadcast v1, $0x4  }
0x152: {  	v5 =	vsel vm6, v63, v7;
	vm6 =	vnez.u8 v23;
	v19 =	vsel vm11, v19, v42  }
0x153: {  	v60 =	vld [tilespmem:$0x1FEC0];
	[tilespmem:s17+$0x2480] =	vst v8;
	v8 =	vsel vm0, v34, v35;
	v9 =	vsel vm7, v52, v9;
	v42 =	vbroadcast v2, $0x4  }
0x154: {  	v49 =	vld [tilespmem:$0x1FE90];
	v7 =	vsel vm6, v57, v58;
	vm5 =	vmmov vm6;
	v44 =	vsel vm6, v37, v38  }
0x155: {  	v63 =	vld [tilespmem:$0x1FEA0];
	vm6 =	vnez.u8 v51;
	v6 =	vsel vm15, v6, v7;
	v7 =	vsel vm10, v15, v25  }
0x156: {  	v52 =	vld [tilespmem:$0x1FE80];
	v15 =	vsel vm14, v26, v27;
	vm15 =	vnez.u8 v31;
	vm10 =	vnez.u8 v39  }
0x157: {  	v23 =	vsel vm12, v43, v44;
	v27 =	vsel vm6, v37, v38;
	v26 =	vld [tilespmem:$0x1FFE0];
	v36 =	vsel vm6, v61, v62  }
0x158: {  	v31 =	vld [tilespmem:$0x1FFC0];
	v43 =	vbroadcast v3, $0x4;
	v22 =	vsel vm15, v57, v58;
	v55 =	vsel vm15, v37, v38  }
0x159: {  	v39 =	vld [tilespmem:$0x1FF00];
	v8 =	vsel vm14, v8, v27;
	v58 =	vbroadcast v2, $0x3;
	vm15 =	vnez.u8 v60  }
0x15a: {  	[tilespmem:s17+$0x24A0] =	vst v10;
	v57 =	vld [tilespmem:$0x1FED0];
	v21 =	vsel vm10, v21, v22;
	v22 =	vsel vm1, v32, v33;
	v10 =	vsel vm10, v54, v55  }
0x15b: {  	[tilespmem:s17+$0x24C0] =	vst v12;
	v44 =	vld [tilespmem:$0x1FEC0];
	v12 =	vsel vm15, v37, v38;
	v32 =	vsel vm5, v61, v62;
	v38 =	vsel vm8, v61, v62  }
0x15c: {  	vm5 =	vnez.u8 v49;
	vm15 =	vnez.u8 v63;
	v33 =	vsel vm4, v58, v59  }
0x15d: {  	[tilespmem:s17+$0x2570] =	vst v16;
	v27 =	vld [tilespmem:$0x1FF40];
	v16 =	vsel vm5, v61, v62;
	vm6 =	vnez.u8 v52;
	v48 =	vsel vm15, v58, v59  }
0x15e: {  	v47 =	vld [tilespmem:$0x1FEE0];
	vm9 =	vnez.u8 v26;
	vm2 =	vnez.u8 v31;
	vm4 =	vnez.u8 v39  }
0x15f: {  	[tilespmem:s17+$0x24E0] =	vst v14;
	v25 =	vld [tilespmem:$0x1FFF0];
	v16 =	vsel vm6, v48, v16;
	vm10 =	vnez.u8 v57;
	v14 =	vsel vm9, v61, v62  }
0x160: {  	v40 =	vld [tilespmem:$0x1FEF0];
	vm9 =	vmmov vm8;
	vm8 =	vnez.u8 v44;
	v54 =	vsel vm2, v42, v43  }
0x161: {  	[tilespmem:s17+$0x24B0] =	vst v11;
	v56 =	vld [tilespmem:$0x1FF90];
	v28 =	vsel vm4, v42, v43;
	v11 =	vsel vm10, v34, v35;
	vm10 =	vmmov vm1  }
0x162: {  	[tilespmem:s17+$0x2550] =	vst v21;
	v21 =	vsel vm8, v61, v62;
	v63 =	vsel vm9, v45, v46;
	vm9 =	vnez.u8 v27  }
0x163: {  	v41 =	vld [tilespmem:$0x1FED0];
	v31 =	vsel vm8, v45, v46;
	v11 =	vsel vm1, v11, v12;
	v12 =	vsel vm15, v34, v35  }
0x164: {  	[tilespmem:s17+$0x24D0] =	vst v13;
	v55 =	vld [tilespmem:$0x1FFB0];
	vm1 =	vnez.u8 v25;
	v35 =	vsel vm0, v58, v59;
	v12 =	vsel vm13, v12, v20  }
0x165: {  	[tilespmem:s17+$0x2520] =	vst v7;
	v48 =	vld [tilespmem:$0x1FF70];
	v13 =	vsel vm1, v58, v59;
	v7 =	vsel vm14, v35, v36;
	vm13 =	vnez.u8 v40  }
0x166: {  	v39 =	vld [tilespmem:$0x1FEB0];
	vm14 =	vnez.u8 v47;
	v50 =	vsel vm1, v42, v43;
	vm1 =	vnez.u8 v56  }
0x167: {  	[tilespmem:s17+$0x24F0] =	vst v4;
	v34 =	vld [tilespmem:$0x1FF80];
	v35 =	vsel vm5, v45, v46;
	v36 =	vbroadcast v0, $0x5;
	v4 =	vsel vm11, v13, v14  }
0x168: {  	v13 =	vsel vm2, v58, v59;
	vm11 =	vmmov vm0;
	vm0 =	vmmov vm7  }
0x169: {  	[tilespmem:s17+$0x2530] =	vst v15;
	v37 =	vld [tilespmem:$0x1FF30];
	v15 =	vsel vm13, v61, v62;
	vm13 =	vnez.u8 v41;
	vm2 =	vnez.u8 v55  }
0x16a: {  	vm8 =	vmmov vm1;
	vm5 =	vnez.u8 v48;
	v48 =	vbroadcast v3, $0x7  }
0x16b: {  	[tilespmem:s17+$0x2500] =	vst v5;
	v51 =	vld [tilespmem:$0x1FFE0];
	v5 =	vsel vm12, v13, v32;
	v17 =	vsel vm13, v58, v59;
	v60 =	vsel vm11, v42, v43  }
0x16c: {  	v53 =	vld [tilespmem:$0x1FFD0];
	v30 =	vsel vm13, v42, v43;
	vm11 =	vnez.u8 v39;
	vm12 =	vnez.u8 v34  }
0x16d: {  	v34 =	vbroadcast v3, $0x5;
	v14 =	vsel vm12, v61, v62;
	v57 =	vsel vm12, v45, v46  }
0x16e: {  	[tilespmem:s17+$0x2510] =	vst v6;
	v6 =	vsel vm3, v33, v14;
	vm3 =	vnez.u8 v37;
	v14 =	vsel vm4, v58, v59  }
0x16f: {  	v55 =	vld [tilespmem:$0x1FF40];
	v33 =	vbroadcast v2, $0x5;
	v37 =	vbroadcast v1, $0x5;
	v13 =	vsel vm3, v58, v59  }
0x170: {  	v52 =	vld [tilespmem:$0x1FF20];
	v14 =	vsel vm14, v14, v15;
	v15 =	vsel vm10, v17, v21;
	vm14 =	vnez.u8 v51  }
0x171: {  	v47 =	vld [tilespmem:$0x1FFA0];
	vm10 =	vnez.u8 v53;
	v21 =	vsel vm2, v45, v46;
	v62 =	vsel vm3, v42, v43  }
0x172: {  	[tilespmem:s17+$0x2560] =	vst v22;
	v61 =	vld [tilespmem:$0x1FF50];
	v13 =	vsel vm7, v13, v38;
	vm7 =	vmmov vm15;
	v22 =	vsel vm14, v45, v46  }
0x173: {  	[tilespmem:s17+$0x25C0] =	vst v9;
	v58 =	vld [tilespmem:$0x1FFA0];
	v9 =	vsel vm0, v62, v63;
	v41 =	vsel vm14, v36, v37;
	v44 =	vsel vm1, v33, v34  }
0x174: {  	v59 =	vld [tilespmem:$0x1FF70];
	v53 =	vsel vm4, v33, v34;
	vm4 =	vnez.u8 v55;
	v62 =	vbroadcast v1, $0x6  }
0x175: {  	v38 =	vld [tilespmem:$0x1FEE0];
	v17 =	vsel vm10, v50, v22;
	v22 =	vsel vm1, v42, v43;
	vm10 =	vmmov vm3  }
0x176: {  	vm3 =	vmmov vm13;
	v32 =	vsel vm7, v42, v43;
	v42 =	vld [tilespmem:$0x1FFC0];
	v43 =	vsel vm2, v36, v37  }
0x177: {  	[tilespmem:s17+$0x25E0] =	vst v11;
	vm2 =	vnez.u8 v47;
	v50 =	vld [tilespmem:$0x1FF50];
	v47 =	vbroadcast v2, $0x7;
	v11 =	vsel vm6, v32, v35  }
0x178: {  	v29 =	vld [tilespmem:$0x1FEF0];
	[tilespmem:s17+$0x2580] =	vst v19;
	v51 =	vsel vm10, v33, v34;
	vm10 =	vnez.u8 v52;
	vm15 =	vnez.u8 v58  }
0x179: {  	[tilespmem:s17+$0x2650] =	vst v14;
	v14 =	vsel vm10, v36, v37;
	v58 =	vbroadcast v2, $0x6;
	v19 =	vsel vm15, v54, v21  }
0x17a: {  	vm15 =	vnez.u8 v59;
	vm0 =	vnez.u8 v38;
	v59 =	vbroadcast v3, $0x6  }
0x17b: {  	v21 =	vsel vm15, v22, v57;
	vm15 =	vnez.u8 v61;
	vm13 =	vnez.u8 v42  }
0x17c: {  	v49 =	vld [tilespmem:$0x1FF60];
	vm7 =	vnez.u8 v50;
	v57 =	vsel vm3, v33, v34;
	v61 =	vbroadcast v0, $0x6  }
0x17d: {  	[tilespmem:s17+$0x25B0] =	vst v8;
	v27 =	vld [tilespmem:$0x1FEA0];
	v50 =	vbroadcast v0, $0x7;
	v8 =	vsel vm15, v45, v46;
	vm15 =	vnez.u8 v29  }
0x17e: {  	v40 =	vld [tilespmem:$0x1FFF0];
	[tilespmem:s17+$0x2640] =	vst v13;
	v22 =	vsel vm13, v33, v34;
	v13 =	vsel vm7, v36, v37;
	v32 =	vsel vm13, v58, v59  }
0x17f: {  	[tilespmem:s17+$0x25D0] =	vst v10;
	v56 =	vld [tilespmem:$0x1FF10];
	v35 =	vsel vm8, v58, v59;
	v8 =	vsel vm9, v60, v8;
	v10 =	vsel vm15, v45, v46  }
0x180: {  	[tilespmem:s17+$0x2620] =	vst v6;
	v63 =	vld [tilespmem:$0x1FEB0];
	vm9 =	vmmov vm6;
	v45 =	vsel vm12, v36, v37;
	v6 =	vsel vm2, v22, v43  }
0x181: {  	[tilespmem:s17+$0x25F0] =	vst v12;
	v46 =	vld [tilespmem:$0x1FFD0];
	vm12 =	vnez.u8 v49;
	v54 =	vsel vm15, v36, v37;
	v39 =	vsel vm7, v61, v62  }
0x182: {  	[tilespmem:s17+$0x2600] =	vst v4;
	v60 =	vld [tilespmem:$0x1FEC0];
	v42 =	vsel vm10, v61, v62;
	v4 =	vsel vm0, v28, v10;
	v10 =	vsel vm11, v30, v31  }
0x183: {  	[tilespmem:s17+$0x2630] =	vst v7;
	v49 =	vld [tilespmem:$0x1FEC0];
	vm11 =	vnez.u8 v40;
	v7 =	vsel vm5, v44, v45;
	v12 =	vsel vm12, v33, v34  }
0x184: {  	[tilespmem:s17+$0x2610] =	vst v5;
	vm12 =	vnez.u8 v56;
	v28 =	vld [tilespmem:$0x1FE90];
	v5 =	vsel vm11, v33, v34;
	v12 =	vsel vm4, v12, v13  }
0x185: {  	v30 =	vld [tilespmem:$0x1FFE0];
	v13 =	vsel vm12, v51, v14;
	v14 =	vsel vm0, v53, v54;
	v51 =	vbroadcast v1, $0x7  }
0x186: {  	[tilespmem:s17+$0x2540] =	vst v18;
	vm0 =	vmmov vm3;
	vm3 =	vnez.u8 v63;
	v29 =	vsel vm11, v58, v59  }
0x187: {  	[tilespmem:s17+$0x2590] =	vst v23;
	v44 =	vld [tilespmem:$0x1FF00];
	v23 =	vsel vm7, v50, v51;
	vm14 =	vnez.u8 v46;
	vm6 =	vnez.u8 v60  }
0x188: {  	[tilespmem:s17+$0x2660] =	vst v15;
	v55 =	vld [tilespmem:$0x1FFF0];
	v46 =	vsel vm0, v58, v59;
	vm0 =	vnez.u8 v49;
	v5 =	vsel vm14, v5, v41  }
0x189: {  	[tilespmem:s17+$0x2680] =	vst v17;
	v17 =	vsel vm6, v36, v37;
	vm6 =	vnez.u8 v27;
	vm15 =	vnez.u8 v28  }
0x18a: {  	v45 =	vld [tilespmem:$0x1FEF0];
	[tilespmem:s17+$0x2710] =	vst v6;
	vm1 =	vnez.u8 v30;
	vm11 =	vmmov vm14;
	v6 =	vsel vm0, v61, v62  }
0x18b: {  	[tilespmem:s17+$0x2690] =	vst v19;
	v15 =	vsel vm3, v57, v17;
	v17 =	vsel vm6, v33, v34;
	v18 =	vsel vm15, v36, v37;
	v33 =	vld [tilespmem:$0x1FFB0]  }
0x18c: {  	v19 =	vsel vm1, v61, v62;
	vm15 =	vnez.u8 v44;
	[tilespmem:s17+$0x2700] =	vst v5;
	v5 =	vsel vm3, v46, v6;
	v57 =	vld [tilespmem:$0x1FE80]  }
0x18d: {  	v63 =	vld [tilespmem:$0x1FFA0];
	vm10 =	vmmov vm6;
	v53 =	vsel vm6, v58, v59;
	vm6 =	vnez.u8 v55  }
0x18e: {  	v36 =	vld [tilespmem:$0x1FF80];
	v56 =	vsel vm1, v50, v51;
	v17 =	vsel vm9, v17, v18;
	v31 =	vsel vm14, v29, v19  }
0x18f: {  	[tilespmem:s17+$0x2670] =	vst v16;
	vm14 =	vmmov vm13;
	vm13 =	vnez.u8 v45;
	v16 =	vsel vm6, v47, v48  }
0x190: {  	v38 =	vld [tilespmem:$0x1FF60];
	vm1 =	vmmov vm15;
	v30 =	vsel vm15, v47, v48;
	vm9 =	vnez.u8 v33  }
0x191: {  	v52 =	vld [tilespmem:$0x1FEE0];
	vm6 =	vnez.u8 v57;
	v33 =	vsel vm0, v50, v51;
	v19 =	vsel vm9, v61, v62  }
0x192: {  	v60 =	vsel vm9, v50, v51;
	vm9 =	vnez.u8 v63;
	v63 =	vbroadcast v0, $0x9  }
0x193: {  	v41 =	vld [tilespmem:$0x1FF30];
	v34 =	vsel vm2, v32, v19;
	vm2 =	vmmov vm8;
	vm8 =	vnez.u8 v36  }
0x194: {  	v36 =	vbroadcast v3, $0x8;
	v19 =	vsel vm8, v61, v62;
	vm3 =	vmmov vm8  }
0x195: {  	v44 =	vld [tilespmem:$0x1FFC0];
	[tilespmem:s17+$0x2790] =	vst v34;
	v34 =	vsel vm10, v47, v48;
	v37 =	vsel vm5, v35, v19;
	vm5 =	vnez.u8 v38  }
0x196: {  	v54 =	vld [tilespmem:$0x1FE90];
	v19 =	vsel vm13, v61, v62;
	vm13 =	vnez.u8 v52;
	v35 =	vbroadcast v2, $0x8  }
0x197: {  	[tilespmem:s17+$0x2780] =	vst v31;
	v31 =	vld [tilespmem:$0x1FEF0];
	v38 =	vbroadcast v0, $0x8;
	v18 =	vsel vm5, v58, v59;
	v22 =	vsel vm5, v47, v48  }
0x198: {  	v45 =	vld [tilespmem:$0x1FFB0];
	v40 =	vsel vm4, v18, v39;
	vm4 =	vnez.u8 v41;
	v39 =	vbroadcast v1, $0x8  }
0x199: {  	[tilespmem:s17+$0x25A0] =	vst v24;
	v27 =	vld [tilespmem:$0x1FF20];
	v55 =	vsel vm1, v35, v36;
	v18 =	vsel vm4, v58, v59;
	v24 =	vsel vm4, v47, v48  }
0x19a: {  	v49 =	vld [tilespmem:$0x1FFA0];
	vm5 =	vmmov vm4;
	vm4 =	vnez.u8 v44;
	v43 =	vsel vm12, v18, v42  }
0x19b: {  	v25 =	vld [tilespmem:$0x1FEA0];
	v18 =	vsel vm15, v58, v59;
	v58 =	vsel vm11, v16, v56;
	v59 =	vsel vm14, v47, v48  }
0x19c: {  	[tilespmem:s17+$0x26C0] =	vst v9;
	vm11 =	vmmov vm2;
	vm15 =	vnez.u8 v31;
	v16 =	vsel vm4, v35, v36  }
0x19d: {  	[tilespmem:s17+$0x2720] =	vst v7;
	v28 =	vld [tilespmem:$0x1FF40];
	vm4 =	vnez.u8 v45;
	v7 =	vsel vm13, v18, v19;
	vm13 =	vnez.u8 v54  }
0x19e: {  	[tilespmem:s17+$0x2740] =	vst v13;
	v13 =	vsel vm9, v59, v60;
	vm9 =	vnez.u8 v27;
	v9 =	vsel vm15, v50, v51  }
0x19f: {  	[tilespmem:s17+$0x27E0] =	vst v5;
	v32 =	vld [tilespmem:$0x1FED0];
	v5 =	vsel vm4, v38, v39;
	v46 =	vsel vm11, v35, v36;
	vm11 =	vnez.u8 v49  }
0x1a0: {  	[tilespmem:s17+$0x2730] =	vst v12;
	v41 =	vld [tilespmem:$0x1FEB0];
	v56 =	vsel vm15, v38, v39;
	v60 =	vbroadcast v2, $0x9;
	vm15 =	vnez.u8 v25  }
0x1a1: {  	[tilespmem:s17+$0x27B0] =	vst v40;
	v40 =	vld [tilespmem:$0x1FEE0];
	v49 =	vbroadcast v0, $0xA;
	v12 =	vsel vm13, v61, v62;
	v61 =	vsel vm2, v47, v48  }
0x1a2: {  	[tilespmem:s17+$0x26B0] =	vst v8;
	v42 =	vld [tilespmem:$0x1FFF0];
	v62 =	vsel vm8, v50, v51;
	v18 =	vsel vm9, v50, v51;
	vm8 =	vnez.u8 v28  }
0x1a3: {  	[tilespmem:s17+$0x27A0] =	vst v37;
	v19 =	vld [tilespmem:$0x1FF70];
	v37 =	vsel vm13, v50, v51;
	v5 =	vsel vm11, v16, v5;
	v54 =	vsel vm9, v38, v39  }
0x1a4: {  	[tilespmem:s17+$0x27C0] =	vst v43;
	v43 =	vld [tilespmem:$0x1FFE0];
	v26 =	vsel vm13, v38, v39;
	v6 =	vsel vm6, v53, v12;
	v8 =	vsel vm8, v22, v23  }
0x1a5: {  	[tilespmem:s17+$0x26D0] =	vst v4;
	v27 =	vld [tilespmem:$0x1FE80];
	v29 =	vsel vm12, v24, v18;
	vm0 =	vnez.u8 v41;
	v4 =	vsel vm6, v34, v37  }
0x1a6: {  	v31 =	vld [tilespmem:$0x1FFC0];
	v53 =	vsel vm5, v35, v36;
	vm5 =	vmmov vm8;
	vm2 =	vnez.u8 v40  }
0x1a7: {  	[tilespmem:s17+$0x2800] =	vst v58;
	v50 =	vld [tilespmem:$0x1FF70];
	v24 =	vbroadcast v1, $0x9;
	v57 =	vsel vm12, v53, v54;
	v9 =	vsel vm2, v30, v9  }
0x1a8: {  	[tilespmem:s17+$0x27D0] =	vst v7;
	v51 =	vld [tilespmem:$0x1FF60];
	vm10 =	vnez.u8 v42;
	v58 =	vsel vm2, v55, v56;
	vm14 =	vnez.u8 v19  }
0x1a9: {  	v40 =	vld [tilespmem:$0x1FF30];
	v7 =	vsel vm10, v35, v36;
	vm6 =	vnez.u8 v43;
	[tilespmem:s17+$0x2850] =	vst v9;
	v9 =	vsel vm15, v35, v36  }
0x1aa: {  	[tilespmem:s17+$0x26E0] =	vst v10;
	vm13 =	vnez.u8 v27;
	vm9 =	vmmov vm10;
	vm15 =	vmmov vm11;
	v43 =	vld [tilespmem:$0x1FF00]  }
0x1ab: {  	[tilespmem:s17+$0x2750] =	vst v14;
	v14 =	vsel vm14, v61, v62;
	vm14 =	vmmov vm7;
	vm7 =	vnez.u8 v32;
	v32 =	vld [tilespmem:$0x1FFB0]  }
0x1ac: {  	[tilespmem:s17+$0x2770] =	vst v17;
	v10 =	vsel vm6, v38, v39;
	v61 =	vbroadcast v3, $0x9;
	v17 =	vsel vm7, v47, v48;
	v48 =	vld [tilespmem:$0x1FFD0]  }
0x1ad: {  	[tilespmem:s17+$0x2840] =	vst v29;
	v9 =	vsel vm13, v9, v26;
	v29 =	vsel vm6, v63, v24;
	v47 =	vsel vm3, v38, v39  }
0x1ae: {  	v59 =	vld [tilespmem:$0x1FED0];
	vm7 =	vnez.u8 v50;
	vm3 =	vnez.u8 v51;
	v52 =	vsel vm14, v38, v39  }
0x1af: {  	[tilespmem:s17+$0x26F0] =	vst v11;
	v37 =	vld [tilespmem:$0x1FF60];
	vm14 =	vnez.u8 v31;
	v50 =	vbroadcast v1, $0xA;
	v11 =	vsel vm0, v17, v33  }
0x1b0: {  	v62 =	vld [tilespmem:$0x1FEC0];
	v28 =	vsel vm10, v60, v61;
	vm2 =	vnez.u8 v40;
	[tilespmem:s17+$0x2860] =	vst v11;
	v11 =	vsel vm14, v60, v61  }
0x1b1: {  	vm10 =	vnez.u8 v43;
	vm1 =	vnez.u8 v32;
	vm4 =	vnez.u8 v48  }
0x1b2: {  	[tilespmem:s17+$0x27F0] =	vst v6;
	v56 =	vld [tilespmem:$0x1FFE0];
	v6 =	vsel vm4, v7, v10;
	v7 =	vsel vm7, v46, v47;
	v10 =	vsel vm3, v35, v36  }
0x1b3: {  	vm3 =	vnez.u8 v59;
	v30 =	vsel vm4, v28, v29;
	v46 =	vbroadcast v2, $0xA  }
0x1b4: {  	v54 =	vld [tilespmem:$0x1FE90];
	vm4 =	vnez.u8 v37;
	v47 =	vbroadcast v3, $0xA;
	v37 =	vbroadcast v1, $0xB  }
0x1b5: {  	[tilespmem:s17+$0x2830] =	vst v8;
	v10 =	vsel vm8, v10, v52;
	v8 =	vsel vm3, v35, v36;
	vm8 =	vnez.u8 v62  }
0x1b6: {  	[tilespmem:s17+$0x2760] =	vst v15;
	v34 =	vld [tilespmem:$0x1FF90];
	v45 =	vsel vm3, v60, v61;
	v15 =	vsel vm8, v38, v39;
	v48 =	vsel vm8, v63, v24  }
0x1b7: {  	v35 =	vld [tilespmem:$0x1FF80];
	v55 =	vsel vm9, v46, v47;
	vm9 =	vnez.u8 v56;
	v59 =	vsel vm14, v46, v47  }
0x1b8: {  	v23 =	vsel vm4, v46, v47;
	v25 =	vsel vm2, v46, v47;
	v31 =	vsel vm8, v49, v50  }
0x1b9: {  	[tilespmem:s17+$0x26A0] =	vst v21;
	v38 =	vld [tilespmem:$0x1FF50];
	v8 =	vsel vm0, v8, v15;
	v15 =	vsel vm1, v63, v24;
	vm0 =	vnez.u8 v54  }
0x1ba: {  	v18 =	vld [tilespmem:$0x1FF70];
	[tilespmem:s17+$0x2820] =	vst v14;
	v14 =	vsel vm9, v49, v50;
	vm9 =	vmmov vm13;
	v33 =	vsel vm11, v11, v15  }
0x1bb: {  	[tilespmem:s17+$0x28F0] =	vst v9;
	vm11 =	vnez.u8 v34;
	v9 =	vsel vm0, v63, v24;
	v34 =	vbroadcast v3, $0xB  }
0x1bc: {  	v41 =	vld [tilespmem:$0x1FF20];
	v11 =	vsel vm11, v60, v61;
	[tilespmem:s17+$0x2910] =	vst v33;
	v33 =	vbroadcast v2, $0xB;
	vm6 =	vnez.u8 v35  }
0x1bd: {  	[tilespmem:s17+$0x2900] =	vst v30;
	v30 =	vld [tilespmem:$0x1FED0];
	v35 =	vsel vm0, v49, v50;
	v15 =	vsel vm6, v63, v24;
	v62 =	vsel vm6, v49, v50  }
0x1be: {  	v44 =	vld [tilespmem:$0x1FEF0];
	vm14 =	vmmov vm6;
	v36 =	vsel vm7, v11, v15;
	vm7 =	vnez.u8 v38  }
0x1bf: {  	v51 =	vld [tilespmem:$0x1FEE0];
	vm6 =	vnez.u8 v18;
	v11 =	vsel vm4, v60, v61;
	v15 =	vsel vm7, v63, v24  }
0x1c0: {  	v52 =	vld [tilespmem:$0x1FEB0];
	vm7 =	vmmov vm5;
	[tilespmem:s17+$0x2920] =	vst v36;
	v36 =	vbroadcast v0, $0xB;
	v39 =	vsel vm5, v11, v15  }
0x1c1: {  	v38 =	vld [tilespmem:$0x1FEE0];
	v11 =	vsel vm2, v60, v61;
	vm5 =	vnez.u8 v41;
	vm2 =	vmmov vm9  }
0x1c2: {  	v53 =	vld [tilespmem:$0x1FEA0];
	v15 =	vsel vm5, v63, v24;
	v26 =	vsel vm5, v49, v50;
	vm5 =	vnez.u8 v30  }
0x1c3: {  	v41 =	vld [tilespmem:$0x1FFE0];
	v43 =	vsel vm1, v36, v37;
	v42 =	vsel vm12, v11, v15;
	v11 =	vsel vm10, v60, v61  }
0x1c4: {  	[tilespmem:s17+$0x2810] =	vst v13;
	vm10 =	vnez.u8 v44;
	v27 =	vsel vm12, v25, v26;
	v13 =	vsel vm5, v46, v47  }
0x1c5: {  	v16 =	vld [tilespmem:$0x1FE90];
	[tilespmem:s17+$0x28D0] =	vst v58;
	v44 =	vsel vm11, v33, v34;
	v15 =	vsel vm10, v63, v24;
	vm10 =	vnez.u8 v51  }
0x1c6: {  	v58 =	vld [tilespmem:$0x1FFD0];
	[tilespmem:s17+$0x28E0] =	vst v8;
	vm5 =	vnez.u8 v38;
	v8 =	vsel vm10, v11, v15;
	vm10 =	vnez.u8 v52  }
0x1c7: {  	v29 =	vld [tilespmem:$0x1FEF0];
	v38 =	vbroadcast v1, $0xD;
	v11 =	vsel vm10, v45, v48;
	vm10 =	vnez.u8 v53  }
0x1c8: {  	[tilespmem:s17+$0x28C0] =	vst v57;
	v40 =	vld [tilespmem:$0x1FFF0];
	vm0 =	vnez.u8 v41;
	v45 =	vsel vm14, v36, v37;
	v12 =	vsel vm10, v60, v61  }
0x1c9: {  	[tilespmem:s17+$0x2930] =	vst v39;
	v39 =	vld [tilespmem:$0x1FEB0];
	v60 =	vsel vm1, v49, v50;
	v61 =	vsel vm11, v46, v47;
	v32 =	vsel vm10, v46, v47  }
0x1ca: {  	v24 =	vld [tilespmem:$0x1FF50];
	[tilespmem:s17+$0x2960] =	vst v11;
	v11 =	vsel vm0, v36, v37;
	v48 =	vsel vm6, v44, v45;
	vm1 =	vnez.u8 v16  }
0x1cb: {  	[tilespmem:s17+$0x2940] =	vst v42;
	v42 =	vld [tilespmem:$0x1FFC0];
	v16 =	vbroadcast v3, $0xE;
	v57 =	vsel vm13, v12, v9;
	vm13 =	vnez.u8 v58  }
0x1cc: {  	[tilespmem:s17+$0x2880] =	vst v6;
	v51 =	vld [tilespmem:$0x1FF30];
	v63 =	vsel vm15, v59, v60;
	v6 =	vsel vm6, v61, v62;
	vm15 =	vnez.u8 v29  }
0x1cd: {  	[tilespmem:s17+$0x2870] =	vst v4;
	v4 =	vsel vm9, v32, v35;
	v58 =	vbroadcast v2, $0xC;
	v59 =	vbroadcast v3, $0xC  }
0x1ce: {  	[tilespmem:s17+$0x2890] =	vst v5;
	v52 =	vld [tilespmem:$0x1FF20];
	vm9 =	vnez.u8 v40;
	v61 =	vbroadcast v0, $0xC;
	v62 =	vbroadcast v1, $0xC  }
0x1cf: {  	v21 =	vld [tilespmem:$0x1FFB0];
	[tilespmem:s17+$0x28A0] =	vst v7;
	v35 =	vbroadcast v3, $0xD;
	v3 =	vbroadcast v3, $0xF;
	v9 =	vsel vm13, v55, v14  }
0x1d0: {  	v28 =	vld [tilespmem:$0x1FF00];
	[tilespmem:s17+$0x2950] =	vst v8;
	vm3 =	vnez.u8 v24;
	v8 =	vsel vm15, v49, v50;
	vm13 =	vnez.u8 v39  }
0x1d1: {  	v60 =	vld [tilespmem:$0x1FEC0];
	[tilespmem:s17+$0x2970] =	vst v57;
	v5 =	vsel vm9, v33, v34;
	vm10 =	vnez.u8 v42;
	vm14 =	vnez.u8 v51  }
0x1d2: {  	v54 =	vsel vm15, v36, v37;
	v57 =	vld [tilespmem:$0x1FED0];
	v7 =	vsel vm3, v49, v50;
	[tilespmem:s17+$0x2980] =	vst v9;
	v9 =	vsel vm13, v13, v31  }
0x1d3: {  	[tilespmem:s17+$0x2990] =	vst v63;
	v63 =	vld [tilespmem:$0x1FEA0];
	v50 =	vsel vm3, v36, v37;
	vm6 =	vnez.u8 v52;
	v18 =	vsel vm9, v58, v59  }
0x1d4: {  	v24 =	vld [tilespmem:$0x1FF70];
	v19 =	vsel vm0, v61, v62;
	vm9 =	vnez.u8 v21;
	v22 =	vsel vm11, v58, v59  }
0x1d5: {  	v49 =	vld [tilespmem:$0x1FF60];
	v32 =	vsel vm15, v61, v62;
	v7 =	vsel vm7, v23, v7;
	vm7 =	vnez.u8 v28  }
0x1d6: {  	v41 =	vsel vm1, v61, v62;
	v12 =	vsel vm7, v46, v47;
	v46 =	vld [tilespmem:$0x1FFD0];
	v53 =	vsel vm7, v33, v34  }
0x1d7: {  	v47 =	vld [tilespmem:$0x1FFA0];
	v8 =	vsel vm5, v12, v8;
	v12 =	vsel vm10, v33, v34;
	v56 =	vsel vm5, v53, v54  }
0x1d8: {  	v55 =	vld [tilespmem:$0x1FF40];
	vm7 =	vnez.u8 v60;
	[tilespmem:s17+$0x29D0] =	vst v8;
	v8 =	vsel vm6, v36, v37;
	vm3 =	vnez.u8 v57  }
0x1d9: {  	vm6 =	vmmov vm13;
	vm5 =	vnez.u8 v63;
	vm11 =	vnez.u8 v24  }
0x1da: {  	[tilespmem:s17+$0x29F0] =	vst v4;
	v31 =	vld [tilespmem:$0x1FF00];
	v63 =	vbroadcast v2, $0xE;
	vm8 =	vnez.u8 v49;
	v4 =	vsel vm3, v33, v34  }
0x1db: {  	[tilespmem:s17+$0x28B0] =	vst v10;
	v26 =	vld [tilespmem:$0x1FF50];
	v40 =	vsel vm5, v58, v59;
	v10 =	vsel vm8, v33, v34;
	vm4 =	vnez.u8 v46  }
0x1dc: {  	[tilespmem:s17+$0x29A0] =	vst v6;
	v23 =	vld [tilespmem:$0x1FF80];
	v25 =	vsel vm8, v58, v59;
	vm10 =	vnez.u8 v47;
	v5 =	vsel vm4, v5, v11  }
0x1dd: {  	[tilespmem:s17+$0x29E0] =	vst v9;
	v6 =	vsel vm10, v12, v43;
	v12 =	vsel vm14, v33, v34;
	vm14 =	vnez.u8 v55  }
0x1de: {  	v20 =	vld [tilespmem:$0x1FFC0];
	v9 =	vsel vm14, v10, v50;
	v8 =	vsel vm12, v12, v8;
	[tilespmem:s17+$0x2A00] =	vst v5;
	v5 =	vsel vm7, v36, v37  }
0x1df: {  	v28 =	vld [tilespmem:$0x1FF30];
	[tilespmem:s17+$0x2A10] =	vst v6;
	v6 =	vsel vm1, v36, v37;
	vm7 =	vmmov vm8;
	vm8 =	vnez.u8 v31  }
0x1e0: {  	v44 =	vld [tilespmem:$0x1FE80];
	v37 =	vbroadcast v0, $0xD;
	v4 =	vsel vm13, v4, v5;
	v5 =	vsel vm5, v33, v34  }
0x1e1: {  	[tilespmem:s17+$0x2A30] =	vst v9;
	v9 =	vsel vm9, v61, v62;
	vm9 =	vnez.u8 v23;
	vm13 =	vnez.u8 v26  }
0x1e2: {  	v21 =	vld [tilespmem:$0x1FEB0];
	v33 =	vsel vm3, v58, v59;
	v34 =	vbroadcast v2, $0xD;
	v2 =	vbroadcast v2, $0xF  }
0x1e3: {  	v29 =	vld [tilespmem:$0x1FF20];
	v5 =	vsel vm2, v5, v6;
	v6 =	vsel vm4, v18, v19;
	vm2 =	vnez.u8 v20  }
0x1e4: {  	v47 =	vld [tilespmem:$0x1FFB0];
	vm4 =	vmmov vm10;
	v10 =	vsel vm13, v61, v62;
	vm13 =	vnez.u8 v28  }
0x1e5: {  	v43 =	vsel vm0, v37, v38;
	vm0 =	vnez.u8 v44;
	v49 =	vsel vm9, v37, v38  }
0x1e6: {  	v39 =	vld [tilespmem:$0x1FEE0];
	v17 =	vsel vm1, v37, v38;
	v18 =	vbroadcast v0, $0xE;
	v19 =	vbroadcast v1, $0xE  }
0x1e7: {  	[tilespmem:s17+$0x29C0] =	vst v27;
	v53 =	vld [tilespmem:$0x1FF50];
	vm1 =	vnez.u8 v21;
	v0 =	vbroadcast v0, $0xF;
	v1 =	vbroadcast v1, $0xF  }
0x1e8: {  	[tilespmem:s17+$0x29B0] =	vst v7;
	v7 =	vsel vm2, v58, v59;
	v27 =	vsel vm14, v25, v10;
	vm14 =	vnez.u8 v29  }
0x1e9: {  	v42 =	vld [tilespmem:$0x1FFF0];
	[tilespmem:s17+$0x2A60] =	vst v4;
	v4 =	vsel vm0, v40, v41;
	v46 =	vsel vm2, v34, v35;
	vm2 =	vnez.u8 v47  }
0x1ea: {  	[tilespmem:s17+$0x2A50] =	vst v56;
	v56 =	vld [tilespmem:$0x1FF40];
	v52 =	vsel vm7, v34, v35;
	v54 =	vsel vm13, v34, v35;
	v7 =	vsel vm10, v7, v9  }
0x1eb: {  	v36 =	vld [tilespmem:$0x1FEC0];
	v9 =	vsel vm9, v61, v62;
	v10 =	vsel vm14, v61, v62;
	vm10 =	vnez.u8 v39  }
0x1ec: {  	v45 =	vld [tilespmem:$0x1FFD0];
	[tilespmem:s17+$0x2A20] =	vst v48;
	vm9 =	vnez.u8 v53;
	v55 =	vsel vm14, v37, v38;
	v25 =	vsel vm2, v18, v19  }
0x1ed: {  	v24 =	vld [tilespmem:$0x1FFC0];
	[tilespmem:s17+$0x2A40] =	vst v8;
	v8 =	vsel vm11, v22, v9;
	v9 =	vsel vm13, v58, v59;
	vm11 =	vmmov vm3  }
0x1ee: {  	v48 =	vld [tilespmem:$0x1FF90];
	[tilespmem:s17+$0x2AF0] =	vst v4;
	vm3 =	vmmov vm5;
	vm5 =	vnez.u8 v42;
	v4 =	vsel vm9, v37, v38  }
0x1ef: {  	v23 =	vld [tilespmem:$0x1FFE0];
	vm13 =	vnez.u8 v56;
	v57 =	vsel vm12, v54, v55;
	v56 =	vsel vm14, v0, v1  }
0x1f0: {  	v20 =	vld [tilespmem:$0x1FEE0];
	v30 =	vsel vm12, v9, v10;
	v9 =	vsel vm8, v58, v59;
	vm8 =	vnez.u8 v36  }
0x1f1: {  	v51 =	vld [tilespmem:$0x1FF70];
	[tilespmem:s17+$0x2A70] =	vst v5;
	v4 =	vsel vm13, v52, v4;
	v59 =	vsel vm15, v37, v38;
	v60 =	vsel vm11, v34, v35  }
0x1f2: {  	v31 =	vld [tilespmem:$0x1FF60];
	[tilespmem:s17+$0x2A90] =	vst v7;
	v22 =	vsel vm5, v63, v16;
	vm11 =	vnez.u8 v24;
	v36 =	vsel vm15, v18, v19  }
0x1f3: {  	v29 =	vld [tilespmem:$0x1FFA0];
	[tilespmem:s17+$0x2AA0] =	vst v8;
	v7 =	vsel vm8, v61, v62;
	v8 =	vsel vm10, v9, v32;
	v9 =	vsel vm5, v34, v35  }
0x1f4: {  	[tilespmem:s17+$0x2AB0] =	vst v27;
	v27 =	vld [tilespmem:$0x1FF80];
	vm10 =	vnez.u8 v45;
	v61 =	vsel vm8, v37, v38;
	v62 =	vsel vm3, v34, v35  }
0x1f5: {  	[tilespmem:s17+$0x2A80] =	vst v6;
	v39 =	vld [tilespmem:$0x1FEC0];
	vm3 =	vnez.u8 v20;
	vm5 =	vnez.u8 v23;
	v32 =	vsel vm9, v18, v19  }
0x1f6: {  	v42 =	vld [tilespmem:$0x1FE80];
	[tilespmem:s17+$0x2B30] =	vst v4;
	vm9 =	vmmov vm13;
	v6 =	vsel vm6, v33, v7;
	v5 =	vsel vm10, v9, v43  }
0x1f7: {  	v58 =	vld [tilespmem:$0x1FF00];
	[tilespmem:s17+$0x2AD0] =	vst v8;
	v8 =	vsel vm2, v37, v38;
	vm6 =	vnez.u8 v48;
	v4 =	vsel vm0, v62, v17  }
0x1f8: {  	[tilespmem:s17+$0x2B40] =	vst v57;
	v44 =	vsel vm5, v0, v1;
	v9 =	vsel vm6, v34, v35;
	v50 =	vsel vm4, v46, v8  }
0x1f9: {  	[tilespmem:s17+$0x2AE0] =	vst v6;
	vm4 =	vnez.u8 v51;
	v6 =	vsel vm1, v60, v61;
	v26 =	vsel vm6, v63, v16  }
0x1fa: {  	v40 =	vld [tilespmem:$0x1FEA0];
	[tilespmem:s17+$0x2AC0] =	vst v30;
	vm8 =	vnez.u8 v27;
	vm6 =	vnez.u8 v29;
	vm2 =	vnez.u8 v39  }
0x1fb: {  	v33 =	vld [tilespmem:$0x1FF30];
	[tilespmem:s17+$0x2B00] =	vst v5;
	v7 =	vsel vm4, v9, v49;
	v10 =	vsel vm8, v18, v19;
	vm8 =	vnez.u8 v31  }
0x1fc: {  	v38 =	vld [tilespmem:$0x1FED0];
	[tilespmem:s17+$0x2B70] =	vst v4;
	vm0 =	vnez.u8 v42;
	v62 =	vsel vm2, v0, v1;
	vm7 =	vnez.u8 v58  }
0x1fd: {  	v41 =	vld [tilespmem:$0x1FE90];
	[tilespmem:s17+$0x2B20] =	vst v7;
	v7 =	vsel vm5, v18, v19;
	v30 =	vsel vm4, v26, v10;
	v4 =	vsel vm8, v63, v16  }
0x1fe: {  	v43 =	vld [tilespmem:$0x1FFF0];
	[tilespmem:s17+$0x2B10] =	vst v50;
	v8 =	vsel vm7, v34, v35;
	v28 =	vsel vm10, v22, v7;
	v34 =	vsel vm14, v18, v19  }
0x1ff: {  	[tilespmem:s17+$0x2B60] =	vst v6;
	v35 =	vsel vm7, v63, v16;
	v4 =	vsel vm13, v4, v32;
	vm7 =	vmmov vm3  }
0x200: {  	v47 =	vld [tilespmem:$0x1FFB0];
	[tilespmem:s17+$0x2BA0] =	vst v30;
	vm13 =	vnez.u8 v40;
	v5 =	vsel vm3, v8, v59;
	v8 =	vsel vm11, v63, v16  }
0x201: {  	v45 =	vld [tilespmem:$0x1FFD0];
	vm10 =	vnez.u8 v33;
	v37 =	vsel vm3, v35, v36;
	[tilespmem:s17+$0x2BB0] =	vst v4;
	vm4 =	vnez.u8 v38  }
0x202: {  	v46 =	vld [tilespmem:$0x1FFC0];
	vm3 =	vnez.u8 v41;
	[tilespmem:s17+$0x2B50] =	vst v5;
	v5 =	vsel vm6, v8, v25;
	v8 =	vsel vm10, v63, v16  }
0x203: {  	v51 =	vld [tilespmem:$0x1FF70];
	vm11 =	vnez.u8 v43;
	v59 =	vsel vm15, v0, v1;
	[tilespmem:s17+$0x2B90] =	vst v5;
	v5 =	vsel vm12, v8, v34  }
0x204: {  	v49 =	vld [tilespmem:$0x1FF90];
	v4 =	vsel vm4, v63, v16;
	v6 =	vsel vm3, v18, v19;
	[tilespmem:s17+$0x2BC0] =	vst v5;
	v5 =	vsel vm2, v18, v19  }
0x205: {  	v50 =	vld [tilespmem:$0x1FF80];
	[tilespmem:s17+$0x2B80] =	vst v28;
	v55 =	vsel vm10, v2, v3;
	v4 =	vsel vm1, v4, v5;
	v5 =	vsel vm13, v63, v16  }
0x206: {  	v58 =	vld [tilespmem:$0x1FF00];
	[tilespmem:s17+$0x2BE0] =	vst v4;
	v4 =	vsel vm0, v5, v6;
	v5 =	vsel vm11, v2, v3;
	vm11 =	vnez.u8 v45  }
0x207: {  	v53 =	vld [tilespmem:$0x1FF50];
	v61 =	vsel vm4, v2, v3;
	[tilespmem:s17+$0x2BF0] =	vst v4;
	v4 =	vsel vm11, v5, v44;
	vm11 =	vnez.u8 v46  }
0x208: {  	[tilespmem:s17+$0x2BD0] =	vst v37;
	v57 =	vsel vm12, v55, v56;
	v5 =	vsel vm11, v2, v3;
	vm11 =	vnez.u8 v47  }
0x209: {  	[tilespmem:s17+$0x2C40] =	vst v57;
	v63 =	vsel vm1, v61, v62;
	v6 =	vsel vm11, v0, v1;
	vm11 =	vnez.u8 v49  }
0x20a: {  	[tilespmem:s17+$0x2C60] =	vst v63;
	v48 =	vsel vm6, v5, v6;
	v5 =	vsel vm11, v2, v3;
	vm11 =	vnez.u8 v50  }
0x20b: {  	p0 =	sne.s32 s16, $0x3;
	vm14 =	vnez.u8 v58;
	[tilespmem:s17+$0x2C00] =	vst v4;
	v6 =	vsel vm11, v0, v1;
	vm11 =	vnez.u8 v51  }
.Ltmp0:
0x20c: {  	[tilespmem:s17+$0x2C10] =	vst v48;
	v4 =	vsel vm11, v5, v6;
	vm11 =	vnez.u8 v53;
	v5 =	vsel vm14, v2, v3;
	(pc) =	sbr.rel @p0 .LBB2_2-.Ltmp0, $4  }
0x20d: {  	v52 =	vsel vm8, v2, v3;
	v6 =	vsel vm11, v0, v1;
	[tilespmem:s17+$0x2C20] =	vst v4;
	v60 =	vsel vm7, v5, v59  }
0x20e: {  	v2 =	vsel vm13, v2, v3;
	v0 =	vsel vm3, v0, v1;
	v54 =	vsel vm9, v52, v6;
	[tilespmem:s17+$0x2C50] =	vst v60  }
0x20f: {  	v0 =	vsel vm0, v2, v0;
	[tilespmem:s17+$0x2C30] =	vst v54  }
0x210: {  	s16 =	sadd.s32 $0x1, s16;
	[tilespmem:s17+$0x2C70] =	vst v0  }
0x211: {  	s15 =	sadd.s32 $0x1, s15  }
0x212: {  	p0 =	sne.s32 s15, s7  }
.Ltmp1:
0x213: {  	_ = 	snop;
	(pc) =	sbr.rel @p0 .LBB2_1-.Ltmp1, $4  }
0x214: {  	[hbm4b:s6+s4] =	stream.linear.scatter [tilespmem:s13], [sflag:$0x4], $0x4000, $0x38;
	[tilespmem:$0x4480] =	vst v63  }
0x215: {  	_ =	swait.ge [sflag:s14], $0x4000  }
0x216: {  	[sflag:s14] =	ssyncset.done $0x0  }
0x217: {  	[sflag:s14] =	ssyncadd.s32 $0xFFFFC000  }
0x218: {  	_ =	sfence.sel $0x180000  }
0x219: {  	[bflag:$0x0] =	sbarrier.arrive $0xFFFF  }
0x21a: {  	p0 =	sne.s32 s3, $0x0;
	_ =	strace $0x90000047  }
0x21b: {  	s0 =	sadd.s32 @!p0 $0x100000, s0;
	[bflag:$0x2] =	sbarrier.arrive $0xFFFF  }
0x21c: {  	[sflag:s0] =	ssyncadd.tile.s32 @!p0 $0x1;
	_ =	shalt  }
.Lfunc_end2:
_tile_overlayer_lowered:
.L_overlay_start_2:
0x21d: {  	(tag) =	ssettag $0x2  }
0x21e: {  	s0 =	rddreg [dreg:$0x0];
	s2 =	stileid.u32  }
0x21f: {  	s1 =	rddreg [dreg:$0x1];
	p0 =	sne.s32 s2, $0x0  }
0x220: {  	s3 =	rddreg [dreg:$0x2];
	[bflag:$0x3] =	sbarrier.arrive $0xFFFF;
	s2 =	simm.s32 @!p0 $0x1C04  }
0x221: {  	[timem:s3], [sflag:s2] =	dma.local @!p0 [hbm:s0], s1  }
0x222: {  	s0 =	simm.s32 @!p0 $0x4  }
0x223: {  	_ =	swait.ge @!p0 [sflag:s0], s1  }
0x224: {  	s1 =	ssub.s32 @!p0 $0x0, s1;
	[sflag:s0] =	ssyncset.done @!p0 $0x0  }
0x225: {  	[sflag:s0] =	ssyncadd.s32 @!p0 s1  }
0x226: {  	[bflag:$0x3] =	sbarrier.arrive $0xFFFF  }
0x227: {  	_ =	shalt  }

</sc_bundles>
